<compile_context>
chip_gen: v7x
topology: tpu7x:2x2x1
jax: 0.10.2.dev20260603
libtpu: 0.0.44.dev20260713+nightly
codegen_flags: <defaults>
</compile_context>

<pallas_src>
import functools

import jax
import jax.numpy as jnp
from jax import lax
from jax.experimental import pallas as pl
from jax.experimental.pallas import tpu as pltpu
from jax.experimental.pallas import tpu_sc as plsc

B, T, D = 16, 1024, 256
L = 8192
NC, NS = 2, 16
NW = NC * NS
PW = B * L // NW
CHUNK = 128
NCHUNK = PW // CHUNK
SROWS = CHUNK + 8
SSMALL = 48
NWIN = (T + CHUNK - 1) // CHUNK
VL = 16
DV = D // VL


def _body(x_hbm, dur_hbm, z_hbm, out_hbm, mel_hbm,
          xch, dur_v, a_v, idx_v, sbuf, ob0, ob1, mel_v,
          cum_v, bp_v, cnt_v, bmp_v,
          gsem, wsem):
    cid = lax.axis_index("c")
    sid = lax.axis_index("s")
    b = cid * (B // NC) + sid // 2
    half = sid % 2
    p0 = half * (L // 2)
    lane = jnp.arange(VL, dtype=jnp.int32)

    pltpu.sync_copy(dur_hbm.at[b], dur_v.at[pl.ds(0, T)])
    dur_v[pl.ds(T, VL)] = jnp.zeros((VL,), jnp.int32)

    pltpu.sync_copy(z_hbm, a_v)

    NB = T // VL
    NI = PW // VL
    one_lane = lane == 0

    @plsc.parallel_loop(0, NB, step=1, unroll=4)
    def _s1(j):
        v = dur_v[pl.ds(j * VL, VL)]
        s = plsc.cumsum(v)
        cum_v[pl.ds(j * VL, VL)] = s
        plsc.store_scatter(bp_v, (jnp.full((VL,), j, jnp.int32),),
                           jnp.full((VL,), 1, jnp.int32) * jnp.max(s),
                           mask=one_lane)

    @plsc.parallel_loop(0, NB // VL, step=1, carry=jnp.int32(0))
    def _s2(k, carry):
        v = bp_v[pl.ds(k * VL, VL)]
        s = plsc.cumsum(v) + carry
        bp_v[pl.ds(k * VL, VL)] = s
        return jnp.max(s)

    total = _s2
    bp_v[pl.ds(NB, VL)] = jnp.full((VL,), total, jnp.int32)

    def block_prefix(ref, j):
        return jnp.min(ref[pl.ds(j, VL)])

    @plsc.parallel_loop(0, NB, step=1, unroll=4)
    def _s3(j):
        pb = jnp.where(j == 0, 0, block_prefix(bp_v, jnp.maximum(j - 1, 0)))
        s = cum_v[pl.ds(j * VL, VL)] + pb
        i_vec = lane + j * VL
        d_next = dur_v[pl.ds(j * VL + 1, VL)]
        run_end = (d_next != 0) | (i_vec == T - 1)
        local = s - p0
        m = run_end & (local >= 0) & (local < PW)
        plsc.store_scatter(a_v, (jnp.where(m, local, 0),), i_vec + 1, mask=m)
        cnt = jnp.sum(jnp.where(s < p0, 1, 0).astype(jnp.int32))
        plsc.store_scatter(cnt_v, (jnp.full((VL,), j, jnp.int32),),
                           jnp.full((VL,), 1, jnp.int32) * cnt,
                           mask=one_lane)

    base = jnp.int32(0)
    for k in range(NB // VL):
        base = base + jnp.sum(cnt_v[pl.ds(k * VL, VL)])

    rowbase = b * T

    w_off = half * PW

    @plsc.parallel_loop(0, NI, step=1, unroll=4)
    def _w1(i):
        v = a_v[pl.ds(i * VL, VL)]
        s = plsc.cummax(v)
        idx_v[pl.ds(w_off + i * VL, VL)] = s
        plsc.store_scatter(bmp_v, (jnp.full((VL,), i, jnp.int32),),
                           jnp.full((VL,), 1, jnp.int32) * jnp.max(s),
                           mask=one_lane)

    @plsc.parallel_loop(0, NI // VL, step=1, carry=base)
    def _w2(k, carry):
        v = bmp_v[pl.ds(k * VL, VL)]
        s = jnp.maximum(plsc.cummax(v), carry)
        bmp_v[pl.ds(k * VL, VL)] = s
        return jnp.max(s)

    bmp_v[pl.ds(NI, VL)] = jnp.full((VL,), jnp.int32(T))

    @plsc.parallel_loop(0, NI, step=1, unroll=4)
    def _w3(i):
        pb = jnp.where(i == 0, base,
                       block_prefix(bmp_v, jnp.maximum(i - 1, 0)))
        s = jnp.maximum(idx_v[pl.ds(w_off + i * VL, VL)], pb)
        idx_v[pl.ds(w_off + i * VL, VL)] = jnp.minimum(s, T - 1) + rowbase

    pltpu.sync_copy(idx_v.at[pl.ds(w_off, PW)], xch.at[sid])
    plsc.subcore_barrier()
    pltpu.sync_copy(xch.at[sid + 1 - 2 * half],
                    idx_v.at[pl.ds(PW - w_off, PW)])

    idx_v[pl.ds(2 * PW, VL)] = jnp.full((VL,), rowbase + T - 1, jnp.int32)

    @pl.when(half == 0)
    def _():
        mel_v[...] = jnp.full((VL,), total, jnp.int32)
        pltpu.sync_copy(mel_v, mel_hbm.at[b])

    brow = b * L

    def src_row(p):
        return jnp.min(idx_v[pl.ds(p, VL)])

    def drain_write():
        pltpu.make_async_copy(
            ob0, out_hbm.at[pl.ds(brow, CHUNK)], wsem).wait()

    def do_chunk(cg, ob):
        c_lo = cg * CHUNK
        r = jnp.clip(total - c_lo, 0, CHUNK)
        lo_g = src_row(c_lo)
        hi_g = src_row(c_lo + jnp.maximum(r - 1, 0))
        start = pl.multiple_of(
            jnp.minimum((lo_g // 8) * 8, B * T - SROWS), 8)
        fits = hi_g - start < SROWS

        small = hi_g - start < SSMALL

        @pl.when((r > 0) & small)
        def _():
            pltpu.async_copy(
                x_hbm.at[pl.ds(start, SSMALL)],
                sbuf.at[pl.ds(0, SSMALL)], gsem).wait()

        @pl.when((r > 0) & jnp.logical_not(small))
        def _():
            pltpu.async_copy(
                x_hbm.at[pl.ds(start, SROWS)], sbuf, gsem).wait()

        @pl.when(r > 0)
        def _():

            @plsc.parallel_loop(0, r, step=1, unroll=4)
            def expand(p):
                so = jnp.clip(src_row(c_lo + p) - start, 0, SROWS - 1)
                for d in range(DV):
                    ob[p, pl.ds(d * VL, VL)] = sbuf[so, pl.ds(d * VL, VL)]

        @pl.when((r > 0) & jnp.logical_not(fits))
        def _():
            def repair(w, _):
                wstart = pl.multiple_of(
                    jnp.minimum(start + w * CHUNK, B * T - SROWS), 8)

                @pl.when(wstart <= hi_g)
                def _():
                    pltpu.async_copy(
                        x_hbm.at[pl.ds(wstart, SROWS)], sbuf, gsem).wait()

                    def fix(p, _):
                        so = src_row(c_lo + p) - wstart

                        @pl.when((so >= 0) & (so < SROWS))
                        def _():
                            for d in range(DV):
                                ob[p, pl.ds(d * VL, VL)] = \
                                    sbuf[so, pl.ds(d * VL, VL)]
                        return 0
                    lax.fori_loop(0, r, fix, 0)
                return 0
            lax.fori_loop(1, NWIN, repair, 0)

        @plsc.parallel_loop(r, CHUNK, step=1, unroll=4)
        def zrow(p):
            for d in range(DV):
                ob[p, pl.ds(d * VL, VL)] = jnp.zeros((VL,), jnp.float32)

        pltpu.async_copy(
            ob, out_hbm.at[pl.ds(brow + c_lo, CHUNK)], wsem)

    def pair_body(cc, _):
        @pl.when(cc > 0)
        def _():
            drain_write()
            drain_write()
        do_chunk(cc * 4 + half, ob0)
        do_chunk(cc * 4 + 2 + half, ob1)
        return 0

    lax.fori_loop(0, NCHUNK // 2, pair_body, 0)
    drain_write()
    drain_write()


@functools.cache
def _regulate():
    return pl.kernel(
        _body,
        out_type=[
            jax.ShapeDtypeStruct((B * L, D), jnp.float32),
            jax.ShapeDtypeStruct((B, VL), jnp.int32),
        ],
        name="length_regulator",
        mesh=plsc.VectorSubcoreMesh(core_axis_name="c", subcore_axis_name="s",
                                    num_cores=NC, num_subcores=NS),
        compiler_params=pltpu.CompilerParams(needs_layout_passes=False),
        scratch_types=[
            pltpu.VMEM_SHARED((NS, PW), jnp.int32),
            pltpu.VMEM((T + VL,), jnp.int32),
            pltpu.VMEM((PW,), jnp.int32),
            pltpu.VMEM((2 * PW + VL,), jnp.int32),
            pltpu.VMEM((SROWS, D), jnp.float32),
            pltpu.VMEM((CHUNK, D), jnp.float32),
            pltpu.VMEM((CHUNK, D), jnp.float32),
            pltpu.VMEM((VL,), jnp.int32),
            pltpu.VMEM((T,), jnp.int32),
            pltpu.VMEM((T // VL + VL,), jnp.int32),
            pltpu.VMEM((T // VL,), jnp.int32),
            pltpu.VMEM((PW // VL + VL,), jnp.int32),
            pltpu.SemaphoreType.DMA,
            pltpu.SemaphoreType.DMA,
        ],
    )


def kernel(x, duration, max_len):
    out_flat, mel2 = _regulate()(x.reshape(B * T, D),
                                 duration.astype(jnp.int32),
                                 jnp.zeros((PW,), jnp.int32))
    return out_flat.reshape(B, L, D), mel2[:, 0]

# --- scband reference (transcript-rebuilt; emitter-appended) ---
"""Pipeline reference for scband-length-regulator-86517821210959 (READ-ONLY COPY).

The authoritative reference and input builder live on the scoring server;
editing this copy changes nothing except your own understanding.
"""

import jax, jax.numpy as jnp
import numpy as np


def setup_inputs(seed: int = 0) -> dict:
    key = jax.random.key(seed)
    k1, k2 = jax.random.split(key)
    x = jax.random.normal(k1, (16, 1024, 256), dtype=jnp.float32)
    duration = jax.random.randint(k2, (16, 1024), 0, 8, dtype=jnp.int64 if jax.config.jax_enable_x64 else jnp.int32).astype(jnp.int32)
    max_len = 8192
    return {"x": x, "duration": duration, "max_len": max_len}


def reference(x, duration, max_len):
    # Faithful LengthRegulator: each phoneme vector x[b, i] is repeated
    # duration[b, i] times along the time axis, then padded with zeros to max_len.
    # Implemented as a searchsorted-based gather (vectorized equivalent of the
    # per-batch expand + pad loop in the torch module).
    B, T, D = x.shape
    cum = jnp.cumsum(duration, axis=1)            # [B, T] exclusive end of each phoneme span
    total = cum[:, -1]                            # [B] expanded (unpadded) mel length
    pos = jnp.arange(8192)                        # [L] static length matching max_len
    # For mel frame p in batch b: phoneme index = first i with cum[b, i] > p
    idx = jax.vmap(lambda c: jnp.searchsorted(c, pos, side='right'))(cum)  # [B, L]
    valid = (pos[None, :] < total[:, None]) & (pos[None, :] < max_len)  # [B, L] frames past total are zero padding
    idx_c = jnp.clip(idx, 0, T - 1)
    out = jnp.take_along_axis(x, idx_c[:, :, None], axis=1)   # gather [B, L, D]
    out = out * valid[:, :, None].astype(x.dtype)
    mel_len = total.astype(jnp.int32)
    return (out, mel_len)

if __name__ == "__main__":
    import jax
    _d = setup_inputs()
    print(jax.jit(kernel)(*tuple(_d.values())))

</pallas_src>

<mosaic_0001>
#map = affine_map<(d0, d1) -> (0, 0)>
#map1 = affine_map<(d0, d1) -> (0)>
module attributes {stable_mosaic.version = 14 : i64} {
  func.func @length_regulator(%arg0: i32, %arg1: i32, %arg2: memref<16384x256xf32, #tpu.memory_space<hbm>>, %arg3: memref<16x1024xi32, #tpu.memory_space<hbm>>, %arg4: memref<4096xi32, #tpu.memory_space<hbm>>, %arg5: memref<131072x256xf32, #tpu.memory_space<hbm>>, %arg6: memref<16x16xi32, #tpu.memory_space<hbm>>, %arg7: memref<16x4096xi32, #tpu.memory_space<vmem_shared>>, %arg8: memref<1040xi32, #tpu.memory_space<vmem>>, %arg9: memref<4096xi32, #tpu.memory_space<vmem>>, %arg10: memref<8208xi32, #tpu.memory_space<vmem>>, %arg11: memref<136x256xf32, #tpu.memory_space<vmem>>, %arg12: memref<128x256xf32, #tpu.memory_space<vmem>>, %arg13: memref<128x256xf32, #tpu.memory_space<vmem>>, %arg14: memref<16xi32, #tpu.memory_space<vmem>>, %arg15: memref<1024xi32, #tpu.memory_space<vmem>>, %arg16: memref<80xi32, #tpu.memory_space<vmem>>, %arg17: memref<64xi32, #tpu.memory_space<vmem>>, %arg18: memref<272xi32, #tpu.memory_space<vmem>>, %arg19: memref<!tpu.dma_semaphore, #tpu.memory_space<semaphore_mem>>, %arg20: memref<!tpu.dma_semaphore, #tpu.memory_space<semaphore_mem>>) attributes {dimension_semantics = [#tpu.dimension_semantics<core_parallel>, #tpu.dimension_semantics<subcore_parallel>], iteration_bounds = array<i64: 2, 16>, scalar_prefetch = 0 : i64, scratch_operands = 14 : i64, tpu.core_type = #tpu.core_type<sc_vector_subcore>, window_params = [{transform_indices = #map}, {transform_indices = #map}, {transform_indices = #map1}, {transform_indices = #map}, {transform_indices = #map}]} {
    %mul3A = arith.constant 8 : i32
    %mul3A_0 = arith.muli %arg0, %mul3A : i32
    %jit3A = arith.constant 2 : i32
    %div3A = arith.divsi %arg1, %jit3A : i32
    %sign3A = arith.constant 0 : i32
    %sign3A_1 = arith.cmpi sgt, %arg1, %sign3A : i32
    %sign3A_2 = arith.extui %sign3A_1 : i1 to i32
    %sign3A_3 = arith.constant 0 : i32
    %sign3A_4 = arith.cmpi slt, %arg1, %sign3A_3 : i32
    %sign3A_5 = arith.extui %sign3A_4 : i1 to i32
    %sign3A_6 = arith.subi %sign3A_2, %sign3A_5 : i32
    %sign3A_7 = arith.constant 0 : i32
    %sign3A_8 = arith.cmpi sgt, %jit3A, %sign3A_7 : i32
    %sign3A_9 = arith.extui %sign3A_8 : i1 to i32
    %sign3A_10 = arith.constant 0 : i32
    %sign3A_11 = arith.cmpi slt, %jit3A, %sign3A_10 : i32
    %sign3A_12 = arith.extui %sign3A_11 : i1 to i32
    %sign3A_13 = arith.subi %sign3A_9, %sign3A_12 : i32
    %ne3A = arith.cmpi ne, %sign3A_6, %sign3A_13 : i32
    %rem3A = arith.remsi %arg1, %jit3A : i32
    %ne3A_14 = arith.constant 0 : i32
    %ne3A_15 = arith.cmpi ne, %rem3A, %ne3A_14 : i32
    %and3A = arith.andi %ne3A, %ne3A_15 : i1
    %sub3A = arith.constant 1 : i32
    %sub3A_16 = arith.subi %div3A, %sub3A : i32
    %select_n3A = arith.select %and3A, %sub3A_16, %div3A : i32
    %add3A = arith.addi %mul3A_0, %select_n3A : i32
    %jit3A_17 = arith.constant 2 : i32
    %eq3A = arith.constant 0 : i32
    %eq3A_18 = arith.cmpi eq, %jit3A_17, %eq3A : i32
    %jit3A_19 = arith.constant 1 : i32
    %select_n3A_20 = arith.select %eq3A_18, %jit3A_19, %jit3A_17 : i32
    %rem3A_21 = arith.remsi %arg1, %select_n3A_20 : i32
    %ne3A_22 = arith.constant 0 : i32
    %ne3A_23 = arith.cmpi ne, %rem3A_21, %ne3A_22 : i32
    %lt3A = arith.constant 0 : i32
    %lt3A_24 = arith.cmpi slt, %rem3A_21, %lt3A : i32
    %lt3A_25 = arith.constant 0 : i32
    %lt3A_26 = arith.cmpi slt, %select_n3A_20, %lt3A_25 : i32
    %ne3A_27 = arith.xori %lt3A_24, %lt3A_26 : i1
    %and3A_28 = arith.andi %ne3A_27, %ne3A_23 : i1
    %add3A_29 = arith.addi %rem3A_21, %select_n3A_20 : i32
    %select_n3A_30 = arith.select %and3A_28, %add3A_29, %rem3A_21 : i32
    %mul3A_31 = arith.constant 4096 : i32
    %mul3A_32 = arith.muli %select_n3A_30, %mul3A_31 : i32
    %iota3A = tpu.iota {dimensions = array<i32: 0>} : vector<16xi32>
    "tpu.region"() ({
      %run_scoped3A = tpu.sem_alloc : memref<!tpu.dma_semaphore, #tpu.memory_space<semaphore_mem>>
      %dma_start3A = arith.constant 0 : i32
      %dma_start3A_128 = tpu.memref_slice %arg8[%dma_start3A] : memref<1040xi32, #tpu.memory_space<vmem>> -> memref<1024xi32, #tpu.memory_space<vmem>>
      %dma_start3A_129 = arith.constant 0 : i32
      %dma_start3A_130 = tpu.memref_slice %arg3[%add3A, %dma_start3A_129] : memref<16x1024xi32, #tpu.memory_space<hbm>> -> memref<1x1024xi32, #tpu.memory_space<hbm>>
      %dma_start3A_131 = tpu.memref_squeeze %dma_start3A_130 : memref<1x1024xi32, #tpu.memory_space<hbm>> -> memref<1024xi32, #tpu.memory_space<hbm>>
      %dma_start3A_132 = arith.constant 0 : i32
      %dma_start3A_133 = tpu.memref_slice %arg8[%dma_start3A_132] : memref<1040xi32, #tpu.memory_space<vmem>> -> memref<1024xi32, #tpu.memory_space<vmem>>
      %dma_start3A_134 = arith.constant 0 : i32
      %dma_start3A_135 = tpu.memref_slice %arg3[%add3A, %dma_start3A_134] : memref<16x1024xi32, #tpu.memory_space<hbm>> -> memref<1x1024xi32, #tpu.memory_space<hbm>>
      %dma_start3A_136 = tpu.memref_squeeze %dma_start3A_135 : memref<1x1024xi32, #tpu.memory_space<hbm>> -> memref<1024xi32, #tpu.memory_space<hbm>>
      tpu.enqueue_dma source(%dma_start3A_136 : memref<1024xi32, #tpu.memory_space<hbm>>) target(%dma_start3A_133 : memref<1024xi32, #tpu.memory_space<vmem>>) target_semaphore(%run_scoped3A : memref<!tpu.dma_semaphore, #tpu.memory_space<semaphore_mem>>)
      %dma_wait3A_137 = arith.constant 0 : i32
      %dma_wait3A_138 = tpu.memref_slice %arg8[%dma_wait3A_137] : memref<1040xi32, #tpu.memory_space<vmem>> -> memref<1024xi32, #tpu.memory_space<vmem>>
      %dma_wait3A_139 = arith.constant 0 : i32
      %dma_wait3A_140 = tpu.memref_slice %arg3[%add3A, %dma_wait3A_139] : memref<16x1024xi32, #tpu.memory_space<hbm>> -> memref<1x1024xi32, #tpu.memory_space<hbm>>
      %dma_wait3A_141 = tpu.memref_squeeze %dma_wait3A_140 : memref<1x1024xi32, #tpu.memory_space<hbm>> -> memref<1024xi32, #tpu.memory_space<hbm>>
      %dma_wait3A_142 = arith.constant 0 : i32
      %dma_wait3A_143 = tpu.memref_slice %arg8[%dma_wait3A_142] : memref<1040xi32, #tpu.memory_space<vmem>> -> memref<1024xi32, #tpu.memory_space<vmem>>
      %dma_wait3A_144 = arith.constant 0 : i32
      %dma_wait3A_145 = tpu.memref_slice %arg3[%add3A, %dma_wait3A_144] : memref<16x1024xi32, #tpu.memory_space<hbm>> -> memref<1x1024xi32, #tpu.memory_space<hbm>>
      %dma_wait3A_146 = tpu.memref_squeeze %dma_wait3A_145 : memref<1x1024xi32, #tpu.memory_space<hbm>> -> memref<1024xi32, #tpu.memory_space<hbm>>
      tpu.wait_dma2 semaphore(%run_scoped3A : memref<!tpu.dma_semaphore, #tpu.memory_space<semaphore_mem>>) src(%dma_wait3A_146 : memref<1024xi32, #tpu.memory_space<hbm>>) dst(%dma_wait3A_143 : memref<1024xi32, #tpu.memory_space<vmem>>)
      tpu.yield
    }) : () -> ()
    %broadcast_in_dim3A = arith.constant 0 : i32
    %broadcast_in_dim3A_33 = vector.broadcast %broadcast_in_dim3A : i32 to vector<16xi32>
    %swap3A = arith.constant 1024 : index
    %swap3A_34 = tpu.vector_load %arg8[%swap3A] {strides = array<i32>} : memref<1040xi32, #tpu.memory_space<vmem>>, vector<16xi32>,
    tpu.vector_store %arg8[%swap3A], %broadcast_in_dim3A_33 {strides = array<i32>} : memref<1040xi32, #tpu.memory_space<vmem>>, vector<16xi32>,
    "tpu.region"() ({
      %run_scoped3A = tpu.sem_alloc : memref<!tpu.dma_semaphore, #tpu.memory_space<semaphore_mem>>
      tpu.enqueue_dma source(%arg4 : memref<4096xi32, #tpu.memory_space<hbm>>) target(%arg9 : memref<4096xi32, #tpu.memory_space<vmem>>) target_semaphore(%run_scoped3A : memref<!tpu.dma_semaphore, #tpu.memory_space<semaphore_mem>>)
      tpu.wait_dma2 semaphore(%run_scoped3A : memref<!tpu.dma_semaphore, #tpu.memory_space<semaphore_mem>>) src(%arg4 : memref<4096xi32, #tpu.memory_space<hbm>>) dst(%arg9 : memref<4096xi32, #tpu.memory_space<vmem>>)
      tpu.yield
    }) : () -> ()
    %eq3A_35 = arith.constant 0 : i32
    %eq3A_36 = vector.broadcast %eq3A_35 : i32 to vector<16xi32>
    %eq3A_37 = arith.cmpi eq, %iota3A, %eq3A_36 : vector<16xi32>
    %parallel_loop3A = arith.constant 0 : i32
    %parallel_loop3A_38 = arith.constant 64 : i32
    %parallel_loop3A_39 = arith.constant 1 : i32
    scf.for %parallel_loop3A_128 = %parallel_loop3A to %parallel_loop3A_38 step %parallel_loop3A_39  : i32 {
      %parallel_loop3A_129 = arith.constant 16 : i32
      %parallel_loop3A_130 = arith.muli %parallel_loop3A_128, %parallel_loop3A_129 : i32
      %parallel_loop3A_131 = arith.index_cast %parallel_loop3A_130 : i32 to index
      %parallel_loop3A_132 = tpu.vector_load %arg8[%parallel_loop3A_131] {strides = array<i32>} : memref<1040xi32, #tpu.memory_space<vmem>>, vector<16xi32>,
      %parallel_loop3A_133 = arith.constant true
      %parallel_loop3A_134 = vector.broadcast %parallel_loop3A_133 : i1 to vector<16xi1>
      %parallel_loop3A_135 = tpu.scan <sum>, %parallel_loop3A_132 masked %parallel_loop3A_134 : vector<16xi32>, vector<16xi1> -> vector<16xi32>
      %parallel_loop3A_136 = arith.constant 16 : i32
      %parallel_loop3A_137 = arith.muli %parallel_loop3A_128, %parallel_loop3A_136 : i32
      %parallel_loop3A_138 = arith.index_cast %parallel_loop3A_137 : i32 to index
      %parallel_loop3A_139 = tpu.vector_load %arg15[%parallel_loop3A_138] {strides = array<i32>} : memref<1024xi32, #tpu.memory_space<vmem>>, vector<16xi32>,
      tpu.vector_store %arg15[%parallel_loop3A_138], %parallel_loop3A_135 {strides = array<i32>} : memref<1024xi32, #tpu.memory_space<vmem>>, vector<16xi32>,
      %parallel_loop3A_140 = vector.broadcast %parallel_loop3A_128 : i32 to vector<16xi32>
      %parallel_loop3A_141 = arith.constant 1 : i32
      %parallel_loop3A_142 = vector.broadcast %parallel_loop3A_141 : i32 to vector<16xi32>
      %parallel_loop3A_143 = arith.constant true
      %parallel_loop3A_144 = vector.broadcast %parallel_loop3A_143 : i1 to vector<16xi1>
      %parallel_loop3A_145 = arith.constant -2147483648 : i32
      %parallel_loop3A_146 = vector.broadcast %parallel_loop3A_145 : i32 to vector<16xi32>
      %parallel_loop3A_147 = arith.xori %parallel_loop3A_135, %parallel_loop3A_146 : vector<16xi32>
      %parallel_loop3A_148 = tpu.scan <max>, %parallel_loop3A_147 masked %parallel_loop3A_144 : vector<16xi32>, vector<16xi1> -> vector<16xi32>
      %parallel_loop3A_149 = arith.xori %parallel_loop3A_148, %parallel_loop3A_146 : vector<16xi32>
      %parallel_loop3A_150 = vector.extract %parallel_loop3A_149[15] : i32 from vector<16xi32>
      %parallel_loop3A_151 = vector.broadcast %parallel_loop3A_150 : i32 to vector<16xi32>
      %parallel_loop3A_152 = arith.muli %parallel_loop3A_142, %parallel_loop3A_151 : vector<16xi32>
      tpu.vector_store_idx %arg16[%parallel_loop3A_140], %parallel_loop3A_152 masked %eq3A_37 : memref<80xi32, #tpu.memory_space<vmem>>[vector<16xi32>], vector<16xi32>, vector<16xi1>
    } {sc.loop_unroll_factor = 4 : i64, sc.parallel_access}
    %parallel_loop3A_40 = arith.constant 0 : i32
    %parallel_loop3A_41 = arith.constant 4 : i32
    %parallel_loop3A_42 = arith.constant 1 : i32
    %parallel_loop3A_43 = arith.constant 0 : i32
    %parallel_loop3A_44 = scf.for %parallel_loop3A_128 = %parallel_loop3A_40 to %parallel_loop3A_41 step %parallel_loop3A_42 iter_args(%parallel_loop3A_129 = %parallel_loop3A_43) -> (i32)  : i32 {
      %parallel_loop3A_130 = arith.constant 16 : i32
      %parallel_loop3A_131 = arith.muli %parallel_loop3A_128, %parallel_loop3A_130 : i32
      %parallel_loop3A_132 = arith.index_cast %parallel_loop3A_131 : i32 to index
      %parallel_loop3A_133 = tpu.vector_load %arg16[%parallel_loop3A_132] {strides = array<i32>} : memref<80xi32, #tpu.memory_space<vmem>>, vector<16xi32>,
      %parallel_loop3A_134 = arith.constant true
      %parallel_loop3A_135 = vector.broadcast %parallel_loop3A_134 : i1 to vector<16xi1>
      %parallel_loop3A_136 = tpu.scan <sum>, %parallel_loop3A_133 masked %parallel_loop3A_135 : vector<16xi32>, vector<16xi1> -> vector<16xi32>
      %parallel_loop3A_137 = vector.broadcast %parallel_loop3A_129 : i32 to vector<16xi32>
      %parallel_loop3A_138 = arith.addi %parallel_loop3A_136, %parallel_loop3A_137 : vector<16xi32>
      %parallel_loop3A_139 = arith.constant 16 : i32
      %parallel_loop3A_140 = arith.muli %parallel_loop3A_128, %parallel_loop3A_139 : i32
      %parallel_loop3A_141 = arith.index_cast %parallel_loop3A_140 : i32 to index
      %parallel_loop3A_142 = tpu.vector_load %arg16[%parallel_loop3A_141] {strides = array<i32>} : memref<80xi32, #tpu.memory_space<vmem>>, vector<16xi32>,
      tpu.vector_store %arg16[%parallel_loop3A_141], %parallel_loop3A_138 {strides = array<i32>} : memref<80xi32, #tpu.memory_space<vmem>>, vector<16xi32>,
      %parallel_loop3A_143 = arith.constant true
      %parallel_loop3A_144 = vector.broadcast %parallel_loop3A_143 : i1 to vector<16xi1>
      %parallel_loop3A_145 = arith.constant -2147483648 : i32
      %parallel_loop3A_146 = vector.broadcast %parallel_loop3A_145 : i32 to vector<16xi32>
      %parallel_loop3A_147 = arith.xori %parallel_loop3A_138, %parallel_loop3A_146 : vector<16xi32>
      %parallel_loop3A_148 = tpu.scan <max>, %parallel_loop3A_147 masked %parallel_loop3A_144 : vector<16xi32>, vector<16xi1> -> vector<16xi32>
      %parallel_loop3A_149 = arith.xori %parallel_loop3A_148, %parallel_loop3A_146 : vector<16xi32>
      %parallel_loop3A_150 = vector.extract %parallel_loop3A_149[15] : i32 from vector<16xi32>
      scf.yield %parallel_loop3A_150 : i32
    } {sc.loop_unroll_factor = 1 : i64, sc.parallel_access}
    %broadcast_in_dim3A_45 = vector.broadcast %parallel_loop3A_44 : i32 to vector<16xi32>
    %swap3A_46 = arith.constant 64 : index
    %swap3A_47 = tpu.vector_load %arg16[%swap3A_46] {strides = array<i32>} : memref<80xi32, #tpu.memory_space<vmem>>, vector<16xi32>,
    tpu.vector_store %arg16[%swap3A_46], %broadcast_in_dim3A_45 {strides = array<i32>} : memref<80xi32, #tpu.memory_space<vmem>>, vector<16xi32>,
    %parallel_loop3A_48 = arith.constant 0 : i32
    %parallel_loop3A_49 = arith.constant 64 : i32
    %parallel_loop3A_50 = arith.constant 1 : i32
    scf.for %parallel_loop3A_128 = %parallel_loop3A_48 to %parallel_loop3A_49 step %parallel_loop3A_50  : i32 {
      %parallel_loop3A_129 = arith.constant 0 : i32
      %parallel_loop3A_130 = arith.cmpi eq, %parallel_loop3A_128, %parallel_loop3A_129 : i32
      %parallel_loop3A_131 = arith.constant 1 : i32
      %parallel_loop3A_132 = arith.subi %parallel_loop3A_128, %parallel_loop3A_131 : i32
      %parallel_loop3A_133 = arith.constant 0 : i32
      %parallel_loop3A_134 = arith.maxsi %parallel_loop3A_132, %parallel_loop3A_133 : i32
      %parallel_loop3A_135 = arith.index_cast %parallel_loop3A_134 : i32 to index
      %parallel_loop3A_136 = tpu.vector_load %arg16[%parallel_loop3A_135] {strides = array<i32>} : memref<80xi32, #tpu.memory_space<vmem>>, vector<16xi32>,
      %parallel_loop3A_137 = arith.constant true
      %parallel_loop3A_138 = vector.broadcast %parallel_loop3A_137 : i1 to vector<16xi1>
      %parallel_loop3A_139 = arith.constant -2147483648 : i32
      %parallel_loop3A_140 = vector.broadcast %parallel_loop3A_139 : i32 to vector<16xi32>
      %parallel_loop3A_141 = arith.xori %parallel_loop3A_136, %parallel_loop3A_140 : vector<16xi32>
      %parallel_loop3A_142 = tpu.scan <min>, %parallel_loop3A_141 masked %parallel_loop3A_138 : vector<16xi32>, vector<16xi1> -> vector<16xi32>
      %parallel_loop3A_143 = arith.xori %parallel_loop3A_142, %parallel_loop3A_140 : vector<16xi32>
      %parallel_loop3A_144 = vector.extract %parallel_loop3A_143[15] : i32 from vector<16xi32>
      %parallel_loop3A_145 = arith.constant 0 : i32
      %parallel_loop3A_146 = arith.select %parallel_loop3A_130, %parallel_loop3A_145, %parallel_loop3A_144 : i32
      %parallel_loop3A_147 = arith.constant 16 : i32
      %parallel_loop3A_148 = arith.muli %parallel_loop3A_128, %parallel_loop3A_147 : i32
      %parallel_loop3A_149 = arith.index_cast %parallel_loop3A_148 : i32 to index
      %parallel_loop3A_150 = tpu.vector_load %arg15[%parallel_loop3A_149] {strides = array<i32>} : memref<1024xi32, #tpu.memory_space<vmem>>, vector<16xi32>,
      %parallel_loop3A_151 = vector.broadcast %parallel_loop3A_146 : i32 to vector<16xi32>
      %parallel_loop3A_152 = arith.addi %parallel_loop3A_150, %parallel_loop3A_151 : vector<16xi32>
      %parallel_loop3A_153 = arith.constant 16 : i32
      %parallel_loop3A_154 = arith.muli %parallel_loop3A_128, %parallel_loop3A_153 : i32
      %parallel_loop3A_155 = vector.broadcast %parallel_loop3A_154 : i32 to vector<16xi32>
      %parallel_loop3A_156 = arith.addi %iota3A, %parallel_loop3A_155 : vector<16xi32>
      %parallel_loop3A_157 = arith.constant 16 : i32
      %parallel_loop3A_158 = arith.muli %parallel_loop3A_128, %parallel_loop3A_157 : i32
      %parallel_loop3A_159 = arith.constant 1 : i32
      %parallel_loop3A_160 = arith.addi %parallel_loop3A_158, %parallel_loop3A_159 : i32
      %parallel_loop3A_161 = arith.index_cast %parallel_loop3A_160 : i32 to index
      %parallel_loop3A_162 = tpu.vector_load %arg8[%parallel_loop3A_161] {strides = array<i32>} : memref<1040xi32, #tpu.memory_space<vmem>>, vector<16xi32>,
      %parallel_loop3A_163 = arith.constant 0 : i32
      %parallel_loop3A_164 = vector.broadcast %parallel_loop3A_163 : i32 to vector<16xi32>
      %parallel_loop3A_165 = arith.cmpi ne, %parallel_loop3A_162, %parallel_loop3A_164 : vector<16xi32>
      %parallel_loop3A_166 = arith.constant 1023 : i32
      %parallel_loop3A_167 = vector.broadcast %parallel_loop3A_166 : i32 to vector<16xi32>
      %parallel_loop3A_168 = arith.cmpi eq, %parallel_loop3A_156, %parallel_loop3A_167 : vector<16xi32>
      %parallel_loop3A_169 = arith.ori %parallel_loop3A_165, %parallel_loop3A_168 : vector<16xi1>
      %parallel_loop3A_170 = vector.broadcast %mul3A_32 : i32 to vector<16xi32>
      %parallel_loop3A_171 = arith.subi %parallel_loop3A_152, %parallel_loop3A_170 : vector<16xi32>
      %parallel_loop3A_172 = arith.constant 0 : i32
      %parallel_loop3A_173 = vector.broadcast %parallel_loop3A_172 : i32 to vector<16xi32>
      %parallel_loop3A_174 = arith.cmpi sge, %parallel_loop3A_171, %parallel_loop3A_173 : vector<16xi32>
      %parallel_loop3A_175 = arith.andi %parallel_loop3A_169, %parallel_loop3A_174 : vector<16xi1>
      %parallel_loop3A_176 = arith.constant 4096 : i32
      %parallel_loop3A_177 = vector.broadcast %parallel_loop3A_176 : i32 to vector<16xi32>
      %parallel_loop3A_178 = arith.cmpi slt, %parallel_loop3A_171, %parallel_loop3A_177 : vector<16xi32>
      %parallel_loop3A_179 = arith.andi %parallel_loop3A_175, %parallel_loop3A_178 : vector<16xi1>
      %parallel_loop3A_180 = arith.constant 0 : i32
      %parallel_loop3A_181 = vector.broadcast %parallel_loop3A_180 : i32 to vector<16xi32>
      %parallel_loop3A_182 = arith.select %parallel_loop3A_179, %parallel_loop3A_171, %parallel_loop3A_181 : vector<16xi1>, vector<16xi32>
      %parallel_loop3A_183 = arith.constant 1 : i32
      %parallel_loop3A_184 = vector.broadcast %parallel_loop3A_183 : i32 to vector<16xi32>
      %parallel_loop3A_185 = arith.addi %parallel_loop3A_156, %parallel_loop3A_184 : vector<16xi32>
      tpu.vector_store_idx %arg9[%parallel_loop3A_182], %parallel_loop3A_185 masked %parallel_loop3A_179 : memref<4096xi32, #tpu.memory_space<vmem>>[vector<16xi32>], vector<16xi32>, vector<16xi1>
      %parallel_loop3A_186 = vector.broadcast %mul3A_32 : i32 to vector<16xi32>
      %parallel_loop3A_187 = arith.cmpi slt, %parallel_loop3A_152, %parallel_loop3A_186 : vector<16xi32>
      %parallel_loop3A_188 = arith.constant 1 : i32
      %parallel_loop3A_189 = arith.constant 0 : i32
      %parallel_loop3A_190 = vector.broadcast %parallel_loop3A_188 : i32 to vector<16xi32>
      %parallel_loop3A_191 = vector.broadcast %parallel_loop3A_189 : i32 to vector<16xi32>
      %parallel_loop3A_192 = arith.select %parallel_loop3A_187, %parallel_loop3A_190, %parallel_loop3A_191 : vector<16xi1>, vector<16xi32>
      %parallel_loop3A_193 = arith.constant true
      %parallel_loop3A_194 = vector.broadcast %parallel_loop3A_193 : i1 to vector<16xi1>
      %parallel_loop3A_195 = tpu.scan <sum>, %parallel_loop3A_192 masked %parallel_loop3A_194 : vector<16xi32>, vector<16xi1> -> vector<16xi32>
      %parallel_loop3A_196 = vector.extract %parallel_loop3A_195[15] : i32 from vector<16xi32>
      %parallel_loop3A_197 = vector.broadcast %parallel_loop3A_128 : i32 to vector<16xi32>
      %parallel_loop3A_198 = arith.constant 1 : i32
      %parallel_loop3A_199 = vector.broadcast %parallel_loop3A_198 : i32 to vector<16xi32>
      %parallel_loop3A_200 = vector.broadcast %parallel_loop3A_196 : i32 to vector<16xi32>
      %parallel_loop3A_201 = arith.muli %parallel_loop3A_199, %parallel_loop3A_200 : vector<16xi32>
      tpu.vector_store_idx %arg17[%parallel_loop3A_197], %parallel_loop3A_201 masked %eq3A_37 : memref<64xi32, #tpu.memory_space<vmem>>[vector<16xi32>], vector<16xi32>, vector<16xi1>
    } {sc.loop_unroll_factor = 4 : i64, sc.parallel_access}
    %get3A = arith.constant 0 : index
    %get3A_51 = tpu.vector_load %arg17[%get3A] {strides = array<i32>} : memref<64xi32, #tpu.memory_space<vmem>>, vector<16xi32>,
    %reduce_sum3A = arith.constant true
    %reduce_sum3A_52 = vector.broadcast %reduce_sum3A : i1 to vector<16xi1>
    %reduce_sum3A_53 = tpu.scan <sum>, %get3A_51 masked %reduce_sum3A_52 : vector<16xi32>, vector<16xi1> -> vector<16xi32>
    %reduce_sum3A_54 = vector.extract %reduce_sum3A_53[15] : i32 from vector<16xi32>
    %add3A_55 = arith.constant 0 : i32
    %add3A_56 = arith.addi %add3A_55, %reduce_sum3A_54 : i32
    %get3A_57 = arith.constant 16 : index
    %get3A_58 = tpu.vector_load %arg17[%get3A_57] {strides = array<i32>} : memref<64xi32, #tpu.memory_space<vmem>>, vector<16xi32>,
    %reduce_sum3A_59 = arith.constant true
    %reduce_sum3A_60 = vector.broadcast %reduce_sum3A_59 : i1 to vector<16xi1>
    %reduce_sum3A_61 = tpu.scan <sum>, %get3A_58 masked %reduce_sum3A_60 : vector<16xi32>, vector<16xi1> -> vector<16xi32>
    %reduce_sum3A_62 = vector.extract %reduce_sum3A_61[15] : i32 from vector<16xi32>
    %add3A_63 = arith.addi %add3A_56, %reduce_sum3A_62 : i32
    %get3A_64 = arith.constant 32 : index
    %get3A_65 = tpu.vector_load %arg17[%get3A_64] {strides = array<i32>} : memref<64xi32, #tpu.memory_space<vmem>>, vector<16xi32>,
    %reduce_sum3A_66 = arith.constant true
    %reduce_sum3A_67 = vector.broadcast %reduce_sum3A_66 : i1 to vector<16xi1>
    %reduce_sum3A_68 = tpu.scan <sum>, %get3A_65 masked %reduce_sum3A_67 : vector<16xi32>, vector<16xi1> -> vector<16xi32>
    %reduce_sum3A_69 = vector.extract %reduce_sum3A_68[15] : i32 from vector<16xi32>
    %add3A_70 = arith.addi %add3A_63, %reduce_sum3A_69 : i32
    %get3A_71 = arith.constant 48 : index
    %get3A_72 = tpu.vector_load %arg17[%get3A_71] {strides = array<i32>} : memref<64xi32, #tpu.memory_space<vmem>>, vector<16xi32>,
    %reduce_sum3A_73 = arith.constant true
    %reduce_sum3A_74 = vector.broadcast %reduce_sum3A_73 : i1 to vector<16xi1>
    %reduce_sum3A_75 = tpu.scan <sum>, %get3A_72 masked %reduce_sum3A_74 : vector<16xi32>, vector<16xi1> -> vector<16xi32>
    %reduce_sum3A_76 = vector.extract %reduce_sum3A_75[15] : i32 from vector<16xi32>
    %add3A_77 = arith.addi %add3A_70, %reduce_sum3A_76 : i32
    %mul3A_78 = arith.constant 1024 : i32
    %mul3A_79 = arith.muli %add3A, %mul3A_78 : i32
    %mul3A_80 = arith.constant 4096 : i32
    %mul3A_81 = arith.muli %select_n3A_30, %mul3A_80 : i32
    %parallel_loop3A_82 = arith.constant 0 : i32
    %parallel_loop3A_83 = arith.constant 256 : i32
    %parallel_loop3A_84 = arith.constant 1 : i32
    scf.for %parallel_loop3A_128 = %parallel_loop3A_82 to %parallel_loop3A_83 step %parallel_loop3A_84  : i32 {
      %parallel_loop3A_129 = arith.constant 16 : i32
      %parallel_loop3A_130 = arith.muli %parallel_loop3A_128, %parallel_loop3A_129 : i32
      %parallel_loop3A_131 = arith.index_cast %parallel_loop3A_130 : i32 to index
      %parallel_loop3A_132 = tpu.vector_load %arg9[%parallel_loop3A_131] {strides = array<i32>} : memref<4096xi32, #tpu.memory_space<vmem>>, vector<16xi32>,
      %parallel_loop3A_133 = arith.constant true
      %parallel_loop3A_134 = vector.broadcast %parallel_loop3A_133 : i1 to vector<16xi1>
      %parallel_loop3A_135 = arith.constant -2147483648 : i32
      %parallel_loop3A_136 = vector.broadcast %parallel_loop3A_135 : i32 to vector<16xi32>
      %parallel_loop3A_137 = arith.xori %parallel_loop3A_132, %parallel_loop3A_136 : vector<16xi32>
      %parallel_loop3A_138 = tpu.scan <max>, %parallel_loop3A_137 masked %parallel_loop3A_134 : vector<16xi32>, vector<16xi1> -> vector<16xi32>
      %parallel_loop3A_139 = arith.xori %parallel_loop3A_138, %parallel_loop3A_136 : vector<16xi32>
      %parallel_loop3A_140 = arith.constant 16 : i32
      %parallel_loop3A_141 = arith.muli %parallel_loop3A_128, %parallel_loop3A_140 : i32
      %parallel_loop3A_142 = arith.addi %mul3A_81, %parallel_loop3A_141 : i32
      %parallel_loop3A_143 = arith.index_cast %parallel_loop3A_142 : i32 to index
      %parallel_loop3A_144 = tpu.vector_load %arg10[%parallel_loop3A_143] {strides = array<i32>} : memref<8208xi32, #tpu.memory_space<vmem>>, vector<16xi32>,
      tpu.vector_store %arg10[%parallel_loop3A_143], %parallel_loop3A_139 {strides = array<i32>} : memref<8208xi32, #tpu.memory_space<vmem>>, vector<16xi32>,
      %parallel_loop3A_145 = vector.broadcast %parallel_loop3A_128 : i32 to vector<16xi32>
      %parallel_loop3A_146 = arith.constant 1 : i32
      %parallel_loop3A_147 = vector.broadcast %parallel_loop3A_146 : i32 to vector<16xi32>
      %parallel_loop3A_148 = arith.constant true
      %parallel_loop3A_149 = vector.broadcast %parallel_loop3A_148 : i1 to vector<16xi1>
      %parallel_loop3A_150 = arith.constant -2147483648 : i32
      %parallel_loop3A_151 = vector.broadcast %parallel_loop3A_150 : i32 to vector<16xi32>
      %parallel_loop3A_152 = arith.xori %parallel_loop3A_139, %parallel_loop3A_151 : vector<16xi32>
      %parallel_loop3A_153 = tpu.scan <max>, %parallel_loop3A_152 masked %parallel_loop3A_149 : vector<16xi32>, vector<16xi1> -> vector<16xi32>
      %parallel_loop3A_154 = arith.xori %parallel_loop3A_153, %parallel_loop3A_151 : vector<16xi32>
      %parallel_loop3A_155 = vector.extract %parallel_loop3A_154[15] : i32 from vector<16xi32>
      %parallel_loop3A_156 = vector.broadcast %parallel_loop3A_155 : i32 to vector<16xi32>
      %parallel_loop3A_157 = arith.muli %parallel_loop3A_147, %parallel_loop3A_156 : vector<16xi32>
      tpu.vector_store_idx %arg18[%parallel_loop3A_145], %parallel_loop3A_157 masked %eq3A_37 : memref<272xi32, #tpu.memory_space<vmem>>[vector<16xi32>], vector<16xi32>, vector<16xi1>
    } {sc.loop_unroll_factor = 4 : i64, sc.parallel_access}
    %parallel_loop3A_85 = arith.constant 0 : i32
    %parallel_loop3A_86 = arith.constant 16 : i32
    %parallel_loop3A_87 = arith.constant 1 : i32
    %parallel_loop3A_88 = scf.for %parallel_loop3A_128 = %parallel_loop3A_85 to %parallel_loop3A_86 step %parallel_loop3A_87 iter_args(%parallel_loop3A_129 = %add3A_77) -> (i32)  : i32 {
      %parallel_loop3A_130 = arith.constant 16 : i32
      %parallel_loop3A_131 = arith.muli %parallel_loop3A_128, %parallel_loop3A_130 : i32
      %parallel_loop3A_132 = arith.index_cast %parallel_loop3A_131 : i32 to index
      %parallel_loop3A_133 = tpu.vector_load %arg18[%parallel_loop3A_132] {strides = array<i32>} : memref<272xi32, #tpu.memory_space<vmem>>, vector<16xi32>,
      %parallel_loop3A_134 = arith.constant true
      %parallel_loop3A_135 = vector.broadcast %parallel_loop3A_134 : i1 to vector<16xi1>
      %parallel_loop3A_136 = arith.constant -2147483648 : i32
      %parallel_loop3A_137 = vector.broadcast %parallel_loop3A_136 : i32 to vector<16xi32>
      %parallel_loop3A_138 = arith.xori %parallel_loop3A_133, %parallel_loop3A_137 : vector<16xi32>
      %parallel_loop3A_139 = tpu.scan <max>, %parallel_loop3A_138 masked %parallel_loop3A_135 : vector<16xi32>, vector<16xi1> -> vector<16xi32>
      %parallel_loop3A_140 = arith.xori %parallel_loop3A_139, %parallel_loop3A_137 : vector<16xi32>
      %parallel_loop3A_141 = vector.broadcast %parallel_loop3A_129 : i32 to vector<16xi32>
      %parallel_loop3A_142 = arith.maxsi %parallel_loop3A_140, %parallel_loop3A_141 : vector<16xi32>
      %parallel_loop3A_143 = arith.constant 16 : i32
      %parallel_loop3A_144 = arith.muli %parallel_loop3A_128, %parallel_loop3A_143 : i32
      %parallel_loop3A_145 = arith.index_cast %parallel_loop3A_144 : i32 to index
      %parallel_loop3A_146 = tpu.vector_load %arg18[%parallel_loop3A_145] {strides = array<i32>} : memref<272xi32, #tpu.memory_space<vmem>>, vector<16xi32>,
      tpu.vector_store %arg18[%parallel_loop3A_145], %parallel_loop3A_142 {strides = array<i32>} : memref<272xi32, #tpu.memory_space<vmem>>, vector<16xi32>,
      %parallel_loop3A_147 = arith.constant true
      %parallel_loop3A_148 = vector.broadcast %parallel_loop3A_147 : i1 to vector<16xi1>
      %parallel_loop3A_149 = arith.constant -2147483648 : i32
      %parallel_loop3A_150 = vector.broadcast %parallel_loop3A_149 : i32 to vector<16xi32>
      %parallel_loop3A_151 = arith.xori %parallel_loop3A_142, %parallel_loop3A_150 : vector<16xi32>
      %parallel_loop3A_152 = tpu.scan <max>, %parallel_loop3A_151 masked %parallel_loop3A_148 : vector<16xi32>, vector<16xi1> -> vector<16xi32>
      %parallel_loop3A_153 = arith.xori %parallel_loop3A_152, %parallel_loop3A_150 : vector<16xi32>
      %parallel_loop3A_154 = vector.extract %parallel_loop3A_153[15] : i32 from vector<16xi32>
      scf.yield %parallel_loop3A_154 : i32
    } {sc.loop_unroll_factor = 1 : i64, sc.parallel_access}
    %broadcast_in_dim3A_89 = arith.constant 1024 : i32
    %broadcast_in_dim3A_90 = vector.broadcast %broadcast_in_dim3A_89 : i32 to vector<16xi32>
    %swap3A_91 = arith.constant 256 : index
    %swap3A_92 = tpu.vector_load %arg18[%swap3A_91] {strides = array<i32>} : memref<272xi32, #tpu.memory_space<vmem>>, vector<16xi32>,
    tpu.vector_store %arg18[%swap3A_91], %broadcast_in_dim3A_90 {strides = array<i32>} : memref<272xi32, #tpu.memory_space<vmem>>, vector<16xi32>,
    %parallel_loop3A_93 = arith.constant 0 : i32
    %parallel_loop3A_94 = arith.constant 256 : i32
    %parallel_loop3A_95 = arith.constant 1 : i32
    scf.for %parallel_loop3A_128 = %parallel_loop3A_93 to %parallel_loop3A_94 step %parallel_loop3A_95  : i32 {
      %parallel_loop3A_129 = arith.constant 0 : i32
      %parallel_loop3A_130 = arith.cmpi eq, %parallel_loop3A_128, %parallel_loop3A_129 : i32
      %parallel_loop3A_131 = arith.constant 1 : i32
      %parallel_loop3A_132 = arith.subi %parallel_loop3A_128, %parallel_loop3A_131 : i32
      %parallel_loop3A_133 = arith.constant 0 : i32
      %parallel_loop3A_134 = arith.maxsi %parallel_loop3A_132, %parallel_loop3A_133 : i32
      %parallel_loop3A_135 = arith.index_cast %parallel_loop3A_134 : i32 to index
      %parallel_loop3A_136 = tpu.vector_load %arg18[%parallel_loop3A_135] {strides = array<i32>} : memref<272xi32, #tpu.memory_space<vmem>>, vector<16xi32>,
      %parallel_loop3A_137 = arith.constant true
      %parallel_loop3A_138 = vector.broadcast %parallel_loop3A_137 : i1 to vector<16xi1>
      %parallel_loop3A_139 = arith.constant -2147483648 : i32
      %parallel_loop3A_140 = vector.broadcast %parallel_loop3A_139 : i32 to vector<16xi32>
      %parallel_loop3A_141 = arith.xori %parallel_loop3A_136, %parallel_loop3A_140 : vector<16xi32>
      %parallel_loop3A_142 = tpu.scan <min>, %parallel_loop3A_141 masked %parallel_loop3A_138 : vector<16xi32>, vector<16xi1> -> vector<16xi32>
      %parallel_loop3A_143 = arith.xori %parallel_loop3A_142, %parallel_loop3A_140 : vector<16xi32>
      %parallel_loop3A_144 = vector.extract %parallel_loop3A_143[15] : i32 from vector<16xi32>
      %parallel_loop3A_145 = arith.select %parallel_loop3A_130, %add3A_77, %parallel_loop3A_144 : i32
      %parallel_loop3A_146 = arith.constant 16 : i32
      %parallel_loop3A_147 = arith.muli %parallel_loop3A_128, %parallel_loop3A_146 : i32
      %parallel_loop3A_148 = arith.addi %mul3A_81, %parallel_loop3A_147 : i32
      %parallel_loop3A_149 = arith.index_cast %parallel_loop3A_148 : i32 to index
      %parallel_loop3A_150 = tpu.vector_load %arg10[%parallel_loop3A_149] {strides = array<i32>} : memref<8208xi32, #tpu.memory_space<vmem>>, vector<16xi32>,
      %parallel_loop3A_151 = vector.broadcast %parallel_loop3A_145 : i32 to vector<16xi32>
      %parallel_loop3A_152 = arith.maxsi %parallel_loop3A_150, %parallel_loop3A_151 : vector<16xi32>
      %parallel_loop3A_153 = arith.constant 1023 : i32
      %parallel_loop3A_154 = vector.broadcast %parallel_loop3A_153 : i32 to vector<16xi32>
      %parallel_loop3A_155 = arith.minsi %parallel_loop3A_152, %parallel_loop3A_154 : vector<16xi32>
      %parallel_loop3A_156 = vector.broadcast %mul3A_79 : i32 to vector<16xi32>
      %parallel_loop3A_157 = arith.addi %parallel_loop3A_155, %parallel_loop3A_156 : vector<16xi32>
      %parallel_loop3A_158 = arith.constant 16 : i32
      %parallel_loop3A_159 = arith.muli %parallel_loop3A_128, %parallel_loop3A_158 : i32
      %parallel_loop3A_160 = arith.addi %mul3A_81, %parallel_loop3A_159 : i32
      %parallel_loop3A_161 = arith.index_cast %parallel_loop3A_160 : i32 to index
      %parallel_loop3A_162 = tpu.vector_load %arg10[%parallel_loop3A_161] {strides = array<i32>} : memref<8208xi32, #tpu.memory_space<vmem>>, vector<16xi32>,
      tpu.vector_store %arg10[%parallel_loop3A_161], %parallel_loop3A_157 {strides = array<i32>} : memref<8208xi32, #tpu.memory_space<vmem>>, vector<16xi32>,
    } {sc.loop_unroll_factor = 4 : i64, sc.parallel_access}
    "tpu.region"() ({
      %run_scoped3A = tpu.sem_alloc : memref<!tpu.dma_semaphore, #tpu.memory_space<semaphore_mem>>
      %dma_start3A = tpu.memref_slice %arg10[%mul3A_81] : memref<8208xi32, #tpu.memory_space<vmem>> -> memref<4096xi32, #tpu.memory_space<vmem>>
      %dma_start3A_128 = arith.constant 0 : i32
      %dma_start3A_129 = tpu.memref_slice %arg7[%arg1, %dma_start3A_128] : memref<16x4096xi32, #tpu.memory_space<vmem_shared>> -> memref<1x4096xi32, #tpu.memory_space<vmem_shared>>
      %dma_start3A_130 = tpu.memref_squeeze %dma_start3A_129 : memref<1x4096xi32, #tpu.memory_space<vmem_shared>> -> memref<4096xi32, #tpu.memory_space<vmem_shared>>
      %dma_start3A_131 = arith.constant 0 : i32
      %dma_start3A_132 = tpu.memref_slice %arg7[%arg1, %dma_start3A_131] : memref<16x4096xi32, #tpu.memory_space<vmem_shared>> -> memref<1x4096xi32, #tpu.memory_space<vmem_shared>>
      %dma_start3A_133 = tpu.memref_squeeze %dma_start3A_132 : memref<1x4096xi32, #tpu.memory_space<vmem_shared>> -> memref<4096xi32, #tpu.memory_space<vmem_shared>>
      %dma_start3A_134 = tpu.memref_slice %arg10[%mul3A_81] : memref<8208xi32, #tpu.memory_space<vmem>> -> memref<4096xi32, #tpu.memory_space<vmem>>
      tpu.enqueue_dma source(%dma_start3A_134 : memref<4096xi32, #tpu.memory_space<vmem>>) target(%dma_start3A_133 : memref<4096xi32, #tpu.memory_space<vmem_shared>>) target_semaphore(%run_scoped3A : memref<!tpu.dma_semaphore, #tpu.memory_space<semaphore_mem>>)
      %dma_wait3A_135 = tpu.memref_slice %arg10[%mul3A_81] : memref<8208xi32, #tpu.memory_space<vmem>> -> memref<4096xi32, #tpu.memory_space<vmem>>
      %dma_wait3A_136 = arith.constant 0 : i32
      %dma_wait3A_137 = tpu.memref_slice %arg7[%arg1, %dma_wait3A_136] : memref<16x4096xi32, #tpu.memory_space<vmem_shared>> -> memref<1x4096xi32, #tpu.memory_space<vmem_shared>>
      %dma_wait3A_138 = tpu.memref_squeeze %dma_wait3A_137 : memref<1x4096xi32, #tpu.memory_space<vmem_shared>> -> memref<4096xi32, #tpu.memory_space<vmem_shared>>
      %dma_wait3A_139 = arith.constant 0 : i32
      %dma_wait3A_140 = tpu.memref_slice %arg7[%arg1, %dma_wait3A_139] : memref<16x4096xi32, #tpu.memory_space<vmem_shared>> -> memref<1x4096xi32, #tpu.memory_space<vmem_shared>>
      %dma_wait3A_141 = tpu.memref_squeeze %dma_wait3A_140 : memref<1x4096xi32, #tpu.memory_space<vmem_shared>> -> memref<4096xi32, #tpu.memory_space<vmem_shared>>
      %dma_wait3A_142 = tpu.memref_slice %arg10[%mul3A_81] : memref<8208xi32, #tpu.memory_space<vmem>> -> memref<4096xi32, #tpu.memory_space<vmem>>
      tpu.wait_dma2 semaphore(%run_scoped3A : memref<!tpu.dma_semaphore, #tpu.memory_space<semaphore_mem>>) src(%dma_wait3A_142 : memref<4096xi32, #tpu.memory_space<vmem>>) dst(%dma_wait3A_141 : memref<4096xi32, #tpu.memory_space<vmem_shared>>)
      tpu.yield
    }) : () -> ()
    %barrier3A = arith.constant 0 : index
    tpu.barrier barrier_id(%barrier3A)
    %add3A_96 = arith.constant 1 : i32
    %add3A_97 = arith.addi %arg1, %add3A_96 : i32
    %mul3A_98 = arith.constant 2 : i32
    %mul3A_99 = arith.muli %mul3A_98, %select_n3A_30 : i32
    %sub3A_100 = arith.subi %add3A_97, %mul3A_99 : i32
    %sub3A_101 = arith.constant 4096 : i32
    %sub3A_102 = arith.subi %sub3A_101, %mul3A_81 : i32
    "tpu.region"() ({
      %run_scoped3A = tpu.sem_alloc : memref<!tpu.dma_semaphore, #tpu.memory_space<semaphore_mem>>
      %dma_start3A = tpu.memref_slice %arg10[%sub3A_102] : memref<8208xi32, #tpu.memory_space<vmem>> -> memref<4096xi32, #tpu.memory_space<vmem>>
      %dma_start3A_128 = arith.constant 0 : i32
      %dma_start3A_129 = tpu.memref_slice %arg7[%sub3A_100, %dma_start3A_128] : memref<16x4096xi32, #tpu.memory_space<vmem_shared>> -> memref<1x4096xi32, #tpu.memory_space<vmem_shared>>
      %dma_start3A_130 = tpu.memref_squeeze %dma_start3A_129 : memref<1x4096xi32, #tpu.memory_space<vmem_shared>> -> memref<4096xi32, #tpu.memory_space<vmem_shared>>
      %dma_start3A_131 = tpu.memref_slice %arg10[%sub3A_102] : memref<8208xi32, #tpu.memory_space<vmem>> -> memref<4096xi32, #tpu.memory_space<vmem>>
      %dma_start3A_132 = arith.constant 0 : i32
      %dma_start3A_133 = tpu.memref_slice %arg7[%sub3A_100, %dma_start3A_132] : memref<16x4096xi32, #tpu.memory_space<vmem_shared>> -> memref<1x4096xi32, #tpu.memory_space<vmem_shared>>
      %dma_start3A_134 = tpu.memref_squeeze %dma_start3A_133 : memref<1x4096xi32, #tpu.memory_space<vmem_shared>> -> memref<4096xi32, #tpu.memory_space<vmem_shared>>
      tpu.enqueue_dma source(%dma_start3A_134 : memref<4096xi32, #tpu.memory_space<vmem_shared>>) target(%dma_start3A_131 : memref<4096xi32, #tpu.memory_space<vmem>>) target_semaphore(%run_scoped3A : memref<!tpu.dma_semaphore, #tpu.memory_space<semaphore_mem>>)
      %dma_wait3A_135 = tpu.memref_slice %arg10[%sub3A_102] : memref<8208xi32, #tpu.memory_space<vmem>> -> memref<4096xi32, #tpu.memory_space<vmem>>
      %dma_wait3A_136 = arith.constant 0 : i32
      %dma_wait3A_137 = tpu.memref_slice %arg7[%sub3A_100, %dma_wait3A_136] : memref<16x4096xi32, #tpu.memory_space<vmem_shared>> -> memref<1x4096xi32, #tpu.memory_space<vmem_shared>>
      %dma_wait3A_138 = tpu.memref_squeeze %dma_wait3A_137 : memref<1x4096xi32, #tpu.memory_space<vmem_shared>> -> memref<4096xi32, #tpu.memory_space<vmem_shared>>
      %dma_wait3A_139 = tpu.memref_slice %arg10[%sub3A_102] : memref<8208xi32, #tpu.memory_space<vmem>> -> memref<4096xi32, #tpu.memory_space<vmem>>
      %dma_wait3A_140 = arith.constant 0 : i32
      %dma_wait3A_141 = tpu.memref_slice %arg7[%sub3A_100, %dma_wait3A_140] : memref<16x4096xi32, #tpu.memory_space<vmem_shared>> -> memref<1x4096xi32, #tpu.memory_space<vmem_shared>>
      %dma_wait3A_142 = tpu.memref_squeeze %dma_wait3A_141 : memref<1x4096xi32, #tpu.memory_space<vmem_shared>> -> memref<4096xi32, #tpu.memory_space<vmem_shared>>
      tpu.wait_dma2 semaphore(%run_scoped3A : memref<!tpu.dma_semaphore, #tpu.memory_space<semaphore_mem>>) src(%dma_wait3A_142 : memref<4096xi32, #tpu.memory_space<vmem_shared>>) dst(%dma_wait3A_139 : memref<4096xi32, #tpu.memory_space<vmem>>)
      tpu.yield
    }) : () -> ()
    %add3A_103 = arith.constant 1024 : i32
    %add3A_104 = arith.addi %mul3A_79, %add3A_103 : i32
    %sub3A_105 = arith.constant 1 : i32
    %sub3A_106 = arith.subi %add3A_104, %sub3A_105 : i32
    %broadcast_in_dim3A_107 = vector.broadcast %sub3A_106 : i32 to vector<16xi32>
    %swap3A_108 = arith.constant 8192 : index
    %swap3A_109 = tpu.vector_load %arg10[%swap3A_108] {strides = array<i32>} : memref<8208xi32, #tpu.memory_space<vmem>>, vector<16xi32>,
    tpu.vector_store %arg10[%swap3A_108], %broadcast_in_dim3A_107 {strides = array<i32>} : memref<8208xi32, #tpu.memory_space<vmem>>, vector<16xi32>,
    %eq3A_110 = arith.constant 0 : i32
    %eq3A_111 = arith.cmpi eq, %select_n3A_30, %eq3A_110 : i32
    %convert_element_type3A = arith.extui %eq3A_111 : i1 to i32
    %cond3A = arith.constant 0 : i32
    %cond3A_112 = arith.cmpi ne, %convert_element_type3A, %cond3A : i32
    scf.if %cond3A_112 {
      %broadcast_in_dim3A_128 = vector.broadcast %parallel_loop3A_44 : i32 to vector<16xi32>
      %swap3A_129 = arith.constant 0 : index
      %swap3A_130 = tpu.vector_load %arg14[%swap3A_129] {strides = array<i32>} : memref<16xi32, #tpu.memory_space<vmem>>, vector<16xi32>,
      tpu.vector_store %arg14[%swap3A_129], %broadcast_in_dim3A_128 {strides = array<i32>} : memref<16xi32, #tpu.memory_space<vmem>>, vector<16xi32>,
      "tpu.region"() ({
        %run_scoped3A = tpu.sem_alloc : memref<!tpu.dma_semaphore, #tpu.memory_space<semaphore_mem>>
        %dma_start3A = arith.constant 0 : i32
        %dma_start3A_131 = tpu.memref_slice %arg6[%add3A, %dma_start3A] : memref<16x16xi32, #tpu.memory_space<hbm>> -> memref<1x16xi32, #tpu.memory_space<hbm>>
        %dma_start3A_132 = tpu.memref_squeeze %dma_start3A_131 : memref<1x16xi32, #tpu.memory_space<hbm>> -> memref<16xi32, #tpu.memory_space<hbm>>
        %dma_start3A_133 = arith.constant 0 : i32
        %dma_start3A_134 = tpu.memref_slice %arg6[%add3A, %dma_start3A_133] : memref<16x16xi32, #tpu.memory_space<hbm>> -> memref<1x16xi32, #tpu.memory_space<hbm>>
        %dma_start3A_135 = tpu.memref_squeeze %dma_start3A_134 : memref<1x16xi32, #tpu.memory_space<hbm>> -> memref<16xi32, #tpu.memory_space<hbm>>
        tpu.enqueue_dma source(%arg14 : memref<16xi32, #tpu.memory_space<vmem>>) target(%dma_start3A_135 : memref<16xi32, #tpu.memory_space<hbm>>) target_semaphore(%run_scoped3A : memref<!tpu.dma_semaphore, #tpu.memory_space<semaphore_mem>>)
        %dma_wait3A_136 = arith.constant 0 : i32
        %dma_wait3A_137 = tpu.memref_slice %arg6[%add3A, %dma_wait3A_136] : memref<16x16xi32, #tpu.memory_space<hbm>> -> memref<1x16xi32, #tpu.memory_space<hbm>>
        %dma_wait3A_138 = tpu.memref_squeeze %dma_wait3A_137 : memref<1x16xi32, #tpu.memory_space<hbm>> -> memref<16xi32, #tpu.memory_space<hbm>>
        %dma_wait3A_139 = arith.constant 0 : i32
        %dma_wait3A_140 = tpu.memref_slice %arg6[%add3A, %dma_wait3A_139] : memref<16x16xi32, #tpu.memory_space<hbm>> -> memref<1x16xi32, #tpu.memory_space<hbm>>
        %dma_wait3A_141 = tpu.memref_squeeze %dma_wait3A_140 : memref<1x16xi32, #tpu.memory_space<hbm>> -> memref<16xi32, #tpu.memory_space<hbm>>
        tpu.wait_dma2 semaphore(%run_scoped3A : memref<!tpu.dma_semaphore, #tpu.memory_space<semaphore_mem>>) src(%arg14 : memref<16xi32, #tpu.memory_space<vmem>>) dst(%dma_wait3A_141 : memref<16xi32, #tpu.memory_space<hbm>>)
        tpu.yield
      }) : () -> ()
    } else {
    }
    %mul3A_113 = arith.constant 8192 : i32
    %mul3A_114 = arith.muli %add3A, %mul3A_113 : i32
    %scan3A = arith.constant 0 : i32
    %scan3A_115 = arith.constant 0 : i32
    %scan3A_116 = arith.constant 16 : i32
    %scan3A_117 = arith.addi %scan3A_115, %scan3A_116 : i32
    %scan3A_118 = arith.constant 1 : i32
    %scan3A_119 = scf.for %scan3A_128 = %scan3A_115 to %scan3A_117 step %scan3A_118 iter_args(%scan3A_129 = %scan3A) -> (i32)  : i32 {
      %gt3A = arith.constant 0 : i32
      %gt3A_130 = arith.cmpi sgt, %scan3A_128, %gt3A : i32
      %convert_element_type3A_131 = arith.extui %gt3A_130 : i1 to i32
      %cond3A_132 = arith.constant 0 : i32
      %cond3A_133 = arith.cmpi ne, %convert_element_type3A_131, %cond3A_132 : i32
      scf.if %cond3A_133 {
        %dma_wait3A_339 = arith.constant 0 : i32
        %dma_wait3A_340 = tpu.memref_slice %arg5[%mul3A_114, %dma_wait3A_339] : memref<131072x256xf32, #tpu.memory_space<hbm>> -> memref<128x256xf32, #tpu.memory_space<hbm>>
        %dma_wait3A_341 = arith.constant 0 : i32
        %dma_wait3A_342 = tpu.memref_slice %arg5[%mul3A_114, %dma_wait3A_341] : memref<131072x256xf32, #tpu.memory_space<hbm>> -> memref<128x256xf32, #tpu.memory_space<hbm>>
        tpu.wait_dma2 semaphore(%arg20 : memref<!tpu.dma_semaphore, #tpu.memory_space<semaphore_mem>>) src(%arg12 : memref<128x256xf32, #tpu.memory_space<vmem>>) dst(%dma_wait3A_342 : memref<128x256xf32, #tpu.memory_space<hbm>>)
        %dma_wait3A_343 = arith.constant 0 : i32
        %dma_wait3A_344 = tpu.memref_slice %arg5[%mul3A_114, %dma_wait3A_343] : memref<131072x256xf32, #tpu.memory_space<hbm>> -> memref<128x256xf32, #tpu.memory_space<hbm>>
        %dma_wait3A_345 = arith.constant 0 : i32
        %dma_wait3A_346 = tpu.memref_slice %arg5[%mul3A_114, %dma_wait3A_345] : memref<131072x256xf32, #tpu.memory_space<hbm>> -> memref<128x256xf32, #tpu.memory_space<hbm>>
        tpu.wait_dma2 semaphore(%arg20 : memref<!tpu.dma_semaphore, #tpu.memory_space<semaphore_mem>>) src(%arg12 : memref<128x256xf32, #tpu.memory_space<vmem>>) dst(%dma_wait3A_346 : memref<128x256xf32, #tpu.memory_space<hbm>>)
      } else {
      }
      %mul3A_134 = arith.constant 4 : i32
      %mul3A_135 = arith.muli %scan3A_128, %mul3A_134 : i32
      %add3A_136 = arith.addi %mul3A_135, %select_n3A_30 : i32
      %mul3A_137 = arith.constant 128 : i32
      %mul3A_138 = arith.muli %add3A_136, %mul3A_137 : i32
      %sub3A_139 = arith.subi %parallel_loop3A_44, %mul3A_138 : i32
      %jit3A_140 = arith.constant 0 : i32
      %jit3A_141 = arith.constant 128 : i32
      %max3A = arith.maxsi %jit3A_140, %sub3A_139 : i32
      %min3A = arith.minsi %jit3A_141, %max3A : i32
      %get3A_142 = arith.index_cast %mul3A_138 : i32 to index
      %get3A_143 = tpu.vector_load %arg10[%get3A_142] {strides = array<i32>} : memref<8208xi32, #tpu.memory_space<vmem>>, vector<16xi32>,
      %reduce_min3A = arith.constant true
      %reduce_min3A_144 = vector.broadcast %reduce_min3A : i1 to vector<16xi1>
      %reduce_min3A_145 = arith.constant -2147483648 : i32
      %reduce_min3A_146 = vector.broadcast %reduce_min3A_145 : i32 to vector<16xi32>
      %reduce_min3A_147 = arith.xori %get3A_143, %reduce_min3A_146 : vector<16xi32>
      %reduce_min3A_148 = tpu.scan <min>, %reduce_min3A_147 masked %reduce_min3A_144 : vector<16xi32>, vector<16xi1> -> vector<16xi32>
      %reduce_min3A_149 = arith.xori %reduce_min3A_148, %reduce_min3A_146 : vector<16xi32>
      %reduce_min3A_150 = vector.extract %reduce_min3A_149[15] : i32 from vector<16xi32>
      %sub3A_151 = arith.constant 1 : i32
      %sub3A_152 = arith.subi %min3A, %sub3A_151 : i32
      %max3A_153 = arith.constant 0 : i32
      %max3A_154 = arith.maxsi %sub3A_152, %max3A_153 : i32
      %add3A_155 = arith.addi %mul3A_138, %max3A_154 : i32
      %get3A_156 = arith.index_cast %add3A_155 : i32 to index
      %get3A_157 = tpu.vector_load %arg10[%get3A_156] {strides = array<i32>} : memref<8208xi32, #tpu.memory_space<vmem>>, vector<16xi32>,
      %reduce_min3A_158 = arith.constant true
      %reduce_min3A_159 = vector.broadcast %reduce_min3A_158 : i1 to vector<16xi1>
      %reduce_min3A_160 = arith.constant -2147483648 : i32
      %reduce_min3A_161 = vector.broadcast %reduce_min3A_160 : i32 to vector<16xi32>
      %reduce_min3A_162 = arith.xori %get3A_157, %reduce_min3A_161 : vector<16xi32>
      %reduce_min3A_163 = tpu.scan <min>, %reduce_min3A_162 masked %reduce_min3A_159 : vector<16xi32>, vector<16xi1> -> vector<16xi32>
      %reduce_min3A_164 = arith.xori %reduce_min3A_163, %reduce_min3A_161 : vector<16xi32>
      %reduce_min3A_165 = vector.extract %reduce_min3A_164[15] : i32 from vector<16xi32>
      %jit3A_166 = arith.constant 8 : i32
      %div3A_167 = arith.divsi %reduce_min3A_150, %jit3A_166 : i32
      %sign3A_168 = arith.constant 0 : i32
      %sign3A_169 = arith.cmpi sgt, %reduce_min3A_150, %sign3A_168 : i32
      %sign3A_170 = arith.extui %sign3A_169 : i1 to i32
      %sign3A_171 = arith.constant 0 : i32
      %sign3A_172 = arith.cmpi slt, %reduce_min3A_150, %sign3A_171 : i32
      %sign3A_173 = arith.extui %sign3A_172 : i1 to i32
      %sign3A_174 = arith.subi %sign3A_170, %sign3A_173 : i32
      %sign3A_175 = arith.constant 0 : i32
      %sign3A_176 = arith.cmpi sgt, %jit3A_166, %sign3A_175 : i32
      %sign3A_177 = arith.extui %sign3A_176 : i1 to i32
      %sign3A_178 = arith.constant 0 : i32
      %sign3A_179 = arith.cmpi slt, %jit3A_166, %sign3A_178 : i32
      %sign3A_180 = arith.extui %sign3A_179 : i1 to i32
      %sign3A_181 = arith.subi %sign3A_177, %sign3A_180 : i32
      %ne3A_182 = arith.cmpi ne, %sign3A_174, %sign3A_181 : i32
      %rem3A_183 = arith.remsi %reduce_min3A_150, %jit3A_166 : i32
      %ne3A_184 = arith.constant 0 : i32
      %ne3A_185 = arith.cmpi ne, %rem3A_183, %ne3A_184 : i32
      %and3A_186 = arith.andi %ne3A_182, %ne3A_185 : i1
      %sub3A_187 = arith.constant 1 : i32
      %sub3A_188 = arith.subi %div3A_167, %sub3A_187 : i32
      %select_n3A_189 = arith.select %and3A_186, %sub3A_188, %div3A_167 : i32
      %mul3A_190 = arith.constant 8 : i32
      %mul3A_191 = arith.muli %select_n3A_189, %mul3A_190 : i32
      %min3A_192 = arith.constant 16248 : i32
      %min3A_193 = arith.minsi %mul3A_191, %min3A_192 : i32
      %multiple_of3A = tpu.assume_multiple %min3A_193, 8 : i32
      %sub3A_194 = arith.subi %reduce_min3A_165, %multiple_of3A : i32
      %lt3A_195 = arith.constant 136 : i32
      %lt3A_196 = arith.cmpi slt, %sub3A_194, %lt3A_195 : i32
      %sub3A_197 = arith.subi %reduce_min3A_165, %multiple_of3A : i32
      %lt3A_198 = arith.constant 48 : i32
      %lt3A_199 = arith.cmpi slt, %sub3A_197, %lt3A_198 : i32
      %gt3A_200 = arith.constant 0 : i32
      %gt3A_201 = arith.cmpi sgt, %min3A, %gt3A_200 : i32
      %and3A_202 = arith.andi %gt3A_201, %lt3A_199 : i1
      %convert_element_type3A_203 = arith.extui %and3A_202 : i1 to i32
      %cond3A_204 = arith.constant 0 : i32
      %cond3A_205 = arith.cmpi ne, %convert_element_type3A_203, %cond3A_204 : i32
      scf.if %cond3A_205 {
        %dma_start3A_339 = arith.constant 0 : i32
        %dma_start3A_340 = arith.constant 0 : i32
        %dma_start3A_341 = tpu.memref_slice %arg11[%dma_start3A_339, %dma_start3A_340] : memref<136x256xf32, #tpu.memory_space<vmem>> -> memref<48x256xf32, #tpu.memory_space<vmem>>
        %dma_start3A_342 = arith.constant 0 : i32
        %dma_start3A_343 = tpu.memref_slice %arg2[%multiple_of3A, %dma_start3A_342] : memref<16384x256xf32, #tpu.memory_space<hbm>> -> memref<48x256xf32, #tpu.memory_space<hbm>>
        %dma_start3A_344 = arith.constant 0 : i32
        %dma_start3A_345 = arith.constant 0 : i32
        %dma_start3A_346 = tpu.memref_slice %arg11[%dma_start3A_344, %dma_start3A_345] : memref<136x256xf32, #tpu.memory_space<vmem>> -> memref<48x256xf32, #tpu.memory_space<vmem>>
        %dma_start3A_347 = arith.constant 0 : i32
        %dma_start3A_348 = tpu.memref_slice %arg2[%multiple_of3A, %dma_start3A_347] : memref<16384x256xf32, #tpu.memory_space<hbm>> -> memref<48x256xf32, #tpu.memory_space<hbm>>
        tpu.enqueue_dma source(%dma_start3A_348 : memref<48x256xf32, #tpu.memory_space<hbm>>) target(%dma_start3A_346 : memref<48x256xf32, #tpu.memory_space<vmem>>) target_semaphore(%arg19 : memref<!tpu.dma_semaphore, #tpu.memory_space<semaphore_mem>>)
        %dma_wait3A_349 = arith.constant 0 : i32
        %dma_wait3A_350 = arith.constant 0 : i32
        %dma_wait3A_351 = tpu.memref_slice %arg11[%dma_wait3A_349, %dma_wait3A_350] : memref<136x256xf32, #tpu.memory_space<vmem>> -> memref<48x256xf32, #tpu.memory_space<vmem>>
        %dma_wait3A_352 = arith.constant 0 : i32
        %dma_wait3A_353 = tpu.memref_slice %arg2[%multiple_of3A, %dma_wait3A_352] : memref<16384x256xf32, #tpu.memory_space<hbm>> -> memref<48x256xf32, #tpu.memory_space<hbm>>
        %dma_wait3A_354 = arith.constant 0 : i32
        %dma_wait3A_355 = arith.constant 0 : i32
        %dma_wait3A_356 = tpu.memref_slice %arg11[%dma_wait3A_354, %dma_wait3A_355] : memref<136x256xf32, #tpu.memory_space<vmem>> -> memref<48x256xf32, #tpu.memory_space<vmem>>
        %dma_wait3A_357 = arith.constant 0 : i32
        %dma_wait3A_358 = tpu.memref_slice %arg2[%multiple_of3A, %dma_wait3A_357] : memref<16384x256xf32, #tpu.memory_space<hbm>> -> memref<48x256xf32, #tpu.memory_space<hbm>>
        tpu.wait_dma2 semaphore(%arg19 : memref<!tpu.dma_semaphore, #tpu.memory_space<semaphore_mem>>) src(%dma_wait3A_358 : memref<48x256xf32, #tpu.memory_space<hbm>>) dst(%dma_wait3A_356 : memref<48x256xf32, #tpu.memory_space<vmem>>)
      } else {
      }
      %gt3A_206 = arith.constant 0 : i32
      %gt3A_207 = arith.cmpi sgt, %min3A, %gt3A_206 : i32
      %not3A = arith.constant true
      %not3A_208 = arith.xori %lt3A_199, %not3A : i1
      %and3A_209 = arith.andi %gt3A_207, %not3A_208 : i1
      %convert_element_type3A_210 = arith.extui %and3A_209 : i1 to i32
      %cond3A_211 = arith.constant 0 : i32
      %cond3A_212 = arith.cmpi ne, %convert_element_type3A_210, %cond3A_211 : i32
      scf.if %cond3A_212 {
        %dma_start3A_339 = arith.constant 0 : i32
        %dma_start3A_340 = tpu.memref_slice %arg2[%multiple_of3A, %dma_start3A_339] : memref<16384x256xf32, #tpu.memory_space<hbm>> -> memref<136x256xf32, #tpu.memory_space<hbm>>
        %dma_start3A_341 = arith.constant 0 : i32
        %dma_start3A_342 = tpu.memref_slice %arg2[%multiple_of3A, %dma_start3A_341] : memref<16384x256xf32, #tpu.memory_space<hbm>> -> memref<136x256xf32, #tpu.memory_space<hbm>>
        tpu.enqueue_dma source(%dma_start3A_342 : memref<136x256xf32, #tpu.memory_space<hbm>>) target(%arg11 : memref<136x256xf32, #tpu.memory_space<vmem>>) target_semaphore(%arg19 : memref<!tpu.dma_semaphore, #tpu.memory_space<semaphore_mem>>)
        %dma_wait3A_343 = arith.constant 0 : i32
        %dma_wait3A_344 = tpu.memref_slice %arg2[%multiple_of3A, %dma_wait3A_343] : memref<16384x256xf32, #tpu.memory_space<hbm>> -> memref<136x256xf32, #tpu.memory_space<hbm>>
        %dma_wait3A_345 = arith.constant 0 : i32
        %dma_wait3A_346 = tpu.memref_slice %arg2[%multiple_of3A, %dma_wait3A_345] : memref<16384x256xf32, #tpu.memory_space<hbm>> -> memref<136x256xf32, #tpu.memory_space<hbm>>
        tpu.wait_dma2 semaphore(%arg19 : memref<!tpu.dma_semaphore, #tpu.memory_space<semaphore_mem>>) src(%dma_wait3A_346 : memref<136x256xf32, #tpu.memory_space<hbm>>) dst(%arg11 : memref<136x256xf32, #tpu.memory_space<vmem>>)
      } else {
      }
      %gt3A_213 = arith.constant 0 : i32
      %gt3A_214 = arith.cmpi sgt, %min3A, %gt3A_213 : i32
      %convert_element_type3A_215 = arith.extui %gt3A_214 : i1 to i32
      %cond3A_216 = arith.constant 0 : i32
      %cond3A_217 = arith.cmpi ne, %convert_element_type3A_215, %cond3A_216 : i32
      scf.if %cond3A_217 {
        %parallel_loop3A_339 = arith.constant 0 : i32
        %parallel_loop3A_340 = arith.constant 1 : i32
        scf.for %parallel_loop3A_341 = %parallel_loop3A_339 to %min3A step %parallel_loop3A_340  : i32 {
          %parallel_loop3A_342 = arith.addi %mul3A_138, %parallel_loop3A_341 : i32
          %parallel_loop3A_343 = arith.index_cast %parallel_loop3A_342 : i32 to index
          %parallel_loop3A_344 = tpu.vector_load %arg10[%parallel_loop3A_343] {strides = array<i32>} : memref<8208xi32, #tpu.memory_space<vmem>>, vector<16xi32>,
          %parallel_loop3A_345 = arith.constant true
          %parallel_loop3A_346 = vector.broadcast %parallel_loop3A_345 : i1 to vector<16xi1>
          %parallel_loop3A_347 = arith.constant -2147483648 : i32
          %parallel_loop3A_348 = vector.broadcast %parallel_loop3A_347 : i32 to vector<16xi32>
          %parallel_loop3A_349 = arith.xori %parallel_loop3A_344, %parallel_loop3A_348 : vector<16xi32>
          %parallel_loop3A_350 = tpu.scan <min>, %parallel_loop3A_349 masked %parallel_loop3A_346 : vector<16xi32>, vector<16xi1> -> vector<16xi32>
          %parallel_loop3A_351 = arith.xori %parallel_loop3A_350, %parallel_loop3A_348 : vector<16xi32>
          %parallel_loop3A_352 = vector.extract %parallel_loop3A_351[15] : i32 from vector<16xi32>
          %parallel_loop3A_353 = arith.subi %parallel_loop3A_352, %multiple_of3A : i32
          %parallel_loop3A_354 = arith.constant 0 : i32
          %parallel_loop3A_355 = arith.constant 135 : i32
          %parallel_loop3A_356 = arith.maxsi %parallel_loop3A_354, %parallel_loop3A_353 : i32
          %parallel_loop3A_357 = arith.minsi %parallel_loop3A_355, %parallel_loop3A_356 : i32
          %parallel_loop3A_358 = arith.index_cast %parallel_loop3A_357 : i32 to index
          %parallel_loop3A_359 = arith.constant 0 : index
          %parallel_loop3A_360 = tpu.vector_load %arg11[%parallel_loop3A_358, %parallel_loop3A_359] {strides = array<i32>} : memref<136x256xf32, #tpu.memory_space<vmem>>, vector<16xf32>,
          %parallel_loop3A_361 = arith.index_cast %parallel_loop3A_341 : i32 to index
          %parallel_loop3A_362 = arith.constant 0 : index
          %parallel_loop3A_363 = tpu.vector_load %arg12[%parallel_loop3A_361, %parallel_loop3A_362] {strides = array<i32>} : memref<128x256xf32, #tpu.memory_space<vmem>>, vector<16xf32>,
          tpu.vector_store %arg12[%parallel_loop3A_361, %parallel_loop3A_362], %parallel_loop3A_360 {strides = array<i32>} : memref<128x256xf32, #tpu.memory_space<vmem>>, vector<16xf32>,
          %parallel_loop3A_364 = arith.index_cast %parallel_loop3A_357 : i32 to index
          %parallel_loop3A_365 = arith.constant 16 : index
          %parallel_loop3A_366 = tpu.vector_load %arg11[%parallel_loop3A_364, %parallel_loop3A_365] {strides = array<i32>} : memref<136x256xf32, #tpu.memory_space<vmem>>, vector<16xf32>,
          %parallel_loop3A_367 = arith.index_cast %parallel_loop3A_341 : i32 to index
          %parallel_loop3A_368 = arith.constant 16 : index
          %parallel_loop3A_369 = tpu.vector_load %arg12[%parallel_loop3A_367, %parallel_loop3A_368] {strides = array<i32>} : memref<128x256xf32, #tpu.memory_space<vmem>>, vector<16xf32>,
          tpu.vector_store %arg12[%parallel_loop3A_367, %parallel_loop3A_368], %parallel_loop3A_366 {strides = array<i32>} : memref<128x256xf32, #tpu.memory_space<vmem>>, vector<16xf32>,
          %parallel_loop3A_370 = arith.index_cast %parallel_loop3A_357 : i32 to index
          %parallel_loop3A_371 = arith.constant 32 : index
          %parallel_loop3A_372 = tpu.vector_load %arg11[%parallel_loop3A_370, %parallel_loop3A_371] {strides = array<i32>} : memref<136x256xf32, #tpu.memory_space<vmem>>, vector<16xf32>,
          %parallel_loop3A_373 = arith.index_cast %parallel_loop3A_341 : i32 to index
          %parallel_loop3A_374 = arith.constant 32 : index
          %parallel_loop3A_375 = tpu.vector_load %arg12[%parallel_loop3A_373, %parallel_loop3A_374] {strides = array<i32>} : memref<128x256xf32, #tpu.memory_space<vmem>>, vector<16xf32>,
          tpu.vector_store %arg12[%parallel_loop3A_373, %parallel_loop3A_374], %parallel_loop3A_372 {strides = array<i32>} : memref<128x256xf32, #tpu.memory_space<vmem>>, vector<16xf32>,
          %parallel_loop3A_376 = arith.index_cast %parallel_loop3A_357 : i32 to index
          %parallel_loop3A_377 = arith.constant 48 : index
          %parallel_loop3A_378 = tpu.vector_load %arg11[%parallel_loop3A_376, %parallel_loop3A_377] {strides = array<i32>} : memref<136x256xf32, #tpu.memory_space<vmem>>, vector<16xf32>,
          %parallel_loop3A_379 = arith.index_cast %parallel_loop3A_341 : i32 to index
          %parallel_loop3A_380 = arith.constant 48 : index
          %parallel_loop3A_381 = tpu.vector_load %arg12[%parallel_loop3A_379, %parallel_loop3A_380] {strides = array<i32>} : memref<128x256xf32, #tpu.memory_space<vmem>>, vector<16xf32>,
          tpu.vector_store %arg12[%parallel_loop3A_379, %parallel_loop3A_380], %parallel_loop3A_378 {strides = array<i32>} : memref<128x256xf32, #tpu.memory_space<vmem>>, vector<16xf32>,
          %parallel_loop3A_382 = arith.index_cast %parallel_loop3A_357 : i32 to index
          %parallel_loop3A_383 = arith.constant 64 : index
          %parallel_loop3A_384 = tpu.vector_load %arg11[%parallel_loop3A_382, %parallel_loop3A_383] {strides = array<i32>} : memref<136x256xf32, #tpu.memory_space<vmem>>, vector<16xf32>,
          %parallel_loop3A_385 = arith.index_cast %parallel_loop3A_341 : i32 to index
          %parallel_loop3A_386 = arith.constant 64 : index
          %parallel_loop3A_387 = tpu.vector_load %arg12[%parallel_loop3A_385, %parallel_loop3A_386] {strides = array<i32>} : memref<128x256xf32, #tpu.memory_space<vmem>>, vector<16xf32>,
          tpu.vector_store %arg12[%parallel_loop3A_385, %parallel_loop3A_386], %parallel_loop3A_384 {strides = array<i32>} : memref<128x256xf32, #tpu.memory_space<vmem>>, vector<16xf32>,
          %parallel_loop3A_388 = arith.index_cast %parallel_loop3A_357 : i32 to index
          %parallel_loop3A_389 = arith.constant 80 : index
          %parallel_loop3A_390 = tpu.vector_load %arg11[%parallel_loop3A_388, %parallel_loop3A_389] {strides = array<i32>} : memref<136x256xf32, #tpu.memory_space<vmem>>, vector<16xf32>,
          %parallel_loop3A_391 = arith.index_cast %parallel_loop3A_341 : i32 to index
          %parallel_loop3A_392 = arith.constant 80 : index
          %parallel_loop3A_393 = tpu.vector_load %arg12[%parallel_loop3A_391, %parallel_loop3A_392] {strides = array<i32>} : memref<128x256xf32, #tpu.memory_space<vmem>>, vector<16xf32>,
          tpu.vector_store %arg12[%parallel_loop3A_391, %parallel_loop3A_392], %parallel_loop3A_390 {strides = array<i32>} : memref<128x256xf32, #tpu.memory_space<vmem>>, vector<16xf32>,
          %parallel_loop3A_394 = arith.index_cast %parallel_loop3A_357 : i32 to index
          %parallel_loop3A_395 = arith.constant 96 : index
          %parallel_loop3A_396 = tpu.vector_load %arg11[%parallel_loop3A_394, %parallel_loop3A_395] {strides = array<i32>} : memref<136x256xf32, #tpu.memory_space<vmem>>, vector<16xf32>,
          %parallel_loop3A_397 = arith.index_cast %parallel_loop3A_341 : i32 to index
          %parallel_loop3A_398 = arith.constant 96 : index
          %parallel_loop3A_399 = tpu.vector_load %arg12[%parallel_loop3A_397, %parallel_loop3A_398] {strides = array<i32>} : memref<128x256xf32, #tpu.memory_space<vmem>>, vector<16xf32>,
          tpu.vector_store %arg12[%parallel_loop3A_397, %parallel_loop3A_398], %parallel_loop3A_396 {strides = array<i32>} : memref<128x256xf32, #tpu.memory_space<vmem>>, vector<16xf32>,
          %parallel_loop3A_400 = arith.index_cast %parallel_loop3A_357 : i32 to index
          %parallel_loop3A_401 = arith.constant 112 : index
          %parallel_loop3A_402 = tpu.vector_load %arg11[%parallel_loop3A_400, %parallel_loop3A_401] {strides = array<i32>} : memref<136x256xf32, #tpu.memory_space<vmem>>, vector<16xf32>,
          %parallel_loop3A_403 = arith.index_cast %parallel_loop3A_341 : i32 to index
          %parallel_loop3A_404 = arith.constant 112 : index
          %parallel_loop3A_405 = tpu.vector_load %arg12[%parallel_loop3A_403, %parallel_loop3A_404] {strides = array<i32>} : memref<128x256xf32, #tpu.memory_space<vmem>>, vector<16xf32>,
          tpu.vector_store %arg12[%parallel_loop3A_403, %parallel_loop3A_404], %parallel_loop3A_402 {strides = array<i32>} : memref<128x256xf32, #tpu.memory_space<vmem>>, vector<16xf32>,
          %parallel_loop3A_406 = arith.index_cast %parallel_loop3A_357 : i32 to index
          %parallel_loop3A_407 = arith.constant 128 : index
          %parallel_loop3A_408 = tpu.vector_load %arg11[%parallel_loop3A_406, %parallel_loop3A_407] {strides = array<i32>} : memref<136x256xf32, #tpu.memory_space<vmem>>, vector<16xf32>,
          %parallel_loop3A_409 = arith.index_cast %parallel_loop3A_341 : i32 to index
          %parallel_loop3A_410 = arith.constant 128 : index
          %parallel_loop3A_411 = tpu.vector_load %arg12[%parallel_loop3A_409, %parallel_loop3A_410] {strides = array<i32>} : memref<128x256xf32, #tpu.memory_space<vmem>>, vector<16xf32>,
          tpu.vector_store %arg12[%parallel_loop3A_409, %parallel_loop3A_410], %parallel_loop3A_408 {strides = array<i32>} : memref<128x256xf32, #tpu.memory_space<vmem>>, vector<16xf32>,
          %parallel_loop3A_412 = arith.index_cast %parallel_loop3A_357 : i32 to index
          %parallel_loop3A_413 = arith.constant 144 : index
          %parallel_loop3A_414 = tpu.vector_load %arg11[%parallel_loop3A_412, %parallel_loop3A_413] {strides = array<i32>} : memref<136x256xf32, #tpu.memory_space<vmem>>, vector<16xf32>,
          %parallel_loop3A_415 = arith.index_cast %parallel_loop3A_341 : i32 to index
          %parallel_loop3A_416 = arith.constant 144 : index
          %parallel_loop3A_417 = tpu.vector_load %arg12[%parallel_loop3A_415, %parallel_loop3A_416] {strides = array<i32>} : memref<128x256xf32, #tpu.memory_space<vmem>>, vector<16xf32>,
          tpu.vector_store %arg12[%parallel_loop3A_415, %parallel_loop3A_416], %parallel_loop3A_414 {strides = array<i32>} : memref<128x256xf32, #tpu.memory_space<vmem>>, vector<16xf32>,
          %parallel_loop3A_418 = arith.index_cast %parallel_loop3A_357 : i32 to index
          %parallel_loop3A_419 = arith.constant 160 : index
          %parallel_loop3A_420 = tpu.vector_load %arg11[%parallel_loop3A_418, %parallel_loop3A_419] {strides = array<i32>} : memref<136x256xf32, #tpu.memory_space<vmem>>, vector<16xf32>,
          %parallel_loop3A_421 = arith.index_cast %parallel_loop3A_341 : i32 to index
          %parallel_loop3A_422 = arith.constant 160 : index
          %parallel_loop3A_423 = tpu.vector_load %arg12[%parallel_loop3A_421, %parallel_loop3A_422] {strides = array<i32>} : memref<128x256xf32, #tpu.memory_space<vmem>>, vector<16xf32>,
          tpu.vector_store %arg12[%parallel_loop3A_421, %parallel_loop3A_422], %parallel_loop3A_420 {strides = array<i32>} : memref<128x256xf32, #tpu.memory_space<vmem>>, vector<16xf32>,
          %parallel_loop3A_424 = arith.index_cast %parallel_loop3A_357 : i32 to index
          %parallel_loop3A_425 = arith.constant 176 : index
          %parallel_loop3A_426 = tpu.vector_load %arg11[%parallel_loop3A_424, %parallel_loop3A_425] {strides = array<i32>} : memref<136x256xf32, #tpu.memory_space<vmem>>, vector<16xf32>,
          %parallel_loop3A_427 = arith.index_cast %parallel_loop3A_341 : i32 to index
          %parallel_loop3A_428 = arith.constant 176 : index
          %parallel_loop3A_429 = tpu.vector_load %arg12[%parallel_loop3A_427, %parallel_loop3A_428] {strides = array<i32>} : memref<128x256xf32, #tpu.memory_space<vmem>>, vector<16xf32>,
          tpu.vector_store %arg12[%parallel_loop3A_427, %parallel_loop3A_428], %parallel_loop3A_426 {strides = array<i32>} : memref<128x256xf32, #tpu.memory_space<vmem>>, vector<16xf32>,
          %parallel_loop3A_430 = arith.index_cast %parallel_loop3A_357 : i32 to index
          %parallel_loop3A_431 = arith.constant 192 : index
          %parallel_loop3A_432 = tpu.vector_load %arg11[%parallel_loop3A_430, %parallel_loop3A_431] {strides = array<i32>} : memref<136x256xf32, #tpu.memory_space<vmem>>, vector<16xf32>,
          %parallel_loop3A_433 = arith.index_cast %parallel_loop3A_341 : i32 to index
          %parallel_loop3A_434 = arith.constant 192 : index
          %parallel_loop3A_435 = tpu.vector_load %arg12[%parallel_loop3A_433, %parallel_loop3A_434] {strides = array<i32>} : memref<128x256xf32, #tpu.memory_space<vmem>>, vector<16xf32>,
          tpu.vector_store %arg12[%parallel_loop3A_433, %parallel_loop3A_434], %parallel_loop3A_432 {strides = array<i32>} : memref<128x256xf32, #tpu.memory_space<vmem>>, vector<16xf32>,
          %parallel_loop3A_436 = arith.index_cast %parallel_loop3A_357 : i32 to index
          %parallel_loop3A_437 = arith.constant 208 : index
          %parallel_loop3A_438 = tpu.vector_load %arg11[%parallel_loop3A_436, %parallel_loop3A_437] {strides = array<i32>} : memref<136x256xf32, #tpu.memory_space<vmem>>, vector<16xf32>,
          %parallel_loop3A_439 = arith.index_cast %parallel_loop3A_341 : i32 to index
          %parallel_loop3A_440 = arith.constant 208 : index
          %parallel_loop3A_441 = tpu.vector_load %arg12[%parallel_loop3A_439, %parallel_loop3A_440] {strides = array<i32>} : memref<128x256xf32, #tpu.memory_space<vmem>>, vector<16xf32>,
          tpu.vector_store %arg12[%parallel_loop3A_439, %parallel_loop3A_440], %parallel_loop3A_438 {strides = array<i32>} : memref<128x256xf32, #tpu.memory_space<vmem>>, vector<16xf32>,
          %parallel_loop3A_442 = arith.index_cast %parallel_loop3A_357 : i32 to index
          %parallel_loop3A_443 = arith.constant 224 : index
          %parallel_loop3A_444 = tpu.vector_load %arg11[%parallel_loop3A_442, %parallel_loop3A_443] {strides = array<i32>} : memref<136x256xf32, #tpu.memory_space<vmem>>, vector<16xf32>,
          %parallel_loop3A_445 = arith.index_cast %parallel_loop3A_341 : i32 to index
          %parallel_loop3A_446 = arith.constant 224 : index
          %parallel_loop3A_447 = tpu.vector_load %arg12[%parallel_loop3A_445, %parallel_loop3A_446] {strides = array<i32>} : memref<128x256xf32, #tpu.memory_space<vmem>>, vector<16xf32>,
          tpu.vector_store %arg12[%parallel_loop3A_445, %parallel_loop3A_446], %parallel_loop3A_444 {strides = array<i32>} : memref<128x256xf32, #tpu.memory_space<vmem>>, vector<16xf32>,
          %parallel_loop3A_448 = arith.index_cast %parallel_loop3A_357 : i32 to index
          %parallel_loop3A_449 = arith.constant 240 : index
          %parallel_loop3A_450 = tpu.vector_load %arg11[%parallel_loop3A_448, %parallel_loop3A_449] {strides = array<i32>} : memref<136x256xf32, #tpu.memory_space<vmem>>, vector<16xf32>,
          %parallel_loop3A_451 = arith.index_cast %parallel_loop3A_341 : i32 to index
          %parallel_loop3A_452 = arith.constant 240 : index
          %parallel_loop3A_453 = tpu.vector_load %arg12[%parallel_loop3A_451, %parallel_loop3A_452] {strides = array<i32>} : memref<128x256xf32, #tpu.memory_space<vmem>>, vector<16xf32>,
          tpu.vector_store %arg12[%parallel_loop3A_451, %parallel_loop3A_452], %parallel_loop3A_450 {strides = array<i32>} : memref<128x256xf32, #tpu.memory_space<vmem>>, vector<16xf32>,
        } {sc.loop_unroll_factor = 4 : i64, sc.parallel_access}
      } else {
      }
      %gt3A_218 = arith.constant 0 : i32
      %gt3A_219 = arith.cmpi sgt, %min3A, %gt3A_218 : i32
      %not3A_220 = arith.constant true
      %not3A_221 = arith.xori %lt3A_196, %not3A_220 : i1
      %and3A_222 = arith.andi %gt3A_219, %not3A_221 : i1
      %convert_element_type3A_223 = arith.extui %and3A_222 : i1 to i32
      %cond3A_224 = arith.constant 0 : i32
      %cond3A_225 = arith.cmpi ne, %convert_element_type3A_223, %cond3A_224 : i32
      scf.if %cond3A_225 {
        %scan3A_339 = arith.constant 0 : i32
        %scan3A_340 = arith.constant 1 : i32
        %scan3A_341 = arith.constant 7 : i32
        %scan3A_342 = arith.addi %scan3A_340, %scan3A_341 : i32
        %scan3A_343 = arith.constant 1 : i32
        %scan3A_344 = scf.for %scan3A_346 = %scan3A_340 to %scan3A_342 step %scan3A_343 iter_args(%scan3A_347 = %scan3A_339) -> (i32)  : i32 {
          %mul3A_348 = arith.constant 128 : i32
          %mul3A_349 = arith.muli %scan3A_346, %mul3A_348 : i32
          %add3A_350 = arith.addi %multiple_of3A, %mul3A_349 : i32
          %min3A_351 = arith.constant 16248 : i32
          %min3A_352 = arith.minsi %add3A_350, %min3A_351 : i32
          %multiple_of3A_353 = tpu.assume_multiple %min3A_352, 8 : i32
          %le3A = arith.cmpi sle, %multiple_of3A_353, %reduce_min3A_165 : i32
          %convert_element_type3A_354 = arith.extui %le3A : i1 to i32
          %cond3A_355 = arith.constant 0 : i32
          %cond3A_356 = arith.cmpi ne, %convert_element_type3A_354, %cond3A_355 : i32
          scf.if %cond3A_356 {
            %dma_start3A_358 = arith.constant 0 : i32
            %dma_start3A_359 = tpu.memref_slice %arg2[%multiple_of3A_353, %dma_start3A_358] : memref<16384x256xf32, #tpu.memory_space<hbm>> -> memref<136x256xf32, #tpu.memory_space<hbm>>
            %dma_start3A_360 = arith.constant 0 : i32
            %dma_start3A_361 = tpu.memref_slice %arg2[%multiple_of3A_353, %dma_start3A_360] : memref<16384x256xf32, #tpu.memory_space<hbm>> -> memref<136x256xf32, #tpu.memory_space<hbm>>
            tpu.enqueue_dma source(%dma_start3A_361 : memref<136x256xf32, #tpu.memory_space<hbm>>) target(%arg11 : memref<136x256xf32, #tpu.memory_space<vmem>>) target_semaphore(%arg19 : memref<!tpu.dma_semaphore, #tpu.memory_space<semaphore_mem>>)
            %dma_wait3A_362 = arith.constant 0 : i32
            %dma_wait3A_363 = tpu.memref_slice %arg2[%multiple_of3A_353, %dma_wait3A_362] : memref<16384x256xf32, #tpu.memory_space<hbm>> -> memref<136x256xf32, #tpu.memory_space<hbm>>
            %dma_wait3A_364 = arith.constant 0 : i32
            %dma_wait3A_365 = tpu.memref_slice %arg2[%multiple_of3A_353, %dma_wait3A_364] : memref<16384x256xf32, #tpu.memory_space<hbm>> -> memref<136x256xf32, #tpu.memory_space<hbm>>
            tpu.wait_dma2 semaphore(%arg19 : memref<!tpu.dma_semaphore, #tpu.memory_space<semaphore_mem>>) src(%dma_wait3A_365 : memref<136x256xf32, #tpu.memory_space<hbm>>) dst(%arg11 : memref<136x256xf32, #tpu.memory_space<vmem>>)
            %while3A = arith.constant 0 : i32
            %while3A_366 = arith.constant 0 : i32
            %while3A_367 = arith.subi %min3A, %while3A : i32
            %while3A_368 = arith.addi %while3A, %while3A_367 : i32
            %while3A_369 = arith.constant 1 : i32
            %while3A_370 = arith.divsi %while3A_367, %while3A_369 : i32
            %while3A_371 = arith.muli %while3A_370, %while3A_369 : i32
            %while3A_372 = arith.addi %while3A, %while3A_371 : i32
            %while3A_373 = arith.constant 1 : i32
            %while3A_374 = scf.for %while3A_377 = %while3A to %while3A_372 step %while3A_373 iter_args(%while3A_378 = %while3A_366) -> (i32)  : i32 {
              %add3A_379 = arith.addi %mul3A_138, %while3A_377 : i32
              %get3A_380 = arith.index_cast %add3A_379 : i32 to index
              %get3A_381 = tpu.vector_load %arg10[%get3A_380] {strides = array<i32>} : memref<8208xi32, #tpu.memory_space<vmem>>, vector<16xi32>,
              %reduce_min3A_382 = arith.constant true
              %reduce_min3A_383 = vector.broadcast %reduce_min3A_382 : i1 to vector<16xi1>
              %reduce_min3A_384 = arith.constant -2147483648 : i32
              %reduce_min3A_385 = vector.broadcast %reduce_min3A_384 : i32 to vector<16xi32>
              %reduce_min3A_386 = arith.xori %get3A_381, %reduce_min3A_385 : vector<16xi32>
              %reduce_min3A_387 = tpu.scan <min>, %reduce_min3A_386 masked %reduce_min3A_383 : vector<16xi32>, vector<16xi1> -> vector<16xi32>
              %reduce_min3A_388 = arith.xori %reduce_min3A_387, %reduce_min3A_385 : vector<16xi32>
              %reduce_min3A_389 = vector.extract %reduce_min3A_388[15] : i32 from vector<16xi32>
              %sub3A_390 = arith.subi %reduce_min3A_389, %multiple_of3A_353 : i32
              %ge3A = arith.constant 0 : i32
              %ge3A_391 = arith.cmpi sge, %sub3A_390, %ge3A : i32
              %lt3A_392 = arith.constant 136 : i32
              %lt3A_393 = arith.cmpi slt, %sub3A_390, %lt3A_392 : i32
              %and3A_394 = arith.andi %ge3A_391, %lt3A_393 : i1
              %convert_element_type3A_395 = arith.extui %and3A_394 : i1 to i32
              %cond3A_396 = arith.constant 0 : i32
              %cond3A_397 = arith.cmpi ne, %convert_element_type3A_395, %cond3A_396 : i32
              scf.if %cond3A_397 {
                %get3A_399 = arith.index_cast %sub3A_390 : i32 to index
                %get3A_400 = arith.constant 0 : index
                %get3A_401 = tpu.vector_load %arg11[%get3A_399, %get3A_400] {strides = array<i32>} : memref<136x256xf32, #tpu.memory_space<vmem>>, vector<16xf32>,
                %swap3A_402 = arith.index_cast %while3A_377 : i32 to index
                %swap3A_403 = arith.constant 0 : index
                %swap3A_404 = tpu.vector_load %arg12[%swap3A_402, %swap3A_403] {strides = array<i32>} : memref<128x256xf32, #tpu.memory_space<vmem>>, vector<16xf32>,
                tpu.vector_store %arg12[%swap3A_402, %swap3A_403], %get3A_401 {strides = array<i32>} : memref<128x256xf32, #tpu.memory_space<vmem>>, vector<16xf32>,
                %get3A_405 = arith.index_cast %sub3A_390 : i32 to index
                %get3A_406 = arith.constant 16 : index
                %get3A_407 = tpu.vector_load %arg11[%get3A_405, %get3A_406] {strides = array<i32>} : memref<136x256xf32, #tpu.memory_space<vmem>>, vector<16xf32>,
                %swap3A_408 = arith.index_cast %while3A_377 : i32 to index
                %swap3A_409 = arith.constant 16 : index
                %swap3A_410 = tpu.vector_load %arg12[%swap3A_408, %swap3A_409] {strides = array<i32>} : memref<128x256xf32, #tpu.memory_space<vmem>>, vector<16xf32>,
                tpu.vector_store %arg12[%swap3A_408, %swap3A_409], %get3A_407 {strides = array<i32>} : memref<128x256xf32, #tpu.memory_space<vmem>>, vector<16xf32>,
                %get3A_411 = arith.index_cast %sub3A_390 : i32 to index
                %get3A_412 = arith.constant 32 : index
                %get3A_413 = tpu.vector_load %arg11[%get3A_411, %get3A_412] {strides = array<i32>} : memref<136x256xf32, #tpu.memory_space<vmem>>, vector<16xf32>,
                %swap3A_414 = arith.index_cast %while3A_377 : i32 to index
                %swap3A_415 = arith.constant 32 : index
                %swap3A_416 = tpu.vector_load %arg12[%swap3A_414, %swap3A_415] {strides = array<i32>} : memref<128x256xf32, #tpu.memory_space<vmem>>, vector<16xf32>,
                tpu.vector_store %arg12[%swap3A_414, %swap3A_415], %get3A_413 {strides = array<i32>} : memref<128x256xf32, #tpu.memory_space<vmem>>, vector<16xf32>,
                %get3A_417 = arith.index_cast %sub3A_390 : i32 to index
                %get3A_418 = arith.constant 48 : index
                %get3A_419 = tpu.vector_load %arg11[%get3A_417, %get3A_418] {strides = array<i32>} : memref<136x256xf32, #tpu.memory_space<vmem>>, vector<16xf32>,
                %swap3A_420 = arith.index_cast %while3A_377 : i32 to index
                %swap3A_421 = arith.constant 48 : index
                %swap3A_422 = tpu.vector_load %arg12[%swap3A_420, %swap3A_421] {strides = array<i32>} : memref<128x256xf32, #tpu.memory_space<vmem>>, vector<16xf32>,
                tpu.vector_store %arg12[%swap3A_420, %swap3A_421], %get3A_419 {strides = array<i32>} : memref<128x256xf32, #tpu.memory_space<vmem>>, vector<16xf32>,
                %get3A_423 = arith.index_cast %sub3A_390 : i32 to index
                %get3A_424 = arith.constant 64 : index
                %get3A_425 = tpu.vector_load %arg11[%get3A_423, %get3A_424] {strides = array<i32>} : memref<136x256xf32, #tpu.memory_space<vmem>>, vector<16xf32>,
                %swap3A_426 = arith.index_cast %while3A_377 : i32 to index
                %swap3A_427 = arith.constant 64 : index
                %swap3A_428 = tpu.vector_load %arg12[%swap3A_426, %swap3A_427] {strides = array<i32>} : memref<128x256xf32, #tpu.memory_space<vmem>>, vector<16xf32>,
                tpu.vector_store %arg12[%swap3A_426, %swap3A_427], %get3A_425 {strides = array<i32>} : memref<128x256xf32, #tpu.memory_space<vmem>>, vector<16xf32>,
                %get3A_429 = arith.index_cast %sub3A_390 : i32 to index
                %get3A_430 = arith.constant 80 : index
                %get3A_431 = tpu.vector_load %arg11[%get3A_429, %get3A_430] {strides = array<i32>} : memref<136x256xf32, #tpu.memory_space<vmem>>, vector<16xf32>,
                %swap3A_432 = arith.index_cast %while3A_377 : i32 to index
                %swap3A_433 = arith.constant 80 : index
                %swap3A_434 = tpu.vector_load %arg12[%swap3A_432, %swap3A_433] {strides = array<i32>} : memref<128x256xf32, #tpu.memory_space<vmem>>, vector<16xf32>,
                tpu.vector_store %arg12[%swap3A_432, %swap3A_433], %get3A_431 {strides = array<i32>} : memref<128x256xf32, #tpu.memory_space<vmem>>, vector<16xf32>,
                %get3A_435 = arith.index_cast %sub3A_390 : i32 to index
                %get3A_436 = arith.constant 96 : index
                %get3A_437 = tpu.vector_load %arg11[%get3A_435, %get3A_436] {strides = array<i32>} : memref<136x256xf32, #tpu.memory_space<vmem>>, vector<16xf32>,
                %swap3A_438 = arith.index_cast %while3A_377 : i32 to index
                %swap3A_439 = arith.constant 96 : index
                %swap3A_440 = tpu.vector_load %arg12[%swap3A_438, %swap3A_439] {strides = array<i32>} : memref<128x256xf32, #tpu.memory_space<vmem>>, vector<16xf32>,
                tpu.vector_store %arg12[%swap3A_438, %swap3A_439], %get3A_437 {strides = array<i32>} : memref<128x256xf32, #tpu.memory_space<vmem>>, vector<16xf32>,
                %get3A_441 = arith.index_cast %sub3A_390 : i32 to index
                %get3A_442 = arith.constant 112 : index
                %get3A_443 = tpu.vector_load %arg11[%get3A_441, %get3A_442] {strides = array<i32>} : memref<136x256xf32, #tpu.memory_space<vmem>>, vector<16xf32>,
                %swap3A_444 = arith.index_cast %while3A_377 : i32 to index
                %swap3A_445 = arith.constant 112 : index
                %swap3A_446 = tpu.vector_load %arg12[%swap3A_444, %swap3A_445] {strides = array<i32>} : memref<128x256xf32, #tpu.memory_space<vmem>>, vector<16xf32>,
                tpu.vector_store %arg12[%swap3A_444, %swap3A_445], %get3A_443 {strides = array<i32>} : memref<128x256xf32, #tpu.memory_space<vmem>>, vector<16xf32>,
                %get3A_447 = arith.index_cast %sub3A_390 : i32 to index
                %get3A_448 = arith.constant 128 : index
                %get3A_449 = tpu.vector_load %arg11[%get3A_447, %get3A_448] {strides = array<i32>} : memref<136x256xf32, #tpu.memory_space<vmem>>, vector<16xf32>,
                %swap3A_450 = arith.index_cast %while3A_377 : i32 to index
                %swap3A_451 = arith.constant 128 : index
                %swap3A_452 = tpu.vector_load %arg12[%swap3A_450, %swap3A_451] {strides = array<i32>} : memref<128x256xf32, #tpu.memory_space<vmem>>, vector<16xf32>,
                tpu.vector_store %arg12[%swap3A_450, %swap3A_451], %get3A_449 {strides = array<i32>} : memref<128x256xf32, #tpu.memory_space<vmem>>, vector<16xf32>,
                %get3A_453 = arith.index_cast %sub3A_390 : i32 to index
                %get3A_454 = arith.constant 144 : index
                %get3A_455 = tpu.vector_load %arg11[%get3A_453, %get3A_454] {strides = array<i32>} : memref<136x256xf32, #tpu.memory_space<vmem>>, vector<16xf32>,
                %swap3A_456 = arith.index_cast %while3A_377 : i32 to index
                %swap3A_457 = arith.constant 144 : index
                %swap3A_458 = tpu.vector_load %arg12[%swap3A_456, %swap3A_457] {strides = array<i32>} : memref<128x256xf32, #tpu.memory_space<vmem>>, vector<16xf32>,
                tpu.vector_store %arg12[%swap3A_456, %swap3A_457], %get3A_455 {strides = array<i32>} : memref<128x256xf32, #tpu.memory_space<vmem>>, vector<16xf32>,
                %get3A_459 = arith.index_cast %sub3A_390 : i32 to index
                %get3A_460 = arith.constant 160 : index
                %get3A_461 = tpu.vector_load %arg11[%get3A_459, %get3A_460] {strides = array<i32>} : memref<136x256xf32, #tpu.memory_space<vmem>>, vector<16xf32>,
                %swap3A_462 = arith.index_cast %while3A_377 : i32 to index
                %swap3A_463 = arith.constant 160 : index
                %swap3A_464 = tpu.vector_load %arg12[%swap3A_462, %swap3A_463] {strides = array<i32>} : memref<128x256xf32, #tpu.memory_space<vmem>>, vector<16xf32>,
                tpu.vector_store %arg12[%swap3A_462, %swap3A_463], %get3A_461 {strides = array<i32>} : memref<128x256xf32, #tpu.memory_space<vmem>>, vector<16xf32>,
                %get3A_465 = arith.index_cast %sub3A_390 : i32 to index
                %get3A_466 = arith.constant 176 : index
                %get3A_467 = tpu.vector_load %arg11[%get3A_465, %get3A_466] {strides = array<i32>} : memref<136x256xf32, #tpu.memory_space<vmem>>, vector<16xf32>,
                %swap3A_468 = arith.index_cast %while3A_377 : i32 to index
                %swap3A_469 = arith.constant 176 : index
                %swap3A_470 = tpu.vector_load %arg12[%swap3A_468, %swap3A_469] {strides = array<i32>} : memref<128x256xf32, #tpu.memory_space<vmem>>, vector<16xf32>,
                tpu.vector_store %arg12[%swap3A_468, %swap3A_469], %get3A_467 {strides = array<i32>} : memref<128x256xf32, #tpu.memory_space<vmem>>, vector<16xf32>,
                %get3A_471 = arith.index_cast %sub3A_390 : i32 to index
                %get3A_472 = arith.constant 192 : index
                %get3A_473 = tpu.vector_load %arg11[%get3A_471, %get3A_472] {strides = array<i32>} : memref<136x256xf32, #tpu.memory_space<vmem>>, vector<16xf32>,
                %swap3A_474 = arith.index_cast %while3A_377 : i32 to index
                %swap3A_475 = arith.constant 192 : index
                %swap3A_476 = tpu.vector_load %arg12[%swap3A_474, %swap3A_475] {strides = array<i32>} : memref<128x256xf32, #tpu.memory_space<vmem>>, vector<16xf32>,
                tpu.vector_store %arg12[%swap3A_474, %swap3A_475], %get3A_473 {strides = array<i32>} : memref<128x256xf32, #tpu.memory_space<vmem>>, vector<16xf32>,
                %get3A_477 = arith.index_cast %sub3A_390 : i32 to index
                %get3A_478 = arith.constant 208 : index
                %get3A_479 = tpu.vector_load %arg11[%get3A_477, %get3A_478] {strides = array<i32>} : memref<136x256xf32, #tpu.memory_space<vmem>>, vector<16xf32>,
                %swap3A_480 = arith.index_cast %while3A_377 : i32 to index
                %swap3A_481 = arith.constant 208 : index
                %swap3A_482 = tpu.vector_load %arg12[%swap3A_480, %swap3A_481] {strides = array<i32>} : memref<128x256xf32, #tpu.memory_space<vmem>>, vector<16xf32>,
                tpu.vector_store %arg12[%swap3A_480, %swap3A_481], %get3A_479 {strides = array<i32>} : memref<128x256xf32, #tpu.memory_space<vmem>>, vector<16xf32>,
                %get3A_483 = arith.index_cast %sub3A_390 : i32 to index
                %get3A_484 = arith.constant 224 : index
                %get3A_485 = tpu.vector_load %arg11[%get3A_483, %get3A_484] {strides = array<i32>} : memref<136x256xf32, #tpu.memory_space<vmem>>, vector<16xf32>,
                %swap3A_486 = arith.index_cast %while3A_377 : i32 to index
                %swap3A_487 = arith.constant 224 : index
                %swap3A_488 = tpu.vector_load %arg12[%swap3A_486, %swap3A_487] {strides = array<i32>} : memref<128x256xf32, #tpu.memory_space<vmem>>, vector<16xf32>,
                tpu.vector_store %arg12[%swap3A_486, %swap3A_487], %get3A_485 {strides = array<i32>} : memref<128x256xf32, #tpu.memory_space<vmem>>, vector<16xf32>,
                %get3A_489 = arith.index_cast %sub3A_390 : i32 to index
                %get3A_490 = arith.constant 240 : index
                %get3A_491 = tpu.vector_load %arg11[%get3A_489, %get3A_490] {strides = array<i32>} : memref<136x256xf32, #tpu.memory_space<vmem>>, vector<16xf32>,
                %swap3A_492 = arith.index_cast %while3A_377 : i32 to index
                %swap3A_493 = arith.constant 240 : index
                %swap3A_494 = tpu.vector_load %arg12[%swap3A_492, %swap3A_493] {strides = array<i32>} : memref<128x256xf32, #tpu.memory_space<vmem>>, vector<16xf32>,
                tpu.vector_store %arg12[%swap3A_492, %swap3A_493], %get3A_491 {strides = array<i32>} : memref<128x256xf32, #tpu.memory_space<vmem>>, vector<16xf32>,
              } else {
              }
              %while3A_398 = arith.constant 0 : i32
              scf.yield %while3A_398 : i32
            }
            %while3A_375 = arith.constant 1 : i32
            %while3A_376 = scf.for %while3A_377 = %while3A_372 to %while3A_368 step %while3A_375 iter_args(%while3A_378 = %while3A_374) -> (i32)  : i32 {
              %add3A_379 = arith.addi %mul3A_138, %while3A_377 : i32
              %get3A_380 = arith.index_cast %add3A_379 : i32 to index
              %get3A_381 = tpu.vector_load %arg10[%get3A_380] {strides = array<i32>} : memref<8208xi32, #tpu.memory_space<vmem>>, vector<16xi32>,
              %reduce_min3A_382 = arith.constant true
              %reduce_min3A_383 = vector.broadcast %reduce_min3A_382 : i1 to vector<16xi1>
              %reduce_min3A_384 = arith.constant -2147483648 : i32
              %reduce_min3A_385 = vector.broadcast %reduce_min3A_384 : i32 to vector<16xi32>
              %reduce_min3A_386 = arith.xori %get3A_381, %reduce_min3A_385 : vector<16xi32>
              %reduce_min3A_387 = tpu.scan <min>, %reduce_min3A_386 masked %reduce_min3A_383 : vector<16xi32>, vector<16xi1> -> vector<16xi32>
              %reduce_min3A_388 = arith.xori %reduce_min3A_387, %reduce_min3A_385 : vector<16xi32>
              %reduce_min3A_389 = vector.extract %reduce_min3A_388[15] : i32 from vector<16xi32>
              %sub3A_390 = arith.subi %reduce_min3A_389, %multiple_of3A_353 : i32
              %ge3A = arith.constant 0 : i32
              %ge3A_391 = arith.cmpi sge, %sub3A_390, %ge3A : i32
              %lt3A_392 = arith.constant 136 : i32
              %lt3A_393 = arith.cmpi slt, %sub3A_390, %lt3A_392 : i32
              %and3A_394 = arith.andi %ge3A_391, %lt3A_393 : i1
              %convert_element_type3A_395 = arith.extui %and3A_394 : i1 to i32
              %cond3A_396 = arith.constant 0 : i32
              %cond3A_397 = arith.cmpi ne, %convert_element_type3A_395, %cond3A_396 : i32
              scf.if %cond3A_397 {
                %get3A_399 = arith.index_cast %sub3A_390 : i32 to index
                %get3A_400 = arith.constant 0 : index
                %get3A_401 = tpu.vector_load %arg11[%get3A_399, %get3A_400] {strides = array<i32>} : memref<136x256xf32, #tpu.memory_space<vmem>>, vector<16xf32>,
                %swap3A_402 = arith.index_cast %while3A_377 : i32 to index
                %swap3A_403 = arith.constant 0 : index
                %swap3A_404 = tpu.vector_load %arg12[%swap3A_402, %swap3A_403] {strides = array<i32>} : memref<128x256xf32, #tpu.memory_space<vmem>>, vector<16xf32>,
                tpu.vector_store %arg12[%swap3A_402, %swap3A_403], %get3A_401 {strides = array<i32>} : memref<128x256xf32, #tpu.memory_space<vmem>>, vector<16xf32>,
                %get3A_405 = arith.index_cast %sub3A_390 : i32 to index
                %get3A_406 = arith.constant 16 : index
                %get3A_407 = tpu.vector_load %arg11[%get3A_405, %get3A_406] {strides = array<i32>} : memref<136x256xf32, #tpu.memory_space<vmem>>, vector<16xf32>,
                %swap3A_408 = arith.index_cast %while3A_377 : i32 to index
                %swap3A_409 = arith.constant 16 : index
                %swap3A_410 = tpu.vector_load %arg12[%swap3A_408, %swap3A_409] {strides = array<i32>} : memref<128x256xf32, #tpu.memory_space<vmem>>, vector<16xf32>,
                tpu.vector_store %arg12[%swap3A_408, %swap3A_409], %get3A_407 {strides = array<i32>} : memref<128x256xf32, #tpu.memory_space<vmem>>, vector<16xf32>,
                %get3A_411 = arith.index_cast %sub3A_390 : i32 to index
                %get3A_412 = arith.constant 32 : index
                %get3A_413 = tpu.vector_load %arg11[%get3A_411, %get3A_412] {strides = array<i32>} : memref<136x256xf32, #tpu.memory_space<vmem>>, vector<16xf32>,
                %swap3A_414 = arith.index_cast %while3A_377 : i32 to index
                %swap3A_415 = arith.constant 32 : index
                %swap3A_416 = tpu.vector_load %arg12[%swap3A_414, %swap3A_415] {strides = array<i32>} : memref<128x256xf32, #tpu.memory_space<vmem>>, vector<16xf32>,
                tpu.vector_store %arg12[%swap3A_414, %swap3A_415], %get3A_413 {strides = array<i32>} : memref<128x256xf32, #tpu.memory_space<vmem>>, vector<16xf32>,
                %get3A_417 = arith.index_cast %sub3A_390 : i32 to index
                %get3A_418 = arith.constant 48 : index
                %get3A_419 = tpu.vector_load %arg11[%get3A_417, %get3A_418] {strides = array<i32>} : memref<136x256xf32, #tpu.memory_space<vmem>>, vector<16xf32>,
                %swap3A_420 = arith.index_cast %while3A_377 : i32 to index
                %swap3A_421 = arith.constant 48 : index
                %swap3A_422 = tpu.vector_load %arg12[%swap3A_420, %swap3A_421] {strides = array<i32>} : memref<128x256xf32, #tpu.memory_space<vmem>>, vector<16xf32>,
                tpu.vector_store %arg12[%swap3A_420, %swap3A_421], %get3A_419 {strides = array<i32>} : memref<128x256xf32, #tpu.memory_space<vmem>>, vector<16xf32>,
                %get3A_423 = arith.index_cast %sub3A_390 : i32 to index
                %get3A_424 = arith.constant 64 : index
                %get3A_425 = tpu.vector_load %arg11[%get3A_423, %get3A_424] {strides = array<i32>} : memref<136x256xf32, #tpu.memory_space<vmem>>, vector<16xf32>,
                %swap3A_426 = arith.index_cast %while3A_377 : i32 to index
                %swap3A_427 = arith.constant 64 : index
                %swap3A_428 = tpu.vector_load %arg12[%swap3A_426, %swap3A_427] {strides = array<i32>} : memref<128x256xf32, #tpu.memory_space<vmem>>, vector<16xf32>,
                tpu.vector_store %arg12[%swap3A_426, %swap3A_427], %get3A_425 {strides = array<i32>} : memref<128x256xf32, #tpu.memory_space<vmem>>, vector<16xf32>,
                %get3A_429 = arith.index_cast %sub3A_390 : i32 to index
                %get3A_430 = arith.constant 80 : index
                %get3A_431 = tpu.vector_load %arg11[%get3A_429, %get3A_430] {strides = array<i32>} : memref<136x256xf32, #tpu.memory_space<vmem>>, vector<16xf32>,
                %swap3A_432 = arith.index_cast %while3A_377 : i32 to index
                %swap3A_433 = arith.constant 80 : index
                %swap3A_434 = tpu.vector_load %arg12[%swap3A_432, %swap3A_433] {strides = array<i32>} : memref<128x256xf32, #tpu.memory_space<vmem>>, vector<16xf32>,
                tpu.vector_store %arg12[%swap3A_432, %swap3A_433], %get3A_431 {strides = array<i32>} : memref<128x256xf32, #tpu.memory_space<vmem>>, vector<16xf32>,
                %get3A_435 = arith.index_cast %sub3A_390 : i32 to index
                %get3A_436 = arith.constant 96 : index
                %get3A_437 = tpu.vector_load %arg11[%get3A_435, %get3A_436] {strides = array<i32>} : memref<136x256xf32, #tpu.memory_space<vmem>>, vector<16xf32>,
                %swap3A_438 = arith.index_cast %while3A_377 : i32 to index
                %swap3A_439 = arith.constant 96 : index
                %swap3A_440 = tpu.vector_load %arg12[%swap3A_438, %swap3A_439] {strides = array<i32>} : memref<128x256xf32, #tpu.memory_space<vmem>>, vector<16xf32>,
                tpu.vector_store %arg12[%swap3A_438, %swap3A_439], %get3A_437 {strides = array<i32>} : memref<128x256xf32, #tpu.memory_space<vmem>>, vector<16xf32>,
                %get3A_441 = arith.index_cast %sub3A_390 : i32 to index
                %get3A_442 = arith.constant 112 : index
                %get3A_443 = tpu.vector_load %arg11[%get3A_441, %get3A_442] {strides = array<i32>} : memref<136x256xf32, #tpu.memory_space<vmem>>, vector<16xf32>,
                %swap3A_444 = arith.index_cast %while3A_377 : i32 to index
                %swap3A_445 = arith.constant 112 : index
                %swap3A_446 = tpu.vector_load %arg12[%swap3A_444, %swap3A_445] {strides = array<i32>} : memref<128x256xf32, #tpu.memory_space<vmem>>, vector<16xf32>,
                tpu.vector_store %arg12[%swap3A_444, %swap3A_445], %get3A_443 {strides = array<i32>} : memref<128x256xf32, #tpu.memory_space<vmem>>, vector<16xf32>,
                %get3A_447 = arith.index_cast %sub3A_390 : i32 to index
                %get3A_448 = arith.constant 128 : index
                %get3A_449 = tpu.vector_load %arg11[%get3A_447, %get3A_448] {strides = array<i32>} : memref<136x256xf32, #tpu.memory_space<vmem>>, vector<16xf32>,
                %swap3A_450 = arith.index_cast %while3A_377 : i32 to index
                %swap3A_451 = arith.constant 128 : index
                %swap3A_452 = tpu.vector_load %arg12[%swap3A_450, %swap3A_451] {strides = array<i32>} : memref<128x256xf32, #tpu.memory_space<vmem>>, vector<16xf32>,
                tpu.vector_store %arg12[%swap3A_450, %swap3A_451], %get3A_449 {strides = array<i32>} : memref<128x256xf32, #tpu.memory_space<vmem>>, vector<16xf32>,
                %get3A_453 = arith.index_cast %sub3A_390 : i32 to index
                %get3A_454 = arith.constant 144 : index
                %get3A_455 = tpu.vector_load %arg11[%get3A_453, %get3A_454] {strides = array<i32>} : memref<136x256xf32, #tpu.memory_space<vmem>>, vector<16xf32>,
                %swap3A_456 = arith.index_cast %while3A_377 : i32 to index
                %swap3A_457 = arith.constant 144 : index
                %swap3A_458 = tpu.vector_load %arg12[%swap3A_456, %swap3A_457] {strides = array<i32>} : memref<128x256xf32, #tpu.memory_space<vmem>>, vector<16xf32>,
                tpu.vector_store %arg12[%swap3A_456, %swap3A_457], %get3A_455 {strides = array<i32>} : memref<128x256xf32, #tpu.memory_space<vmem>>, vector<16xf32>,
                %get3A_459 = arith.index_cast %sub3A_390 : i32 to index
                %get3A_460 = arith.constant 160 : index
                %get3A_461 = tpu.vector_load %arg11[%get3A_459, %get3A_460] {strides = array<i32>} : memref<136x256xf32, #tpu.memory_space<vmem>>, vector<16xf32>,
                %swap3A_462 = arith.index_cast %while3A_377 : i32 to index
                %swap3A_463 = arith.constant 160 : index
                %swap3A_464 = tpu.vector_load %arg12[%swap3A_462, %swap3A_463] {strides = array<i32>} : memref<128x256xf32, #tpu.memory_space<vmem>>, vector<16xf32>,
                tpu.vector_store %arg12[%swap3A_462, %swap3A_463], %get3A_461 {strides = array<i32>} : memref<128x256xf32, #tpu.memory_space<vmem>>, vector<16xf32>,
                %get3A_465 = arith.index_cast %sub3A_390 : i32 to index
                %get3A_466 = arith.constant 176 : index
                %get3A_467 = tpu.vector_load %arg11[%get3A_465, %get3A_466] {strides = array<i32>} : memref<136x256xf32, #tpu.memory_space<vmem>>, vector<16xf32>,
                %swap3A_468 = arith.index_cast %while3A_377 : i32 to index
                %swap3A_469 = arith.constant 176 : index
                %swap3A_470 = tpu.vector_load %arg12[%swap3A_468, %swap3A_469] {strides = array<i32>} : memref<128x256xf32, #tpu.memory_space<vmem>>, vector<16xf32>,
                tpu.vector_store %arg12[%swap3A_468, %swap3A_469], %get3A_467 {strides = array<i32>} : memref<128x256xf32, #tpu.memory_space<vmem>>, vector<16xf32>,
                %get3A_471 = arith.index_cast %sub3A_390 : i32 to index
                %get3A_472 = arith.constant 192 : index
                %get3A_473 = tpu.vector_load %arg11[%get3A_471, %get3A_472] {strides = array<i32>} : memref<136x256xf32, #tpu.memory_space<vmem>>, vector<16xf32>,
                %swap3A_474 = arith.index_cast %while3A_377 : i32 to index
                %swap3A_475 = arith.constant 192 : index
                %swap3A_476 = tpu.vector_load %arg12[%swap3A_474, %swap3A_475] {strides = array<i32>} : memref<128x256xf32, #tpu.memory_space<vmem>>, vector<16xf32>,
                tpu.vector_store %arg12[%swap3A_474, %swap3A_475], %get3A_473 {strides = array<i32>} : memref<128x256xf32, #tpu.memory_space<vmem>>, vector<16xf32>,
                %get3A_477 = arith.index_cast %sub3A_390 : i32 to index
                %get3A_478 = arith.constant 208 : index
                %get3A_479 = tpu.vector_load %arg11[%get3A_477, %get3A_478] {strides = array<i32>} : memref<136x256xf32, #tpu.memory_space<vmem>>, vector<16xf32>,
                %swap3A_480 = arith.index_cast %while3A_377 : i32 to index
                %swap3A_481 = arith.constant 208 : index
                %swap3A_482 = tpu.vector_load %arg12[%swap3A_480, %swap3A_481] {strides = array<i32>} : memref<128x256xf32, #tpu.memory_space<vmem>>, vector<16xf32>,
                tpu.vector_store %arg12[%swap3A_480, %swap3A_481], %get3A_479 {strides = array<i32>} : memref<128x256xf32, #tpu.memory_space<vmem>>, vector<16xf32>,
                %get3A_483 = arith.index_cast %sub3A_390 : i32 to index
                %get3A_484 = arith.constant 224 : index
                %get3A_485 = tpu.vector_load %arg11[%get3A_483, %get3A_484] {strides = array<i32>} : memref<136x256xf32, #tpu.memory_space<vmem>>, vector<16xf32>,
                %swap3A_486 = arith.index_cast %while3A_377 : i32 to index
                %swap3A_487 = arith.constant 224 : index
                %swap3A_488 = tpu.vector_load %arg12[%swap3A_486, %swap3A_487] {strides = array<i32>} : memref<128x256xf32, #tpu.memory_space<vmem>>, vector<16xf32>,
                tpu.vector_store %arg12[%swap3A_486, %swap3A_487], %get3A_485 {strides = array<i32>} : memref<128x256xf32, #tpu.memory_space<vmem>>, vector<16xf32>,
                %get3A_489 = arith.index_cast %sub3A_390 : i32 to index
                %get3A_490 = arith.constant 240 : index
                %get3A_491 = tpu.vector_load %arg11[%get3A_489, %get3A_490] {strides = array<i32>} : memref<136x256xf32, #tpu.memory_space<vmem>>, vector<16xf32>,
                %swap3A_492 = arith.index_cast %while3A_377 : i32 to index
                %swap3A_493 = arith.constant 240 : index
                %swap3A_494 = tpu.vector_load %arg12[%swap3A_492, %swap3A_493] {strides = array<i32>} : memref<128x256xf32, #tpu.memory_space<vmem>>, vector<16xf32>,
                tpu.vector_store %arg12[%swap3A_492, %swap3A_493], %get3A_491 {strides = array<i32>} : memref<128x256xf32, #tpu.memory_space<vmem>>, vector<16xf32>,
              } else {
              }
              %while3A_398 = arith.constant 0 : i32
              scf.yield %while3A_398 : i32
            }
          } else {
          }
          %scan3A_357 = arith.constant 0 : i32
          scf.yield %scan3A_357 : i32
        }
        %scan3A_345 = arith.constant 7 : i32
      } else {
      }
      %parallel_loop3A_226 = arith.constant 128 : i32
      %parallel_loop3A_227 = arith.constant 1 : i32
      scf.for %parallel_loop3A_339 = %min3A to %parallel_loop3A_226 step %parallel_loop3A_227  : i32 {
        %parallel_loop3A_340 = arith.constant 0.000000e+00 : f32
        %parallel_loop3A_341 = vector.broadcast %parallel_loop3A_340 : f32 to vector<16xf32>
        %parallel_loop3A_342 = arith.index_cast %parallel_loop3A_339 : i32 to index
        %parallel_loop3A_343 = arith.constant 0 : index
        %parallel_loop3A_344 = tpu.vector_load %arg12[%parallel_loop3A_342, %parallel_loop3A_343] {strides = array<i32>} : memref<128x256xf32, #tpu.memory_space<vmem>>, vector<16xf32>,
        tpu.vector_store %arg12[%parallel_loop3A_342, %parallel_loop3A_343], %parallel_loop3A_341 {strides = array<i32>} : memref<128x256xf32, #tpu.memory_space<vmem>>, vector<16xf32>,
        %parallel_loop3A_345 = arith.constant 0.000000e+00 : f32
        %parallel_loop3A_346 = vector.broadcast %parallel_loop3A_345 : f32 to vector<16xf32>
        %parallel_loop3A_347 = arith.index_cast %parallel_loop3A_339 : i32 to index
        %parallel_loop3A_348 = arith.constant 16 : index
        %parallel_loop3A_349 = tpu.vector_load %arg12[%parallel_loop3A_347, %parallel_loop3A_348] {strides = array<i32>} : memref<128x256xf32, #tpu.memory_space<vmem>>, vector<16xf32>,
        tpu.vector_store %arg12[%parallel_loop3A_347, %parallel_loop3A_348], %parallel_loop3A_346 {strides = array<i32>} : memref<128x256xf32, #tpu.memory_space<vmem>>, vector<16xf32>,
        %parallel_loop3A_350 = arith.constant 0.000000e+00 : f32
        %parallel_loop3A_351 = vector.broadcast %parallel_loop3A_350 : f32 to vector<16xf32>
        %parallel_loop3A_352 = arith.index_cast %parallel_loop3A_339 : i32 to index
        %parallel_loop3A_353 = arith.constant 32 : index
        %parallel_loop3A_354 = tpu.vector_load %arg12[%parallel_loop3A_352, %parallel_loop3A_353] {strides = array<i32>} : memref<128x256xf32, #tpu.memory_space<vmem>>, vector<16xf32>,
        tpu.vector_store %arg12[%parallel_loop3A_352, %parallel_loop3A_353], %parallel_loop3A_351 {strides = array<i32>} : memref<128x256xf32, #tpu.memory_space<vmem>>, vector<16xf32>,
        %parallel_loop3A_355 = arith.constant 0.000000e+00 : f32
        %parallel_loop3A_356 = vector.broadcast %parallel_loop3A_355 : f32 to vector<16xf32>
        %parallel_loop3A_357 = arith.index_cast %parallel_loop3A_339 : i32 to index
        %parallel_loop3A_358 = arith.constant 48 : index
        %parallel_loop3A_359 = tpu.vector_load %arg12[%parallel_loop3A_357, %parallel_loop3A_358] {strides = array<i32>} : memref<128x256xf32, #tpu.memory_space<vmem>>, vector<16xf32>,
        tpu.vector_store %arg12[%parallel_loop3A_357, %parallel_loop3A_358], %parallel_loop3A_356 {strides = array<i32>} : memref<128x256xf32, #tpu.memory_space<vmem>>, vector<16xf32>,
        %parallel_loop3A_360 = arith.constant 0.000000e+00 : f32
        %parallel_loop3A_361 = vector.broadcast %parallel_loop3A_360 : f32 to vector<16xf32>
        %parallel_loop3A_362 = arith.index_cast %parallel_loop3A_339 : i32 to index
        %parallel_loop3A_363 = arith.constant 64 : index
        %parallel_loop3A_364 = tpu.vector_load %arg12[%parallel_loop3A_362, %parallel_loop3A_363] {strides = array<i32>} : memref<128x256xf32, #tpu.memory_space<vmem>>, vector<16xf32>,
        tpu.vector_store %arg12[%parallel_loop3A_362, %parallel_loop3A_363], %parallel_loop3A_361 {strides = array<i32>} : memref<128x256xf32, #tpu.memory_space<vmem>>, vector<16xf32>,
        %parallel_loop3A_365 = arith.constant 0.000000e+00 : f32
        %parallel_loop3A_366 = vector.broadcast %parallel_loop3A_365 : f32 to vector<16xf32>
        %parallel_loop3A_367 = arith.index_cast %parallel_loop3A_339 : i32 to index
        %parallel_loop3A_368 = arith.constant 80 : index
        %parallel_loop3A_369 = tpu.vector_load %arg12[%parallel_loop3A_367, %parallel_loop3A_368] {strides = array<i32>} : memref<128x256xf32, #tpu.memory_space<vmem>>, vector<16xf32>,
        tpu.vector_store %arg12[%parallel_loop3A_367, %parallel_loop3A_368], %parallel_loop3A_366 {strides = array<i32>} : memref<128x256xf32, #tpu.memory_space<vmem>>, vector<16xf32>,
        %parallel_loop3A_370 = arith.constant 0.000000e+00 : f32
        %parallel_loop3A_371 = vector.broadcast %parallel_loop3A_370 : f32 to vector<16xf32>
        %parallel_loop3A_372 = arith.index_cast %parallel_loop3A_339 : i32 to index
        %parallel_loop3A_373 = arith.constant 96 : index
        %parallel_loop3A_374 = tpu.vector_load %arg12[%parallel_loop3A_372, %parallel_loop3A_373] {strides = array<i32>} : memref<128x256xf32, #tpu.memory_space<vmem>>, vector<16xf32>,
        tpu.vector_store %arg12[%parallel_loop3A_372, %parallel_loop3A_373], %parallel_loop3A_371 {strides = array<i32>} : memref<128x256xf32, #tpu.memory_space<vmem>>, vector<16xf32>,
        %parallel_loop3A_375 = arith.constant 0.000000e+00 : f32
        %parallel_loop3A_376 = vector.broadcast %parallel_loop3A_375 : f32 to vector<16xf32>
        %parallel_loop3A_377 = arith.index_cast %parallel_loop3A_339 : i32 to index
        %parallel_loop3A_378 = arith.constant 112 : index
        %parallel_loop3A_379 = tpu.vector_load %arg12[%parallel_loop3A_377, %parallel_loop3A_378] {strides = array<i32>} : memref<128x256xf32, #tpu.memory_space<vmem>>, vector<16xf32>,
        tpu.vector_store %arg12[%parallel_loop3A_377, %parallel_loop3A_378], %parallel_loop3A_376 {strides = array<i32>} : memref<128x256xf32, #tpu.memory_space<vmem>>, vector<16xf32>,
        %parallel_loop3A_380 = arith.constant 0.000000e+00 : f32
        %parallel_loop3A_381 = vector.broadcast %parallel_loop3A_380 : f32 to vector<16xf32>
        %parallel_loop3A_382 = arith.index_cast %parallel_loop3A_339 : i32 to index
        %parallel_loop3A_383 = arith.constant 128 : index
        %parallel_loop3A_384 = tpu.vector_load %arg12[%parallel_loop3A_382, %parallel_loop3A_383] {strides = array<i32>} : memref<128x256xf32, #tpu.memory_space<vmem>>, vector<16xf32>,
        tpu.vector_store %arg12[%parallel_loop3A_382, %parallel_loop3A_383], %parallel_loop3A_381 {strides = array<i32>} : memref<128x256xf32, #tpu.memory_space<vmem>>, vector<16xf32>,
        %parallel_loop3A_385 = arith.constant 0.000000e+00 : f32
        %parallel_loop3A_386 = vector.broadcast %parallel_loop3A_385 : f32 to vector<16xf32>
        %parallel_loop3A_387 = arith.index_cast %parallel_loop3A_339 : i32 to index
        %parallel_loop3A_388 = arith.constant 144 : index
        %parallel_loop3A_389 = tpu.vector_load %arg12[%parallel_loop3A_387, %parallel_loop3A_388] {strides = array<i32>} : memref<128x256xf32, #tpu.memory_space<vmem>>, vector<16xf32>,
        tpu.vector_store %arg12[%parallel_loop3A_387, %parallel_loop3A_388], %parallel_loop3A_386 {strides = array<i32>} : memref<128x256xf32, #tpu.memory_space<vmem>>, vector<16xf32>,
        %parallel_loop3A_390 = arith.constant 0.000000e+00 : f32
        %parallel_loop3A_391 = vector.broadcast %parallel_loop3A_390 : f32 to vector<16xf32>
        %parallel_loop3A_392 = arith.index_cast %parallel_loop3A_339 : i32 to index
        %parallel_loop3A_393 = arith.constant 160 : index
        %parallel_loop3A_394 = tpu.vector_load %arg12[%parallel_loop3A_392, %parallel_loop3A_393] {strides = array<i32>} : memref<128x256xf32, #tpu.memory_space<vmem>>, vector<16xf32>,
        tpu.vector_store %arg12[%parallel_loop3A_392, %parallel_loop3A_393], %parallel_loop3A_391 {strides = array<i32>} : memref<128x256xf32, #tpu.memory_space<vmem>>, vector<16xf32>,
        %parallel_loop3A_395 = arith.constant 0.000000e+00 : f32
        %parallel_loop3A_396 = vector.broadcast %parallel_loop3A_395 : f32 to vector<16xf32>
        %parallel_loop3A_397 = arith.index_cast %parallel_loop3A_339 : i32 to index
        %parallel_loop3A_398 = arith.constant 176 : index
        %parallel_loop3A_399 = tpu.vector_load %arg12[%parallel_loop3A_397, %parallel_loop3A_398] {strides = array<i32>} : memref<128x256xf32, #tpu.memory_space<vmem>>, vector<16xf32>,
        tpu.vector_store %arg12[%parallel_loop3A_397, %parallel_loop3A_398], %parallel_loop3A_396 {strides = array<i32>} : memref<128x256xf32, #tpu.memory_space<vmem>>, vector<16xf32>,
        %parallel_loop3A_400 = arith.constant 0.000000e+00 : f32
        %parallel_loop3A_401 = vector.broadcast %parallel_loop3A_400 : f32 to vector<16xf32>
        %parallel_loop3A_402 = arith.index_cast %parallel_loop3A_339 : i32 to index
        %parallel_loop3A_403 = arith.constant 192 : index
        %parallel_loop3A_404 = tpu.vector_load %arg12[%parallel_loop3A_402, %parallel_loop3A_403] {strides = array<i32>} : memref<128x256xf32, #tpu.memory_space<vmem>>, vector<16xf32>,
        tpu.vector_store %arg12[%parallel_loop3A_402, %parallel_loop3A_403], %parallel_loop3A_401 {strides = array<i32>} : memref<128x256xf32, #tpu.memory_space<vmem>>, vector<16xf32>,
        %parallel_loop3A_405 = arith.constant 0.000000e+00 : f32
        %parallel_loop3A_406 = vector.broadcast %parallel_loop3A_405 : f32 to vector<16xf32>
        %parallel_loop3A_407 = arith.index_cast %parallel_loop3A_339 : i32 to index
        %parallel_loop3A_408 = arith.constant 208 : index
        %parallel_loop3A_409 = tpu.vector_load %arg12[%parallel_loop3A_407, %parallel_loop3A_408] {strides = array<i32>} : memref<128x256xf32, #tpu.memory_space<vmem>>, vector<16xf32>,
        tpu.vector_store %arg12[%parallel_loop3A_407, %parallel_loop3A_408], %parallel_loop3A_406 {strides = array<i32>} : memref<128x256xf32, #tpu.memory_space<vmem>>, vector<16xf32>,
        %parallel_loop3A_410 = arith.constant 0.000000e+00 : f32
        %parallel_loop3A_411 = vector.broadcast %parallel_loop3A_410 : f32 to vector<16xf32>
        %parallel_loop3A_412 = arith.index_cast %parallel_loop3A_339 : i32 to index
        %parallel_loop3A_413 = arith.constant 224 : index
        %parallel_loop3A_414 = tpu.vector_load %arg12[%parallel_loop3A_412, %parallel_loop3A_413] {strides = array<i32>} : memref<128x256xf32, #tpu.memory_space<vmem>>, vector<16xf32>,
        tpu.vector_store %arg12[%parallel_loop3A_412, %parallel_loop3A_413], %parallel_loop3A_411 {strides = array<i32>} : memref<128x256xf32, #tpu.memory_space<vmem>>, vector<16xf32>,
        %parallel_loop3A_415 = arith.constant 0.000000e+00 : f32
        %parallel_loop3A_416 = vector.broadcast %parallel_loop3A_415 : f32 to vector<16xf32>
        %parallel_loop3A_417 = arith.index_cast %parallel_loop3A_339 : i32 to index
        %parallel_loop3A_418 = arith.constant 240 : index
        %parallel_loop3A_419 = tpu.vector_load %arg12[%parallel_loop3A_417, %parallel_loop3A_418] {strides = array<i32>} : memref<128x256xf32, #tpu.memory_space<vmem>>, vector<16xf32>,
        tpu.vector_store %arg12[%parallel_loop3A_417, %parallel_loop3A_418], %parallel_loop3A_416 {strides = array<i32>} : memref<128x256xf32, #tpu.memory_space<vmem>>, vector<16xf32>,
      } {sc.loop_unroll_factor = 4 : i64, sc.parallel_access}
      %add3A_228 = arith.addi %mul3A_114, %mul3A_138 : i32
      %dma_start3A = arith.constant 0 : i32
      %dma_start3A_229 = tpu.memref_slice %arg5[%add3A_228, %dma_start3A] : memref<131072x256xf32, #tpu.memory_space<hbm>> -> memref<128x256xf32, #tpu.memory_space<hbm>>
      %dma_start3A_230 = arith.constant 0 : i32
      %dma_start3A_231 = tpu.memref_slice %arg5[%add3A_228, %dma_start3A_230] : memref<131072x256xf32, #tpu.memory_space<hbm>> -> memref<128x256xf32, #tpu.memory_space<hbm>>
      tpu.enqueue_dma source(%arg12 : memref<128x256xf32, #tpu.memory_space<vmem>>) target(%dma_start3A_231 : memref<128x256xf32, #tpu.memory_space<hbm>>) target_semaphore(%arg20 : memref<!tpu.dma_semaphore, #tpu.memory_space<semaphore_mem>>)
      %mul3A_232 = arith.constant 4 : i32
      %mul3A_233 = arith.muli %scan3A_128, %mul3A_232 : i32
      %add3A_234 = arith.constant 2 : i32
      %add3A_235 = arith.addi %mul3A_233, %add3A_234 : i32
      %add3A_236 = arith.addi %add3A_235, %select_n3A_30 : i32
      %mul3A_237 = arith.constant 128 : i32
      %mul3A_238 = arith.muli %add3A_236, %mul3A_237 : i32
      %sub3A_239 = arith.subi %parallel_loop3A_44, %mul3A_238 : i32
      %jit3A_240 = arith.constant 0 : i32
      %jit3A_241 = arith.constant 128 : i32
      %max3A_242 = arith.maxsi %jit3A_240, %sub3A_239 : i32
      %min3A_243 = arith.minsi %jit3A_241, %max3A_242 : i32
      %get3A_244 = arith.index_cast %mul3A_238 : i32 to index
      %get3A_245 = tpu.vector_load %arg10[%get3A_244] {strides = array<i32>} : memref<8208xi32, #tpu.memory_space<vmem>>, vector<16xi32>,
      %reduce_min3A_246 = arith.constant true
      %reduce_min3A_247 = vector.broadcast %reduce_min3A_246 : i1 to vector<16xi1>
      %reduce_min3A_248 = arith.constant -2147483648 : i32
      %reduce_min3A_249 = vector.broadcast %reduce_min3A_248 : i32 to vector<16xi32>
      %reduce_min3A_250 = arith.xori %get3A_245, %reduce_min3A_249 : vector<16xi32>
      %reduce_min3A_251 = tpu.scan <min>, %reduce_min3A_250 masked %reduce_min3A_247 : vector<16xi32>, vector<16xi1> -> vector<16xi32>
      %reduce_min3A_252 = arith.xori %reduce_min3A_251, %reduce_min3A_249 : vector<16xi32>
      %reduce_min3A_253 = vector.extract %reduce_min3A_252[15] : i32 from vector<16xi32>
      %sub3A_254 = arith.constant 1 : i32
      %sub3A_255 = arith.subi %min3A_243, %sub3A_254 : i32
      %max3A_256 = arith.constant 0 : i32
      %max3A_257 = arith.maxsi %sub3A_255, %max3A_256 : i32
      %add3A_258 = arith.addi %mul3A_238, %max3A_257 : i32
      %get3A_259 = arith.index_cast %add3A_258 : i32 to index
      %get3A_260 = tpu.vector_load %arg10[%get3A_259] {strides = array<i32>} : memref<8208xi32, #tpu.memory_space<vmem>>, vector<16xi32>,
      %reduce_min3A_261 = arith.constant true
      %reduce_min3A_262 = vector.broadcast %reduce_min3A_261 : i1 to vector<16xi1>
      %reduce_min3A_263 = arith.constant -2147483648 : i32
      %reduce_min3A_264 = vector.broadcast %reduce_min3A_263 : i32 to vector<16xi32>
      %reduce_min3A_265 = arith.xori %get3A_260, %reduce_min3A_264 : vector<16xi32>
      %reduce_min3A_266 = tpu.scan <min>, %reduce_min3A_265 masked %reduce_min3A_262 : vector<16xi32>, vector<16xi1> -> vector<16xi32>
      %reduce_min3A_267 = arith.xori %reduce_min3A_266, %reduce_min3A_264 : vector<16xi32>
      %reduce_min3A_268 = vector.extract %reduce_min3A_267[15] : i32 from vector<16xi32>
      %jit3A_269 = arith.constant 8 : i32
      %div3A_270 = arith.divsi %reduce_min3A_253, %jit3A_269 : i32
      %sign3A_271 = arith.constant 0 : i32
      %sign3A_272 = arith.cmpi sgt, %reduce_min3A_253, %sign3A_271 : i32
      %sign3A_273 = arith.extui %sign3A_272 : i1 to i32
      %sign3A_274 = arith.constant 0 : i32
      %sign3A_275 = arith.cmpi slt, %reduce_min3A_253, %sign3A_274 : i32
      %sign3A_276 = arith.extui %sign3A_275 : i1 to i32
      %sign3A_277 = arith.subi %sign3A_273, %sign3A_276 : i32
      %sign3A_278 = arith.constant 0 : i32
      %sign3A_279 = arith.cmpi sgt, %jit3A_269, %sign3A_278 : i32
      %sign3A_280 = arith.extui %sign3A_279 : i1 to i32
      %sign3A_281 = arith.constant 0 : i32
      %sign3A_282 = arith.cmpi slt, %jit3A_269, %sign3A_281 : i32
      %sign3A_283 = arith.extui %sign3A_282 : i1 to i32
      %sign3A_284 = arith.subi %sign3A_280, %sign3A_283 : i32
      %ne3A_285 = arith.cmpi ne, %sign3A_277, %sign3A_284 : i32
      %rem3A_286 = arith.remsi %reduce_min3A_253, %jit3A_269 : i32
      %ne3A_287 = arith.constant 0 : i32
      %ne3A_288 = arith.cmpi ne, %rem3A_286, %ne3A_287 : i32
      %and3A_289 = arith.andi %ne3A_285, %ne3A_288 : i1
      %sub3A_290 = arith.constant 1 : i32
      %sub3A_291 = arith.subi %div3A_270, %sub3A_290 : i32
      %select_n3A_292 = arith.select %and3A_289, %sub3A_291, %div3A_270 : i32
      %mul3A_293 = arith.constant 8 : i32
      %mul3A_294 = arith.muli %select_n3A_292, %mul3A_293 : i32
      %min3A_295 = arith.constant 16248 : i32
      %min3A_296 = arith.minsi %mul3A_294, %min3A_295 : i32
      %multiple_of3A_297 = tpu.assume_multiple %min3A_296, 8 : i32
      %sub3A_298 = arith.subi %reduce_min3A_268, %multiple_of3A_297 : i32
      %lt3A_299 = arith.constant 136 : i32
      %lt3A_300 = arith.cmpi slt, %sub3A_298, %lt3A_299 : i32
      %sub3A_301 = arith.subi %reduce_min3A_268, %multiple_of3A_297 : i32
      %lt3A_302 = arith.constant 48 : i32
      %lt3A_303 = arith.cmpi slt, %sub3A_301, %lt3A_302 : i32
      %gt3A_304 = arith.constant 0 : i32
      %gt3A_305 = arith.cmpi sgt, %min3A_243, %gt3A_304 : i32
      %and3A_306 = arith.andi %gt3A_305, %lt3A_303 : i1
      %convert_element_type3A_307 = arith.extui %and3A_306 : i1 to i32
      %cond3A_308 = arith.constant 0 : i32
      %cond3A_309 = arith.cmpi ne, %convert_element_type3A_307, %cond3A_308 : i32
      scf.if %cond3A_309 {
        %dma_start3A_339 = arith.constant 0 : i32
        %dma_start3A_340 = arith.constant 0 : i32
        %dma_start3A_341 = tpu.memref_slice %arg11[%dma_start3A_339, %dma_start3A_340] : memref<136x256xf32, #tpu.memory_space<vmem>> -> memref<48x256xf32, #tpu.memory_space<vmem>>
        %dma_start3A_342 = arith.constant 0 : i32
        %dma_start3A_343 = tpu.memref_slice %arg2[%multiple_of3A_297, %dma_start3A_342] : memref<16384x256xf32, #tpu.memory_space<hbm>> -> memref<48x256xf32, #tpu.memory_space<hbm>>
        %dma_start3A_344 = arith.constant 0 : i32
        %dma_start3A_345 = arith.constant 0 : i32
        %dma_start3A_346 = tpu.memref_slice %arg11[%dma_start3A_344, %dma_start3A_345] : memref<136x256xf32, #tpu.memory_space<vmem>> -> memref<48x256xf32, #tpu.memory_space<vmem>>
        %dma_start3A_347 = arith.constant 0 : i32
        %dma_start3A_348 = tpu.memref_slice %arg2[%multiple_of3A_297, %dma_start3A_347] : memref<16384x256xf32, #tpu.memory_space<hbm>> -> memref<48x256xf32, #tpu.memory_space<hbm>>
        tpu.enqueue_dma source(%dma_start3A_348 : memref<48x256xf32, #tpu.memory_space<hbm>>) target(%dma_start3A_346 : memref<48x256xf32, #tpu.memory_space<vmem>>) target_semaphore(%arg19 : memref<!tpu.dma_semaphore, #tpu.memory_space<semaphore_mem>>)
        %dma_wait3A_349 = arith.constant 0 : i32
        %dma_wait3A_350 = arith.constant 0 : i32
        %dma_wait3A_351 = tpu.memref_slice %arg11[%dma_wait3A_349, %dma_wait3A_350] : memref<136x256xf32, #tpu.memory_space<vmem>> -> memref<48x256xf32, #tpu.memory_space<vmem>>
        %dma_wait3A_352 = arith.constant 0 : i32
        %dma_wait3A_353 = tpu.memref_slice %arg2[%multiple_of3A_297, %dma_wait3A_352] : memref<16384x256xf32, #tpu.memory_space<hbm>> -> memref<48x256xf32, #tpu.memory_space<hbm>>
        %dma_wait3A_354 = arith.constant 0 : i32
        %dma_wait3A_355 = arith.constant 0 : i32
        %dma_wait3A_356 = tpu.memref_slice %arg11[%dma_wait3A_354, %dma_wait3A_355] : memref<136x256xf32, #tpu.memory_space<vmem>> -> memref<48x256xf32, #tpu.memory_space<vmem>>
        %dma_wait3A_357 = arith.constant 0 : i32
        %dma_wait3A_358 = tpu.memref_slice %arg2[%multiple_of3A_297, %dma_wait3A_357] : memref<16384x256xf32, #tpu.memory_space<hbm>> -> memref<48x256xf32, #tpu.memory_space<hbm>>
        tpu.wait_dma2 semaphore(%arg19 : memref<!tpu.dma_semaphore, #tpu.memory_space<semaphore_mem>>) src(%dma_wait3A_358 : memref<48x256xf32, #tpu.memory_space<hbm>>) dst(%dma_wait3A_356 : memref<48x256xf32, #tpu.memory_space<vmem>>)
      } else {
      }
      %gt3A_310 = arith.constant 0 : i32
      %gt3A_311 = arith.cmpi sgt, %min3A_243, %gt3A_310 : i32
      %not3A_312 = arith.constant true
      %not3A_313 = arith.xori %lt3A_303, %not3A_312 : i1
      %and3A_314 = arith.andi %gt3A_311, %not3A_313 : i1
      %convert_element_type3A_315 = arith.extui %and3A_314 : i1 to i32
      %cond3A_316 = arith.constant 0 : i32
      %cond3A_317 = arith.cmpi ne, %convert_element_type3A_315, %cond3A_316 : i32
      scf.if %cond3A_317 {
        %dma_start3A_339 = arith.constant 0 : i32
        %dma_start3A_340 = tpu.memref_slice %arg2[%multiple_of3A_297, %dma_start3A_339] : memref<16384x256xf32, #tpu.memory_space<hbm>> -> memref<136x256xf32, #tpu.memory_space<hbm>>
        %dma_start3A_341 = arith.constant 0 : i32
        %dma_start3A_342 = tpu.memref_slice %arg2[%multiple_of3A_297, %dma_start3A_341] : memref<16384x256xf32, #tpu.memory_space<hbm>> -> memref<136x256xf32, #tpu.memory_space<hbm>>
        tpu.enqueue_dma source(%dma_start3A_342 : memref<136x256xf32, #tpu.memory_space<hbm>>) target(%arg11 : memref<136x256xf32, #tpu.memory_space<vmem>>) target_semaphore(%arg19 : memref<!tpu.dma_semaphore, #tpu.memory_space<semaphore_mem>>)
        %dma_wait3A_343 = arith.constant 0 : i32
        %dma_wait3A_344 = tpu.memref_slice %arg2[%multiple_of3A_297, %dma_wait3A_343] : memref<16384x256xf32, #tpu.memory_space<hbm>> -> memref<136x256xf32, #tpu.memory_space<hbm>>
        %dma_wait3A_345 = arith.constant 0 : i32
        %dma_wait3A_346 = tpu.memref_slice %arg2[%multiple_of3A_297, %dma_wait3A_345] : memref<16384x256xf32, #tpu.memory_space<hbm>> -> memref<136x256xf32, #tpu.memory_space<hbm>>
        tpu.wait_dma2 semaphore(%arg19 : memref<!tpu.dma_semaphore, #tpu.memory_space<semaphore_mem>>) src(%dma_wait3A_346 : memref<136x256xf32, #tpu.memory_space<hbm>>) dst(%arg11 : memref<136x256xf32, #tpu.memory_space<vmem>>)
      } else {
      }
      %gt3A_318 = arith.constant 0 : i32
      %gt3A_319 = arith.cmpi sgt, %min3A_243, %gt3A_318 : i32
      %convert_element_type3A_320 = arith.extui %gt3A_319 : i1 to i32
      %cond3A_321 = arith.constant 0 : i32
      %cond3A_322 = arith.cmpi ne, %convert_element_type3A_320, %cond3A_321 : i32
      scf.if %cond3A_322 {
        %parallel_loop3A_339 = arith.constant 0 : i32
        %parallel_loop3A_340 = arith.constant 1 : i32
        scf.for %parallel_loop3A_341 = %parallel_loop3A_339 to %min3A_243 step %parallel_loop3A_340  : i32 {
          %parallel_loop3A_342 = arith.addi %mul3A_238, %parallel_loop3A_341 : i32
          %parallel_loop3A_343 = arith.index_cast %parallel_loop3A_342 : i32 to index
          %parallel_loop3A_344 = tpu.vector_load %arg10[%parallel_loop3A_343] {strides = array<i32>} : memref<8208xi32, #tpu.memory_space<vmem>>, vector<16xi32>,
          %parallel_loop3A_345 = arith.constant true
          %parallel_loop3A_346 = vector.broadcast %parallel_loop3A_345 : i1 to vector<16xi1>
          %parallel_loop3A_347 = arith.constant -2147483648 : i32
          %parallel_loop3A_348 = vector.broadcast %parallel_loop3A_347 : i32 to vector<16xi32>
          %parallel_loop3A_349 = arith.xori %parallel_loop3A_344, %parallel_loop3A_348 : vector<16xi32>
          %parallel_loop3A_350 = tpu.scan <min>, %parallel_loop3A_349 masked %parallel_loop3A_346 : vector<16xi32>, vector<16xi1> -> vector<16xi32>
          %parallel_loop3A_351 = arith.xori %parallel_loop3A_350, %parallel_loop3A_348 : vector<16xi32>
          %parallel_loop3A_352 = vector.extract %parallel_loop3A_351[15] : i32 from vector<16xi32>
          %parallel_loop3A_353 = arith.subi %parallel_loop3A_352, %multiple_of3A_297 : i32
          %parallel_loop3A_354 = arith.constant 0 : i32
          %parallel_loop3A_355 = arith.constant 135 : i32
          %parallel_loop3A_356 = arith.maxsi %parallel_loop3A_354, %parallel_loop3A_353 : i32
          %parallel_loop3A_357 = arith.minsi %parallel_loop3A_355, %parallel_loop3A_356 : i32
          %parallel_loop3A_358 = arith.index_cast %parallel_loop3A_357 : i32 to index
          %parallel_loop3A_359 = arith.constant 0 : index
          %parallel_loop3A_360 = tpu.vector_load %arg11[%parallel_loop3A_358, %parallel_loop3A_359] {strides = array<i32>} : memref<136x256xf32, #tpu.memory_space<vmem>>, vector<16xf32>,
          %parallel_loop3A_361 = arith.index_cast %parallel_loop3A_341 : i32 to index
          %parallel_loop3A_362 = arith.constant 0 : index
          %parallel_loop3A_363 = tpu.vector_load %arg13[%parallel_loop3A_361, %parallel_loop3A_362] {strides = array<i32>} : memref<128x256xf32, #tpu.memory_space<vmem>>, vector<16xf32>,
          tpu.vector_store %arg13[%parallel_loop3A_361, %parallel_loop3A_362], %parallel_loop3A_360 {strides = array<i32>} : memref<128x256xf32, #tpu.memory_space<vmem>>, vector<16xf32>,
          %parallel_loop3A_364 = arith.index_cast %parallel_loop3A_357 : i32 to index
          %parallel_loop3A_365 = arith.constant 16 : index
          %parallel_loop3A_366 = tpu.vector_load %arg11[%parallel_loop3A_364, %parallel_loop3A_365] {strides = array<i32>} : memref<136x256xf32, #tpu.memory_space<vmem>>, vector<16xf32>,
          %parallel_loop3A_367 = arith.index_cast %parallel_loop3A_341 : i32 to index
          %parallel_loop3A_368 = arith.constant 16 : index
          %parallel_loop3A_369 = tpu.vector_load %arg13[%parallel_loop3A_367, %parallel_loop3A_368] {strides = array<i32>} : memref<128x256xf32, #tpu.memory_space<vmem>>, vector<16xf32>,
          tpu.vector_store %arg13[%parallel_loop3A_367, %parallel_loop3A_368], %parallel_loop3A_366 {strides = array<i32>} : memref<128x256xf32, #tpu.memory_space<vmem>>, vector<16xf32>,
          %parallel_loop3A_370 = arith.index_cast %parallel_loop3A_357 : i32 to index
          %parallel_loop3A_371 = arith.constant 32 : index
          %parallel_loop3A_372 = tpu.vector_load %arg11[%parallel_loop3A_370, %parallel_loop3A_371] {strides = array<i32>} : memref<136x256xf32, #tpu.memory_space<vmem>>, vector<16xf32>,
          %parallel_loop3A_373 = arith.index_cast %parallel_loop3A_341 : i32 to index
          %parallel_loop3A_374 = arith.constant 32 : index
          %parallel_loop3A_375 = tpu.vector_load %arg13[%parallel_loop3A_373, %parallel_loop3A_374] {strides = array<i32>} : memref<128x256xf32, #tpu.memory_space<vmem>>, vector<16xf32>,
          tpu.vector_store %arg13[%parallel_loop3A_373, %parallel_loop3A_374], %parallel_loop3A_372 {strides = array<i32>} : memref<128x256xf32, #tpu.memory_space<vmem>>, vector<16xf32>,
          %parallel_loop3A_376 = arith.index_cast %parallel_loop3A_357 : i32 to index
          %parallel_loop3A_377 = arith.constant 48 : index
          %parallel_loop3A_378 = tpu.vector_load %arg11[%parallel_loop3A_376, %parallel_loop3A_377] {strides = array<i32>} : memref<136x256xf32, #tpu.memory_space<vmem>>, vector<16xf32>,
          %parallel_loop3A_379 = arith.index_cast %parallel_loop3A_341 : i32 to index
          %parallel_loop3A_380 = arith.constant 48 : index
          %parallel_loop3A_381 = tpu.vector_load %arg13[%parallel_loop3A_379, %parallel_loop3A_380] {strides = array<i32>} : memref<128x256xf32, #tpu.memory_space<vmem>>, vector<16xf32>,
          tpu.vector_store %arg13[%parallel_loop3A_379, %parallel_loop3A_380], %parallel_loop3A_378 {strides = array<i32>} : memref<128x256xf32, #tpu.memory_space<vmem>>, vector<16xf32>,
          %parallel_loop3A_382 = arith.index_cast %parallel_loop3A_357 : i32 to index
          %parallel_loop3A_383 = arith.constant 64 : index
          %parallel_loop3A_384 = tpu.vector_load %arg11[%parallel_loop3A_382, %parallel_loop3A_383] {strides = array<i32>} : memref<136x256xf32, #tpu.memory_space<vmem>>, vector<16xf32>,
          %parallel_loop3A_385 = arith.index_cast %parallel_loop3A_341 : i32 to index
          %parallel_loop3A_386 = arith.constant 64 : index
          %parallel_loop3A_387 = tpu.vector_load %arg13[%parallel_loop3A_385, %parallel_loop3A_386] {strides = array<i32>} : memref<128x256xf32, #tpu.memory_space<vmem>>, vector<16xf32>,
          tpu.vector_store %arg13[%parallel_loop3A_385, %parallel_loop3A_386], %parallel_loop3A_384 {strides = array<i32>} : memref<128x256xf32, #tpu.memory_space<vmem>>, vector<16xf32>,
          %parallel_loop3A_388 = arith.index_cast %parallel_loop3A_357 : i32 to index
          %parallel_loop3A_389 = arith.constant 80 : index
          %parallel_loop3A_390 = tpu.vector_load %arg11[%parallel_loop3A_388, %parallel_loop3A_389] {strides = array<i32>} : memref<136x256xf32, #tpu.memory_space<vmem>>, vector<16xf32>,
          %parallel_loop3A_391 = arith.index_cast %parallel_loop3A_341 : i32 to index
          %parallel_loop3A_392 = arith.constant 80 : index
          %parallel_loop3A_393 = tpu.vector_load %arg13[%parallel_loop3A_391, %parallel_loop3A_392] {strides = array<i32>} : memref<128x256xf32, #tpu.memory_space<vmem>>, vector<16xf32>,
          tpu.vector_store %arg13[%parallel_loop3A_391, %parallel_loop3A_392], %parallel_loop3A_390 {strides = array<i32>} : memref<128x256xf32, #tpu.memory_space<vmem>>, vector<16xf32>,
          %parallel_loop3A_394 = arith.index_cast %parallel_loop3A_357 : i32 to index
          %parallel_loop3A_395 = arith.constant 96 : index
          %parallel_loop3A_396 = tpu.vector_load %arg11[%parallel_loop3A_394, %parallel_loop3A_395] {strides = array<i32>} : memref<136x256xf32, #tpu.memory_space<vmem>>, vector<16xf32>,
          %parallel_loop3A_397 = arith.index_cast %parallel_loop3A_341 : i32 to index
          %parallel_loop3A_398 = arith.constant 96 : index
          %parallel_loop3A_399 = tpu.vector_load %arg13[%parallel_loop3A_397, %parallel_loop3A_398] {strides = array<i32>} : memref<128x256xf32, #tpu.memory_space<vmem>>, vector<16xf32>,
          tpu.vector_store %arg13[%parallel_loop3A_397, %parallel_loop3A_398], %parallel_loop3A_396 {strides = array<i32>} : memref<128x256xf32, #tpu.memory_space<vmem>>, vector<16xf32>,
          %parallel_loop3A_400 = arith.index_cast %parallel_loop3A_357 : i32 to index
          %parallel_loop3A_401 = arith.constant 112 : index
          %parallel_loop3A_402 = tpu.vector_load %arg11[%parallel_loop3A_400, %parallel_loop3A_401] {strides = array<i32>} : memref<136x256xf32, #tpu.memory_space<vmem>>, vector<16xf32>,
          %parallel_loop3A_403 = arith.index_cast %parallel_loop3A_341 : i32 to index
          %parallel_loop3A_404 = arith.constant 112 : index
          %parallel_loop3A_405 = tpu.vector_load %arg13[%parallel_loop3A_403, %parallel_loop3A_404] {strides = array<i32>} : memref<128x256xf32, #tpu.memory_space<vmem>>, vector<16xf32>,
          tpu.vector_store %arg13[%parallel_loop3A_403, %parallel_loop3A_404], %parallel_loop3A_402 {strides = array<i32>} : memref<128x256xf32, #tpu.memory_space<vmem>>, vector<16xf32>,
          %parallel_loop3A_406 = arith.index_cast %parallel_loop3A_357 : i32 to index
          %parallel_loop3A_407 = arith.constant 128 : index
          %parallel_loop3A_408 = tpu.vector_load %arg11[%parallel_loop3A_406, %parallel_loop3A_407] {strides = array<i32>} : memref<136x256xf32, #tpu.memory_space<vmem>>, vector<16xf32>,
          %parallel_loop3A_409 = arith.index_cast %parallel_loop3A_341 : i32 to index
          %parallel_loop3A_410 = arith.constant 128 : index
          %parallel_loop3A_411 = tpu.vector_load %arg13[%parallel_loop3A_409, %parallel_loop3A_410] {strides = array<i32>} : memref<128x256xf32, #tpu.memory_space<vmem>>, vector<16xf32>,
          tpu.vector_store %arg13[%parallel_loop3A_409, %parallel_loop3A_410], %parallel_loop3A_408 {strides = array<i32>} : memref<128x256xf32, #tpu.memory_space<vmem>>, vector<16xf32>,
          %parallel_loop3A_412 = arith.index_cast %parallel_loop3A_357 : i32 to index
          %parallel_loop3A_413 = arith.constant 144 : index
          %parallel_loop3A_414 = tpu.vector_load %arg11[%parallel_loop3A_412, %parallel_loop3A_413] {strides = array<i32>} : memref<136x256xf32, #tpu.memory_space<vmem>>, vector<16xf32>,
          %parallel_loop3A_415 = arith.index_cast %parallel_loop3A_341 : i32 to index
          %parallel_loop3A_416 = arith.constant 144 : index
          %parallel_loop3A_417 = tpu.vector_load %arg13[%parallel_loop3A_415, %parallel_loop3A_416] {strides = array<i32>} : memref<128x256xf32, #tpu.memory_space<vmem>>, vector<16xf32>,
          tpu.vector_store %arg13[%parallel_loop3A_415, %parallel_loop3A_416], %parallel_loop3A_414 {strides = array<i32>} : memref<128x256xf32, #tpu.memory_space<vmem>>, vector<16xf32>,
          %parallel_loop3A_418 = arith.index_cast %parallel_loop3A_357 : i32 to index
          %parallel_loop3A_419 = arith.constant 160 : index
          %parallel_loop3A_420 = tpu.vector_load %arg11[%parallel_loop3A_418, %parallel_loop3A_419] {strides = array<i32>} : memref<136x256xf32, #tpu.memory_space<vmem>>, vector<16xf32>,
          %parallel_loop3A_421 = arith.index_cast %parallel_loop3A_341 : i32 to index
          %parallel_loop3A_422 = arith.constant 160 : index
          %parallel_loop3A_423 = tpu.vector_load %arg13[%parallel_loop3A_421, %parallel_loop3A_422] {strides = array<i32>} : memref<128x256xf32, #tpu.memory_space<vmem>>, vector<16xf32>,
          tpu.vector_store %arg13[%parallel_loop3A_421, %parallel_loop3A_422], %parallel_loop3A_420 {strides = array<i32>} : memref<128x256xf32, #tpu.memory_space<vmem>>, vector<16xf32>,
          %parallel_loop3A_424 = arith.index_cast %parallel_loop3A_357 : i32 to index
          %parallel_loop3A_425 = arith.constant 176 : index
          %parallel_loop3A_426 = tpu.vector_load %arg11[%parallel_loop3A_424, %parallel_loop3A_425] {strides = array<i32>} : memref<136x256xf32, #tpu.memory_space<vmem>>, vector<16xf32>,
          %parallel_loop3A_427 = arith.index_cast %parallel_loop3A_341 : i32 to index
          %parallel_loop3A_428 = arith.constant 176 : index
          %parallel_loop3A_429 = tpu.vector_load %arg13[%parallel_loop3A_427, %parallel_loop3A_428] {strides = array<i32>} : memref<128x256xf32, #tpu.memory_space<vmem>>, vector<16xf32>,
          tpu.vector_store %arg13[%parallel_loop3A_427, %parallel_loop3A_428], %parallel_loop3A_426 {strides = array<i32>} : memref<128x256xf32, #tpu.memory_space<vmem>>, vector<16xf32>,
          %parallel_loop3A_430 = arith.index_cast %parallel_loop3A_357 : i32 to index
          %parallel_loop3A_431 = arith.constant 192 : index
          %parallel_loop3A_432 = tpu.vector_load %arg11[%parallel_loop3A_430, %parallel_loop3A_431] {strides = array<i32>} : memref<136x256xf32, #tpu.memory_space<vmem>>, vector<16xf32>,
          %parallel_loop3A_433 = arith.index_cast %parallel_loop3A_341 : i32 to index
          %parallel_loop3A_434 = arith.constant 192 : index
          %parallel_loop3A_435 = tpu.vector_load %arg13[%parallel_loop3A_433, %parallel_loop3A_434] {strides = array<i32>} : memref<128x256xf32, #tpu.memory_space<vmem>>, vector<16xf32>,
          tpu.vector_store %arg13[%parallel_loop3A_433, %parallel_loop3A_434], %parallel_loop3A_432 {strides = array<i32>} : memref<128x256xf32, #tpu.memory_space<vmem>>, vector<16xf32>,
          %parallel_loop3A_436 = arith.index_cast %parallel_loop3A_357 : i32 to index
          %parallel_loop3A_437 = arith.constant 208 : index
          %parallel_loop3A_438 = tpu.vector_load %arg11[%parallel_loop3A_436, %parallel_loop3A_437] {strides = array<i32>} : memref<136x256xf32, #tpu.memory_space<vmem>>, vector<16xf32>,
          %parallel_loop3A_439 = arith.index_cast %parallel_loop3A_341 : i32 to index
          %parallel_loop3A_440 = arith.constant 208 : index
          %parallel_loop3A_441 = tpu.vector_load %arg13[%parallel_loop3A_439, %parallel_loop3A_440] {strides = array<i32>} : memref<128x256xf32, #tpu.memory_space<vmem>>, vector<16xf32>,
          tpu.vector_store %arg13[%parallel_loop3A_439, %parallel_loop3A_440], %parallel_loop3A_438 {strides = array<i32>} : memref<128x256xf32, #tpu.memory_space<vmem>>, vector<16xf32>,
          %parallel_loop3A_442 = arith.index_cast %parallel_loop3A_357 : i32 to index
          %parallel_loop3A_443 = arith.constant 224 : index
          %parallel_loop3A_444 = tpu.vector_load %arg11[%parallel_loop3A_442, %parallel_loop3A_443] {strides = array<i32>} : memref<136x256xf32, #tpu.memory_space<vmem>>, vector<16xf32>,
          %parallel_loop3A_445 = arith.index_cast %parallel_loop3A_341 : i32 to index
          %parallel_loop3A_446 = arith.constant 224 : index
          %parallel_loop3A_447 = tpu.vector_load %arg13[%parallel_loop3A_445, %parallel_loop3A_446] {strides = array<i32>} : memref<128x256xf32, #tpu.memory_space<vmem>>, vector<16xf32>,
          tpu.vector_store %arg13[%parallel_loop3A_445, %parallel_loop3A_446], %parallel_loop3A_444 {strides = array<i32>} : memref<128x256xf32, #tpu.memory_space<vmem>>, vector<16xf32>,
          %parallel_loop3A_448 = arith.index_cast %parallel_loop3A_357 : i32 to index
          %parallel_loop3A_449 = arith.constant 240 : index
          %parallel_loop3A_450 = tpu.vector_load %arg11[%parallel_loop3A_448, %parallel_loop3A_449] {strides = array<i32>} : memref<136x256xf32, #tpu.memory_space<vmem>>, vector<16xf32>,
          %parallel_loop3A_451 = arith.index_cast %parallel_loop3A_341 : i32 to index
          %parallel_loop3A_452 = arith.constant 240 : index
          %parallel_loop3A_453 = tpu.vector_load %arg13[%parallel_loop3A_451, %parallel_loop3A_452] {strides = array<i32>} : memref<128x256xf32, #tpu.memory_space<vmem>>, vector<16xf32>,
          tpu.vector_store %arg13[%parallel_loop3A_451, %parallel_loop3A_452], %parallel_loop3A_450 {strides = array<i32>} : memref<128x256xf32, #tpu.memory_space<vmem>>, vector<16xf32>,
        } {sc.loop_unroll_factor = 4 : i64, sc.parallel_access}
      } else {
      }
      %gt3A_323 = arith.constant 0 : i32
      %gt3A_324 = arith.cmpi sgt, %min3A_243, %gt3A_323 : i32
      %not3A_325 = arith.constant true
      %not3A_326 = arith.xori %lt3A_300, %not3A_325 : i1
      %and3A_327 = arith.andi %gt3A_324, %not3A_326 : i1
      %convert_element_type3A_328 = arith.extui %and3A_327 : i1 to i32
      %cond3A_329 = arith.constant 0 : i32
      %cond3A_330 = arith.cmpi ne, %convert_element_type3A_328, %cond3A_329 : i32
      scf.if %cond3A_330 {
        %scan3A_339 = arith.constant 0 : i32
        %scan3A_340 = arith.constant 1 : i32
        %scan3A_341 = arith.constant 7 : i32
        %scan3A_342 = arith.addi %scan3A_340, %scan3A_341 : i32
        %scan3A_343 = arith.constant 1 : i32
        %scan3A_344 = scf.for %scan3A_346 = %scan3A_340 to %scan3A_342 step %scan3A_343 iter_args(%scan3A_347 = %scan3A_339) -> (i32)  : i32 {
          %mul3A_348 = arith.constant 128 : i32
          %mul3A_349 = arith.muli %scan3A_346, %mul3A_348 : i32
          %add3A_350 = arith.addi %multiple_of3A_297, %mul3A_349 : i32
          %min3A_351 = arith.constant 16248 : i32
          %min3A_352 = arith.minsi %add3A_350, %min3A_351 : i32
          %multiple_of3A_353 = tpu.assume_multiple %min3A_352, 8 : i32
          %le3A = arith.cmpi sle, %multiple_of3A_353, %reduce_min3A_268 : i32
          %convert_element_type3A_354 = arith.extui %le3A : i1 to i32
          %cond3A_355 = arith.constant 0 : i32
          %cond3A_356 = arith.cmpi ne, %convert_element_type3A_354, %cond3A_355 : i32
          scf.if %cond3A_356 {
            %dma_start3A_358 = arith.constant 0 : i32
            %dma_start3A_359 = tpu.memref_slice %arg2[%multiple_of3A_353, %dma_start3A_358] : memref<16384x256xf32, #tpu.memory_space<hbm>> -> memref<136x256xf32, #tpu.memory_space<hbm>>
            %dma_start3A_360 = arith.constant 0 : i32
            %dma_start3A_361 = tpu.memref_slice %arg2[%multiple_of3A_353, %dma_start3A_360] : memref<16384x256xf32, #tpu.memory_space<hbm>> -> memref<136x256xf32, #tpu.memory_space<hbm>>
            tpu.enqueue_dma source(%dma_start3A_361 : memref<136x256xf32, #tpu.memory_space<hbm>>) target(%arg11 : memref<136x256xf32, #tpu.memory_space<vmem>>) target_semaphore(%arg19 : memref<!tpu.dma_semaphore, #tpu.memory_space<semaphore_mem>>)
            %dma_wait3A_362 = arith.constant 0 : i32
            %dma_wait3A_363 = tpu.memref_slice %arg2[%multiple_of3A_353, %dma_wait3A_362] : memref<16384x256xf32, #tpu.memory_space<hbm>> -> memref<136x256xf32, #tpu.memory_space<hbm>>
            %dma_wait3A_364 = arith.constant 0 : i32
            %dma_wait3A_365 = tpu.memref_slice %arg2[%multiple_of3A_353, %dma_wait3A_364] : memref<16384x256xf32, #tpu.memory_space<hbm>> -> memref<136x256xf32, #tpu.memory_space<hbm>>
            tpu.wait_dma2 semaphore(%arg19 : memref<!tpu.dma_semaphore, #tpu.memory_space<semaphore_mem>>) src(%dma_wait3A_365 : memref<136x256xf32, #tpu.memory_space<hbm>>) dst(%arg11 : memref<136x256xf32, #tpu.memory_space<vmem>>)
            %while3A = arith.constant 0 : i32
            %while3A_366 = arith.constant 0 : i32
            %while3A_367 = arith.subi %min3A_243, %while3A : i32
            %while3A_368 = arith.addi %while3A, %while3A_367 : i32
            %while3A_369 = arith.constant 1 : i32
            %while3A_370 = arith.divsi %while3A_367, %while3A_369 : i32
            %while3A_371 = arith.muli %while3A_370, %while3A_369 : i32
            %while3A_372 = arith.addi %while3A, %while3A_371 : i32
            %while3A_373 = arith.constant 1 : i32
            %while3A_374 = scf.for %while3A_377 = %while3A to %while3A_372 step %while3A_373 iter_args(%while3A_378 = %while3A_366) -> (i32)  : i32 {
              %add3A_379 = arith.addi %mul3A_238, %while3A_377 : i32
              %get3A_380 = arith.index_cast %add3A_379 : i32 to index
              %get3A_381 = tpu.vector_load %arg10[%get3A_380] {strides = array<i32>} : memref<8208xi32, #tpu.memory_space<vmem>>, vector<16xi32>,
              %reduce_min3A_382 = arith.constant true
              %reduce_min3A_383 = vector.broadcast %reduce_min3A_382 : i1 to vector<16xi1>
              %reduce_min3A_384 = arith.constant -2147483648 : i32
              %reduce_min3A_385 = vector.broadcast %reduce_min3A_384 : i32 to vector<16xi32>
              %reduce_min3A_386 = arith.xori %get3A_381, %reduce_min3A_385 : vector<16xi32>
              %reduce_min3A_387 = tpu.scan <min>, %reduce_min3A_386 masked %reduce_min3A_383 : vector<16xi32>, vector<16xi1> -> vector<16xi32>
              %reduce_min3A_388 = arith.xori %reduce_min3A_387, %reduce_min3A_385 : vector<16xi32>
              %reduce_min3A_389 = vector.extract %reduce_min3A_388[15] : i32 from vector<16xi32>
              %sub3A_390 = arith.subi %reduce_min3A_389, %multiple_of3A_353 : i32
              %ge3A = arith.constant 0 : i32
              %ge3A_391 = arith.cmpi sge, %sub3A_390, %ge3A : i32
              %lt3A_392 = arith.constant 136 : i32
              %lt3A_393 = arith.cmpi slt, %sub3A_390, %lt3A_392 : i32
              %and3A_394 = arith.andi %ge3A_391, %lt3A_393 : i1
              %convert_element_type3A_395 = arith.extui %and3A_394 : i1 to i32
              %cond3A_396 = arith.constant 0 : i32
              %cond3A_397 = arith.cmpi ne, %convert_element_type3A_395, %cond3A_396 : i32
              scf.if %cond3A_397 {
                %get3A_399 = arith.index_cast %sub3A_390 : i32 to index
                %get3A_400 = arith.constant 0 : index
                %get3A_401 = tpu.vector_load %arg11[%get3A_399, %get3A_400] {strides = array<i32>} : memref<136x256xf32, #tpu.memory_space<vmem>>, vector<16xf32>,
                %swap3A_402 = arith.index_cast %while3A_377 : i32 to index
                %swap3A_403 = arith.constant 0 : index
                %swap3A_404 = tpu.vector_load %arg13[%swap3A_402, %swap3A_403] {strides = array<i32>} : memref<128x256xf32, #tpu.memory_space<vmem>>, vector<16xf32>,
                tpu.vector_store %arg13[%swap3A_402, %swap3A_403], %get3A_401 {strides = array<i32>} : memref<128x256xf32, #tpu.memory_space<vmem>>, vector<16xf32>,
                %get3A_405 = arith.index_cast %sub3A_390 : i32 to index
                %get3A_406 = arith.constant 16 : index
                %get3A_407 = tpu.vector_load %arg11[%get3A_405, %get3A_406] {strides = array<i32>} : memref<136x256xf32, #tpu.memory_space<vmem>>, vector<16xf32>,
                %swap3A_408 = arith.index_cast %while3A_377 : i32 to index
                %swap3A_409 = arith.constant 16 : index
                %swap3A_410 = tpu.vector_load %arg13[%swap3A_408, %swap3A_409] {strides = array<i32>} : memref<128x256xf32, #tpu.memory_space<vmem>>, vector<16xf32>,
                tpu.vector_store %arg13[%swap3A_408, %swap3A_409], %get3A_407 {strides = array<i32>} : memref<128x256xf32, #tpu.memory_space<vmem>>, vector<16xf32>,
                %get3A_411 = arith.index_cast %sub3A_390 : i32 to index
                %get3A_412 = arith.constant 32 : index
                %get3A_413 = tpu.vector_load %arg11[%get3A_411, %get3A_412] {strides = array<i32>} : memref<136x256xf32, #tpu.memory_space<vmem>>, vector<16xf32>,
                %swap3A_414 = arith.index_cast %while3A_377 : i32 to index
                %swap3A_415 = arith.constant 32 : index
                %swap3A_416 = tpu.vector_load %arg13[%swap3A_414, %swap3A_415] {strides = array<i32>} : memref<128x256xf32, #tpu.memory_space<vmem>>, vector<16xf32>,
                tpu.vector_store %arg13[%swap3A_414, %swap3A_415], %get3A_413 {strides = array<i32>} : memref<128x256xf32, #tpu.memory_space<vmem>>, vector<16xf32>,
                %get3A_417 = arith.index_cast %sub3A_390 : i32 to index
                %get3A_418 = arith.constant 48 : index
                %get3A_419 = tpu.vector_load %arg11[%get3A_417, %get3A_418] {strides = array<i32>} : memref<136x256xf32, #tpu.memory_space<vmem>>, vector<16xf32>,
                %swap3A_420 = arith.index_cast %while3A_377 : i32 to index
                %swap3A_421 = arith.constant 48 : index
                %swap3A_422 = tpu.vector_load %arg13[%swap3A_420, %swap3A_421] {strides = array<i32>} : memref<128x256xf32, #tpu.memory_space<vmem>>, vector<16xf32>,
                tpu.vector_store %arg13[%swap3A_420, %swap3A_421], %get3A_419 {strides = array<i32>} : memref<128x256xf32, #tpu.memory_space<vmem>>, vector<16xf32>,
                %get3A_423 = arith.index_cast %sub3A_390 : i32 to index
                %get3A_424 = arith.constant 64 : index
                %get3A_425 = tpu.vector_load %arg11[%get3A_423, %get3A_424] {strides = array<i32>} : memref<136x256xf32, #tpu.memory_space<vmem>>, vector<16xf32>,
                %swap3A_426 = arith.index_cast %while3A_377 : i32 to index
                %swap3A_427 = arith.constant 64 : index
                %swap3A_428 = tpu.vector_load %arg13[%swap3A_426, %swap3A_427] {strides = array<i32>} : memref<128x256xf32, #tpu.memory_space<vmem>>, vector<16xf32>,
                tpu.vector_store %arg13[%swap3A_426, %swap3A_427], %get3A_425 {strides = array<i32>} : memref<128x256xf32, #tpu.memory_space<vmem>>, vector<16xf32>,
                %get3A_429 = arith.index_cast %sub3A_390 : i32 to index
                %get3A_430 = arith.constant 80 : index
                %get3A_431 = tpu.vector_load %arg11[%get3A_429, %get3A_430] {strides = array<i32>} : memref<136x256xf32, #tpu.memory_space<vmem>>, vector<16xf32>,
                %swap3A_432 = arith.index_cast %while3A_377 : i32 to index
                %swap3A_433 = arith.constant 80 : index
                %swap3A_434 = tpu.vector_load %arg13[%swap3A_432, %swap3A_433] {strides = array<i32>} : memref<128x256xf32, #tpu.memory_space<vmem>>, vector<16xf32>,
                tpu.vector_store %arg13[%swap3A_432, %swap3A_433], %get3A_431 {strides = array<i32>} : memref<128x256xf32, #tpu.memory_space<vmem>>, vector<16xf32>,
                %get3A_435 = arith.index_cast %sub3A_390 : i32 to index
                %get3A_436 = arith.constant 96 : index
                %get3A_437 = tpu.vector_load %arg11[%get3A_435, %get3A_436] {strides = array<i32>} : memref<136x256xf32, #tpu.memory_space<vmem>>, vector<16xf32>,
                %swap3A_438 = arith.index_cast %while3A_377 : i32 to index
                %swap3A_439 = arith.constant 96 : index
                %swap3A_440 = tpu.vector_load %arg13[%swap3A_438, %swap3A_439] {strides = array<i32>} : memref<128x256xf32, #tpu.memory_space<vmem>>, vector<16xf32>,
                tpu.vector_store %arg13[%swap3A_438, %swap3A_439], %get3A_437 {strides = array<i32>} : memref<128x256xf32, #tpu.memory_space<vmem>>, vector<16xf32>,
                %get3A_441 = arith.index_cast %sub3A_390 : i32 to index
                %get3A_442 = arith.constant 112 : index
                %get3A_443 = tpu.vector_load %arg11[%get3A_441, %get3A_442] {strides = array<i32>} : memref<136x256xf32, #tpu.memory_space<vmem>>, vector<16xf32>,
                %swap3A_444 = arith.index_cast %while3A_377 : i32 to index
                %swap3A_445 = arith.constant 112 : index
                %swap3A_446 = tpu.vector_load %arg13[%swap3A_444, %swap3A_445] {strides = array<i32>} : memref<128x256xf32, #tpu.memory_space<vmem>>, vector<16xf32>,
                tpu.vector_store %arg13[%swap3A_444, %swap3A_445], %get3A_443 {strides = array<i32>} : memref<128x256xf32, #tpu.memory_space<vmem>>, vector<16xf32>,
                %get3A_447 = arith.index_cast %sub3A_390 : i32 to index
                %get3A_448 = arith.constant 128 : index
                %get3A_449 = tpu.vector_load %arg11[%get3A_447, %get3A_448] {strides = array<i32>} : memref<136x256xf32, #tpu.memory_space<vmem>>, vector<16xf32>,
                %swap3A_450 = arith.index_cast %while3A_377 : i32 to index
                %swap3A_451 = arith.constant 128 : index
                %swap3A_452 = tpu.vector_load %arg13[%swap3A_450, %swap3A_451] {strides = array<i32>} : memref<128x256xf32, #tpu.memory_space<vmem>>, vector<16xf32>,
                tpu.vector_store %arg13[%swap3A_450, %swap3A_451], %get3A_449 {strides = array<i32>} : memref<128x256xf32, #tpu.memory_space<vmem>>, vector<16xf32>,
                %get3A_453 = arith.index_cast %sub3A_390 : i32 to index
                %get3A_454 = arith.constant 144 : index
                %get3A_455 = tpu.vector_load %arg11[%get3A_453, %get3A_454] {strides = array<i32>} : memref<136x256xf32, #tpu.memory_space<vmem>>, vector<16xf32>,
                %swap3A_456 = arith.index_cast %while3A_377 : i32 to index
                %swap3A_457 = arith.constant 144 : index
                %swap3A_458 = tpu.vector_load %arg13[%swap3A_456, %swap3A_457] {strides = array<i32>} : memref<128x256xf32, #tpu.memory_space<vmem>>, vector<16xf32>,
                tpu.vector_store %arg13[%swap3A_456, %swap3A_457], %get3A_455 {strides = array<i32>} : memref<128x256xf32, #tpu.memory_space<vmem>>, vector<16xf32>,
                %get3A_459 = arith.index_cast %sub3A_390 : i32 to index
                %get3A_460 = arith.constant 160 : index
                %get3A_461 = tpu.vector_load %arg11[%get3A_459, %get3A_460] {strides = array<i32>} : memref<136x256xf32, #tpu.memory_space<vmem>>, vector<16xf32>,
                %swap3A_462 = arith.index_cast %while3A_377 : i32 to index
                %swap3A_463 = arith.constant 160 : index
                %swap3A_464 = tpu.vector_load %arg13[%swap3A_462, %swap3A_463] {strides = array<i32>} : memref<128x256xf32, #tpu.memory_space<vmem>>, vector<16xf32>,
                tpu.vector_store %arg13[%swap3A_462, %swap3A_463], %get3A_461 {strides = array<i32>} : memref<128x256xf32, #tpu.memory_space<vmem>>, vector<16xf32>,
                %get3A_465 = arith.index_cast %sub3A_390 : i32 to index
                %get3A_466 = arith.constant 176 : index
                %get3A_467 = tpu.vector_load %arg11[%get3A_465, %get3A_466] {strides = array<i32>} : memref<136x256xf32, #tpu.memory_space<vmem>>, vector<16xf32>,
                %swap3A_468 = arith.index_cast %while3A_377 : i32 to index
                %swap3A_469 = arith.constant 176 : index
                %swap3A_470 = tpu.vector_load %arg13[%swap3A_468, %swap3A_469] {strides = array<i32>} : memref<128x256xf32, #tpu.memory_space<vmem>>, vector<16xf32>,
                tpu.vector_store %arg13[%swap3A_468, %swap3A_469], %get3A_467 {strides = array<i32>} : memref<128x256xf32, #tpu.memory_space<vmem>>, vector<16xf32>,
                %get3A_471 = arith.index_cast %sub3A_390 : i32 to index
                %get3A_472 = arith.constant 192 : index
                %get3A_473 = tpu.vector_load %arg11[%get3A_471, %get3A_472] {strides = array<i32>} : memref<136x256xf32, #tpu.memory_space<vmem>>, vector<16xf32>,
                %swap3A_474 = arith.index_cast %while3A_377 : i32 to index
                %swap3A_475 = arith.constant 192 : index
                %swap3A_476 = tpu.vector_load %arg13[%swap3A_474, %swap3A_475] {strides = array<i32>} : memref<128x256xf32, #tpu.memory_space<vmem>>, vector<16xf32>,
                tpu.vector_store %arg13[%swap3A_474, %swap3A_475], %get3A_473 {strides = array<i32>} : memref<128x256xf32, #tpu.memory_space<vmem>>, vector<16xf32>,
                %get3A_477 = arith.index_cast %sub3A_390 : i32 to index
                %get3A_478 = arith.constant 208 : index
                %get3A_479 = tpu.vector_load %arg11[%get3A_477, %get3A_478] {strides = array<i32>} : memref<136x256xf32, #tpu.memory_space<vmem>>, vector<16xf32>,
                %swap3A_480 = arith.index_cast %while3A_377 : i32 to index
                %swap3A_481 = arith.constant 208 : index
                %swap3A_482 = tpu.vector_load %arg13[%swap3A_480, %swap3A_481] {strides = array<i32>} : memref<128x256xf32, #tpu.memory_space<vmem>>, vector<16xf32>,
                tpu.vector_store %arg13[%swap3A_480, %swap3A_481], %get3A_479 {strides = array<i32>} : memref<128x256xf32, #tpu.memory_space<vmem>>, vector<16xf32>,
                %get3A_483 = arith.index_cast %sub3A_390 : i32 to index
                %get3A_484 = arith.constant 224 : index
                %get3A_485 = tpu.vector_load %arg11[%get3A_483, %get3A_484] {strides = array<i32>} : memref<136x256xf32, #tpu.memory_space<vmem>>, vector<16xf32>,
                %swap3A_486 = arith.index_cast %while3A_377 : i32 to index
                %swap3A_487 = arith.constant 224 : index
                %swap3A_488 = tpu.vector_load %arg13[%swap3A_486, %swap3A_487] {strides = array<i32>} : memref<128x256xf32, #tpu.memory_space<vmem>>, vector<16xf32>,
                tpu.vector_store %arg13[%swap3A_486, %swap3A_487], %get3A_485 {strides = array<i32>} : memref<128x256xf32, #tpu.memory_space<vmem>>, vector<16xf32>,
                %get3A_489 = arith.index_cast %sub3A_390 : i32 to index
                %get3A_490 = arith.constant 240 : index
                %get3A_491 = tpu.vector_load %arg11[%get3A_489, %get3A_490] {strides = array<i32>} : memref<136x256xf32, #tpu.memory_space<vmem>>, vector<16xf32>,
                %swap3A_492 = arith.index_cast %while3A_377 : i32 to index
                %swap3A_493 = arith.constant 240 : index
                %swap3A_494 = tpu.vector_load %arg13[%swap3A_492, %swap3A_493] {strides = array<i32>} : memref<128x256xf32, #tpu.memory_space<vmem>>, vector<16xf32>,
                tpu.vector_store %arg13[%swap3A_492, %swap3A_493], %get3A_491 {strides = array<i32>} : memref<128x256xf32, #tpu.memory_space<vmem>>, vector<16xf32>,
              } else {
              }
              %while3A_398 = arith.constant 0 : i32
              scf.yield %while3A_398 : i32
            }
            %while3A_375 = arith.constant 1 : i32
            %while3A_376 = scf.for %while3A_377 = %while3A_372 to %while3A_368 step %while3A_375 iter_args(%while3A_378 = %while3A_374) -> (i32)  : i32 {
              %add3A_379 = arith.addi %mul3A_238, %while3A_377 : i32
              %get3A_380 = arith.index_cast %add3A_379 : i32 to index
              %get3A_381 = tpu.vector_load %arg10[%get3A_380] {strides = array<i32>} : memref<8208xi32, #tpu.memory_space<vmem>>, vector<16xi32>,
              %reduce_min3A_382 = arith.constant true
              %reduce_min3A_383 = vector.broadcast %reduce_min3A_382 : i1 to vector<16xi1>
              %reduce_min3A_384 = arith.constant -2147483648 : i32
              %reduce_min3A_385 = vector.broadcast %reduce_min3A_384 : i32 to vector<16xi32>
              %reduce_min3A_386 = arith.xori %get3A_381, %reduce_min3A_385 : vector<16xi32>
              %reduce_min3A_387 = tpu.scan <min>, %reduce_min3A_386 masked %reduce_min3A_383 : vector<16xi32>, vector<16xi1> -> vector<16xi32>
              %reduce_min3A_388 = arith.xori %reduce_min3A_387, %reduce_min3A_385 : vector<16xi32>
              %reduce_min3A_389 = vector.extract %reduce_min3A_388[15] : i32 from vector<16xi32>
              %sub3A_390 = arith.subi %reduce_min3A_389, %multiple_of3A_353 : i32
              %ge3A = arith.constant 0 : i32
              %ge3A_391 = arith.cmpi sge, %sub3A_390, %ge3A : i32
              %lt3A_392 = arith.constant 136 : i32
              %lt3A_393 = arith.cmpi slt, %sub3A_390, %lt3A_392 : i32
              %and3A_394 = arith.andi %ge3A_391, %lt3A_393 : i1
              %convert_element_type3A_395 = arith.extui %and3A_394 : i1 to i32
              %cond3A_396 = arith.constant 0 : i32
              %cond3A_397 = arith.cmpi ne, %convert_element_type3A_395, %cond3A_396 : i32
              scf.if %cond3A_397 {
                %get3A_399 = arith.index_cast %sub3A_390 : i32 to index
                %get3A_400 = arith.constant 0 : index
                %get3A_401 = tpu.vector_load %arg11[%get3A_399, %get3A_400] {strides = array<i32>} : memref<136x256xf32, #tpu.memory_space<vmem>>, vector<16xf32>,
                %swap3A_402 = arith.index_cast %while3A_377 : i32 to index
                %swap3A_403 = arith.constant 0 : index
                %swap3A_404 = tpu.vector_load %arg13[%swap3A_402, %swap3A_403] {strides = array<i32>} : memref<128x256xf32, #tpu.memory_space<vmem>>, vector<16xf32>,
                tpu.vector_store %arg13[%swap3A_402, %swap3A_403], %get3A_401 {strides = array<i32>} : memref<128x256xf32, #tpu.memory_space<vmem>>, vector<16xf32>,
                %get3A_405 = arith.index_cast %sub3A_390 : i32 to index
                %get3A_406 = arith.constant 16 : index
                %get3A_407 = tpu.vector_load %arg11[%get3A_405, %get3A_406] {strides = array<i32>} : memref<136x256xf32, #tpu.memory_space<vmem>>, vector<16xf32>,
                %swap3A_408 = arith.index_cast %while3A_377 : i32 to index
                %swap3A_409 = arith.constant 16 : index
                %swap3A_410 = tpu.vector_load %arg13[%swap3A_408, %swap3A_409] {strides = array<i32>} : memref<128x256xf32, #tpu.memory_space<vmem>>, vector<16xf32>,
                tpu.vector_store %arg13[%swap3A_408, %swap3A_409], %get3A_407 {strides = array<i32>} : memref<128x256xf32, #tpu.memory_space<vmem>>, vector<16xf32>,
                %get3A_411 = arith.index_cast %sub3A_390 : i32 to index
                %get3A_412 = arith.constant 32 : index
                %get3A_413 = tpu.vector_load %arg11[%get3A_411, %get3A_412] {strides = array<i32>} : memref<136x256xf32, #tpu.memory_space<vmem>>, vector<16xf32>,
                %swap3A_414 = arith.index_cast %while3A_377 : i32 to index
                %swap3A_415 = arith.constant 32 : index
                %swap3A_416 = tpu.vector_load %arg13[%swap3A_414, %swap3A_415] {strides = array<i32>} : memref<128x256xf32, #tpu.memory_space<vmem>>, vector<16xf32>,
                tpu.vector_store %arg13[%swap3A_414, %swap3A_415], %get3A_413 {strides = array<i32>} : memref<128x256xf32, #tpu.memory_space<vmem>>, vector<16xf32>,
                %get3A_417 = arith.index_cast %sub3A_390 : i32 to index
                %get3A_418 = arith.constant 48 : index
                %get3A_419 = tpu.vector_load %arg11[%get3A_417, %get3A_418] {strides = array<i32>} : memref<136x256xf32, #tpu.memory_space<vmem>>, vector<16xf32>,
                %swap3A_420 = arith.index_cast %while3A_377 : i32 to index
                %swap3A_421 = arith.constant 48 : index
                %swap3A_422 = tpu.vector_load %arg13[%swap3A_420, %swap3A_421] {strides = array<i32>} : memref<128x256xf32, #tpu.memory_space<vmem>>, vector<16xf32>,
                tpu.vector_store %arg13[%swap3A_420, %swap3A_421], %get3A_419 {strides = array<i32>} : memref<128x256xf32, #tpu.memory_space<vmem>>, vector<16xf32>,
                %get3A_423 = arith.index_cast %sub3A_390 : i32 to index
                %get3A_424 = arith.constant 64 : index
                %get3A_425 = tpu.vector_load %arg11[%get3A_423, %get3A_424] {strides = array<i32>} : memref<136x256xf32, #tpu.memory_space<vmem>>, vector<16xf32>,
                %swap3A_426 = arith.index_cast %while3A_377 : i32 to index
                %swap3A_427 = arith.constant 64 : index
                %swap3A_428 = tpu.vector_load %arg13[%swap3A_426, %swap3A_427] {strides = array<i32>} : memref<128x256xf32, #tpu.memory_space<vmem>>, vector<16xf32>,
                tpu.vector_store %arg13[%swap3A_426, %swap3A_427], %get3A_425 {strides = array<i32>} : memref<128x256xf32, #tpu.memory_space<vmem>>, vector<16xf32>,
                %get3A_429 = arith.index_cast %sub3A_390 : i32 to index
                %get3A_430 = arith.constant 80 : index
                %get3A_431 = tpu.vector_load %arg11[%get3A_429, %get3A_430] {strides = array<i32>} : memref<136x256xf32, #tpu.memory_space<vmem>>, vector<16xf32>,
                %swap3A_432 = arith.index_cast %while3A_377 : i32 to index
                %swap3A_433 = arith.constant 80 : index
                %swap3A_434 = tpu.vector_load %arg13[%swap3A_432, %swap3A_433] {strides = array<i32>} : memref<128x256xf32, #tpu.memory_space<vmem>>, vector<16xf32>,
                tpu.vector_store %arg13[%swap3A_432, %swap3A_433], %get3A_431 {strides = array<i32>} : memref<128x256xf32, #tpu.memory_space<vmem>>, vector<16xf32>,
                %get3A_435 = arith.index_cast %sub3A_390 : i32 to index
                %get3A_436 = arith.constant 96 : index
                %get3A_437 = tpu.vector_load %arg11[%get3A_435, %get3A_436] {strides = array<i32>} : memref<136x256xf32, #tpu.memory_space<vmem>>, vector<16xf32>,
                %swap3A_438 = arith.index_cast %while3A_377 : i32 to index
                %swap3A_439 = arith.constant 96 : index
                %swap3A_440 = tpu.vector_load %arg13[%swap3A_438, %swap3A_439] {strides = array<i32>} : memref<128x256xf32, #tpu.memory_space<vmem>>, vector<16xf32>,
                tpu.vector_store %arg13[%swap3A_438, %swap3A_439], %get3A_437 {strides = array<i32>} : memref<128x256xf32, #tpu.memory_space<vmem>>, vector<16xf32>,
                %get3A_441 = arith.index_cast %sub3A_390 : i32 to index
                %get3A_442 = arith.constant 112 : index
                %get3A_443 = tpu.vector_load %arg11[%get3A_441, %get3A_442] {strides = array<i32>} : memref<136x256xf32, #tpu.memory_space<vmem>>, vector<16xf32>,
                %swap3A_444 = arith.index_cast %while3A_377 : i32 to index
                %swap3A_445 = arith.constant 112 : index
                %swap3A_446 = tpu.vector_load %arg13[%swap3A_444, %swap3A_445] {strides = array<i32>} : memref<128x256xf32, #tpu.memory_space<vmem>>, vector<16xf32>,
                tpu.vector_store %arg13[%swap3A_444, %swap3A_445], %get3A_443 {strides = array<i32>} : memref<128x256xf32, #tpu.memory_space<vmem>>, vector<16xf32>,
                %get3A_447 = arith.index_cast %sub3A_390 : i32 to index
                %get3A_448 = arith.constant 128 : index
                %get3A_449 = tpu.vector_load %arg11[%get3A_447, %get3A_448] {strides = array<i32>} : memref<136x256xf32, #tpu.memory_space<vmem>>, vector<16xf32>,
                %swap3A_450 = arith.index_cast %while3A_377 : i32 to index
                %swap3A_451 = arith.constant 128 : index
                %swap3A_452 = tpu.vector_load %arg13[%swap3A_450, %swap3A_451] {strides = array<i32>} : memref<128x256xf32, #tpu.memory_space<vmem>>, vector<16xf32>,
                tpu.vector_store %arg13[%swap3A_450, %swap3A_451], %get3A_449 {strides = array<i32>} : memref<128x256xf32, #tpu.memory_space<vmem>>, vector<16xf32>,
                %get3A_453 = arith.index_cast %sub3A_390 : i32 to index
                %get3A_454 = arith.constant 144 : index
                %get3A_455 = tpu.vector_load %arg11[%get3A_453, %get3A_454] {strides = array<i32>} : memref<136x256xf32, #tpu.memory_space<vmem>>, vector<16xf32>,
                %swap3A_456 = arith.index_cast %while3A_377 : i32 to index
                %swap3A_457 = arith.constant 144 : index
                %swap3A_458 = tpu.vector_load %arg13[%swap3A_456, %swap3A_457] {strides = array<i32>} : memref<128x256xf32, #tpu.memory_space<vmem>>, vector<16xf32>,
                tpu.vector_store %arg13[%swap3A_456, %swap3A_457], %get3A_455 {strides = array<i32>} : memref<128x256xf32, #tpu.memory_space<vmem>>, vector<16xf32>,
                %get3A_459 = arith.index_cast %sub3A_390 : i32 to index
                %get3A_460 = arith.constant 160 : index
                %get3A_461 = tpu.vector_load %arg11[%get3A_459, %get3A_460] {strides = array<i32>} : memref<136x256xf32, #tpu.memory_space<vmem>>, vector<16xf32>,
                %swap3A_462 = arith.index_cast %while3A_377 : i32 to index
                %swap3A_463 = arith.constant 160 : index
                %swap3A_464 = tpu.vector_load %arg13[%swap3A_462, %swap3A_463] {strides = array<i32>} : memref<128x256xf32, #tpu.memory_space<vmem>>, vector<16xf32>,
                tpu.vector_store %arg13[%swap3A_462, %swap3A_463], %get3A_461 {strides = array<i32>} : memref<128x256xf32, #tpu.memory_space<vmem>>, vector<16xf32>,
                %get3A_465 = arith.index_cast %sub3A_390 : i32 to index
                %get3A_466 = arith.constant 176 : index
                %get3A_467 = tpu.vector_load %arg11[%get3A_465, %get3A_466] {strides = array<i32>} : memref<136x256xf32, #tpu.memory_space<vmem>>, vector<16xf32>,
                %swap3A_468 = arith.index_cast %while3A_377 : i32 to index
                %swap3A_469 = arith.constant 176 : index
                %swap3A_470 = tpu.vector_load %arg13[%swap3A_468, %swap3A_469] {strides = array<i32>} : memref<128x256xf32, #tpu.memory_space<vmem>>, vector<16xf32>,
                tpu.vector_store %arg13[%swap3A_468, %swap3A_469], %get3A_467 {strides = array<i32>} : memref<128x256xf32, #tpu.memory_space<vmem>>, vector<16xf32>,
                %get3A_471 = arith.index_cast %sub3A_390 : i32 to index
                %get3A_472 = arith.constant 192 : index
                %get3A_473 = tpu.vector_load %arg11[%get3A_471, %get3A_472] {strides = array<i32>} : memref<136x256xf32, #tpu.memory_space<vmem>>, vector<16xf32>,
                %swap3A_474 = arith.index_cast %while3A_377 : i32 to index
                %swap3A_475 = arith.constant 192 : index
                %swap3A_476 = tpu.vector_load %arg13[%swap3A_474, %swap3A_475] {strides = array<i32>} : memref<128x256xf32, #tpu.memory_space<vmem>>, vector<16xf32>,
                tpu.vector_store %arg13[%swap3A_474, %swap3A_475], %get3A_473 {strides = array<i32>} : memref<128x256xf32, #tpu.memory_space<vmem>>, vector<16xf32>,
                %get3A_477 = arith.index_cast %sub3A_390 : i32 to index
                %get3A_478 = arith.constant 208 : index
                %get3A_479 = tpu.vector_load %arg11[%get3A_477, %get3A_478] {strides = array<i32>} : memref<136x256xf32, #tpu.memory_space<vmem>>, vector<16xf32>,
                %swap3A_480 = arith.index_cast %while3A_377 : i32 to index
                %swap3A_481 = arith.constant 208 : index
                %swap3A_482 = tpu.vector_load %arg13[%swap3A_480, %swap3A_481] {strides = array<i32>} : memref<128x256xf32, #tpu.memory_space<vmem>>, vector<16xf32>,
                tpu.vector_store %arg13[%swap3A_480, %swap3A_481], %get3A_479 {strides = array<i32>} : memref<128x256xf32, #tpu.memory_space<vmem>>, vector<16xf32>,
                %get3A_483 = arith.index_cast %sub3A_390 : i32 to index
                %get3A_484 = arith.constant 224 : index
                %get3A_485 = tpu.vector_load %arg11[%get3A_483, %get3A_484] {strides = array<i32>} : memref<136x256xf32, #tpu.memory_space<vmem>>, vector<16xf32>,
                %swap3A_486 = arith.index_cast %while3A_377 : i32 to index
                %swap3A_487 = arith.constant 224 : index
                %swap3A_488 = tpu.vector_load %arg13[%swap3A_486, %swap3A_487] {strides = array<i32>} : memref<128x256xf32, #tpu.memory_space<vmem>>, vector<16xf32>,
                tpu.vector_store %arg13[%swap3A_486, %swap3A_487], %get3A_485 {strides = array<i32>} : memref<128x256xf32, #tpu.memory_space<vmem>>, vector<16xf32>,
                %get3A_489 = arith.index_cast %sub3A_390 : i32 to index
                %get3A_490 = arith.constant 240 : index
                %get3A_491 = tpu.vector_load %arg11[%get3A_489, %get3A_490] {strides = array<i32>} : memref<136x256xf32, #tpu.memory_space<vmem>>, vector<16xf32>,
                %swap3A_492 = arith.index_cast %while3A_377 : i32 to index
                %swap3A_493 = arith.constant 240 : index
                %swap3A_494 = tpu.vector_load %arg13[%swap3A_492, %swap3A_493] {strides = array<i32>} : memref<128x256xf32, #tpu.memory_space<vmem>>, vector<16xf32>,
                tpu.vector_store %arg13[%swap3A_492, %swap3A_493], %get3A_491 {strides = array<i32>} : memref<128x256xf32, #tpu.memory_space<vmem>>, vector<16xf32>,
              } else {
              }
              %while3A_398 = arith.constant 0 : i32
              scf.yield %while3A_398 : i32
            }
          } else {
          }
          %scan3A_357 = arith.constant 0 : i32
          scf.yield %scan3A_357 : i32
        }
        %scan3A_345 = arith.constant 7 : i32
      } else {
      }
      %parallel_loop3A_331 = arith.constant 128 : i32
      %parallel_loop3A_332 = arith.constant 1 : i32
      scf.for %parallel_loop3A_339 = %min3A_243 to %parallel_loop3A_331 step %parallel_loop3A_332  : i32 {
        %parallel_loop3A_340 = arith.constant 0.000000e+00 : f32
        %parallel_loop3A_341 = vector.broadcast %parallel_loop3A_340 : f32 to vector<16xf32>
        %parallel_loop3A_342 = arith.index_cast %parallel_loop3A_339 : i32 to index
        %parallel_loop3A_343 = arith.constant 0 : index
        %parallel_loop3A_344 = tpu.vector_load %arg13[%parallel_loop3A_342, %parallel_loop3A_343] {strides = array<i32>} : memref<128x256xf32, #tpu.memory_space<vmem>>, vector<16xf32>,
        tpu.vector_store %arg13[%parallel_loop3A_342, %parallel_loop3A_343], %parallel_loop3A_341 {strides = array<i32>} : memref<128x256xf32, #tpu.memory_space<vmem>>, vector<16xf32>,
        %parallel_loop3A_345 = arith.constant 0.000000e+00 : f32
        %parallel_loop3A_346 = vector.broadcast %parallel_loop3A_345 : f32 to vector<16xf32>
        %parallel_loop3A_347 = arith.index_cast %parallel_loop3A_339 : i32 to index
        %parallel_loop3A_348 = arith.constant 16 : index
        %parallel_loop3A_349 = tpu.vector_load %arg13[%parallel_loop3A_347, %parallel_loop3A_348] {strides = array<i32>} : memref<128x256xf32, #tpu.memory_space<vmem>>, vector<16xf32>,
        tpu.vector_store %arg13[%parallel_loop3A_347, %parallel_loop3A_348], %parallel_loop3A_346 {strides = array<i32>} : memref<128x256xf32, #tpu.memory_space<vmem>>, vector<16xf32>,
        %parallel_loop3A_350 = arith.constant 0.000000e+00 : f32
        %parallel_loop3A_351 = vector.broadcast %parallel_loop3A_350 : f32 to vector<16xf32>
        %parallel_loop3A_352 = arith.index_cast %parallel_loop3A_339 : i32 to index
        %parallel_loop3A_353 = arith.constant 32 : index
        %parallel_loop3A_354 = tpu.vector_load %arg13[%parallel_loop3A_352, %parallel_loop3A_353] {strides = array<i32>} : memref<128x256xf32, #tpu.memory_space<vmem>>, vector<16xf32>,
        tpu.vector_store %arg13[%parallel_loop3A_352, %parallel_loop3A_353], %parallel_loop3A_351 {strides = array<i32>} : memref<128x256xf32, #tpu.memory_space<vmem>>, vector<16xf32>,
        %parallel_loop3A_355 = arith.constant 0.000000e+00 : f32
        %parallel_loop3A_356 = vector.broadcast %parallel_loop3A_355 : f32 to vector<16xf32>
        %parallel_loop3A_357 = arith.index_cast %parallel_loop3A_339 : i32 to index
        %parallel_loop3A_358 = arith.constant 48 : index
        %parallel_loop3A_359 = tpu.vector_load %arg13[%parallel_loop3A_357, %parallel_loop3A_358] {strides = array<i32>} : memref<128x256xf32, #tpu.memory_space<vmem>>, vector<16xf32>,
        tpu.vector_store %arg13[%parallel_loop3A_357, %parallel_loop3A_358], %parallel_loop3A_356 {strides = array<i32>} : memref<128x256xf32, #tpu.memory_space<vmem>>, vector<16xf32>,
        %parallel_loop3A_360 = arith.constant 0.000000e+00 : f32
        %parallel_loop3A_361 = vector.broadcast %parallel_loop3A_360 : f32 to vector<16xf32>
        %parallel_loop3A_362 = arith.index_cast %parallel_loop3A_339 : i32 to index
        %parallel_loop3A_363 = arith.constant 64 : index
        %parallel_loop3A_364 = tpu.vector_load %arg13[%parallel_loop3A_362, %parallel_loop3A_363] {strides = array<i32>} : memref<128x256xf32, #tpu.memory_space<vmem>>, vector<16xf32>,
        tpu.vector_store %arg13[%parallel_loop3A_362, %parallel_loop3A_363], %parallel_loop3A_361 {strides = array<i32>} : memref<128x256xf32, #tpu.memory_space<vmem>>, vector<16xf32>,
        %parallel_loop3A_365 = arith.constant 0.000000e+00 : f32
        %parallel_loop3A_366 = vector.broadcast %parallel_loop3A_365 : f32 to vector<16xf32>
        %parallel_loop3A_367 = arith.index_cast %parallel_loop3A_339 : i32 to index
        %parallel_loop3A_368 = arith.constant 80 : index
        %parallel_loop3A_369 = tpu.vector_load %arg13[%parallel_loop3A_367, %parallel_loop3A_368] {strides = array<i32>} : memref<128x256xf32, #tpu.memory_space<vmem>>, vector<16xf32>,
        tpu.vector_store %arg13[%parallel_loop3A_367, %parallel_loop3A_368], %parallel_loop3A_366 {strides = array<i32>} : memref<128x256xf32, #tpu.memory_space<vmem>>, vector<16xf32>,
        %parallel_loop3A_370 = arith.constant 0.000000e+00 : f32
        %parallel_loop3A_371 = vector.broadcast %parallel_loop3A_370 : f32 to vector<16xf32>
        %parallel_loop3A_372 = arith.index_cast %parallel_loop3A_339 : i32 to index
        %parallel_loop3A_373 = arith.constant 96 : index
        %parallel_loop3A_374 = tpu.vector_load %arg13[%parallel_loop3A_372, %parallel_loop3A_373] {strides = array<i32>} : memref<128x256xf32, #tpu.memory_space<vmem>>, vector<16xf32>,
        tpu.vector_store %arg13[%parallel_loop3A_372, %parallel_loop3A_373], %parallel_loop3A_371 {strides = array<i32>} : memref<128x256xf32, #tpu.memory_space<vmem>>, vector<16xf32>,
        %parallel_loop3A_375 = arith.constant 0.000000e+00 : f32
        %parallel_loop3A_376 = vector.broadcast %parallel_loop3A_375 : f32 to vector<16xf32>
        %parallel_loop3A_377 = arith.index_cast %parallel_loop3A_339 : i32 to index
        %parallel_loop3A_378 = arith.constant 112 : index
        %parallel_loop3A_379 = tpu.vector_load %arg13[%parallel_loop3A_377, %parallel_loop3A_378] {strides = array<i32>} : memref<128x256xf32, #tpu.memory_space<vmem>>, vector<16xf32>,
        tpu.vector_store %arg13[%parallel_loop3A_377, %parallel_loop3A_378], %parallel_loop3A_376 {strides = array<i32>} : memref<128x256xf32, #tpu.memory_space<vmem>>, vector<16xf32>,
        %parallel_loop3A_380 = arith.constant 0.000000e+00 : f32
        %parallel_loop3A_381 = vector.broadcast %parallel_loop3A_380 : f32 to vector<16xf32>
        %parallel_loop3A_382 = arith.index_cast %parallel_loop3A_339 : i32 to index
        %parallel_loop3A_383 = arith.constant 128 : index
        %parallel_loop3A_384 = tpu.vector_load %arg13[%parallel_loop3A_382, %parallel_loop3A_383] {strides = array<i32>} : memref<128x256xf32, #tpu.memory_space<vmem>>, vector<16xf32>,
        tpu.vector_store %arg13[%parallel_loop3A_382, %parallel_loop3A_383], %parallel_loop3A_381 {strides = array<i32>} : memref<128x256xf32, #tpu.memory_space<vmem>>, vector<16xf32>,
        %parallel_loop3A_385 = arith.constant 0.000000e+00 : f32
        %parallel_loop3A_386 = vector.broadcast %parallel_loop3A_385 : f32 to vector<16xf32>
        %parallel_loop3A_387 = arith.index_cast %parallel_loop3A_339 : i32 to index
        %parallel_loop3A_388 = arith.constant 144 : index
        %parallel_loop3A_389 = tpu.vector_load %arg13[%parallel_loop3A_387, %parallel_loop3A_388] {strides = array<i32>} : memref<128x256xf32, #tpu.memory_space<vmem>>, vector<16xf32>,
        tpu.vector_store %arg13[%parallel_loop3A_387, %parallel_loop3A_388], %parallel_loop3A_386 {strides = array<i32>} : memref<128x256xf32, #tpu.memory_space<vmem>>, vector<16xf32>,
        %parallel_loop3A_390 = arith.constant 0.000000e+00 : f32
        %parallel_loop3A_391 = vector.broadcast %parallel_loop3A_390 : f32 to vector<16xf32>
        %parallel_loop3A_392 = arith.index_cast %parallel_loop3A_339 : i32 to index
        %parallel_loop3A_393 = arith.constant 160 : index
        %parallel_loop3A_394 = tpu.vector_load %arg13[%parallel_loop3A_392, %parallel_loop3A_393] {strides = array<i32>} : memref<128x256xf32, #tpu.memory_space<vmem>>, vector<16xf32>,
        tpu.vector_store %arg13[%parallel_loop3A_392, %parallel_loop3A_393], %parallel_loop3A_391 {strides = array<i32>} : memref<128x256xf32, #tpu.memory_space<vmem>>, vector<16xf32>,
        %parallel_loop3A_395 = arith.constant 0.000000e+00 : f32
        %parallel_loop3A_396 = vector.broadcast %parallel_loop3A_395 : f32 to vector<16xf32>
        %parallel_loop3A_397 = arith.index_cast %parallel_loop3A_339 : i32 to index
        %parallel_loop3A_398 = arith.constant 176 : index
        %parallel_loop3A_399 = tpu.vector_load %arg13[%parallel_loop3A_397, %parallel_loop3A_398] {strides = array<i32>} : memref<128x256xf32, #tpu.memory_space<vmem>>, vector<16xf32>,
        tpu.vector_store %arg13[%parallel_loop3A_397, %parallel_loop3A_398], %parallel_loop3A_396 {strides = array<i32>} : memref<128x256xf32, #tpu.memory_space<vmem>>, vector<16xf32>,
        %parallel_loop3A_400 = arith.constant 0.000000e+00 : f32
        %parallel_loop3A_401 = vector.broadcast %parallel_loop3A_400 : f32 to vector<16xf32>
        %parallel_loop3A_402 = arith.index_cast %parallel_loop3A_339 : i32 to index
        %parallel_loop3A_403 = arith.constant 192 : index
        %parallel_loop3A_404 = tpu.vector_load %arg13[%parallel_loop3A_402, %parallel_loop3A_403] {strides = array<i32>} : memref<128x256xf32, #tpu.memory_space<vmem>>, vector<16xf32>,
        tpu.vector_store %arg13[%parallel_loop3A_402, %parallel_loop3A_403], %parallel_loop3A_401 {strides = array<i32>} : memref<128x256xf32, #tpu.memory_space<vmem>>, vector<16xf32>,
        %parallel_loop3A_405 = arith.constant 0.000000e+00 : f32
        %parallel_loop3A_406 = vector.broadcast %parallel_loop3A_405 : f32 to vector<16xf32>
        %parallel_loop3A_407 = arith.index_cast %parallel_loop3A_339 : i32 to index
        %parallel_loop3A_408 = arith.constant 208 : index
        %parallel_loop3A_409 = tpu.vector_load %arg13[%parallel_loop3A_407, %parallel_loop3A_408] {strides = array<i32>} : memref<128x256xf32, #tpu.memory_space<vmem>>, vector<16xf32>,
        tpu.vector_store %arg13[%parallel_loop3A_407, %parallel_loop3A_408], %parallel_loop3A_406 {strides = array<i32>} : memref<128x256xf32, #tpu.memory_space<vmem>>, vector<16xf32>,
        %parallel_loop3A_410 = arith.constant 0.000000e+00 : f32
        %parallel_loop3A_411 = vector.broadcast %parallel_loop3A_410 : f32 to vector<16xf32>
        %parallel_loop3A_412 = arith.index_cast %parallel_loop3A_339 : i32 to index
        %parallel_loop3A_413 = arith.constant 224 : index
        %parallel_loop3A_414 = tpu.vector_load %arg13[%parallel_loop3A_412, %parallel_loop3A_413] {strides = array<i32>} : memref<128x256xf32, #tpu.memory_space<vmem>>, vector<16xf32>,
        tpu.vector_store %arg13[%parallel_loop3A_412, %parallel_loop3A_413], %parallel_loop3A_411 {strides = array<i32>} : memref<128x256xf32, #tpu.memory_space<vmem>>, vector<16xf32>,
        %parallel_loop3A_415 = arith.constant 0.000000e+00 : f32
        %parallel_loop3A_416 = vector.broadcast %parallel_loop3A_415 : f32 to vector<16xf32>
        %parallel_loop3A_417 = arith.index_cast %parallel_loop3A_339 : i32 to index
        %parallel_loop3A_418 = arith.constant 240 : index
        %parallel_loop3A_419 = tpu.vector_load %arg13[%parallel_loop3A_417, %parallel_loop3A_418] {strides = array<i32>} : memref<128x256xf32, #tpu.memory_space<vmem>>, vector<16xf32>,
        tpu.vector_store %arg13[%parallel_loop3A_417, %parallel_loop3A_418], %parallel_loop3A_416 {strides = array<i32>} : memref<128x256xf32, #tpu.memory_space<vmem>>, vector<16xf32>,
      } {sc.loop_unroll_factor = 4 : i64, sc.parallel_access}
      %add3A_333 = arith.addi %mul3A_114, %mul3A_238 : i32
      %dma_start3A_334 = arith.constant 0 : i32
      %dma_start3A_335 = tpu.memref_slice %arg5[%add3A_333, %dma_start3A_334] : memref<131072x256xf32, #tpu.memory_space<hbm>> -> memref<128x256xf32, #tpu.memory_space<hbm>>
      %dma_start3A_336 = arith.constant 0 : i32
      %dma_start3A_337 = tpu.memref_slice %arg5[%add3A_333, %dma_start3A_336] : memref<131072x256xf32, #tpu.memory_space<hbm>> -> memref<128x256xf32, #tpu.memory_space<hbm>>
      tpu.enqueue_dma source(%arg13 : memref<128x256xf32, #tpu.memory_space<vmem>>) target(%dma_start3A_337 : memref<128x256xf32, #tpu.memory_space<hbm>>) target_semaphore(%arg20 : memref<!tpu.dma_semaphore, #tpu.memory_space<semaphore_mem>>)
      %scan3A_338 = arith.constant 0 : i32
      scf.yield %scan3A_338 : i32
    }
    %scan3A_120 = arith.constant 16 : i32
    %dma_wait3A = arith.constant 0 : i32
    %dma_wait3A_121 = tpu.memref_slice %arg5[%mul3A_114, %dma_wait3A] : memref<131072x256xf32, #tpu.memory_space<hbm>> -> memref<128x256xf32, #tpu.memory_space<hbm>>
    %dma_wait3A_122 = arith.constant 0 : i32
    %dma_wait3A_123 = tpu.memref_slice %arg5[%mul3A_114, %dma_wait3A_122] : memref<131072x256xf32, #tpu.memory_space<hbm>> -> memref<128x256xf32, #tpu.memory_space<hbm>>
    tpu.wait_dma2 semaphore(%arg20 : memref<!tpu.dma_semaphore, #tpu.memory_space<semaphore_mem>>) src(%arg12 : memref<128x256xf32, #tpu.memory_space<vmem>>) dst(%dma_wait3A_123 : memref<128x256xf32, #tpu.memory_space<hbm>>)
    %dma_wait3A_124 = arith.constant 0 : i32
    %dma_wait3A_125 = tpu.memref_slice %arg5[%mul3A_114, %dma_wait3A_124] : memref<131072x256xf32, #tpu.memory_space<hbm>> -> memref<128x256xf32, #tpu.memory_space<hbm>>
    %dma_wait3A_126 = arith.constant 0 : i32
    %dma_wait3A_127 = tpu.memref_slice %arg5[%mul3A_114, %dma_wait3A_126] : memref<131072x256xf32, #tpu.memory_space<hbm>> -> memref<128x256xf32, #tpu.memory_space<hbm>>
    tpu.wait_dma2 semaphore(%arg20 : memref<!tpu.dma_semaphore, #tpu.memory_space<semaphore_mem>>) src(%arg12 : memref<128x256xf32, #tpu.memory_space<vmem>>) dst(%dma_wait3A_127 : memref<128x256xf32, #tpu.memory_space<hbm>>)
    return
  }
}

</mosaic_0001>

<sc_bundles>
// kernel: length_regulator.3.cloned.1.call-start
scs
__scs_entry_jumppad:
0x0: {  	(pc) =	sbr.rel $0x88, $3  }
0x1: {  	(tag) =	ssettag $0x0;
	lr =	simm.s32 $0x1  }
0x2: {  	[smem:$0x3F9F] =	sst lr;
	_ =	strace $0xD0000000  }
0x3: {  	_ = 	snop  }
0x4: {  	_ = 	snop  }
0x5: {  	_ = 	snop  }
0x6: {  	_ = 	snop  }
0x7: {  	_ = 	snop  }
__scs_overlays_trampoline_lowered:
0x8: {  	[smem:$0x3FAE] =	sst s0  }
0x9: {  	[smem:$0x3FAF] =	sst s1  }
0xa: {  	[smem:$0x3FB0] =	sst s2  }
0xb: {  	[smem:$0x3FB1] =	sst s3  }
0xc: {  	[smem:$0x3FB2] =	sst s4  }
0xd: {  	[smem:$0x3FB3] =	sst s5  }
0xe: {  	[smem:$0x3FB4] =	sst s6  }
0xf: {  	[smem:$0x3FB5] =	sst s7  }
0x10: {  	[smem:$0x3FB6] =	sst s8  }
0x11: {  	[smem:$0x3FB7] =	sst s9;
	s0 =	simm.s32 @!p0 $0x0  }
0x12: {  	s1 =	sld [smem:$0x3F9D];
	s0 =	simm.s32 @p0 $0x1  }
0x13: {  	[smem:$0x3FB8] =	sst s0;
	s0 =	simm.s32 @!p1 $0x0  }
0x14: {  	s2 =	sld [smem:$0x3F9C];
	s0 =	simm.s32 @p1 $0x1  }
0x15: {  	[smem:$0x3FB9] =	sst s0;
	s0 =	simm.s32 @!p2 $0x0  }
0x16: {  	s3 =	sld [smem:$0x3FDB];
	s0 =	simm.s32 @p2 $0x1  }
0x17: {  	s4 =	simm.s32 $0x1BF5;
	[smem:$0x3FBB] =	sst s0  }
0x18: {  	s0 =	sld [smem:$0x3F9E];
	_ =	swait.ge [sflag:s4], $0x0  }
0x19: {  	s7 =	sld [smem:$0x3F9F]  }
0x1a: {  	s8 =	sadd.s32 $0xFFFFE003, lr  }
0x1b: {  	s9 =	sadd.s32 $0xFFFFFEF7, lr;
	s5 =	simm.s32 $0xFFFFFFFF;
	p2 =	slt.u32 s8, $0xFFFFF086  }
0x1c: {  	p1 =	slt.u32 s9, $0xF7A;
	s5 =	simm.s32 @!p2 $0x0  }
0x1d: {  	s5 =	simm.s32 @p1 $0x1;
	p0 =	seq.s32 s7, s2  }
0x1e: {  	s7 =	smul.u32 @!p0 $0xF7A, s2;
	p2 =	seq.s32 @!p0 s5, $0x0  }
0x1f: {  	s9 =	smul.u32 $0xF7A, s1;
	s8 =	simm.s32 @!p0 $0x1BF5;
	p2 =	por !p2, p0  }
0x20: {  	[sflag:s8] =	ssyncset.s32 @!p0 $0xFFFFF086;
	s6 =	sadd.s32 @!p0 s3, s7;
	s7 =	simm.s32 @!p0 $0x108  }
0x21: {  	s3 =	sadd.s32 s3, s9;
	s6 =	sadd.s32 @!p0 $0x88, s6;
	s7 =	simm.s32 @p2 $0x1082  }
0x22: {  	[simem:s7], [sflag:s8] =	dma.local @!p0 [hbm:s6], $0xF7A  }
0x23: {  	s9 =	sor.u32 $0xD0000000, s2;
	s6 =	simm.s32 $0x108;
	_ =	swait.ge @!p0 [sflag:s8], $0x0  }
0x24: {  	s3 =	sadd.s32 $0x88, s3;
	s6 =	simm.s32 @!p1 $0x1082;
	[sflag:s4] =	ssyncset.s32 $0xFFFFF086  }
0x25: {  	[simem:s6], [sflag:s4] =	dma.local [hbm:s3], $0xF7A  }
0x26: {  	[smem:$0x3F9F] =	sst s1;
	(tag) =	ssettag s2;
	_ =	strace s9  }
0x27: {  	s1 =	sld [smem:$0x3FAF]  }
0x28: {  	s2 =	sld [smem:$0x3FB0]  }
0x29: {  	s4 =	sld [smem:$0x3FB2]  }
0x2a: {  	p0 =	seq.s32 s5, $0x0;
	s5 =	sld [smem:$0x3FB3]  }
0x2b: {  	s6 =	sld [smem:$0x3FB4]  }
0x2c: {  	s7 =	sld [smem:$0x3FB5]  }
0x2d: {  	s3 =	simm.s32 $0x108;
	s8 =	sld [smem:$0x3FB6]  }
0x2e: {  	s3 =	simm.s32 @!p0 $0x1082;
	s9 =	sld [smem:$0x3FB7]  }
0x2f: {  	lr =	sadd.s32 s0, s3;
	s0 =	sld [smem:$0x3FAE]  }
0x30: {  	s3 =	sld [smem:$0x3FB1]  }
0x31: {  	[smem:$0x3FBA] =	sst s10  }
0x32: {  	s10 =	sld [smem:$0x3FB8];
	_ =	sdelay $0x3  }
0x33: {  	p0 =	seq.s32 s10, $0x1;
	s10 =	sld [smem:$0x3FBA];
	_ =	sdelay $0x3  }
0x34: {  	[smem:$0x3FBA] =	sst s10  }
0x35: {  	s10 =	sld [smem:$0x3FB9];
	_ =	sdelay $0x3  }
0x36: {  	p1 =	seq.s32 s10, $0x1;
	s10 =	sld [smem:$0x3FBA];
	_ =	sdelay $0x3  }
0x37: {  	[smem:$0x3FBA] =	sst s10  }
0x38: {  	s10 =	sld [smem:$0x3FBB]  }
0x39: {  	_ = 	snop;
	(pc) =	sbr.ind lr, $3  }
0x3a: {  	_ = 	snop  }
0x3b: {  	_ = 	snop  }
0x3c: {  	p2 =	seq.s32 s10, $0x1;
	s10 =	sld [smem:$0x3FBA]  }
0x3d: {  	_ =	shalt  }
0x3e: {  	_ =	shalt  }
0x3f: {  	_ =	shalt  }
0x40: {  	_ =	shalt  }
0x41: {  	_ =	shalt  }
0x42: {  	_ =	shalt  }
0x43: {  	_ =	shalt  }
0x44: {  	_ =	shalt  }
0x45: {  	_ =	shalt  }
0x46: {  	_ =	shalt  }
0x47: {  	_ =	shalt  }
0x48: {  	_ =	shalt  }
0x49: {  	_ =	shalt  }
0x4a: {  	_ =	shalt  }
0x4b: {  	_ =	shalt  }
0x4c: {  	_ =	shalt  }
0x4d: {  	_ =	shalt  }
0x4e: {  	_ =	shalt  }
0x4f: {  	_ =	shalt  }
0x50: {  	_ =	shalt  }
0x51: {  	_ =	shalt  }
0x52: {  	_ =	shalt  }
0x53: {  	_ =	shalt  }
0x54: {  	_ =	shalt  }
0x55: {  	_ =	shalt  }
0x56: {  	_ =	shalt  }
0x57: {  	_ =	shalt  }
0x58: {  	_ =	shalt  }
0x59: {  	_ =	shalt  }
0x5a: {  	_ =	shalt  }
0x5b: {  	_ =	shalt  }
0x5c: {  	_ =	shalt  }
0x5d: {  	_ =	shalt  }
0x5e: {  	_ =	shalt  }
0x5f: {  	_ =	shalt  }
0x60: {  	_ =	shalt  }
0x61: {  	_ =	shalt  }
0x62: {  	_ =	shalt  }
0x63: {  	_ =	shalt  }
0x64: {  	_ =	shalt  }
0x65: {  	_ =	shalt  }
0x66: {  	_ =	shalt  }
0x67: {  	_ =	shalt  }
0x68: {  	_ =	shalt  }
0x69: {  	_ =	shalt  }
0x6a: {  	_ =	shalt  }
0x6b: {  	_ =	shalt  }
0x6c: {  	_ =	shalt  }
0x6d: {  	_ =	shalt  }
0x6e: {  	_ =	shalt  }
0x6f: {  	_ =	shalt  }
0x70: {  	_ =	shalt  }
0x71: {  	_ =	shalt  }
0x72: {  	_ =	shalt  }
0x73: {  	_ =	shalt  }
0x74: {  	_ =	shalt  }
0x75: {  	_ =	shalt  }
0x76: {  	_ =	shalt  }
0x77: {  	_ =	shalt  }
0x78: {  	_ =	shalt  }
0x79: {  	_ =	shalt  }
0x7a: {  	_ =	shalt  }
0x7b: {  	_ =	shalt  }
0x7c: {  	_ =	shalt  }
0x7d: {  	_ =	shalt  }
0x7e: {  	_ =	shalt  }
0x7f: {  	_ =	shalt  }
0x80: {  	_ =	shalt  }
0x81: {  	_ =	shalt  }
0x82: {  	_ =	shalt  }
0x83: {  	_ =	shalt  }
0x84: {  	_ =	shalt  }
0x85: {  	_ =	shalt  }
0x86: {  	_ =	shalt  }
0x87: {  	_ =	shalt  }
.Lfunc_end0:
.L_simem_size_0:
called_computation_lowered:
.L_overlay_start_0:
0x88: {  	s2 =	sld [smem:$0x3FD9]  }
0x89: {  	s3 =	sld [smem:$0x3FFE];
	_ =	sdelay $0x1  }
0x8a: {  	s1 =	srdreg.scid  }
0x8b: {  	s0 =	sand.u32 $0x1, s1  }
0x8c: {  	s14 =	sshll.u32 s0, $0xA;
	s2 =	sadd.s32 s3, s2  }
0x8d: {  	s2 =	sadd.s32 s2, s14  }
0x8e: {  	[smem:$0x3FC6] =	sst s2  }
0x8f: {  	_ = 	snop  }
0x90: {  	s2 =	sld [smem:$0x3FD0];
	_ =	sdelay $0x1  }
0x91: {  	s15 =	sld [smem:$0x3FC9]  }
0x92: {  	s5 =	simm.s32 $0xA;
	s6 =	simm.s32 $0x10;
	s4 =	sld [smem:$0x3FC8]  }
0x93: {  	[smem:s6], [sflag:s5] =	dma.local [hbm:s2], $0x1  }
0x94: {  	_ =	swait.eq [sflag:s5], $0x1  }
0x95: {  	[sflag:s5] =	ssyncset.done $0x0  }
0x96: {  	[sflag:s5] =	ssyncadd.s32 $0xFFFFFFFF  }
0x97: {  	s16 =	sld [smem:$0x10];
	(tm) =	ssettm $0x1  }
0x98: {  	s17 =	sld [smem:$0x3FFB];
	_ =	sdelay $0x3  }
0x99: {  	_ =	strace s17  }
0x9a: {  	s5 =	sld [smem:$0x3FFC];
	_ =	sdelay $0x3  }
0x9b: {  	_ =	strace s5  }
0x9c: {  	s5 =	sld [smem:$0x3FFD];
	_ =	sdelay $0x3  }
0x9d: {  	_ =	strace s5  }
0x9e: {  	_ =	strace $0x8FFFFFFF  }
0x9f: {  	s18 =	sld [smem:$0x3FDB];
	_ =	sdelay $0x1  }
0xa0: {  	s19 =	simm.s32 $_scs_section_size  }
0xa1: {  	s7 =	simm.s32 $_size__tile_overlayer_lowered;
	s8 =	simm.s32 $_tile_overlayer_lowered  }
0xa2: {  	s22 =	simm.s32 $0x1BFF;
	s21 =	sshll.u32 s8, $0x1;
	s5 =	sadd.s32 s19, s18  }
0xa3: {  	s9 =	simm.s32 $0x0;
	s20 =	sshll.u32 s7, $0x1;
	s7 =	sadd.s32 s21, s5  }
0xa4: {  	[timem:s9], [sflag:s22] =	dma.local [hbm:s7], s20  }
0xa5: {  	_ =	swait.ge [sflag:s22], s20  }
0xa6: {  	s6 =	ssub.s32 $0x0, s20;
	[sflag:s22] =	ssyncset.done $0x0  }
0xa7: {  	[sflag:s22] =	ssyncadd.s32 s6;
	_ =	sdelay $0x1  }
0xa8: {  	s23 =	simm.s32 $0x1B8B  }
0xa9: {  	_ =	swait.ge [sflag:s23], $0x1  }
0xaa: {  	[sflag:s23] =	ssyncset.done $0x0  }
0xab: {  	s25 =	simm.s32 $0x1B8E;
	s24 =	sld [smem:$0x3FFE];
	[sflag:s23] =	ssyncadd.s32 $0xFFFFFFFF  }
0xac: {  	s26 =	simm.s32 $execute0_lowered;
	[smem:$0x3FD2] =	sst s25  }
0xad: {  	s7 =	sshll.u32 s26, $0x1;
	_ =	strace $0x80000046;
	[dreg:$0x1] =	wrdreg $0xFFFFFFFF  }
0xae: {  	s28 =	simm.s32 $_size_execute0_lowered;
	s5 =	sadd.s32 s5, s7;
	[dreg:$0x0] =	wrdreg $0x0  }
0xaf: {  	s7 =	sshll.u32 s28, $0x1;
	[dreg:$0x2] =	wrdreg s5  }
0xb0: {  	[dreg:$0x3] =	wrdreg s7  }
0xb1: {  	[dreg:$0x4] =	wrdreg $0xC0  }
0xb2: {  	_ =	task [dreg:s9], $0x5FFFF  }
0xb3: {  	[dreg:$0x1] =	wrdreg $0xFFFFFFFF  }
0xb4: {  	[dreg:$0x0] =	wrdreg $0x60  }
0xb5: {  	[dreg:$0x2] =	wrdreg s15  }
0xb6: {  	[dreg:$0x3] =	wrdreg s4  }
0xb7: {  	[dreg:$0x4] =	wrdreg s24  }
0xb8: {  	[dreg:$0x5] =	wrdreg s16  }
0xb9: {  	[dreg:$0x6] =	wrdreg $0x0  }
0xba: {  	[dreg:$0x7] =	wrdreg $0x9  }
0xbb: {  	_ =	task.clear_ibuf [dreg:s9], $0x8FFFF;
	_ =	strace $0x90000046  }
0xbc: {  	s29 =	simm.s32 $0x9;
	_ =	strace $0x80000048  }
0xbd: {  	_ =	swait.ge [sflag:s29], $0x1  }
0xbe: {  	[sflag:s29] =	ssyncadd.s32 $0xFFFFFFFF  }
0xbf: {  	_ =	strace $0x90000048  }
0xc0: {  	_ =	sfence  }
0xc1: {  	s30 =	sld [smem:$0x0];
	_ =	sdelay $0x2  }
0xc2: {  	s31 =	sshll.u32 s1, $0xD;
	s1 =	sshrl.u32 s1, $0x2  }
0xc3: {  	s3 =	sand.u32 $0x4000, s31;
	s1 =	sadd.s32 s1, s30  }
0xc4: {  	s0 =	sor.u32 s3, s0;
	s1 =	sshll.u32 s1, $0x11  }
0xc5: {  	s0 =	sor.u32 s1, s0  }
0xc6: {  	s0 =	sadd.s32 $0x8F2B, s0  }
0xc7: {  	[sflag:s0] =	ssyncadd.remote.s32 $0x1  }
0xc8: {  	_ =	sfence.sel $0xFFFF  }
0xc9: {  	[dreg:$0x0] =	wrdreg $0xFFFFFFFF;
	(pc) =	sbr.abs _section_cstart, $3  }
0xca: {  	[dreg:$0x1] =	wrdreg $0xFFFFFFFF  }
0xcb: {  	_ =	task.clear_ibuf [dreg:s9], $0x2FFFF;
	_ =	strace $0x9FFFFFFF  }
0xcc: {  	(tm) =	ssettm $0x7FFFFFFF  }
0xcd: {  	_ =	shalt  }
tec
execute0_lowered:
.L_overlay_start_1:
0x0: {  	(tag) =	ssettag $0x1  }
0x1: {  	s20 =	rddreg [dreg:$0x0]  }
0x2: {  	s0 =	rddreg [dreg:$0x1]  }
0x3: {  	s1 =	rddreg [dreg:$0x2]  }
0x4: {  	s2 =	rddreg [dreg:$0x4];
	s3 =	srdreg.scid  }
0x5: {  	s9 =	stileid.u32;
	s16 =	simm.s32 $0x0;
	s30 =	simm.s32 $0x1480  }
0x6: {  	s3 =	sand.u32 $0x1, s3;
	s4 =	sshrl.u32 s9, $0x1;
	[smem:$0x7FF] =	sst s16  }
0x7: {  	s7 =	sadd.s32 $0x400, s1;
	s12 =	sand.u32 $0x1, s9;
	s18 =	sshll.u32 s9, $0xC  }
0x8: {  	s5 =	sshll.u32 s4, $0x7;
	s6 =	sshll.u32 s3, $0xA;
	_ =	strace $0x80000047  }
0x9: {  	[smem:$0x7EE] =	sst s7;
	s10 =	ssub.s32 $0x2, s3;
	s8 =	sshll.u32 s3, $0xD  }
0xa: {  	s3 =	sshll.u32 s3, $0x3;
	s14 =	sshll.u32 s12, $0xC;
	s15 =	sshll.u32 s12, $0x1  }
0xb: {  	s23 =	sshll.u32 s12, $0x7;
	p0 =	sne.s32 s12, $0x0;
	s6 =	sor.u32 s6, s5  }
0xc: {  	s11 =	sshrl.u32 s10, $0x1;
	s5 =	sor.u32 s8, s5;
	s3 =	sor.u32 s4, s3  }
0xd: {  	s29 =	sor.u32 $0x2480, s14;
	s8 =	sand.u32 $0x8000, s18;
	s19 =	sxor.u32 $0x3480, s14  }
0xe: {  	s25 =	sadd.s32 $0x2483, s23;
	s26 =	sadd.s32 $0x2480, s23;
	[smem:$0x7FA] =	sst s23  }
0xf: {  	s28 =	sor.u32 $0x100, s23;
	s31 =	sadd.s32 $0x2583, s23;
	[smem:$0x7F1] =	sst s19  }
0x10: {  	s18 =	simm.s32 $0x1D200;
	s6 =	sshrl.u32 s6, $0x3;
	[smem:$0x7F6] =	sst s25  }
0x11: {  	s13 =	sshrl.u32 s5, $0x3;
	s17 =	sshll.u32 s3, $0xA;
	[smem:$0x7F7] =	sst s26  }
0x12: {  	s8 =	sadd.s32 s8, s2;
	s21 =	sshllo.u32 s3, $0xA;
	[smem:$0x7F8] =	sst s28  }
0x13: {  	s22 =	sshll.u32 s3, $0xD;
	[smem:$0x7F9] =	sst s31;
	s19 =	simm.s32 $0x1D280  }
0x14: {  	[smem:$0x7FD] =	sst s29;
	s1 =	sadd.s32 s6, s1;
	s6 =	ssub.s32 s10, s11  }
0x15: {  	s0 =	sadd.s32 s0, s13;
	[smem:$0x7F4] =	sst s22;
	v1 =	vmov s17;
	s17 =	simm.s32 $0x1D180  }
0x16: {  	[smem:$0x7EF] =	sst s0;
	s0 =	ssub.s32 s9, s15;
	s1 =	sadd.s32 $0x600, s1  }
0x17: {  	s9 =	sshll.u32 s9, $0x7;
	s24 =	smax.u32 s6, $0x1;
	[smem:$0x7F3] =	sst s1  }
0x18: {  	s0 =	sadd.s32 $0x1, s0;
	s9 =	sand.u32 $0x380, s9;
	[smem:$0x7F5] =	sst s24  }
0x19: {  	s1 =	sadd.s32 $0x2580, s23;
	s10 =	sshll.u32 s0, $0xC;
	s0 =	sshll.u32 s0, $0x7  }
.Ltmp0:
0x1a: {  	s8 =	sadd.s32 s9, s8;
	[smem:$0x7FB] =	sst s1;
	(pc) =	sbr.rel .LBB2_1-.Ltmp0, $4  }
0x1b: {  	v4 =	vlaneseq.u32;
	s1 =	simm.s32 @!p0 $0x0;
	s10 =	sand.u32 $0xFFFF8000, s10;
	[smem:$0x7F0] =	sst s8  }
0x1c: {  	v3 =	vimm.s32 $0x0;
	v5 =	vmul.u32 $0xFFFFFFFF, v4;
	s0 =	sand.u32 $0x380, s0;
	s1 =	simm.s32 @p0 $0x1;
	s2 =	sadd.s32 s10, s2  }
0x1d: {  	v6 =	vimm.s32 $0x400;
	v7 =	vimm.f32 $0.0e+00;
	v2 =	vmov s21;
	s21 =	simm.s32 $0x1;
	[smem:$0x7FC] =	sst s1;
	s0 =	sadd.s32 s0, s2  }
0x1e: {  	v4 =	vadd.s32 $0x1, v4;
	v0 =	vmov s14;
	v5 =	vadd.s32 $0x3FF, v5;
	s23 =	simm.s32 $0x4500;
	s2 =	simm.s32 $0x0;
	[smem:$0x7F2] =	sst s0  }
.LBB2_71:
0x1f: {  	s1 =	simm.s32 $0x2  }
0x20: {  	_ =	swait.ge [sflag:s1], $0x8000  }
0x21: {  	[sflag:s1] =	ssyncset.done $0x0  }
0x22: {  	[sflag:s1] =	ssyncadd.s32 $0xFFFF8000  }
0x23: {  	_ =	swait.ge [sflag:s1], $0x8000  }
0x24: {  	s2 =	sld [smem:$0x7ED]  }
0x25: {  	s0 =	sld [smem:$0x7F5];
	_ =	sdelay $0x1  }
0x26: {  	s2 =	sadd.s32 $0x1, s2  }
0x27: {  	p0 =	sne.s32 s2, s0  }
.Ltmp1:
0x28: {  	_ = 	snop;
	(pc) =	sbr.rel @!p0 .LBB2_72-.Ltmp1, $3  }
0x29: {  	_ =	sdelay $0x1  }
0x2a: {  	[sflag:s1] =	ssyncset.done $0x0  }
0x2b: {  	[sflag:s1] =	ssyncadd.s32 $0xFFFF8000  }
.LBB2_1:
0x2c: {  	s0 =	sld [smem:$0x7EF]  }
0x2d: {  	[smem:$0x7ED] =	sst s2;
	s1 =	simm.s32 $0x80  }
0x2e: {  	s4 =	simm.s32 $0x400;
	s3 =	simm.s32 $0x1000;
	s5 =	simm.s32 $0x3  }
0x2f: {  	[tilespmem:s3], [sflag:$0x3] =	stream.strided.gather [hbm4b:s0+s1], $0x400, s4, s1, $0x38;
	[tilespmem:$0x1D400] =	vst v63  }
0x30: {  	_ =	swait.ge [sflag:s5], $0x400  }
0x31: {  	[sflag:s5] =	ssyncset.done $0x0;
	s6 =	sld [smem:$0x7EE]  }
0x32: {  	[sflag:s5] =	ssyncadd.s32 $0xFFFFFC00  }
0x33: {  	[tilespmem:$0x1400] =	vst v3  }
0x34: {  	[tilespmem:s30], [sflag:$0x3] =	stream.linear.gather [hbm4b:s6+s16], $0x1000, $0x38;
	[tilespmem:$0x1D400] =	vst v63  }
0x35: {  	_ =	swait.ge [sflag:s5], $0x1000  }
0x36: {  	[sflag:s5] =	ssyncset.done $0x0  }
0x37: {  	s7 =	simm.s32 $0x1020;
	[sflag:s5] =	ssyncadd.s32 $0xFFFFF000  }
0x38: {  	v8 =	vld [tilespmem:s7+$0x10];
	_ =	sdelay $0x2  }
0x39: {  	v9 =	vld [tilespmem:s7+$0x0]  }
0x3a: {  	v10 =	vld [tilespmem:s7+$0xFFFFFFE0]  }
0x3b: {  	(xrf0) =	vadd.scan.msk.s32 $0xffff, v8  }
0x3c: {  	v8 =	vld [tilespmem:s7+$0xFFFFFFF0];
	_ =	sdelay $0x1  }
0x3d: {  	s8 =	simm.s32 $0x1060;
	(xrf0) =	vadd.scan.msk.s32 $0xffff, v9  }
0x3e: {  	v9 =	vld [tilespmem:s8+$0x10];
	(xrf0) =	vadd.scan.msk.s32 $0xffff, v10  }
0x3f: {  	v10 =	vld [tilespmem:s8+$0x0]  }
0x40: {  	v11 =	vld [tilespmem:s8+$0xFFFFFFE0];
	(xrf0) =	vadd.scan.msk.s32 $0xffff, v8;
	v8, _, _ =	vpop (xrf0)  }
0x41: {  	v12 =	vxor.u32 $0x80000000, v8  }
0x42: {  	(xrf0) =	vmax.scan.msk.u32 $0xffff, v12  }
0x43: {  	v13, _, _ =	vpop (xrf0);
	(xrf0) =	vadd.scan.msk.s32 $0xffff, v9  }
0x44: {  	v9, _, _ =	vpop (xrf0);
	(xrf0) =	vadd.scan.msk.s32 $0xffff, v10  }
0x45: {  	v12 =	vld [tilespmem:s8+$0xFFFFFFF0];
	v10 =	vxor.u32 $0x80000000, v13;
	(xrf0) =	vadd.scan.msk.s32 $0xffff, v11  }
0x46: {  	v11, _, _ =	vpop (xrf0);
	(xrf0) =	vmax.scan.msk.u32 $0xffff, v10;
	v10 =	vxor.u32 $0x80000000, v9  }
0x47: {  	s9 =	simm.s32 $0x10A0;
	v14 =	vxor.u32 $0x80000000, v11  }
0x48: {  	(xrf0) =	vmax.scan.msk.u32 $0xffff, v14;
	v14 =	vld [tilespmem:s9+$0x10]  }
0x49: {  	v15 =	vld [tilespmem:s9+$0x0];
	(xrf0) =	vmax.scan.msk.u32 $0xffff, v10;
	v10, _, _ =	vpop (xrf0)  }
0x4a: {  	v17 =	vld [tilespmem:s9+$0xFFFFFFE0];
	(xrf0) =	vadd.scan.msk.s32 $0xffff, v12;
	v16, _, _ =	vpop (xrf0)  }
0x4b: {  	(v2sf) =	vpush v10, $0xF;
	v18, _, _ =	vpop (xrf0);
	v10 =	vxor.u32 $0x80000000, v16  }
0x4c: {  	v19, _, _ =	vpop (xrf0);
	(xrf0) =	vmax.scan.msk.u32 $0xffff, v10  }
0x4d: {  	v21, _, _ =	vpop (xrf0);
	(xrf0) =	vadd.scan.msk.s32 $0xffff, v14  }
0x4e: {  	s11 =	simm.s32 $0x1;
	s12 =	simm.s32 $0x1CDA0;
	v14, _, _ =	vpop (xrf0);
	(xrf0) =	vadd.scan.msk.s32 $0xffff, v15  }
0x4f: {  	v20 =	vmov s11;
	[tilespmem:s12+$0x0] =	vst v13;
	v13 =	vxor.u32 $0x80000000, v18;
	v15, _, _ =	vpop (xrf0);
	(xrf0) =	vadd.scan.msk.s32 $0xffff, v17  }
0x50: {  	s14 =	simm.s32 $0x5;
	[tilespmem:s12+$0x10] =	vst v8;
	v10 =	vand.u32 $0xFFFFFFFD, v20;
	v17, _, _ =	vpop (xrf0);
	(xrf0) =	vmax.scan.msk.u32 $0xffff, v13;
	v13 =	vxor.u32 $0x80000000, v19  }
0x51: {  	s22 =	simm.s32 $0x9;
	v23 =	vld [tilespmem:s9+$0xFFFFFFF0];
	[tilespmem:s12+$0xFFFFFFF0] =	vst v11;
	v20 =	vmov s14;
	(v2sf) =	vpush v21, $0xF;
	v11 =	vxor.u32 $0x80000000, v17  }
0x52: {  	v8 =	vand.u32 $0xFFFFFFFD, v20;
	v20 =	vmov s22;
	(v2sf) =	vpush v14, $0xF;
	(xrf0) =	vmax.scan.msk.u32 $0xffff, v11  }
0x53: {  	s15 =	simm.s32 $0xA;
	s24 =	simm.s32 $0x1CDE0;
	s25 =	simm.s32 $0xE;
	[tilespmem:s12+$0xFFFFFFE0] =	vst v9;
	(v2sf) =	vpush v15, $0xF;
	(xrf0) =	vmax.scan.msk.u32 $0xffff, v13;
	v13, _, _ =	vpop (xrf0)  }
0x54: {  	s4 =	simm.s32 $0x10E0;
	v9 =	vmov s15;
	[tilespmem:s24+$0x0] =	vst v18;
	v15 =	vmov s25;
	v18, _, _ =	vpop (xrf0)  }
0x55: {  	v61 =	vld [tilespmem:s4+$0x10];
	[tilespmem:s24+$0x10] =	vst v16;
	v11 =	vand.u32 $0xFFFFFFFE, v9;
	v9 =	vand.u32 $0xFFFFFFFD, v20;
	v20, _, _ =	vpop (xrf0)  }
0x56: {  	s26 =	simm.s32 $0xD;
	[tilespmem:s24+$0xFFFFFFE0] =	vst v19;
	v14 =	vld [tilespmem:s4+$0x0];
	(xrf0) =	vadd.scan.msk.s32 $0xffff, v23;
	v16, _, _ =	vpop (xrf0)  }
0x57: {  	s28 =	simm.s32 $0x3;
	v62 =	vmov s26;
	s1 =	simm.s32 $0x1CE20;
	[tilespmem:s24+$0xFFFFFFF0] =	vst v17;
	v17 =	vld [tilespmem:s4+$0xFFFFFFE0];
	(v2sf) =	vpush v13, $0xF;
	v13 =	vand.u32 $0xFFFFFFFE, v15;
	v15, _, _ =	vpop (xrf0)  }
0x58: {  	s10 =	simm.s32 $0x2;
	v24 =	vmov s28;
	v19 =	vxor.u32 $0x80000000, v18;
	[tilespmem:s1+$0x10] =	vst v18;
	v18, _, _ =	vpop (xrf0);
	(v2sf) =	vpush v15, $0xF  }
0x59: {  	s13 =	simm.s32 $0x6;
	v12 =	vmov s10;
	(xrf0) =	vmax.scan.msk.u32 $0xffff, v19;
	v15 =	vmov s16;
	v63, _, _ =	vpop (xrf0);
	(v2sf) =	vpush v18, $0xF  }
0x5a: {  	v22 =	vand.u32 $0xFFFFFFFE, v12;
	v12 =	vmov s13;
	(xrf0) =	vadd.scan.msk.s32 $0xffff, v61;
	s31 =	spop (v2sf);
	(v2sf) =	vpush v63, $0xF  }
0x5b: {  	v12 =	vand.u32 $0xFFFFFFFE, v12;
	[tilespmem:s1+$0x0] =	vst v20;
	v20 =	vxor.u32 $0x80000000, v20;
	(xrf0) =	vadd.scan.msk.s32 $0xffff, v14  }
0x5c: {  	v19 =	vxor.u32 $0x80000000, v16;
	v14 =	vbroadcast v22, $0x0;
	v25 =	vand.u32 $0xFFFFFFFC, v15;
	(xrf0) =	vadd.scan.msk.s32 $0xffff, v17;
	v18 =	vld [tilespmem:s4+$0xFFFFFFF0];
	s5 =	sxor.u32 $0x80000000, s31;
	v15, _, _ =	vpop (xrf0)  }
0x5d: {  	s2 =	simm.s32 $0x8;
	s3 =	simm.s32 $0x4;
	s0 =	simm.s32 $0xC;
	(xrf0) =	vmax.scan.msk.u32 $0xffff, v20;
	v20 =	vmov s5;
	[tilespmem:s1+$0xFFFFFFF0] =	vst v15;
	v17 =	vxor.u32 $0x80000000, v15  }
0x5e: {  	s7 =	simm.s32 $0x10;
	s4 =	simm.s32 $0x1120;
	s5 =	simm.s32 $0x7;
	v15 =	vand.u32 $0xFFFFFFFD, v62;
	[tilespmem:v24+s17+$0x0] =	vst.idx.msk $0x1, v20;
	(xrf0) =	vmax.scan.msk.u32 $0xffff, v17;
	v17 =	vbroadcast v25, $0x0  }
.LBB2_2:
0x5f: {  	s8 =	sadd.s32 $0x2, s7;
	[tilespmem:s1+$0xFFFFFFE0] =	vst v16;
	(xrf0) =	vmax.scan.msk.u32 $0xffff, v19;
	v16, _, _ =	vpop (xrf0)  }
0x60: {  	v20 =	vld [tilespmem:s4+$0x10];
	s9 =	spop (v2sf);
	v21 =	vmovc v13;
	v13 =	vmovc v10;
	v10 =	vmov v8;
	v8 =	vmov v9;
	v9 =	vmov v15;
	s10 =	smov.u32 s7;
	s6 =	sadd.s32 $0x4, s7  }
0x61: {  	s1 =	sadd.s32 $0x40, s1;
	s11 =	sadd.s32 $0x1, s10;
	v15 =	vld [tilespmem:s4+$0x0];
	v19 =	vmov s8;
	(xrf0) =	vadd.scan.msk.s32 $0xffff, v18;
	v18, _, _ =	vpop (xrf0);
	(v2sf) =	vpush v16, $0xF;
	v22 =	vbroadcast v13, $0x0;
	s8 =	spop (v2sf)  }
0x62: {  	p1 =	slt.u32 s7, $0x3C;
	v25 =	vmov s5;
	s5 =	sxor.u32 $0x80000000, s9;
	v23 =	vld [tilespmem:s4+$0xFFFFFFE0];
	v24 =	vmov s11;
	v13 =	vand.u32 $0xFFFFFFFE, v19;
	[tilespmem:s1+$0x10] =	vst v18;
	v16, _, _ =	vpop (xrf0);
	s7 =	spop (v2sf)  }
0x63: {  	v27 =	vxor.u32 $0x80000000, v18;
	s8 =	sxor.u32 $0x80000000, s8;
	v19 =	vmov s5;
	[tilespmem:s1+$0x0] =	vst v16;
	v26 =	vxor.u32 $0x80000000, v16;
	v16, _, _ =	vpop (xrf0);
	s7 =	sxor.u32 $0x80000000, s7  }
0x64: {  	v28 =	vmov s8;
	(xrf0) =	vmax.scan.msk.u32 $0xffff, v27;
	v18, _, _ =	vpop (xrf0);
	v27 =	vmov s7;
	[tilespmem:v14+s17+$0x0] =	vst.idx.msk $0x1, v19  }
.Ltmp2:
0x65: {  	v19 =	vmov s3;
	s3 =	smov.u32 s2;
	s2 =	smov.u32 s0;
	(xrf0) =	vadd.scan.msk.s32 $0xffff, v20;
	v14, _, _ =	vpop (xrf0);
	(v2sf) =	vpush v18, $0xF;
	[tilespmem:v17+s17+$0x0] =	vst.idx.msk $0x1, v27;
	(pc) =	sbr.rel @p1 .LBB2_2-.Ltmp2, $4  }
0x66: {  	s0 =	smov.u32 s10;
	v17 =	vand.u32 $0xFFFFFFFC, v19;
	v18 =	vld [tilespmem:s4+$0xFFFFFFF0];
	(xrf0) =	vadd.scan.msk.s32 $0xffff, v15;
	v15, _, _ =	vpop (xrf0);
	(v2sf) =	vpush v14, $0xF;
	v14 =	vbroadcast v12, $0x0;
	s5 =	spop (v2sf)  }
0x67: {  	v19 =	vxor.u32 $0x80000000, v16;
	(xrf0) =	vadd.scan.msk.s32 $0xffff, v23;
	v12, _, _ =	vpop (xrf0);
	(v2sf) =	vpush v15, $0xF;
	s5 =	sxor.u32 $0x80000000, s5;
	[tilespmem:v22+s17+$0x0] =	vst.idx.msk $0x1, v28  }
0x68: {  	[tilespmem:s1+$0xFFFFFFF0] =	vst v12;
	v20 =	vxor.u32 $0x80000000, v12;
	(xrf0) =	vmax.scan.msk.u32 $0xffff, v26;
	v22 =	vmov s5;
	v12 =	vmovc v11  }
0x69: {  	s7 =	smov.u32 s6;
	s4 =	sadd.s32 $0x40, s4;
	v17 =	vbroadcast v17, $0x0;
	v15 =	vand.u32 $0xFFFFFFFD, v24;
	s5 =	sadd.s32 $0x3, s3;
	v11 =	vmovc v21;
	(xrf0) =	vmax.scan.msk.u32 $0xffff, v20;
	[tilespmem:v25+s17+$0x0] =	vst.idx.msk $0x1, v22  }
0x6a: {  	(xrf0) =	vmax.scan.msk.u32 $0xffff, v19;
	v33, _, _ =	vpop (xrf0)  }
0x6b: {  	(xrf0) =	vadd.scan.msk.s32 $0xffff, v18;
	v34, _, _ =	vpop (xrf0)  }
0x6c: {  	v20, _, _ =	vpop (xrf0)  }
0x6d: {  	v21, _, _ =	vpop (xrf0)  }
0x6e: {  	v22, _, _ =	vpop (xrf0)  }
0x6f: {  	v23, _, _ =	vpop (xrf0)  }
0x70: {  	v24 =	vxor.u32 $0x80000000, v34;
	v25, _, _ =	vpop (xrf0)  }
0x71: {  	v26 =	vxor.u32 $0x80000000, v20;
	(xrf0) =	vmax.scan.msk.u32 $0xffff, v24;
	v35, _, _ =	vpop (xrf0)  }
0x72: {  	(xrf0) =	vmax.scan.msk.u32 $0xffff, v26;
	v36 =	vxor.u32 $0x80000000, v35  }
0x73: {  	v37 =	vxor.u32 $0x80000000, v21;
	(xrf0) =	vmax.scan.msk.u32 $0xffff, v36  }
0x74: {  	(v2sf) =	vpush v33, $0xF;
	(xrf0) =	vmax.scan.msk.u32 $0xffff, v37  }
0x75: {  	(v2sf) =	vpush v22, $0xF  }
0x76: {  	(v2sf) =	vpush v23, $0xF  }
0x77: {  	(v2sf) =	vpush v25, $0xF;
	v38, _, _ =	vpop (xrf0)  }
0x78: {  	(v2sf) =	vpush v38, $0xF;
	v39, _, _ =	vpop (xrf0)  }
0x79: {  	(v2sf) =	vpush v39, $0xF;
	v40, _, _ =	vpop (xrf0)  }
0x7a: {  	s4 =	spop (v2sf);
	v10 =	vbroadcast v10, $0x0;
	[tilespmem:s1+$0xFFFFFFE0] =	vst v16;
	s22 =	sadd.s32 $0x40, s1;
	v41, _, _ =	vpop (xrf0);
	(v2sf) =	vpush v40, $0xF  }
0x7b: {  	s6 =	spop (v2sf);
	s4 =	sxor.u32 $0x80000000, s4;
	[tilespmem:s22+$0x10] =	vst v34;
	(v2sf) =	vpush v41, $0xF  }
0x7c: {  	s7 =	spop (v2sf);
	v43 =	vmov s4;
	[tilespmem:s22+$0x0] =	vst v20  }
0x7d: {  	v42 =	vmov s5;
	v44 =	vmov s3;
	v12 =	vbroadcast v12, $0x0;
	s24 =	sxor.u32 $0x80000000, s7;
	[tilespmem:v14+s17+$0x0] =	vst.idx.msk $0x1, v43  }
0x7e: {  	v8 =	vbroadcast v8, $0x0;
	v46 =	vand.u32 $0xFFFFFFFC, v44;
	s25 =	sxor.u32 $0x80000000, s6;
	v45 =	vmov s24;
	[tilespmem:s22+$0xFFFFFFE0] =	vst v21  }
0x7f: {  	v47 =	vmov s25;
	v14 =	vbroadcast v46, $0x0;
	[tilespmem:v17+s17+$0x0] =	vst.idx.msk $0x1, v45;
	s26 =	spop (v2sf)  }
0x80: {  	v49 =	vmov s2;
	s6 =	sadd.s32 $0x3, s2;
	[tilespmem:v10+s17+$0x0] =	vst.idx.msk $0x1, v47;
	s4 =	sxor.u32 $0x80000000, s26;
	s28 =	spop (v2sf)  }
0x81: {  	v11 =	vbroadcast v11, $0x0;
	v50 =	vmov s6;
	[tilespmem:s22+$0xFFFFFFF0] =	vst v35;
	v48 =	vmov s4;
	s31 =	spop (v2sf);
	s3 =	sxor.u32 $0x80000000, s28  }
0x82: {  	v9 =	vbroadcast v9, $0x0;
	v51 =	vand.u32 $0xFFFFFFFC, v49;
	[tilespmem:v42+s17+$0x0] =	vst.idx.msk $0x1, v48;
	s7 =	spop (v2sf);
	v52 =	vmov s3;
	s10 =	sxor.u32 $0x80000000, s31  }
0x83: {  	v16 =	vbroadcast v51, $0x0;
	s9 =	sxor.u32 $0x80000000, s7;
	[tilespmem:v12+s17+$0x0] =	vst.idx.msk $0x1, v52;
	v54 =	vmov s10;
	s8 =	spop (v2sf)  }
0x84: {  	s13 =	sadd.s32 $0x3, s0;
	v56 =	vmov s0;
	v53 =	vmov s9;
	[tilespmem:v8+s17+$0x0] =	vst.idx.msk $0x1, v54;
	s11 =	sxor.u32 $0x80000000, s8;
	s12 =	spop (v2sf)  }
0x85: {  	v13 =	vbroadcast v13, $0x0;
	v8 =	vmov s13;
	[tilespmem:v14+s17+$0x0] =	vst.idx.msk $0x1, v53;
	v55 =	vmov s11;
	s14 =	spop (v2sf);
	s15 =	sxor.u32 $0x80000000, s12  }
0x86: {  	v60 =	vbroadcast v15, $0x0;
	v57 =	vand.u32 $0xFFFFFFFC, v56;
	[tilespmem:v50+s17+$0x0] =	vst.idx.msk $0x1, v55;
	s16 =	spop (v2sf);
	v58 =	vmov s15;
	s2 =	sxor.u32 $0x80000000, s14  }
0x87: {  	v12 =	vbroadcast v57, $0x0;
	s1 =	sxor.u32 $0x80000000, s16;
	[tilespmem:v11+s17+$0x0] =	vst.idx.msk $0x1, v58;
	v61 =	vmov s2;
	s22 =	spop (v2sf)  }
0x88: {  	p2 =	por $0x1, $0x1;
	v59 =	vmov s1;
	[tilespmem:v9+s17+$0x0] =	vst.idx.msk $0x1, v61;
	s24 =	spop (v2sf);
	s0 =	sxor.u32 $0x80000000, s22  }
.Ltmp3:
0x89: {  	[tilespmem:v16+s17+$0x0] =	vst.idx.msk $0x1, v59;
	v62 =	vmov s0;
	s26 =	sxor.u32 $0x80000000, s24;
	s25 =	spop (v2sf);
	(pc) =	sbr.rel @!p2 .LBB2_4-.Ltmp3, $4  }
0x8a: {  	[tilespmem:v8+s17+$0x0] =	vst.idx.msk $0x1, v62;
	v8 =	vmov s26;
	s28 =	spop (v2sf);
	s31 =	sxor.u32 $0x80000000, s25  }
0x8b: {  	[tilespmem:v13+s17+$0x0] =	vst.idx.msk $0x1, v8;
	s1 =	sxor.u32 $0x80000000, s28;
	v8 =	vmov s31  }
0x8c: {  	v63 =	vmov s1;
	[tilespmem:v60+s17+$0x0] =	vst.idx.msk $0x1, v8  }
0x8d: {  	p1 =	por $0x0, $0x0;
	s0 =	simm.s32 $0x0;
	s1 =	simm.s32 $0x0;
	[tilespmem:v12+s17+$0x0] =	vst.idx.msk $0x1, v63  }
0x8e: {  	v8 =	vld [tilespmem:s1+$0x1D180];
	_ =	sdelay $0x4  }
0x8f: {  	(xrf0) =	vadd.scan.msk.s32 $0xffff, v8;
	_ =	sdelay $0x5  }
0x90: {  	v8, _, _ =	vpop (xrf0)  }
0x91: {  	v8 =	vadd.s32 s0, v8  }
0x92: {  	v9 =	vxor.u32 $0x80000000, v8  }
0x93: {  	(xrf0) =	vmax.scan.msk.u32 $0xffff, v9;
	_ =	sdelay $0x5  }
0x94: {  	p2 =	por $0x1, $0x1;
	[tilespmem:s1+$0x1D180] =	vst v8;
	v8, _, _ =	vpop (xrf0)  }
.Ltmp4:
0x95: {  	(v2sf) =	vpush v8, $0xF;
	(pc) =	sbr.rel @!p2 .LBB2_7-.Ltmp4, $2  }
0x96: {  	_ =	sdelay $0x2  }
0x97: {  	s2 =	simm.s32 $0x80;
	p1 =	por $0x1, $0x1;
	s1 =	simm.s32 $0x10  }
.LBB2_6:
0x98: {  	p2 =	sne.s32 s2, $0xC0;
	v8 =	vld [tilespmem:s1+$0x1D180];
	_ =	sdelay $0x4  }
0x99: {  	(xrf0) =	vadd.scan.msk.s32 $0xffff, v8;
	_ =	sdelay $0x4  }
0x9a: {  	s3 =	spop (v2sf)  }
0x9b: {  	v8, _, _ =	vpop (xrf0);
	s3 =	sxor.u32 $0x80000000, s3  }
0x9c: {  	v8 =	vadd.s32 s3, v8  }
0x9d: {  	[tilespmem:s1+$0x1D180] =	vst v8;
	v8 =	vxor.u32 $0x80000000, v8  }
0x9e: {  	(xrf0) =	vmax.scan.msk.u32 $0xffff, v8;
	_ =	sdelay $0x5  }
0x9f: {  	v8, _, _ =	vpop (xrf0)  }
.Ltmp5:
0xa0: {  	(v2sf) =	vpush v8, $0xF;
	(pc) =	sbr.rel @p2 .LBB2_6-.Ltmp5, $2  }
0xa1: {  	_ =	sdelay $0x2  }
0xa2: {  	s1 =	sshra.s32 s2, $0x2;
	s2 =	sadd.s32 $0x40, s2  }
.LBB2_7:
0xa3: {  	_ = 	snop  }
0xa4: {  	v8 =	vld [tilespmem:s1+$0x1D180];
	_ =	sdelay $0x4  }
0xa5: {  	(xrf0) =	vadd.scan.msk.s32 $0xffff, v8;
	_ =	sdelay $0x3  }
0xa6: {  	s2 =	spop @p1 (v2sf)  }
0xa7: {  	s3 =	simm.s32 $0x0;
	s2 =	sxor.u32 @p1 $0x80000000, s2  }
0xa8: {  	v8, _, _ =	vpop (xrf0);
	s3 =	smov.u32 @p1 s2  }
0xa9: {  	v8 =	vadd.s32 s3, v8  }
0xaa: {  	v9 =	vxor.u32 $0x80000000, v8  }
0xab: {  	(xrf0) =	vmax.scan.msk.u32 $0xffff, v9;
	_ =	sdelay $0x5  }
0xac: {  	v9, _, _ =	vpop (xrf0)  }
0xad: {  	(v2sf) =	vpush v9, $0xF;
	_ =	sdelay $0xe  }
0xae: {  	s6 =	spop (v2sf)  }
0xaf: {  	s13 =	sxor.u32 $0x80000000, s6  }
0xb0: {  	[tilespmem:s1+$0x1D180] =	vst v8;
	v8 =	vmov s13  }
0xb1: {  	s14 =	simm.s32 $0x1D182;
	[smem:$0x7EC] =	sst s13;
	[tilespmem:$0x1D1C0] =	vst v8  }
0xb2: {  	v9 =	vld [tilespmem:s14+$0xFFFFFFFE]  }
0xb3: {  	v10 =	vld [tilespmem:s14+$0xFFFFFFFF]  }
0xb4: {  	s15 =	smax.u32 s0, $0x1;
	v11 =	vld [tilespmem:s14+$0x0]  }
0xb5: {  	v12 =	vld [tilespmem:s15+$0x1D17F];
	_ =	sdelay $0x1  }
0xb6: {  	v9 =	vxor.u32 $0x80000000, v9  }
0xb7: {  	v10 =	vxor.u32 $0x80000000, v10;
	(xrf0) =	vmin.scan.msk.u32 $0xffff, v9  }
0xb8: {  	v9 =	vxor.u32 $0x80000000, v11;
	(xrf0) =	vmin.scan.msk.u32 $0xffff, v10  }
0xb9: {  	(xrf0) =	vmin.scan.msk.u32 $0xffff, v9;
	v9 =	vxor.u32 $0x80000000, v12  }
0xba: {  	(xrf0) =	vmin.scan.msk.u32 $0xffff, v9;
	_ =	sdelay $0x2  }
0xbb: {  	v9, _, _ =	vpop (xrf0)  }
0xbc: {  	(v2sf) =	vpush v9, $0xF;
	v9, _, _ =	vpop (xrf0)  }
0xbd: {  	(v2sf) =	vpush v9, $0xF;
	v9, _, _ =	vpop (xrf0)  }
0xbe: {  	(v2sf) =	vpush v9, $0xF;
	v9, _, _ =	vpop (xrf0)  }
0xbf: {  	(v2sf) =	vpush v9, $0xF;
	_ =	sdelay $0x1  }
0xc0: {  	s16 =	simm.s32 $0x1D186  }
0xc1: {  	v9 =	vld [tilespmem:s16+$0xFFFFFFFE];
	_ =	sdelay $0x1  }
0xc2: {  	s1 =	simm.s32 $0x4;
	v10 =	vld [tilespmem:s16+$0xFFFFFFFF]  }
0xc3: {  	s22 =	smax.u32 s1, $0x1;
	v11 =	vld [tilespmem:s16+$0x0]  }
0xc4: {  	v12 =	vld [tilespmem:s22+$0x1D17F]  }
0xc5: {  	v9 =	vxor.u32 $0x80000000, v9  }
0xc6: {  	s4 =	simm.s32 $0x1D18A;
	(xrf0) =	vmin.scan.msk.u32 $0xffff, v9  }
0xc7: {  	s5 =	simm.s32 $0x1CDA0;
	v13 =	vld [tilespmem:s4+$0xFFFFFFFE];
	v10 =	vxor.u32 $0x80000000, v10  }
0xc8: {  	v15 =	vld [tilespmem:s5+$0xFFFFFFF0];
	v9 =	vxor.u32 $0x80000000, v11;
	(xrf0) =	vmin.scan.msk.u32 $0xffff, v10  }
0xc9: {  	v11 =	vld [tilespmem:s4+$0xFFFFFFFF];
	(xrf0) =	vmin.scan.msk.u32 $0xffff, v9;
	v9 =	vxor.u32 $0x80000000, v12;
	s24 =	spop (v2sf)  }
0xca: {  	s7 =	simm.s32 $0x1;
	s8 =	simm.s32 $0x2;
	v12 =	vld [tilespmem:s5+$0xFFFFFFE0];
	(xrf0) =	vmin.scan.msk.u32 $0xffff, v9;
	s25 =	spop (v2sf)  }
0xcb: {  	v17 =	vld [tilespmem:s5+$0x0];
	v10 =	vmov s8;
	v9 =	vmov s7;
	s9 =	spop (v2sf)  }
0xcc: {  	v16 =	vand.u32 $0xFFFFFFFE, v10;
	s7 =	simm.s32 $0x1021;
	v9 =	vand.u32 $0xFFFFFFFD, v9;
	v18, _, _ =	vpop (xrf0);
	s26 =	spop (v2sf)  }
0xcd: {  	p1 =	por $0x1, $0x1;
	v10 =	vbroadcast v9, $0x0;
	v9 =	vbroadcast v16, $0x0;
	s2 =	sxor.u32 $0x80000000, s24;
	(v2sf) =	vpush v18, $0xF;
	v18 =	vld [tilespmem:s7+$0xFFFFFFE0];
	s8 =	sxor.u32 $0x80000000, s26  }
0xce: {  	v16 =	vxor.u32 $0x80000000, v13;
	v13 =	vxor.u32 $0x80000000, v11;
	v11, _, _ =	vpop (xrf0);
	v15 =	vadd.s32 s2, v15;
	s8 =	simm.s32 @p1 $0x0  }
0xcf: {  	s28 =	sxor.u32 $0x80000000, s25;
	(v2sf) =	vpush v11, $0xF;
	v11, _, _ =	vpop (xrf0);
	vm1 =	vlt.s32 v15, v0;
	v12 =	vadd.s32 s8, v12  }
0xd0: {  	v19 =	vld [tilespmem:s5+$0x10];
	v17 =	vadd.s32 s28, v17;
	(v2sf) =	vpush v11, $0xF;
	v11, _, _ =	vpop (xrf0);
	vm0 =	vlt.s32 v12, v0  }
0xd1: {  	v14 =	vld [tilespmem:s4+$0x0];
	(v2sf) =	vpush v11, $0xF;
	v11 =	vsub.s32 v12, v0;
	v20 =	vsel vm0, $0x1, v3  }
0xd2: {  	v12 =	vmov s0;
	vm0 =	vne.s32 v18, $0x0;
	vm3 =	vlt.u32 v11, $0x1000;
	(xrf0) =	vadd.scan.msk.s32 $0xffff, v20  }
0xd3: {  	vm2 =	vlt.s32 v17, v0;
	v18 =	vand.u32 $0xFFFFFFFC, v12;
	vm0 =	vmand vm0, vm3  }
0xd4: {  	s31 =	sxor.u32 $0x80000000, s9;
	v20 =	vld [tilespmem:s7+$0x10];
	v12 =	vnsel vm0, $0x0, v11;
	v11 =	vbroadcast v18, $0x0;
	v18 =	vsel vm1, $0x1, v3  }
0xd5: {  	s3 =	simm.s32 $0x30;
	v21 =	vld [tilespmem:s7+$0xFFFFFFF0];
	v19 =	vadd.s32 s31, v19;
	v22 =	vsel vm2, $0x1, v3;
	(xrf0) =	vadd.scan.msk.s32 $0xffff, v18  }
0xd6: {  	v23 =	vmov s3;
	v14 =	vxor.u32 $0x80000000, v14;
	vm1 =	vlt.s32 v19, v0;
	(xrf0) =	vadd.scan.msk.s32 $0xffff, v22;
	v22 =	vld [tilespmem:s7+$0x0]  }
0xd7: {  	v15 =	vsub.s32 v15, v0;
	v18 =	vsub.s32 v19, v0;
	v19 =	vsel vm1, $0x1, v3  }
0xd8: {  	s12 =	simm.s32 $0x0;
	s10 =	simm.s32 $0x20;
	s2 =	simm.s32 $0x8;
	v17 =	vsub.s32 v17, v0;
	vm3 =	veq.s32 v23, v5;
	vm1 =	vlt.u32 v15, $0x1000;
	v24, _, _ =	vpop (xrf0);
	(xrf0) =	vadd.scan.msk.s32 $0xffff, v19  }
0xd9: {  	s9 =	simm.s32 $0x10;
	s11 =	smax.u32 s2, $0x1;
	s8 =	simm.s32 $0xC;
	vm2 =	vne.s32 v20, $0x0;
	v20 =	vor.u32 s12, v4;
	v19 =	vbroadcast v24, $0xF  }
.LBB2_8:
0xda: {  	p1 =	slt.u32 s8, $0x3C;
	v23 =	vld [tilespmem:s11+$0x1D17F];
	[tilespmem:v12+s30+$0x0] =	vst.idx.msk vm0, v20;
	vm0 =	vlt.u32 v17, $0x1000;
	vm2 =	vmor vm3, vm2;
	vm3 =	vlt.u32 v18, $0x1000  }
0xdb: {  	s4 =	sadd.s32 $0x4, s4;
	vm4 =	vne.s32 v21, $0x0;
	vm5 =	vne.s32 v22, $0x0;
	[tilespmem:v11+s18+$0x0] =	vst.idx.msk $0x1, v19;
	vm2 =	vmand vm2, vm3  }
0xdc: {  	vm1 =	vmand vm4, vm1;
	vm0 =	vmand vm5, vm0;
	v11 =	vld [tilespmem:s4+$0xFFFFFFFE];
	(xrf0) =	vmin.scan.msk.u32 $0xffff, v16;
	v12 =	vnsel vm2, $0x0, v18;
	v16, _, _ =	vpop (xrf0)  }
0xdd: {  	v17 =	vnsel vm0, $0x0, v17;
	v18 =	vld [tilespmem:s4+$0xFFFFFFFF];
	(xrf0) =	vmin.scan.msk.u32 $0xffff, v13;
	s11 =	spop (v2sf);
	v13 =	vnsel vm1, $0x0, v15;
	v15 =	vbroadcast v16, $0xF;
	v16, _, _ =	vpop (xrf0)  }
0xde: {  	v20 =	vor.u32 s10, v4;
	s5 =	sadd.s32 $0x40, s5;
	v19 =	vld [tilespmem:s4+$0x0];
	(xrf0) =	vmin.scan.msk.u32 $0xffff, v14;
	s12 =	spop (v2sf);
	v14 =	vadd.s32 s9, v4;
	v22 =	vbroadcast v16, $0xF;
	v16, _, _ =	vpop (xrf0)  }
0xdf: {  	s10 =	sadd.s32 $0x1, s1;
	s13 =	sadd.s32 $0x2, s1;
	v24 =	vadd.s32 s3, v4;
	v21 =	vxor.u32 $0x80000000, v23;
	v23 =	vld [tilespmem:s5+$0xFFFFFFE0];
	s9 =	spop (v2sf);
	v25 =	vbroadcast v16, $0xF  }
0xe0: {  	v26 =	vmov s13;
	v16 =	vmov s10;
	s10 =	sadd.s32 $0x3, s0;
	s0 =	smov.u32 s1;
	s1 =	smov.u32 s2;
	(xrf0) =	vmin.scan.msk.u32 $0xffff, v21;
	v21 =	vld [tilespmem:s5+$0xFFFFFFF0]  }
0xe1: {  	v26 =	vand.u32 $0xFFFFFFFE, v26;
	s2 =	smov.u32 s8;
	v16 =	vand.u32 $0xFFFFFFFD, v16;
	v27 =	vld [tilespmem:s5+$0x0];
	s13 =	spop (v2sf);
	[tilespmem:v12+s30+$0x0] =	vst.idx.msk vm2, v24;
	v12 =	vmov s10  }
0xe2: {  	s7 =	sadd.s32 $0x40, s7;
	v26 =	vbroadcast v26, $0x0;
	p2 =	seq.s32 s0, $0x0;
	v28 =	vbroadcast v16, $0x0;
	v24, _, _ =	vpop (xrf0);
	s10 =	sxor.u32 $0x80000000, s13;
	v29 =	vld [tilespmem:s5+$0x10];
	[tilespmem:v13+s30+$0x0] =	vst.idx.msk vm1, v14  }
0xe3: {  	v16 =	vxor.u32 $0x80000000, v11;
	v13 =	vxor.u32 $0x80000000, v18;
	(v2sf) =	vpush v24, $0xF;
	v11, _, _ =	vpop (xrf0);
	s10 =	simm.s32 @p2 $0x0;
	v18 =	vld [tilespmem:s7+$0xFFFFFFE0];
	[tilespmem:v10+s18+$0x0] =	vst.idx.msk $0x1, v15  }
0xe4: {  	v14 =	vxor.u32 $0x80000000, v19;
	(v2sf) =	vpush v11, $0xF;
	v10, _, _ =	vpop (xrf0);
	v11 =	vadd.s32 s10, v23;
	s10 =	sxor.u32 $0x80000000, s11;
	v19 =	vld [tilespmem:s7+$0x10];
	[tilespmem:v17+s30+$0x0] =	vst.idx.msk vm0, v20  }
0xe5: {  	(v2sf) =	vpush v10, $0xF;
	vm0 =	vlt.s32 v11, v0;
	v15 =	vadd.s32 s10, v21;
	v21 =	vld [tilespmem:s7+$0xFFFFFFF0];
	s10 =	sxor.u32 $0x80000000, s12;
	[tilespmem:v9+s18+$0x0] =	vst.idx.msk $0x1, v22;
	v10 =	vmovc v28  }
0xe6: {  	v9, _, _ =	vpop (xrf0);
	v17 =	vsel vm0, $0x1, v3;
	vm1 =	vlt.s32 v15, v0;
	v20 =	vadd.s32 s10, v27;
	v22 =	vld [tilespmem:s7+$0x0];
	[tilespmem:v12+s18+$0x0] =	vst.idx.msk $0x1, v25  }
0xe7: {  	v11 =	vsub.s32 v11, v0;
	(v2sf) =	vpush v9, $0xF;
	vm2 =	vlt.s32 v20, v0;
	(xrf0) =	vadd.scan.msk.s32 $0xffff, v17;
	v9 =	vmovc v26  }
0xe8: {  	s9 =	sxor.u32 $0x80000000, s9;
	vm3 =	vlt.u32 v11, $0x1000;
	v12 =	vmov s0;
	vm0 =	vne.s32 v18, $0x0  }
0xe9: {  	v17 =	vand.u32 $0xFFFFFFFC, v12;
	v18 =	vadd.s32 s9, v29;
	vm0 =	vmand vm0, vm3  }
.Ltmp6:
0xea: {  	v12 =	vnsel vm0, $0x0, v11;
	v11 =	vbroadcast v17, $0x0;
	v17 =	vsel vm1, $0x1, v3;
	(pc) =	sbr.rel @p1 .LBB2_8-.Ltmp6, $4  }
0xeb: {  	v15 =	vsub.s32 v15, v0;
	v23 =	vsel vm2, $0x1, v3;
	vm1 =	vlt.s32 v18, v0;
	(xrf0) =	vadd.scan.msk.s32 $0xffff, v17  }
0xec: {  	s3 =	sadd.s32 $0x40, s3;
	v18 =	vsub.s32 v18, v0;
	v17 =	vsub.s32 v20, v0;
	v20 =	vsel vm1, $0x1, v3;
	(xrf0) =	vadd.scan.msk.s32 $0xffff, v23  }
0xed: {  	s12 =	sadd.s32 $0xFFFFFFD0, s3;
	s10 =	sadd.s32 $0xFFFFFFF0, s3;
	s9 =	sadd.s32 $0xFFFFFFE0, s3;
	vm2 =	vne.s32 v19, $0x0;
	vm1 =	vlt.u32 v15, $0x1000;
	v23 =	vmov s3;
	v19, _, _ =	vpop (xrf0);
	(xrf0) =	vadd.scan.msk.s32 $0xffff, v20  }
0xee: {  	s8 =	sadd.s32 $0x4, s8;
	s11 =	smax.u32 s2, $0x1;
	v20 =	vor.u32 s12, v4;
	vm3 =	veq.s32 v23, v5;
	v19 =	vbroadcast v19, $0xF  }
0xef: {  	v23 =	vld [tilespmem:s11+$0x1D17F];
	(xrf0) =	vmin.scan.msk.u32 $0xffff, v16;
	s8 =	sadd.s32 $0x40, s5;
	s5 =	sadd.s32 $0x40, s7  }
0xf0: {  	vm6 =	vne.s32 v22, $0x0;
	(xrf0) =	vmin.scan.msk.u32 $0xffff, v13;
	v22 =	vld [tilespmem:s5+$0xFFFFFFE0]  }
0xf1: {  	vm2 =	vmor vm3, vm2;
	vm15 =	vlt.u32 v18, $0x1000;
	v26 =	vld [tilespmem:s8+$0x10];
	(xrf0) =	vmin.scan.msk.u32 $0xffff, v14  }
0xf2: {  	vm4 =	vlt.u32 v17, $0x1000;
	vm5 =	vne.s32 v21, $0x0;
	vm7 =	vmand vm2, vm15;
	v13, _, _ =	vpop (xrf0);
	s4 =	spop (v2sf)  }
0xf3: {  	v24 =	vld [tilespmem:s8+$0xFFFFFFF0];
	vm5 =	vmand vm5, vm1;
	vm3 =	vmand vm6, vm4;
	v18 =	vnsel vm7, $0x0, v18;
	v16, _, _ =	vpop (xrf0);
	s14 =	spop (v2sf)  }
0xf4: {  	v14 =	vld [tilespmem:s8+$0xFFFFFFE0];
	v15 =	vnsel vm5, $0x0, v15;
	v17 =	vnsel vm3, $0x0, v17;
	v13 =	vbroadcast v13, $0xF;
	v25, _, _ =	vpop (xrf0);
	s12 =	spop (v2sf)  }
0xf5: {  	v16 =	vbroadcast v16, $0xF;
	v23 =	vxor.u32 $0x80000000, v23;
	v25 =	vbroadcast v25, $0xF;
	v21, _, _ =	vpop (xrf0);
	s16 =	sxor.u32 $0x80000000, s12  }
0xf6: {  	(xrf0) =	vmin.scan.msk.u32 $0xffff, v23;
	v23 =	vld [tilespmem:s8+$0x0];
	vm11 =	vne.s32 v22, $0x0;
	s13 =	spop (v2sf);
	(v2sf) =	vpush v21, $0xF;
	v21, _, _ =	vpop (xrf0);
	v26 =	vadd.s32 s16, v26  }
0xf7: {  	p1 =	seq.s32 s1, $0x0;
	s4 =	sxor.u32 $0x80000000, s4;
	s7 =	sxor.u32 $0x80000000, s13;
	(v2sf) =	vpush v21, $0xF;
	v21, _, _ =	vpop (xrf0);
	vm14 =	vlt.s32 v26, v0;
	v26 =	vsub.s32 v26, v0  }
0xf8: {  	s13 =	sadd.s32 $0x1, s2;
	s7 =	simm.s32 @p1 $0x0;
	(v2sf) =	vpush v21, $0xF;
	v21 =	vadd.s32 s4, v24;
	v31 =	vsel vm14, $0x1, v3  }
0xf9: {  	v22 =	vld [tilespmem:s5+$0xFFFFFFF0];
	s4 =	sadd.s32 $0x40, s3;
	vm14 =	vlt.u32 v26, $0x1000;
	v33 =	vmov s13;
	v14 =	vadd.s32 s7, v14  }
0xfa: {  	v27 =	vld [tilespmem:s5+$0x10];
	s15 =	sxor.u32 $0x80000000, s14;
	vm10 =	vlt.s32 v21, v0;
	v21 =	vsub.s32 v21, v0;
	v32 =	vmov s4  }
0xfb: {  	vm9 =	vlt.s32 v14, v0;
	v14 =	vsub.s32 v14, v0;
	v23 =	vadd.s32 s15, v23  }
0xfc: {  	v29 =	vsel vm10, $0x1, v3;
	vm15 =	vlt.u32 v21, $0x1000;
	v24 =	vsel vm9, $0x1, v3;
	v28, _, _ =	vpop (xrf0)  }
0xfd: {  	vm12 =	vlt.u32 v14, $0x1000;
	vm13 =	vlt.s32 v23, v0;
	(v2sf) =	vpush v28, $0xF  }
0xfe: {  	[tilespmem:v12+s30+$0x0] =	vst.idx.msk vm0, v20;
	v23 =	vsub.s32 v23, v0;
	vm9 =	vne.s32 v22, $0x0;
	v22 =	vadd.s32 s9, v4  }
0xff: {  	[tilespmem:v11+s18+$0x0] =	vst.idx.msk $0x1, v19;
	vm2 =	vmand vm11, vm12;
	v30 =	vsel vm13, $0x1, v3;
	vm12 =	vne.s32 v27, $0x0  }
0x100: {  	vm13 =	veq.s32 v32, v5;
	vm8 =	vlt.u32 v23, $0x1000;
	vm15 =	vmand vm9, vm15;
	(xrf0) =	vadd.scan.msk.s32 $0xffff, v24  }
0x101: {  	s24 =	sadd.s32 $0x2, s1;
	v24 =	vor.u32 s10, v4;
	v27 =	vadd.s32 s3, v4;
	[tilespmem:v15+s30+$0x0] =	vst.idx.msk vm5, v22;
	vm4 =	vmor vm13, vm12  }
0x102: {  	s15 =	sadd.s32 $0x2, s2;
	v28 =	vld [tilespmem:s5+$0x0];
	(xrf0) =	vadd.scan.msk.s32 $0xffff, v29;
	v29 =	vmov s24;
	v14 =	vnsel vm2, $0x0, v14;
	[tilespmem:v17+s30+$0x0] =	vst.idx.msk vm3, v24  }
0x103: {  	s0 =	sadd.s32 $0x3, s0;
	v19 =	vnsel vm15, $0x0, v21;
	v24 =	vadd.s32 s4, v4;
	[tilespmem:v10+s18+$0x0] =	vst.idx.msk $0x1, v13;
	v13 =	vmov s15  }
0x104: {  	s16 =	sadd.s32 $0x3, s1;
	s5 =	sadd.s32 $0x40, s5;
	vm6 =	vmand vm4, vm14;
	(xrf0) =	vadd.scan.msk.s32 $0xffff, v30;
	v29 =	vand.u32 $0xFFFFFFFE, v29;
	v30 =	vmov s0  }
0x105: {  	v34 =	vld [tilespmem:s5+$0xFFFFFFE0];
	[tilespmem:v9+s18+$0x0] =	vst.idx.msk $0x1, v16;
	v9 =	vand.u32 $0xFFFFFFFE, v13;
	v13 =	vmov s16;
	(xrf0) =	vadd.scan.msk.s32 $0xffff, v31  }
0x106: {  	s22 =	sadd.s32 $0x1, s1;
	v31 =	vmov s1;
	v12 =	vbroadcast v29, $0x0;
	v11 =	vnsel vm6, $0x0, v26  }
0x107: {  	s28 =	sadd.s32 $0x40, s8;
	s25 =	sadd.s32 $0xFFFFFFD0, s4;
	v20 =	vand.u32 $0xFFFFFFFC, v31;
	vm10 =	vne.s32 v28, $0x0;
	v28 =	vmov s22  }
0x108: {  	[tilespmem:v18+s30+$0x0] =	vst.idx.msk vm7, v27;
	v26 =	vld [tilespmem:s28+$0xFFFFFFF0];
	v18 =	vbroadcast v20, $0x0;
	v20 =	vor.u32 s25, v4;
	v28 =	vand.u32 $0xFFFFFFFD, v28;
	v29, _, _ =	vpop (xrf0)  }
0x109: {  	v59 =	vld [tilespmem:s28+$0x0];
	s10 =	sadd.s32 $0xFFFFFFE0, s4;
	vm9 =	vmand vm10, vm8;
	v28 =	vbroadcast v28, $0x0;
	v27 =	vbroadcast v29, $0xF;
	v29, _, _ =	vpop (xrf0);
	s26 =	spop (v2sf)  }
0x10a: {  	v31 =	vld [tilespmem:s28+$0xFFFFFFE0];
	[tilespmem:v14+s30+$0x0] =	vst.idx.msk vm2, v20;
	vm12 =	vne.s32 v34, $0x0;
	v15 =	vnsel vm9, $0x0, v23;
	v23 =	vadd.s32 s10, v4;
	v22, _, _ =	vpop (xrf0);
	s31 =	spop (v2sf)  }
0x10b: {  	s11 =	sadd.s32 $0xFFFFFFF0, s4;
	v16 =	vld [tilespmem:s28+$0x10];
	v21 =	vbroadcast v29, $0xF;
	[tilespmem:v11+s30+$0x0] =	vst.idx.msk vm6, v24;
	v11 =	vmov s2;
	v17 =	vbroadcast v22, $0xF;
	v22, _, _ =	vpop (xrf0);
	s12 =	spop (v2sf)  }
0x10c: {  	[tilespmem:v30+s18+$0x0] =	vst.idx.msk $0x1, v25;
	v29 =	vor.u32 s11, v4;
	v11 =	vand.u32 $0xFFFFFFFC, v11;
	v10 =	vbroadcast v22, $0xF;
	s22 =	sxor.u32 $0x80000000, s26;
	s14 =	spop (v2sf)  }
0x10d: {  	p1 =	seq.s32 s2, $0x0;
	[tilespmem:v19+s30+$0x0] =	vst.idx.msk vm15, v23;
	v22 =	vand.u32 $0xFFFFFFFD, v33;
	v11 =	vbroadcast v11, $0x0;
	v25 =	vadd.s32 s22, v26;
	s0 =	sxor.u32 $0x80000000, s31;
	s8 =	sxor.u32 $0x80000000, s14  }
0x10e: {  	s25 =	sadd.s32 $0x40, s4;
	[tilespmem:v18+s18+$0x0] =	vst.idx.msk $0x1, v27;
	v18 =	vld [tilespmem:s5+$0x10];
	vm11 =	vlt.s32 v25, v0;
	v26 =	vadd.s32 s0, v59;
	v23 =	vsub.s32 v25, v0;
	s8 =	simm.s32 @p1 $0x0  }
0x10f: {  	s24 =	sxor.u32 $0x80000000, s12;
	v25 =	vmov s25;
	vm14 =	vlt.s32 v26, v0;
	[tilespmem:v28+s18+$0x0] =	vst.idx.msk $0x1, v21;
	v21 =	vld [tilespmem:s5+$0x0];
	v31 =	vadd.s32 s8, v31  }
0x110: {  	[tilespmem:v15+s30+$0x0] =	vst.idx.msk vm9, v29;
	v16 =	vadd.s32 s24, v16;
	vm9 =	veq.s32 v25, v5;
	vm10 =	vlt.s32 v31, v0  }
0x111: {  	v19 =	vld [tilespmem:s5+$0xFFFFFFF0];
	v24 =	vsel vm14, $0x1, v3;
	v20 =	vsub.s32 v31, v0;
	v14 =	vsel vm10, $0x1, v3  }
0x112: {  	vm15 =	vlt.s32 v16, v0;
	v15 =	vsub.s32 v16, v0;
	vm13 =	vlt.u32 v20, $0x1000;
	(xrf0) =	vadd.scan.msk.s32 $0xffff, v14  }
0x113: {  	[tilespmem:v12+s18+$0x0] =	vst.idx.msk $0x1, v17;
	v12 =	vsel vm15, $0x1, v3;
	vm8 =	vne.s32 v18, $0x0;
	vm0 =	vmand vm12, vm13  }
0x114: {  	vm1 =	vmor vm9, vm8;
	vm15 =	vne.s32 v21, $0x0;
	v20 =	vnsel vm0, $0x0, v20  }
0x115: {  	[tilespmem:v13+s18+$0x0] =	vst.idx.msk $0x1, v10;
	vm10 =	vlt.u32 v15, $0x1000;
	v14 =	vsel vm11, $0x1, v3;
	vm11 =	vlt.u32 v23, $0x1000  }
0x116: {  	vm12 =	vne.s32 v19, $0x0;
	vm1 =	vmand vm1, vm10;
	(xrf0) =	vadd.scan.msk.s32 $0xffff, v14;
	v14 =	vsub.s32 v26, v0  }
0x117: {  	s26 =	sadd.s32 $0xFFFFFFD0, s25;
	vm13 =	vmand vm12, vm11;
	v15 =	vnsel vm1, $0x0, v15;
	(xrf0) =	vadd.scan.msk.s32 $0xffff, v24;
	vm14 =	vlt.u32 v14, $0x1000  }
0x118: {  	v10 =	vor.u32 s26, v4;
	(xrf0) =	vadd.scan.msk.s32 $0xffff, v12;
	v12 =	vnsel vm13, $0x0, v23;
	vm3 =	vmand vm15, vm14;
	v16, _, _ =	vpop (xrf0)  }
0x119: {  	v22 =	vbroadcast v22, $0x0;
	[tilespmem:v20+s30+$0x0] =	vst.idx.msk vm0, v10;
	v10 =	vnsel vm3, $0x0, v14;
	v13 =	vbroadcast v16, $0xF  }
0x11a: {  	v9 =	vbroadcast v9, $0x0  }
0x11b: {  	s28 =	sadd.s32 $0xFFFFFFE0, s25;
	s31 =	sadd.s32 $0x3, s2;
	[tilespmem:v11+s18+$0x0] =	vst.idx.msk $0x1, v13;
	v13 =	vadd.s32 s25, v4  }
0x11c: {  	s0 =	sadd.s32 $0xFFFFFFF0, s25;
	v14 =	vadd.s32 s28, v4;
	v11, _, _ =	vpop (xrf0);
	[tilespmem:v15+s30+$0x0] =	vst.idx.msk vm1, v13;
	v13 =	vmov s31  }
0x11d: {  	[tilespmem:v12+s30+$0x0] =	vst.idx.msk vm13, v14;
	v12 =	vor.u32 s0, v4;
	v11 =	vbroadcast v11, $0xF;
	v15, _, _ =	vpop (xrf0)  }
0x11e: {  	v14 =	vbroadcast v15, $0xF;
	v15, _, _ =	vpop (xrf0);
	[tilespmem:v10+s30+$0x0] =	vst.idx.msk vm3, v12  }
0x11f: {  	[tilespmem:v22+s18+$0x0] =	vst.idx.msk $0x1, v11;
	v11 =	vbroadcast v15, $0xF  }
0x120: {  	[tilespmem:v9+s18+$0x0] =	vst.idx.msk $0x1, v14  }
0x121: {  	s2 =	simm.s32 $0x14A0;
	[tilespmem:v13+s18+$0x0] =	vst.idx.msk $0x1, v11  }
0x122: {  	v9 =	vld [tilespmem:s2+$0x10]  }
0x123: {  	v10 =	vld [tilespmem:s2+$0xFFFFFFE0]  }
0x124: {  	v11 =	vld [tilespmem:s2+$0x0];
	_ =	sdelay $0x1  }
0x125: {  	v12 =	vld [tilespmem:s2+$0xFFFFFFF0]  }
0x126: {  	v9 =	vxor.u32 $0x80000000, v9  }
0x127: {  	v10 =	vxor.u32 $0x80000000, v10;
	(xrf0) =	vmax.scan.msk.u32 $0xffff, v9  }
0x128: {  	v9 =	vxor.u32 $0x80000000, v11;
	(xrf0) =	vmax.scan.msk.u32 $0xffff, v10  }
0x129: {  	(xrf0) =	vmax.scan.msk.u32 $0xffff, v9  }
0x12a: {  	v9 =	vxor.u32 $0x80000000, v12  }
0x12b: {  	s3 =	simm.s32 $0x14E0;
	(xrf0) =	vmax.scan.msk.u32 $0xffff, v9  }
0x12c: {  	v10 =	vld [tilespmem:s3+$0x10]  }
0x12d: {  	v12 =	vld [tilespmem:s3+$0xFFFFFFE0];
	v9, _, _ =	vpop (xrf0)  }
0x12e: {  	v11, _, _ =	vpop (xrf0);
	(xrf0) =	vmax.scan.msk.u32 $0xffff, v9  }
0x12f: {  	v14 =	vld [tilespmem:s3+$0x0];
	(xrf0) =	vmax.scan.msk.u32 $0xffff, v11;
	v13, _, _ =	vpop (xrf0)  }
0x130: {  	v15 =	vld [tilespmem:s3+$0xFFFFFFF0];
	(xrf0) =	vmax.scan.msk.u32 $0xffff, v13  }
0x131: {  	v10 =	vxor.u32 $0x80000000, v10;
	v16, _, _ =	vpop (xrf0)  }
0x132: {  	v12 =	vxor.u32 $0x80000000, v12;
	(xrf0) =	vmax.scan.msk.u32 $0xffff, v16  }
0x133: {  	(xrf0) =	vmax.scan.msk.u32 $0xffff, v10  }
0x134: {  	v14 =	vxor.u32 $0x80000000, v14;
	(xrf0) =	vmax.scan.msk.u32 $0xffff, v12;
	v10, _, _ =	vpop (xrf0)  }
0x135: {  	v12, _, _ =	vpop (xrf0);
	(v2sf) =	vpush v10, $0xF;
	v10 =	vxor.u32 $0x80000000, v15;
	(xrf0) =	vmax.scan.msk.u32 $0xffff, v14  }
0x136: {  	(v2sf) =	vpush v12, $0xF;
	v12, _, _ =	vpop (xrf0);
	(xrf0) =	vmax.scan.msk.u32 $0xffff, v10  }
0x137: {  	s4 =	simm.s32 $0x1520;
	(v2sf) =	vpush v12, $0xF  }
0x138: {  	v12 =	vld [tilespmem:s4+$0x10];
	v10, _, _ =	vpop (xrf0)  }
0x139: {  	(v2sf) =	vpush v10, $0xF;
	v15, _, _ =	vpop (xrf0);
	v10 =	vld [tilespmem:s4+$0xFFFFFFE0]  }
0x13a: {  	s5 =	simm.s32 $0x0;
	v14 =	vld [tilespmem:s4+$0x0];
	v17, _, _ =	vpop (xrf0);
	(xrf0) =	vmax.scan.msk.u32 $0xffff, v15  }
0x13b: {  	v18 =	vmov s5;
	v19 =	vld [tilespmem:s4+$0xFFFFFFF0];
	(xrf0) =	vmax.scan.msk.u32 $0xffff, v17;
	v21, _, _ =	vpop (xrf0)  }
0x13c: {  	s7 =	simm.s32 $0x4;
	v22 =	vand.u32 $0xFFFFFFFC, v18;
	v23, _, _ =	vpop (xrf0);
	(xrf0) =	vmax.scan.msk.u32 $0xffff, v21  }
0x13d: {  	v18 =	vmov s7;
	v26 =	vxor.u32 $0x80000000, v9;
	v9 =	vxor.u32 $0x80000000, v12;
	(xrf0) =	vmax.scan.msk.u32 $0xffff, v23  }
0x13e: {  	v10 =	vxor.u32 $0x80000000, v10;
	(xrf0) =	vmax.scan.msk.u32 $0xffff, v9  }
0x13f: {  	s8 =	simm.s32 $0x2;
	v20 =	vand.u32 $0xFFFFFFFC, v18;
	v12 =	vxor.u32 $0x80000000, v14;
	(xrf0) =	vmax.scan.msk.u32 $0xffff, v10  }
0x140: {  	s16 =	simm.s32 $0x1560;
	v28 =	vxor.u32 $0x80000000, v16;
	v16 =	vxor.u32 $0x80000000, v19;
	v18, _, _ =	vpop (xrf0);
	(xrf0) =	vmax.scan.msk.u32 $0xffff, v12;
	v12 =	vmov s8  }
0x141: {  	v30 =	vld [tilespmem:s16+$0x0];
	v27 =	vxor.u32 $0x80000000, v13;
	v13 =	vxor.u32 $0x80000000, v15;
	v15, _, _ =	vpop (xrf0);
	(xrf0) =	vmax.scan.msk.u32 $0xffff, v16;
	v16 =	vand.u32 $0xFFFFFFFE, v12  }
0x142: {  	s0 =	simm.s32 $0xC;
	v60 =	vbroadcast v22, $0x0;
	v31 =	vld [tilespmem:s16+$0x10]  }
0x143: {  	s1 =	simm.s32 $0x8;
	v22 =	vmov s0;
	v62 =	vld [tilespmem:s16+$0xFFFFFFE0];
	(v2sf) =	vpush v18, $0xF;
	v19, _, _ =	vpop (xrf0);
	v29 =	vbroadcast v16, $0x0  }
0x144: {  	s9 =	simm.s32 $0x1;
	s15 =	simm.s32 $0x20;
	v36 =	vld [tilespmem:s16+$0xFFFFFFF0];
	v24 =	vxor.u32 $0x80000000, v11;
	v11 =	vmov s1;
	(v2sf) =	vpush v15, $0xF;
	v16, _, _ =	vpop (xrf0);
	s25 =	spop (v2sf)  }
0x145: {  	s12 =	simm.s32 $0x0;
	v14 =	vand.u32 $0xFFFFFFFC, v11;
	v11 =	vld [tilespmem:$0x1D220];
	s8 =	sand.u32 $0xF80, s15;
	(v2sf) =	vpush v19, $0xF;
	v19, _, _ =	vpop (xrf0);
	s28 =	spop (v2sf)  }
0x146: {  	s24 =	sand.u32 $0x60, s15;
	v9 =	vld [tilespmem:$0x1D200];
	s8 =	sadd.s32 s8, s29;
	v35, _, _ =	vpop (xrf0);
	(xrf0) =	vmax.scan.msk.u32 $0xffff, v19;
	s14 =	spop (v2sf)  }
0x147: {  	s3 =	simm.s32 $0x10;
	v10 =	vld [tilespmem:$0x1D210];
	v15 =	vmov s9;
	s4 =	sadd.s32 s24, s8;
	(v2sf) =	vpush v16, $0xF;
	v16 =	vand.u32 $0xFFFFFFFC, v22;
	(xrf0) =	vmax.scan.msk.u32 $0xffff, v35;
	v22, _, _ =	vpop (xrf0);
	s9 =	sxor.u32 $0x80000000, s14  }
0x148: {  	s31 =	sand.u32 $0xF80, s12;
	s2 =	simm.s32 $0x30;
	s22 =	sand.u32 $0xF80, s3;
	v12 =	vld [tilespmem:$0x1D230];
	[tilespmem:s4+$0x0] =	vst v27;
	(xrf0) =	vmax.scan.msk.u32 $0xffff, v22;
	v27 =	vmov s9  }
0x149: {  	s26 =	sand.u32 $0xF80, s2;
	s3 =	sand.u32 $0x50, s3;
	s16 =	sadd.s32 s22, s29;
	v15 =	vand.u32 $0xFFFFFFFD, v15;
	v37, _, _ =	vpop (xrf0);
	[tilespmem:v29+s19+$0x0] =	vst.idx.msk $0x1, v27;
	v29 =	vxor.u32 $0x80000000, v31;
	v31 =	vxor.u32 $0x80000000, v62  }
0x14a: {  	s26 =	sadd.s32 s26, s29;
	s22 =	sadd.s32 s3, s16;
	v17 =	vxor.u32 $0x80000000, v17;
	s24 =	sand.u32 $0x70, s2;
	v61 =	vbroadcast v15, $0x0;
	(xrf0) =	vmax.scan.msk.u32 $0xffff, v37;
	v27 =	vxor.u32 $0x80000000, v30  }
0x14b: {  	s10 =	simm.s32 $0x3;
	s5 =	sadd.s32 s31, s29;
	v21 =	vxor.u32 $0x80000000, v21;
	[tilespmem:s22+$0x0] =	vst v28;
	s31 =	sadd.s32 s24, s26;
	(xrf0) =	vmax.scan.msk.u32 $0xffff, v29;
	v29 =	vxor.u32 $0x80000000, v36  }
0x14c: {  	s7 =	simm.s32 $0x10;
	s3 =	simm.s32 $0x50;
	v18 =	vxor.u32 $0x80000000, v23;
	v23 =	vmov s10;
	[tilespmem:s31+$0x0] =	vst v26;
	s11 =	sxor.u32 $0x80000000, s25;
	(xrf0) =	vmax.scan.msk.u32 $0xffff, v31;
	v31, _, _ =	vpop (xrf0)  }
0x14d: {  	s25 =	simm.s32 $0x6;
	v15 =	vxor.u32 $0x80000000, v19;
	v25 =	vmov s11;
	s14 =	sand.u32 $0x40, s12;
	s15 =	spop (v2sf);
	(xrf0) =	vmax.scan.msk.u32 $0xffff, v27;
	v27, _, _ =	vpop (xrf0);
	(v2sf) =	vpush v31, $0xF  }
0x14e: {  	s13 =	sxor.u32 $0x80000000, s28;
	v28 =	vmov s25;
	v19 =	vxor.u32 $0x80000000, v35;
	s5 =	sadd.s32 s14, s5;
	s4 =	sxor.u32 $0x80000000, s15;
	(xrf0) =	vmax.scan.msk.u32 $0xffff, v29;
	(v2sf) =	vpush v27, $0xF;
	v29, _, _ =	vpop (xrf0)  }
0x14f: {  	s10 =	simm.s32 $0x40;
	s2 =	simm.s32 $0x70;
	s28 =	simm.s32 $0x5;
	v63 =	vmov s13;
	[tilespmem:s5+$0x0] =	vst v24;
	v30 =	vmov s4;
	(v2sf) =	vpush v29, $0xF  }
0x150: {  	s8 =	simm.s32 $0x7;
	s12 =	simm.s32 $0x60;
	v28 =	vand.u32 $0xFFFFFFFE, v28;
	v22 =	vxor.u32 $0x80000000, v22;
	s9 =	sand.u32 $0xF80, s3;
	[tilespmem:v61+s19+$0x0] =	vst.idx.msk $0x1, v30;
	v30 =	vmov s28  }
0x151: {  	s13 =	sand.u32 $0x60, s12;
	v24 =	vxor.u32 $0x80000000, v37;
	s5 =	simm.s32 $0x15A0;
	[tilespmem:v60+s19+$0x0] =	vst.idx.msk $0x1, v63;
	s4 =	sand.u32 $0xF80, s2;
	v30 =	vand.u32 $0xFFFFFFFD, v30;
	v27, _, _ =	vpop (xrf0);
	v29 =	vbroadcast v28, $0x0  }
.LBB2_10:
0x152: {  	v26 =	vmov s7;
	s14 =	sand.u32 $0xF80, s12;
	s15 =	spop (v2sf);
	s12 =	smov.u32 s1  }
0x153: {  	v28 =	vld [tilespmem:s5+$0x0];
	(v2sf) =	vpush v27, $0xF;
	v27 =	vbroadcast v30, $0x0;
	[tilespmem:v23+s19+$0x0] =	vst.idx.msk $0x1, v25;
	v31 =	vmovc v13;
	v13 =	vmovc v15;
	v30 =	vmov v24;
	s1 =	smov.u32 s0;
	s0 =	smov.u32 s7;
	s11 =	sadd.s32 $0x4, s7  }
0x154: {  	v32 =	vbroadcast v20, $0x0;
	v23 =	vmov s8;
	v24 =	vand.u32 $0xFFFFFFFC, v26;
	v26 =	vld [tilespmem:s5+$0x10];
	v25, _, _ =	vpop (xrf0);
	s14 =	sadd.s32 s14, s29;
	s8 =	sxor.u32 $0x80000000, s15;
	s15 =	spop (v2sf)  }
0x155: {  	s16 =	sand.u32 $0xF80, s10;
	v20 =	vmov v14;
	v33 =	vld [tilespmem:s5+$0xFFFFFFE0];
	v15 =	vxor.u32 $0x80000000, v25;
	v34, _, _ =	vpop (xrf0);
	(xrf0) =	vmax.scan.msk.u32 $0xffff, v25;
	s15 =	sxor.u32 $0x80000000, s15;
	v25 =	vmov s8;
	s8 =	spop (v2sf)  }
0x156: {  	v14 =	vmov v16;
	s13 =	sadd.s32 s13, s14;
	v35 =	vld [tilespmem:s5+$0xFFFFFFF0];
	v36 =	vxor.u32 $0x80000000, v34;
	(xrf0) =	vmax.scan.msk.u32 $0xffff, v34;
	v34, _, _ =	vpop (xrf0);
	v37 =	vmov s15;
	s8 =	sxor.u32 $0x80000000, s8;
	s14 =	spop (v2sf)  }
0x157: {  	s10 =	sand.u32 $0x40, s10;
	s15 =	sadd.s32 s16, s29;
	v38 =	vxor.u32 $0x80000000, v34;
	v39, _, _ =	vpop (xrf0);
	(xrf0) =	vmax.scan.msk.u32 $0xffff, v34;
	s14 =	sxor.u32 $0x80000000, s14;
	[tilespmem:s13+$0x0] =	vst v21;
	v40 =	vmov s8  }
0x158: {  	s3 =	sand.u32 $0x50, s3;
	s9 =	sadd.s32 s9, s29;
	v16 =	vmovc v24;
	s8 =	sadd.s32 s10, s15;
	v28 =	vxor.u32 $0x80000000, v28;
	(xrf0) =	vmax.scan.msk.u32 $0xffff, v39;
	v34 =	vmov s14;
	[tilespmem:v29+s19+$0x0] =	vst.idx.msk $0x1, v40  }
0x159: {  	p1 =	slt.u32 s7, $0xFC;
	s4 =	sadd.s32 s4, s29;
	s7 =	sadd.s32 s3, s9;
	v21 =	vmovc v22;
	v24 =	vxor.u32 $0x80000000, v39;
	v26 =	vxor.u32 $0x80000000, v26;
	[tilespmem:s8+$0x0] =	vst v17;
	v17 =	vmovc v19;
	v19 =	vmov v36  }
.Ltmp7:
0x15a: {  	s9 =	sand.u32 $0x70, s2;
	s2 =	sadd.s32 $0x40, s2;
	v22 =	vmov v38;
	v33 =	vxor.u32 $0x80000000, v33;
	(xrf0) =	vmax.scan.msk.u32 $0xffff, v26;
	[tilespmem:v32+s19+$0x0] =	vst.idx.msk $0x1, v37;
	(pc) =	sbr.rel @p1 .LBB2_10-.Ltmp7, $4  }
0x15b: {  	s3 =	sadd.s32 $0xFFFFFFE0, s2;
	s5 =	sadd.s32 $0x40, s5;
	s8 =	sadd.s32 $0x2, s12;
	v32 =	vxor.u32 $0x80000000, v35;
	(xrf0) =	vmax.scan.msk.u32 $0xffff, v33;
	v29, _, _ =	vpop (xrf0);
	[tilespmem:s7+$0x0] =	vst v18;
	v18 =	vmov v30  }
0x15c: {  	s14 =	sadd.s32 s9, s4;
	s7 =	sadd.s32 $0x1, s12;
	(xrf0) =	vmax.scan.msk.u32 $0xffff, v28;
	v28, _, _ =	vpop (xrf0);
	(v2sf) =	vpush v29, $0xF;
	v29 =	vmov s8;
	s8 =	sadd.s32 $0x3, s12;
	[tilespmem:v27+s19+$0x0] =	vst.idx.msk $0x1, v34  }
0x15d: {  	s10 =	sadd.s32 $0xFFFFFFD0, s2;
	s9 =	sand.u32 $0xF80, s3;
	s12 =	sadd.s32 $0xFFFFFFF0, s2;
	(xrf0) =	vmax.scan.msk.u32 $0xffff, v32;
	(v2sf) =	vpush v28, $0xF;
	v26, _, _ =	vpop (xrf0);
	v28 =	vmov s7;
	v29 =	vand.u32 $0xFFFFFFFE, v29  }
0x15e: {  	s4 =	sand.u32 $0xF80, s2;
	s13 =	sand.u32 $0x60, s12;
	s7 =	smov.u32 s11;
	v27, _, _ =	vpop (xrf0);
	(v2sf) =	vpush v26, $0xF;
	v30 =	vand.u32 $0xFFFFFFFD, v28;
	v29 =	vbroadcast v29, $0x0;
	[tilespmem:s14+$0x0] =	vst v31  }
0x15f: {  	_ = 	snop  }
0x160: {  	v26, _, _ =	vpop (xrf0)  }
0x161: {  	v28, _, _ =	vpop (xrf0);
	(xrf0) =	vmax.scan.msk.u32 $0xffff, v26  }
0x162: {  	(xrf0) =	vmax.scan.msk.u32 $0xffff, v28;
	v31, _, _ =	vpop (xrf0)  }
0x163: {  	(xrf0) =	vmax.scan.msk.u32 $0xffff, v31;
	_ =	sdelay $0x1  }
0x164: {  	s7 =	spop (v2sf)  }
0x165: {  	(v2sf) =	vpush v27, $0xF;
	s24 =	spop (v2sf);
	v39, _, _ =	vpop (xrf0)  }
0x166: {  	s5 =	sand.u32 $0xF80, s12;
	s25 =	sand.u32 $0xF80, s10;
	s14 =	spop (v2sf);
	v32, _, _ =	vpop (xrf0)  }
0x167: {  	s31 =	sand.u32 $0x40, s10;
	s3 =	sand.u32 $0x50, s3;
	s28 =	spop (v2sf);
	v33, _, _ =	vpop (xrf0);
	(v2sf) =	vpush v32, $0xF  }
0x168: {  	s9 =	sadd.s32 s9, s29;
	s15 =	sadd.s32 $0x2, s1;
	s4 =	sadd.s32 s4, s29;
	(xrf0) =	vmax.scan.msk.u32 $0xffff, v39;
	(v2sf) =	vpush v33, $0xF;
	v40, _, _ =	vpop (xrf0)  }
0x169: {  	s16 =	sadd.s32 $0x1, s1;
	s1 =	sadd.s32 $0x3, s1;
	s11 =	sadd.s32 s5, s29;
	(v2sf) =	vpush v40, $0xF  }
0x16a: {  	s5 =	sxor.u32 $0x80000000, s7;
	s7 =	sadd.s32 s25, s29;
	s9 =	sadd.s32 s3, s9  }
0x16b: {  	[tilespmem:v23+s19+$0x0] =	vst.idx.msk $0x1, v25;
	s3 =	sadd.s32 $0x40, s2;
	s12 =	sxor.u32 $0x80000000, s24;
	s11 =	sadd.s32 s13, s11  }
0x16c: {  	v20 =	vbroadcast v20, $0x0;
	v47 =	vmov s8;
	s7 =	sadd.s32 s31, s7;
	s13 =	sand.u32 $0x70, s2;
	s10 =	sadd.s32 $0xFFFFFFE0, s3;
	[tilespmem:s9+$0x0] =	vst v18  }
0x16d: {  	v41 =	vbroadcast v30, $0x0;
	s22 =	sadd.s32 $0xFFFFFFD0, s3;
	s24 =	sadd.s32 $0xFFFFFFF0, s3;
	s9 =	sand.u32 $0xF80, s3;
	[tilespmem:s11+$0x0] =	vst v21  }
0x16e: {  	v43 =	vmov s15;
	s26 =	sxor.u32 $0x80000000, s14;
	[tilespmem:s7+$0x0] =	vst v17;
	s2 =	sadd.s32 s13, s4;
	s8 =	sand.u32 $0xF80, s10;
	v46, _, _ =	vpop (xrf0)  }
0x16f: {  	v45 =	vand.u32 $0xFFFFFFFE, v43;
	s25 =	sand.u32 $0x60, s24;
	s7 =	sand.u32 $0xF80, s24;
	s31 =	sand.u32 $0xF80, s22;
	v42 =	vmov s26;
	[tilespmem:s2+$0x0] =	vst v13;
	(v2sf) =	vpush v46, $0xF  }
0x170: {  	v52 =	vmov s5;
	v17 =	vbroadcast v45, $0x0;
	s4 =	sand.u32 $0x40, s22;
	s24 =	sadd.s32 $0x2, s0;
	s10 =	sand.u32 $0x50, s10;
	[tilespmem:v29+s19+$0x0] =	vst.idx.msk $0x1, v42  }
0x171: {  	v49 =	vmov s16;
	v44 =	vmov s12;
	s14 =	sxor.u32 $0x80000000, s28;
	s7 =	sadd.s32 s7, s29;
	[tilespmem:v47+s19+$0x0] =	vst.idx.msk $0x1, v52;
	s26 =	spop (v2sf)  }
0x172: {  	v51 =	vand.u32 $0xFFFFFFFD, v49;
	s22 =	sadd.s32 s31, s29;
	s8 =	sadd.s32 s8, s29;
	v48 =	vmov s14;
	[tilespmem:v20+s19+$0x0] =	vst.idx.msk $0x1, v44;
	s28 =	spop (v2sf)  }
0x173: {  	v50 =	vbroadcast v14, $0x0;
	v14 =	vbroadcast v51, $0x0;
	s7 =	sadd.s32 s25, s7;
	s4 =	sadd.s32 s4, s22;
	[tilespmem:v41+s19+$0x0] =	vst.idx.msk $0x1, v48;
	s14 =	spop (v2sf)  }
0x174: {  	s25 =	sadd.s32 s10, s8;
	[tilespmem:s7+$0x0] =	vst v22;
	s15 =	sxor.u32 $0x80000000, s14;
	s16 =	spop (v2sf)  }
0x175: {  	v55 =	vmov s1;
	v54 =	vmov s24;
	[tilespmem:s4+$0x0] =	vst v19;
	s2 =	sxor.u32 $0x80000000, s26;
	s26 =	sand.u32 $0x70, s3;
	s7 =	sxor.u32 $0x80000000, s16;
	v53 =	vmov s15  }
0x176: {  	(xrf0) =	vadd.scan.msk.s32 $0xffff, v9;
	s12 =	sxor.u32 $0x80000000, s28;
	s28 =	sadd.s32 s9, s29;
	[tilespmem:v17+s19+$0x0] =	vst.idx.msk $0x1, v53;
	v17 =	vand.u32 $0xFFFFFFFE, v54;
	v9 =	vmov s7;
	s7 =	spop (v2sf)  }
0x177: {  	[tilespmem:s25+$0x0] =	vst v24;
	(xrf0) =	vadd.scan.msk.s32 $0xffff, v10;
	s3 =	sadd.s32 $0x40, s3;
	s10 =	sadd.s32 s26, s28;
	v57 =	vbroadcast v17, $0x0;
	s14 =	spop (v2sf)  }
0x178: {  	s31 =	sadd.s32 $0x1, s0;
	v10 =	vbroadcast v16, $0x0;
	(xrf0) =	vadd.scan.msk.s32 $0xffff, v11;
	s11 =	sadd.s32 $0xFFFFFFF0, s3;
	[tilespmem:s10+$0x0] =	vst v15;
	s22 =	spop (v2sf)  }
0x179: {  	(xrf0) =	vadd.scan.msk.s32 $0xffff, v12;
	v11 =	vmov s2;
	s13 =	sand.u32 $0xF80, s11;
	[tilespmem:v14+s19+$0x0] =	vst.idx.msk $0x1, v9;
	v9 =	vmov s31;
	s25 =	sxor.u32 $0x80000000, s22  }
0x17a: {  	v56 =	vmov s12;
	s12 =	sadd.s32 $0xFFFFFFD0, s3;
	s15 =	sand.u32 $0x60, s11;
	s16 =	sadd.s32 s13, s29;
	[tilespmem:v55+s19+$0x0] =	vst.idx.msk $0x1, v11;
	v9 =	vand.u32 $0xFFFFFFFD, v9;
	v11 =	vmov s25  }
0x17b: {  	v58 =	vxor.u32 $0x80000000, v31;
	s5 =	sadd.s32 $0xFFFFFFE0, s3;
	[tilespmem:v50+s19+$0x0] =	vst.idx.msk $0x1, v56;
	s24 =	sand.u32 $0xF80, s12;
	s1 =	sadd.s32 s15, s16;
	v9 =	vbroadcast v9, $0x0  }
0x17c: {  	s26 =	sadd.s32 $0x3, s0;
	s28 =	sand.u32 $0x40, s12;
	s31 =	sadd.s32 s24, s29;
	[tilespmem:s1+$0x0] =	vst v58  }
0x17d: {  	v59 =	vxor.u32 $0x80000000, v28;
	s9 =	sand.u32 $0xF80, s5;
	s4 =	sadd.s32 s28, s31;
	s11 =	sxor.u32 $0x80000000, s14;
	[tilespmem:v57+s19+$0x0] =	vst.idx.msk $0x1, v11;
	v11, _, _ =	vpop (xrf0)  }
0x17e: {  	v60 =	vmov s26;
	s13 =	sand.u32 $0x50, s5;
	s1 =	sadd.s32 s9, s29;
	[tilespmem:s4+$0x0] =	vst v59;
	v61 =	vmov s11;
	s12 =	spop (v2sf);
	(v2sf) =	vpush v11, $0xF;
	v11, _, _ =	vpop (xrf0)  }
0x17f: {  	v62 =	vxor.u32 $0x80000000, v39;
	s1 =	sadd.s32 s13, s1;
	s14 =	sand.u32 $0xF80, s3;
	s0 =	sxor.u32 $0x80000000, s12;
	[tilespmem:v10+s19+$0x0] =	vst.idx.msk $0x1, v61;
	(v2sf) =	vpush v11, $0xF;
	v10, _, _ =	vpop (xrf0)  }
0x180: {  	s15 =	sand.u32 $0x70, s3;
	[tilespmem:s1+$0x0] =	vst v62;
	s16 =	sadd.s32 s14, s29;
	v11 =	vmov s0;
	(v2sf) =	vpush v10, $0xF;
	v10, _, _ =	vpop (xrf0)  }
0x181: {  	v63 =	vxor.u32 $0x80000000, v26;
	s22 =	sxor.u32 $0x80000000, s7;
	s0 =	sadd.s32 s15, s16;
	[tilespmem:v9+s19+$0x0] =	vst.idx.msk $0x1, v11;
	(v2sf) =	vpush v10, $0xF  }
0x182: {  	v9 =	vmov s22;
	[tilespmem:s0+$0x0] =	vst v63  }
0x183: {  	s24 =	simm.s32 $0x0;
	[tilespmem:v60+s19+$0x0] =	vst.idx.msk $0x1, v9  }
0x184: {  	v9 =	vld [tilespmem:s24+$0x1D280];
	_ =	sdelay $0x4  }
0x185: {  	v9 =	vxor.u32 $0x80000000, v9  }
0x186: {  	(xrf0) =	vmax.scan.msk.u32 $0xffff, v9;
	_ =	sdelay $0x2  }
0x187: {  	s25 =	spop (v2sf)  }
0x188: {  	s26 =	spop (v2sf)  }
0x189: {  	s0 =	sadd.s32 s25, s26;
	s28 =	spop (v2sf)  }
0x18a: {  	v9, _, _ =	vpop (xrf0);
	s0 =	sadd.s32 s28, s0;
	s31 =	spop (v2sf)  }
0x18b: {  	v9 =	vxor.u32 $0x80000000, v9;
	s0 =	sadd.s32 s31, s0  }
0x18c: {  	vm0 =	vgt.s32 v9, s0  }
0x18d: {  	v9 =	vnsel vm0, s0, v9  }
0x18e: {  	v10 =	vxor.u32 $0x80000000, v9  }
0x18f: {  	(xrf0) =	vmax.scan.msk.u32 $0xffff, v10;
	_ =	sdelay $0x5  }
0x190: {  	v10, _, _ =	vpop (xrf0)  }
0x191: {  	(v2sf) =	vpush v10, $0xF;
	_ =	sdelay $0x1  }
0x192: {  	s2 =	simm.s32 $0x10;
	s1 =	simm.s32 $0x80;
	[tilespmem:s24+$0x1D280] =	vst v9  }
.LBB2_12:
0x193: {  	p1 =	sne.s32 s1, $0x3C0;
	v9 =	vld [tilespmem:s2+$0x1D280];
	_ =	sdelay $0x4  }
0x194: {  	v9 =	vxor.u32 $0x80000000, v9  }
0x195: {  	(xrf0) =	vmax.scan.msk.u32 $0xffff, v9;
	_ =	sdelay $0x5  }
0x196: {  	v9, _, _ =	vpop (xrf0);
	s3 =	spop (v2sf)  }
0x197: {  	v9 =	vxor.u32 $0x80000000, v9;
	s3 =	sxor.u32 $0x80000000, s3  }
0x198: {  	vm0 =	vgt.s32 v9, s3  }
0x199: {  	v9 =	vnsel vm0, s3, v9  }
0x19a: {  	[tilespmem:s2+$0x1D280] =	vst v9;
	v9 =	vxor.u32 $0x80000000, v9  }
0x19b: {  	(xrf0) =	vmax.scan.msk.u32 $0xffff, v9;
	_ =	sdelay $0x4  }
.Ltmp8:
0x19c: {  	(pc) =	sbr.rel @p1 .LBB2_12-.Ltmp8, $3  }
0x19d: {  	v9, _, _ =	vpop (xrf0)  }
0x19e: {  	(v2sf) =	vpush v9, $0xF;
	_ =	sdelay $0x1  }
0x19f: {  	s2 =	sshra.s32 s1, $0x2;
	s1 =	sadd.s32 $0x40, s1  }
0x1a0: {  	v9 =	vld [tilespmem:s2+$0x1D280];
	_ =	sdelay $0x4  }
0x1a1: {  	v9 =	vxor.u32 $0x80000000, v9  }
0x1a2: {  	(xrf0) =	vmax.scan.msk.u32 $0xffff, v9;
	_ =	sdelay $0x5  }
0x1a3: {  	v9, _, _ =	vpop (xrf0);
	s1 =	spop (v2sf)  }
0x1a4: {  	v9 =	vxor.u32 $0x80000000, v9;
	s1 =	sxor.u32 $0x80000000, s1  }
0x1a5: {  	vm0 =	vgt.s32 v9, s1  }
0x1a6: {  	v9 =	vnsel vm0, s1, v9  }
0x1a7: {  	[tilespmem:s2+$0x1D280] =	vst v9  }
0x1a8: {  	s11 =	simm.s32 $0x1D282;
	[tilespmem:$0x1D380] =	vst v6  }
0x1a9: {  	v10 =	vld [tilespmem:s11+$0xFFFFFFFE]  }
0x1aa: {  	s12 =	simm.s32 $0x0;
	v11 =	vld [tilespmem:s11+$0xFFFFFFFF]  }
0x1ab: {  	s13 =	smax.u32 s12, $0x1;
	v12 =	vld [tilespmem:s11+$0x0]  }
0x1ac: {  	v13 =	vld [tilespmem:s13+$0x1D27F]  }
0x1ad: {  	v9 =	vxor.u32 $0x80000000, v9  }
0x1ae: {  	(xrf0) =	vmax.scan.msk.u32 $0xffff, v9;
	v9 =	vxor.u32 $0x80000000, v10  }
0x1af: {  	v10 =	vxor.u32 $0x80000000, v11;
	(xrf0) =	vmin.scan.msk.u32 $0xffff, v9  }
0x1b0: {  	v9 =	vxor.u32 $0x80000000, v12;
	(xrf0) =	vmin.scan.msk.u32 $0xffff, v10  }
0x1b1: {  	v10 =	vxor.u32 $0x80000000, v13;
	(xrf0) =	vmin.scan.msk.u32 $0xffff, v9  }
0x1b2: {  	(xrf0) =	vmin.scan.msk.u32 $0xffff, v10;
	_ =	sdelay $0x1  }
0x1b3: {  	v9, _, _ =	vpop (xrf0)  }
0x1b4: {  	(v2sf) =	vpush v9, $0xF;
	v9, _, _ =	vpop (xrf0)  }
0x1b5: {  	(v2sf) =	vpush v9, $0xF;
	v9, _, _ =	vpop (xrf0)  }
0x1b6: {  	s14 =	simm.s32 $0x1D286;
	(v2sf) =	vpush v9, $0xF;
	v9, _, _ =	vpop (xrf0)  }
0x1b7: {  	v10, _, _ =	vpop (xrf0);
	(v2sf) =	vpush v9, $0xF;
	v9 =	vld [tilespmem:s14+$0xFFFFFFFE]  }
0x1b8: {  	s22 =	simm.s32 $0x1D28A;
	(v2sf) =	vpush v10, $0xF;
	v10 =	vld [tilespmem:s14+$0xFFFFFFFF]  }
0x1b9: {  	s15 =	simm.s32 $0x4;
	v14 =	vld [tilespmem:s22+$0xFFFFFFFF]  }
0x1ba: {  	s16 =	smax.u32 s15, $0x1;
	v11 =	vld [tilespmem:s14+$0x0]  }
0x1bb: {  	v12 =	vld [tilespmem:s16+$0x1D27F]  }
0x1bc: {  	s24 =	simm.s32 $0x8;
	v13 =	vld [tilespmem:s22+$0xFFFFFFFE];
	v9 =	vxor.u32 $0x80000000, v9  }
0x1bd: {  	s25 =	smax.u32 s24, $0x1;
	v10 =	vxor.u32 $0x80000000, v10;
	(xrf0) =	vmin.scan.msk.u32 $0xffff, v9;
	v9 =	vld [tilespmem:s22+$0x0]  }
0x1be: {  	(xrf0) =	vmin.scan.msk.u32 $0xffff, v10;
	v10 =	vld [tilespmem:s25+$0x1D27F]  }
0x1bf: {  	v11 =	vxor.u32 $0x80000000, v11  }
0x1c0: {  	v12 =	vxor.u32 $0x80000000, v12;
	(xrf0) =	vmin.scan.msk.u32 $0xffff, v11  }
0x1c1: {  	(xrf0) =	vmin.scan.msk.u32 $0xffff, v12;
	v12 =	vxor.u32 $0x80000000, v14  }
0x1c2: {  	v11 =	vxor.u32 $0x80000000, v13;
	v9 =	vxor.u32 $0x80000000, v9  }
0x1c3: {  	(xrf0) =	vmin.scan.msk.u32 $0xffff, v11;
	v10 =	vxor.u32 $0x80000000, v10  }
0x1c4: {  	s4 =	spop (v2sf);
	(xrf0) =	vmin.scan.msk.u32 $0xffff, v12;
	v12, _, _ =	vpop (xrf0)  }
0x1c5: {  	s26 =	simm.s32 $0x0;
	(xrf0) =	vmin.scan.msk.u32 $0xffff, v9;
	s31 =	spop (v2sf);
	(v2sf) =	vpush v12, $0xF;
	v9, _, _ =	vpop (xrf0)  }
0x1c6: {  	s3 =	sand.u32 $0xF80, s26;
	(xrf0) =	vmin.scan.msk.u32 $0xffff, v10;
	s8 =	spop (v2sf);
	v10, _, _ =	vpop (xrf0);
	(v2sf) =	vpush v9, $0xF  }
0x1c7: {  	s28 =	simm.s32 $0x1D28E;
	s3 =	sadd.s32 s3, s29;
	s1 =	sand.u32 $0x40, s26;
	v12, _, _ =	vpop (xrf0);
	(v2sf) =	vpush v10, $0xF  }
0x1c8: {  	s1 =	sadd.s32 s1, s3;
	v13 =	vld [tilespmem:s28+$0xFFFFFFFE];
	s3 =	spop (v2sf);
	(v2sf) =	vpush v12, $0xF  }
0x1c9: {  	v11 =	vld [tilespmem:s28+$0xFFFFFFFF];
	v12, _, _ =	vpop (xrf0)  }
0x1ca: {  	v15 =	vld [tilespmem:s1+$0x0];
	s4 =	spop (v2sf);
	(v2sf) =	vpush v12, $0xF;
	v12, _, _ =	vpop (xrf0)  }
0x1cb: {  	v14 =	vld [tilespmem:s28+$0x0];
	(v2sf) =	vpush v12, $0xF;
	v18, _, _ =	vpop (xrf0)  }
0x1cc: {  	v9 =	vld [tilespmem:s1+$0x10];
	(v2sf) =	vpush v18, $0xF  }
0x1cd: {  	v10 =	vld [tilespmem:s1+$0x20];
	s9 =	sxor.u32 $0x80000000, s4;
	s4 =	simm.s32 $0xC  }
0x1ce: {  	p1 =	por $0x1, $0x1;
	v16 =	vxor.u32 $0x80000000, v13;
	v13 =	vxor.u32 $0x80000000, v11;
	v11 =	vld [tilespmem:s1+$0x30];
	s5 =	smax.u32 s4, $0x1  }
0x1cf: {  	s9 =	smov.u32 @p1 s0;
	v12 =	vld [tilespmem:s5+$0x1D27F]  }
0x1d0: {  	s2 =	simm.s32 $0x40;
	s7 =	sxor.u32 $0x80000000, s31;
	vm0 =	vgt.s32 v15, s9  }
0x1d1: {  	s16 =	simm.s32 $0x0;
	v14 =	vxor.u32 $0x80000000, v14;
	s8 =	sxor.u32 $0x80000000, s8;
	s5 =	simm.s32 $0x1D292;
	v17, _, _ =	vpop (xrf0);
	v15 =	vnsel vm0, s9, v15;
	vm0 =	vgt.s32 v9, s7  }
.LBB2_14:
0x1d2: {  	v18 =	vld [tilespmem:s5+$0xFFFFFFFE];
	(xrf0) =	vmin.scan.msk.u32 $0xffff, v16;
	(v2sf) =	vpush v17, $0xF;
	s9 =	sand.u32 $0xF80, s2;
	vm1 =	vlt.s32 v15, $0x3FF;
	vm2 =	vgt.s32 v10, s8;
	s3 =	sxor.u32 $0x80000000, s3  }
0x1d3: {  	s10 =	sand.u32 $0x40, s2;
	v17 =	vld [tilespmem:s5+$0xFFFFFFFF];
	(xrf0) =	vmin.scan.msk.u32 $0xffff, v13;
	s9 =	sadd.s32 s9, s29;
	v13 =	vnsel vm1, $0x3FF, v15;
	v15 =	vnsel vm0, s7, v9;
	vm0 =	vgt.s32 v11, s3  }
0x1d4: {  	v19 =	vld [tilespmem:s5+$0x0];
	v9 =	vxor.u32 $0x80000000, v12;
	(xrf0) =	vmin.scan.msk.u32 $0xffff, v14;
	s9 =	sadd.s32 s10, s9;
	s7 =	spop (v2sf);
	v12 =	vadd.s32 v1, v13;
	v13 =	vnsel vm2, s8, v10  }
0x1d5: {  	s4 =	sadd.s32 $0x4, s4;
	vm1 =	vlt.s32 v15, $0x3FF;
	v11 =	vnsel vm0, s3, v11;
	(xrf0) =	vmin.scan.msk.u32 $0xffff, v9;
	v20 =	vld [tilespmem:s9+$0x0];
	s8 =	spop (v2sf);
	[tilespmem:s1+$0x0] =	vst v12  }
0x1d6: {  	p1 =	slt.u32 s4, $0xFC;
	v12 =	vnsel vm1, $0x3FF, v15;
	vm0 =	vlt.s32 v13, $0x3FF;
	vm1 =	vlt.s32 v11, $0x3FF;
	v9 =	vld [tilespmem:s9+$0x10];
	s3 =	spop (v2sf)  }
.Ltmp9:
0x1d7: {  	v12 =	vadd.s32 v1, v12;
	v13 =	vnsel vm0, $0x3FF, v13;
	v14 =	vnsel vm1, $0x3FF, v11;
	v10 =	vld [tilespmem:s9+$0x20];
	s10 =	spop (v2sf);
	(pc) =	sbr.rel @p1 .LBB2_14-.Ltmp9, $4  }
0x1d8: {  	p2 =	seq.s32 s2, $0x0;
	s11 =	smax.u32 s4, $0x1;
	v21 =	vadd.s32 v1, v13;
	v22 =	vadd.s32 v1, v14;
	v15, _, _ =	vpop (xrf0);
	s10 =	sxor.u32 $0x80000000, s10;
	v11 =	vld [tilespmem:s9+$0x30];
	[tilespmem:s1+$0x10] =	vst v12  }
0x1d9: {  	v16 =	vxor.u32 $0x80000000, v18;
	v13 =	vxor.u32 $0x80000000, v17;
	v12 =	vld [tilespmem:s11+$0x1D27F];
	(v2sf) =	vpush v15, $0xF;
	v15, _, _ =	vpop (xrf0);
	s10 =	smov.u32 @p2 s0;
	[tilespmem:s1+$0x20] =	vst v21  }
0x1da: {  	s7 =	sxor.u32 $0x80000000, s7;
	v14 =	vxor.u32 $0x80000000, v19;
	(v2sf) =	vpush v15, $0xF;
	v15, _, _ =	vpop (xrf0);
	vm0 =	vgt.s32 v20, s10;
	[tilespmem:s1+$0x30] =	vst v22;
	s1 =	smov.u32 s9  }
0x1db: {  	s2 =	sadd.s32 $0x40, s2;
	s5 =	sadd.s32 $0x4, s5;
	s8 =	sxor.u32 $0x80000000, s8;
	v17, _, _ =	vpop (xrf0);
	(v2sf) =	vpush v15, $0xF;
	v15 =	vnsel vm0, s10, v20;
	vm0 =	vgt.s32 v9, s7  }
0x1dc: {  	(xrf0) =	vmin.scan.msk.u32 $0xffff, v16  }
0x1dd: {  	(xrf0) =	vmin.scan.msk.u32 $0xffff, v13  }
0x1de: {  	s4 =	sand.u32 $0xF80, s2;
	v12 =	vxor.u32 $0x80000000, v12;
	(xrf0) =	vmin.scan.msk.u32 $0xffff, v14  }
0x1df: {  	(v2sf) =	vpush v17, $0xF;
	s5 =	sand.u32 $0x40, s2;
	s4 =	sadd.s32 s4, s29;
	(xrf0) =	vmin.scan.msk.u32 $0xffff, v12  }
0x1e0: {  	s4 =	sadd.s32 s5, s4  }
0x1e1: {  	vm1 =	vlt.s32 v15, $0x3FF;
	vm2 =	vgt.s32 v10, s8;
	v9 =	vnsel vm0, s7, v9;
	s3 =	sxor.u32 $0x80000000, s3;
	v33 =	vld [tilespmem:s4+$0x0]  }
0x1e2: {  	s11 =	spop (v2sf);
	v36 =	vnsel vm1, $0x3FF, v15;
	v10 =	vnsel vm2, s8, v10;
	vm12 =	vgt.s32 v11, s3;
	v35 =	vld [tilespmem:s4+$0x10];
	v30, _, _ =	vpop (xrf0)  }
0x1e3: {  	s9 =	spop (v2sf);
	vm13 =	vlt.s32 v9, $0x3FF;
	v14 =	vadd.s32 v1, v36;
	v37 =	vld [tilespmem:s4+$0x20];
	(v2sf) =	vpush v30, $0xF;
	v31, _, _ =	vpop (xrf0)  }
0x1e4: {  	s13 =	sadd.s32 $0x40, s2;
	p1 =	seq.s32 s2, $0x0;
	s10 =	spop (v2sf);
	v11 =	vnsel vm12, s3, v11;
	v9 =	vnsel vm13, $0x3FF, v9;
	v38 =	vld [tilespmem:s4+$0x30];
	(v2sf) =	vpush v31, $0xF;
	v32, _, _ =	vpop (xrf0)  }
0x1e5: {  	s14 =	sand.u32 $0xF80, s13;
	s15 =	sand.u32 $0x40, s13;
	vm14 =	vlt.s32 v10, $0x3FF;
	vm15 =	vlt.s32 v11, $0x3FF;
	s12 =	spop (v2sf);
	v34, _, _ =	vpop (xrf0);
	(v2sf) =	vpush v32, $0xF  }
0x1e6: {  	s2 =	sadd.s32 s14, s29;
	s5 =	sxor.u32 $0x80000000, s11;
	v10 =	vnsel vm14, $0x3FF, v10;
	v11 =	vnsel vm15, $0x3FF, v11;
	s7 =	sxor.u32 $0x80000000, s12;
	(v2sf) =	vpush v34, $0xF  }
0x1e7: {  	s24 =	sxor.u32 $0x80000000, s9;
	v9 =	vadd.s32 v1, v9;
	s2 =	sadd.s32 s15, s2;
	v10 =	vadd.s32 v1, v10;
	v11 =	vadd.s32 v1, v11;
	s7 =	smov.u32 @p1 s0  }
0x1e8: {  	s10 =	sxor.u32 $0x80000000, s10;
	v18 =	vld [tilespmem:s2+$0x10];
	vm4 =	vgt.s32 v33, s7;
	vm5 =	vgt.s32 v35, s5;
	vm6 =	vgt.s32 v37, s24  }
0x1e9: {  	v19 =	vld [tilespmem:s2+$0x20];
	vm8 =	vgt.s32 v38, s10;
	v13 =	vnsel vm4, s7, v33;
	v12 =	vnsel vm5, s5, v35  }
0x1ea: {  	s8 =	sadd.s32 $0x40, s13;
	v20 =	vld [tilespmem:s2+$0x30];
	v15 =	vnsel vm6, s24, v37;
	v16 =	vnsel vm8, s10, v38;
	vm7 =	vlt.s32 v13, $0x3FF  }
0x1eb: {  	s11 =	sand.u32 $0xF80, s8;
	p1 =	seq.s32 s13, $0x0;
	vm9 =	vlt.s32 v12, $0x3FF;
	vm10 =	vlt.s32 v15, $0x3FF;
	vm12 =	vlt.s32 v16, $0x3FF;
	s22 =	spop (v2sf)  }
0x1ec: {  	v39 =	vld [tilespmem:s2+$0x0];
	s13 =	sand.u32 $0x40, s8;
	s10 =	sadd.s32 s11, s29;
	v13 =	vnsel vm7, $0x3FF, v13;
	v12 =	vnsel vm9, $0x3FF, v12;
	v40 =	vnsel vm10, $0x3FF, v15;
	s25 =	spop (v2sf)  }
0x1ed: {  	[tilespmem:s1+$0x0] =	vst v14;
	s3 =	sadd.s32 s13, s10;
	v41 =	vnsel vm12, $0x3FF, v16;
	v13 =	vadd.s32 v1, v13;
	v12 =	vadd.s32 v1, v12;
	s12 =	sxor.u32 $0x80000000, s22;
	s26 =	spop (v2sf)  }
0x1ee: {  	[tilespmem:s1+$0x10] =	vst v9;
	v42 =	vadd.s32 v1, v40;
	v45 =	vadd.s32 v1, v41;
	vm13 =	vgt.s32 v18, s12;
	s9 =	sxor.u32 $0x80000000, s25;
	s28 =	spop (v2sf);
	s5 =	sxor.u32 $0x80000000, s26  }
0x1ef: {  	v47 =	vld [tilespmem:s3+$0x10];
	vm14 =	vgt.s32 v19, s9;
	v43 =	vnsel vm13, s12, v18;
	s7 =	sxor.u32 $0x80000000, s28;
	vm15 =	vgt.s32 v20, s5  }
0x1f0: {  	[tilespmem:s1+$0x20] =	vst v10;
	v49 =	vld [tilespmem:s3+$0x20];
	v46 =	vnsel vm14, s9, v19;
	vm5 =	vlt.s32 v43, $0x3FF;
	s7 =	smov.u32 @p1 s0;
	v48 =	vnsel vm15, s5, v20  }
0x1f1: {  	[tilespmem:s1+$0x30] =	vst v11;
	v51 =	vld [tilespmem:s3+$0x30];
	v14 =	vnsel vm5, $0x3FF, v43;
	vm6 =	vlt.s32 v46, $0x3FF;
	vm11 =	vgt.s32 v39, s7  }
0x1f2: {  	[tilespmem:s4+$0x0] =	vst v13;
	v53 =	vnsel vm6, $0x3FF, v46;
	vm7 =	vlt.s32 v48, $0x3FF;
	v17 =	vnsel vm11, s7, v39;
	s14 =	spop (v2sf)  }
0x1f3: {  	v44 =	vld [tilespmem:s3+$0x0];
	[tilespmem:s4+$0x10] =	vst v12;
	v54 =	vadd.s32 v1, v14;
	v11 =	vnsel vm7, $0x3FF, v48;
	vm4 =	vlt.s32 v17, $0x3FF;
	s15 =	spop (v2sf);
	s25 =	sxor.u32 $0x80000000, s14  }
0x1f4: {  	[tilespmem:s4+$0x20] =	vst v42;
	v55 =	vadd.s32 v1, v53;
	v50 =	vnsel vm4, $0x3FF, v17;
	s22 =	spop (v2sf);
	vm9 =	vgt.s32 v47, s25  }
0x1f5: {  	[tilespmem:s4+$0x30] =	vst v45;
	v11 =	vadd.s32 v1, v11;
	v52 =	vadd.s32 v1, v50;
	s26 =	sxor.u32 $0x80000000, s15;
	s24 =	spop (v2sf);
	s28 =	sxor.u32 $0x80000000, s22;
	v58 =	vnsel vm9, s25, v47  }
0x1f6: {  	p1 =	seq.s32 s8, $0x0;
	[tilespmem:s2+$0x10] =	vst v54;
	vm11 =	vgt.s32 v49, s26;
	s1 =	sxor.u32 $0x80000000, s24;
	vm12 =	vgt.s32 v51, s28;
	vm13 =	vlt.s32 v58, $0x3FF  }
0x1f7: {  	[tilespmem:s2+$0x20] =	vst v55;
	v59 =	vnsel vm11, s26, v49;
	s1 =	smov.u32 @p1 s0;
	v60 =	vnsel vm12, s28, v51;
	v12 =	vnsel vm13, $0x3FF, v58  }
0x1f8: {  	[tilespmem:s2+$0x30] =	vst v11;
	vm14 =	vlt.s32 v59, $0x3FF;
	vm8 =	vgt.s32 v44, s1;
	vm15 =	vlt.s32 v60, $0x3FF  }
0x1f9: {  	[tilespmem:s2+$0x0] =	vst v52;
	v61 =	vadd.s32 v1, v12;
	v10 =	vnsel vm14, $0x3FF, v59;
	v56 =	vnsel vm8, s1, v44  }
0x1fa: {  	v11 =	vnsel vm15, $0x3FF, v60;
	[tilespmem:s3+$0x10] =	vst v61;
	v62 =	vadd.s32 v1, v10;
	vm10 =	vlt.s32 v56, $0x3FF  }
0x1fb: {  	v63 =	vadd.s32 v1, v11;
	[tilespmem:s3+$0x20] =	vst v62;
	v57 =	vnsel vm10, $0x3FF, v56  }
0x1fc: {  	[tilespmem:s3+$0x30] =	vst v63;
	v9 =	vadd.s32 v1, v57  }
0x1fd: {  	[tilespmem:s3+$0x0] =	vst v9  }
0x1fe: {  	s5 =	sld [smem:$0x7F0];
	_ =	sdelay $0x1  }
0x1ff: {  	s9 =	simm.s32 $0x3;
	s8 =	simm.s32 $0x400;
	s7 =	simm.s32 $0x80  }
0x200: {  	[spmem:s5] =	stream.strided.scatter [tilespmem:s29], [sflag:$0x3], $0x1000, s8, s7, $0x38;
	[tilespmem:$0x1D400] =	vst v63  }
0x201: {  	_ =	swait.ge [sflag:s9], $0x1000  }
0x202: {  	[sflag:s9] =	ssyncset.done $0x0  }
0x203: {  	[sflag:s9] =	ssyncadd.s32 $0xFFFFF000  }
0x204: {  	[bflag:$0x0] =	sbarrier.arrive $0xFFFF  }
0x205: {  	s10 =	sld [smem:$0x7F1]  }
0x206: {  	s11 =	sld [smem:$0x7F2];
	_ =	sdelay $0x2  }
0x207: {  	[tilespmem:s10], [sflag:$0x3] =	stream.strided.gather [spmem:s11], $0x1000, s8, s7, $0x38;
	[tilespmem:$0x1D400] =	vst v63  }
0x208: {  	_ =	swait.ge [sflag:s9], $0x1000  }
0x209: {  	s12 =	sld [smem:$0x7FC]  }
0x20a: {  	[sflag:s9] =	ssyncset.done $0x0  }
0x20b: {  	s2 =	sld [smem:$0x7F3];
	[sflag:s9] =	ssyncadd.s32 $0xFFFFF000  }
0x20c: {  	[tilespmem:$0x4480] =	vst v2;
	p0 =	seq.s32 s12, $0x1  }
0x20d: {  	[tilespmem:$0x1CD00] =	vst @!p0 v8;
	s0 =	simm.s32 @!p0 $0x0;
	s1 =	simm.s32 @!p0 $0x1CD00  }
0x20e: {  	[hbm4b:s2+s0] =	stream.linear.scatter @!p0 [tilespmem:s1], [sflag:$0x3], $0x80, $0x38;
	[tilespmem:$0x1D400] =	vst v63  }
0x20f: {  	s0 =	simm.s32 @!p0 $0x3  }
0x210: {  	_ =	swait.ge @!p0 [sflag:s0], $0x80  }
0x211: {  	s13 =	sld [smem:$0x7FA]  }
0x212: {  	s15 =	sld [smem:$0x7FB]  }
.Ltmp10:
0x213: {  	s24 =	sld [smem:$0x7F9];
	(pc) =	sbr.rel .LBB2_16-.Ltmp10, $4  }
0x214: {  	s31 =	sld [smem:$0x7F8]  }
0x215: {  	s2 =	simm.s32 $0x0;
	[sflag:s0] =	ssyncset.done @!p0 $0x0;
	s25 =	sld [smem:$0x7F7]  }
0x216: {  	s26 =	sld [smem:$0x7F6];
	[sflag:s0] =	ssyncadd.s32 @!p0 $0xFFFFFF80;
	s28 =	ssub.s32 s6, s13  }
0x217: {  	[smem:$0x7EB] =	sst s13;
	s22 =	sxor.u32 $0x80000000, s28;
	s14 =	sadd.s32 $0x7FFFFF00, s28  }
.LBB2_70:
0x218: {  	s2 =	sld [smem:$0x7E3]  }
0x219: {  	s0 =	sld [smem:$0x7F4];
	_ =	sdelay $0x1  }
0x21a: {  	s1 =	rddreg [dreg:$0x3];
	s13 =	simm.s32 $0x14D00;
	s2 =	sadd.s32 $0x1, s2  }
0x21b: {  	s22 =	sadd.s32 $0xFFFFFE00, s22;
	s0 =	sadd.s32 s0, s28;
	p0 =	sne.s32 s2, $0x10  }
.Ltmp11:
0x21c: {  	s28 =	sld [smem:$0x7EB];
	s0 =	sshll.u32 s0, $0x5;
	(pc) =	sbr.rel @!p0 .LBB2_71-.Ltmp11, $4  }
0x21d: {  	s14 =	sadd.s32 $0xFFFFFE00, s14;
	s26 =	sadd.s32 $0x200, s26;
	s0 =	sadd.s32 s1, s0  }
0x21e: {  	[hbm4b:s0+s16] =	stream.linear.scatter [tilespmem:s13], [sflag:$0x2], $0x8000, $0x38;
	[tilespmem:$0x1D400] =	vst v63  }
0x21f: {  	s25 =	sadd.s32 $0x200, s25;
	s31 =	sadd.s32 $0x200, s31;
	s0 =	sadd.s32 $0x200, s28  }
0x220: {  	s24 =	sadd.s32 $0x200, s24;
	s15 =	sadd.s32 $0x200, s15;
	[smem:$0x7EB] =	sst s0  }
.LBB2_16:
0x221: {  	p1 =	seq.s32 s2, $0x0  }
0x222: {  	s0 =	simm.s32 @!p1 $0x2  }
0x223: {  	_ =	swait.ge @!p1 [sflag:s0], $0x8000  }
0x224: {  	[sflag:s0] =	ssyncset.done @!p1 $0x0  }
0x225: {  	[sflag:s0] =	ssyncadd.s32 @!p1 $0xFFFF8000  }
0x226: {  	_ =	swait.ge @!p1 [sflag:s0], $0x8000  }
0x227: {  	s5 =	sld [smem:$0x7FA];
	_ =	sdelay $0x1  }
0x228: {  	s1 =	sshll.u32 s2, $0x9  }
0x229: {  	[sflag:s0] =	ssyncset.done @!p1 $0x0;
	s13 =	sor.u32 s5, s1  }
0x22a: {  	[sflag:s0] =	ssyncadd.s32 @!p1 $0xFFFF8000;
	s6 =	sand.u32 $0x3FFFFE80, s13  }
0x22b: {  	s7 =	sld [smem:$0x7EC];
	v8 =	vld [tilespmem:s6+$0x2480];
	_ =	sdelay $0x2  }
0x22c: {  	s0 =	ssub.s32 s7, s13  }
0x22d: {  	p1 =	sgt.s32 s0, $0x0;
	s1 =	smov.u32 s0  }
0x22e: {  	s1 =	simm.s32 @!p1 $0x0;
	v8 =	vxor.u32 $0x80000000, v8  }
0x22f: {  	s9 =	smin.u32 s1, $0x80;
	(xrf0) =	vmin.scan.msk.u32 $0xffff, v8  }
0x230: {  	s1 =	smax.u32 s9, $0x1  }
0x231: {  	s1 =	sadd.s32 s1, s13  }
0x232: {  	v8 =	vld [tilespmem:s1+$0x247F];
	_ =	sdelay $0x2  }
0x233: {  	v9, _, _ =	vpop (xrf0)  }
0x234: {  	(v2sf) =	vpush v9, $0xF  }
0x235: {  	v8 =	vxor.u32 $0x80000000, v8  }
0x236: {  	(xrf0) =	vmin.scan.msk.u32 $0xffff, v8;
	_ =	sdelay $0x5  }
0x237: {  	v8, _, _ =	vpop (xrf0)  }
0x238: {  	(v2sf) =	vpush v8, $0xF;
	_ =	sdelay $0x5  }
0x239: {  	s8 =	spop (v2sf)  }
0x23a: {  	s10 =	sxor.u32 $0x80000000, s8  }
0x23b: {  	p2 =	sgt.s32 s8, $0xFFFFFFFF;
	s1 =	sand.u32 $0x7, s8;
	p5 =	slt.s32 s10, $0x1  }
0x23c: {  	s3 =	sshra.s32 s10, $0x1F;
	p6 =	sne.s32 s1, $0x0;
	p1 =	por p2, p5  }
0x23d: {  	[smem:$0x7E3] =	sst s2;
	s11 =	sshrl.u32 s3, $0x1D;
	p1 =	por !p6, !p1  }
0x23e: {  	s2 =	simm.s32 $0x1;
	s1 =	sadd.s32 s11, s10;
	p1 =	por !p1, !p1  }
0x23f: {  	s1 =	sshrl.u32 s1, $0x3;
	s2 =	simm.s32 @!p1 $0x0  }
0x240: {  	s1 =	ssub.s32 s1, s2  }
0x241: {  	s10 =	sshll.u32 s1, $0x3  }
0x242: {  	s12 =	spop (v2sf);
	p1 =	slt.s32 s10, $0x3F78  }
0x243: {  	s11 =	sxor.u32 $0x80000000, s12;
	s10 =	simm.s32 @!p1 $0x3F78  }
0x244: {  	[smem:$0x7E4] =	sst s22;
	p1 =	slt.s32 s0, $0x1;
	s6 =	ssub.s32 s11, s10  }
0x245: {  	p2 =	sgt.s32 s22, $0x0;
	s0 =	smov.u32 s22;
	p3 =	sgt.s32 @!p1 s6, $0x2F  }
0x246: {  	[smem:$0x7E5] =	sst s14;
	s0 =	simm.s32 @!p2 $0x0;
	p2 =	por p1, p3  }
.Ltmp12:
0x247: {  	[smem:$0x7E6] =	sst s15;
	(pc) =	sbr.rel @p2 .LBB2_18-.Ltmp12, $4  }
0x248: {  	[smem:$0x7E7] =	sst s24  }
0x249: {  	[smem:$0x7E8] =	sst s31  }
0x24a: {  	[smem:$0x7E9] =	sst s25  }
0x24b: {  	[smem:$0x7EA] =	sst s26;
	s28 =	smin.u32 s0, $0x80  }
0x24c: {  	s0 =	sshll.u32 s10, $0x5  }
.Ltmp13:
0x24d: {  	s0 =	sadd.s32 s20, s0;
	(pc) =	sbr.rel .LBB2_21-.Ltmp13, $4  }
0x24e: {  	[tilespmem:s23], [sflag:$0x1] =	stream.linear.gather [hbm4b:s0+s16], $0x3000, $0x38;
	[tilespmem:$0x1D400] =	vst v63  }
0x24f: {  	_ =	swait.ge [sflag:s21], $0x3000  }
0x250: {  	[sflag:s21] =	ssyncset.done $0x0  }
0x251: {  	[sflag:s21] =	ssyncadd.s32 $0xFFFFD000  }
.LBB2_18:
0x252: {  	p2 =	slt.s32 @!p1 s6, $0x30  }
0x253: {  	p2 =	por p1, p2  }
.Ltmp14:
0x254: {  	_ = 	snop;
	(pc) =	sbr.rel @p2 .LBB2_20-.Ltmp14, $1  }
0x255: {  	_ =	sdelay $0x3  }
0x256: {  	s0 =	sshll.u32 s10, $0x5  }
.Ltmp15:
0x257: {  	s0 =	sadd.s32 s20, s0;
	(pc) =	sbr.rel .LBB2_21-.Ltmp15, $4  }
0x258: {  	[tilespmem:s23], [sflag:$0x1] =	stream.linear.gather [hbm4b:s0+s16], $0x8800, $0x38;
	[tilespmem:$0x1D400] =	vst v63  }
0x259: {  	_ =	swait.ge [sflag:s21], $0x8800  }
0x25a: {  	[sflag:s21] =	ssyncset.done $0x0  }
0x25b: {  	[sflag:s21] =	ssyncadd.s32 $0xFFFF7800  }
.LBB2_20:
.Ltmp16:
0x25c: {  	(pc) =	sbr.rel @p1 .LBB2_33-.Ltmp16, $1  }
0x25d: {  	_ =	sdelay $0x3  }
.LBB2_21:
0x25e: {  	s8 =	sand.u32 $0xFC, s9  }
0x25f: {  	p2 =	seq.s32 s8, $0x0  }
.Ltmp17:
0x260: {  	_ = 	snop;
	(pc) =	sbr.rel @p2 .LBB2_24-.Ltmp17, $1  }
0x261: {  	_ =	sdelay $0x3  }
0x262: {  	v8 =	vmov s26;
	_ =	sdelay $0x2  }
0x263: {  	[smem:$0x7E1] =	sst s6  }
0x264: {  	[smem:$0x7E2] =	sst s28;
	s1 =	simm.s32 $0x0  }
0x265: {  	v9 =	vld.idx.msk [tilespmem:v8+s1+$0x0 ss:$0x1], $0xffff;
	_ =	sdelay $0x4  }
0x266: {  	s7 =	sld [smem:$0x7EB];
	v9 =	vxor.u32 $0x80000000, v9  }
0x267: {  	(xrf0) =	vmin.scan.msk.u32 $0xffff, v9;
	_ =	sdelay $0x1  }
0x268: {  	s4 =	sand.u32 $0x3FFFFF80, s7  }
0x269: {  	s1 =	sadd.s32 $0x0, s4  }
0x26a: {  	v9 =	vld [tilespmem:s1+$0x2480];
	_ =	sdelay $0x1  }
0x26b: {  	v10 =	vld [tilespmem:s1+$0x2481];
	v12, _, _ =	vpop (xrf0)  }
0x26c: {  	v11 =	vld [tilespmem:s1+$0x2482];
	(v2sf) =	vpush v12, $0xF;
	_ =	sdelay $0x1  }
0x26d: {  	v9 =	vxor.u32 $0x80000000, v9  }
0x26e: {  	(xrf0) =	vmin.scan.msk.u32 $0xffff, v9  }
0x26f: {  	v10 =	vxor.u32 $0x80000000, v10  }
0x270: {  	v9 =	vxor.u32 $0x80000000, v11;
	(xrf0) =	vmin.scan.msk.u32 $0xffff, v10  }
0x271: {  	(xrf0) =	vmin.scan.msk.u32 $0xffff, v9;
	_ =	sdelay $0x2  }
0x272: {  	v9, _, _ =	vpop (xrf0)  }
0x273: {  	(v2sf) =	vpush v9, $0xF  }
0x274: {  	v9, _, _ =	vpop (xrf0)  }
0x275: {  	(v2sf) =	vpush v9, $0xF;
	v9, _, _ =	vpop (xrf0)  }
0x276: {  	(v2sf) =	vpush v9, $0xF;
	_ =	sdelay $0x1  }
0x277: {  	s5 =	spop (v2sf)  }
0x278: {  	s1 =	sxor.u32 $0x80000000, s5  }
0x279: {  	s1 =	ssub.s32 s1, s10  }
0x27a: {  	p3 =	sgt.s32 s1, $0x0  }
0x27b: {  	s1 =	simm.s32 @!p3 $0x0  }
0x27c: {  	s1 =	smin.u32 s1, $0x87  }
0x27d: {  	s2 =	sshll.u32 s1, $0x8;
	s1 =	sshll.u32 s1, $0x7  }
0x27e: {  	s2 =	sand.u32 $0xF800, s2;
	s1 =	sand.u32 $0x380, s1  }
0x27f: {  	s20 =	smov.u32 s22;
	s22 =	sor.u32 s1, s2  }
0x280: {  	s0 =	simm.s32 $0x180;
	s12 =	simm.s32 $0x0;
	v9 =	vld [tilespmem:s22+$0x4500]  }
0x281: {  	s19 =	simm.s32 $0x0;
	s4 =	sand.u32 $0x7FFFF800, s12;
	s6 =	spop (v2sf)  }
0x282: {  	s0 =	sand.u32 $0x380, s0;
	s4 =	sadd.s32 $0xCD00, s4;
	s1 =	sxor.u32 $0x80000000, s6  }
0x283: {  	s26 =	sadd.s32 s0, s4;
	s14 =	spop (v2sf);
	s1 =	ssub.s32 s1, s10  }
0x284: {  	s2 =	sxor.u32 $0x80000000, s14;
	s3 =	spop (v2sf);
	p3 =	sgt.s32 s1, $0x0  }
0x285: {  	s3 =	sxor.u32 $0x80000000, s3;
	s2 =	ssub.s32 s2, s10;
	s1 =	simm.s32 @!p3 $0x0;
	[tilespmem:s26+$0x0] =	vst v9  }
0x286: {  	s0 =	ssub.s32 s3, s10;
	p4 =	sgt.s32 s2, $0x0;
	s1 =	smin.u32 s1, $0x87;
	v9 =	vld [tilespmem:s22+$0x4510]  }
0x287: {  	p5 =	sgt.s32 s0, $0x0;
	s15 =	sshll.u32 s1, $0x8;
	s1 =	sshll.u32 s1, $0x7  }
0x288: {  	s2 =	simm.s32 @!p4 $0x0;
	s3 =	sand.u32 $0xF800, s15;
	s1 =	sand.u32 $0x380, s1  }
0x289: {  	s0 =	simm.s32 @!p5 $0x0;
	s2 =	smin.u32 s2, $0x87;
	s23 =	sor.u32 s1, s3  }
0x28a: {  	s0 =	smin.u32 s0, $0x87;
	s5 =	sshll.u32 s2, $0x8;
	s2 =	sshll.u32 s2, $0x7;
	v10 =	vld [tilespmem:s23+$0x4500]  }
0x28b: {  	s16 =	sshll.u32 s0, $0x8;
	s0 =	sshll.u32 s0, $0x7;
	s17 =	sand.u32 $0xF800, s5;
	[tilespmem:s26+$0x10] =	vst v9  }
0x28c: {  	s2 =	sand.u32 $0x380, s2;
	s18 =	sand.u32 $0xF800, s16;
	[dreg:$0x9] =	wrdreg s10  }
0x28d: {  	s0 =	sand.u32 $0x380, s0;
	s31 =	sor.u32 s2, s17;
	s1 =	sand.u32 $0x200, s19;
	v9 =	vld [tilespmem:s22+$0x4520]  }
0x28e: {  	s0 =	sor.u32 s0, s18;
	s25 =	sor.u32 s1, s4;
	v11 =	vld [tilespmem:s31+$0x4500]  }
0x28f: {  	v12 =	vld [tilespmem:s0+$0x4500];
	[tilespmem:s25+$0x0] =	vst v10  }
0x290: {  	p2 =	por $0x0, $0x0;
	s21 =	simm.s32 $0x80;
	v10 =	vld [tilespmem:s23+$0x4510]  }
0x291: {  	s24 =	simm.s32 $0x100;
	s30 =	sand.u32 $0x3, s12;
	s2 =	sand.u32 $0x280, s21  }
0x292: {  	s1 =	sand.u32 $0x300, s24;
	s28 =	sor.u32 s2, s4;
	s2 =	sshll.u32 s30, $0x8;
	[tilespmem:s26+$0x20] =	vst v9  }
0x293: {  	s3 =	simm.s32 $0x1;
	s24 =	sadd.s32 s1, s4;
	s2 =	sadd.s32 $0x0, s2;
	[tilespmem:s28+$0x0] =	vst v11  }
0x294: {  	s3 =	simm.s32 @!p2 $0x0;
	s2 =	sadd.s32 $0x100, s2;
	[tilespmem:s24+$0x0] =	vst v12;
	v9 =	vld [tilespmem:s22+$0x4530]  }
0x295: {  	s5 =	sshll.u32 s3, $0x9;
	s6 =	sor.u32 $0x420, s2;
	v11 =	vld [tilespmem:s31+$0x4510];
	[tilespmem:s25+$0x10] =	vst v10  }
0x296: {  	s1 =	sadd.s32 $0x0, s5;
	s14 =	sor.u32 $0x430, s2;
	v12 =	vld [tilespmem:s0+$0x4510];
	[smem:$0x7DA] =	sst s6  }
0x297: {  	s19 =	sor.u32 $0x430, s1;
	[dreg:$0xc] =	wrdreg s14  }
0x298: {  	[smem:$0x7DB] =	sst s19  }
0x299: {  	s21 =	sor.u32 $0x440, s1;
	[tilespmem:s26+$0x30] =	vst v9  }
0x29a: {  	s30 =	sor.u32 $0x440, s2;
	v10 =	vld [tilespmem:s23+$0x4520];
	[dreg:$0xf] =	wrdreg s21  }
0x29b: {  	[dreg:$0x8] =	wrdreg s30  }
0x29c: {  	s14 =	sor.u32 $0x460, s2;
	[tilespmem:s28+$0x10] =	vst v11  }
0x29d: {  	s19 =	sor.u32 $0x460, s1;
	v11 =	vld [tilespmem:s22+$0x4540];
	[smem:$0x7DC] =	sst s14  }
0x29e: {  	p3 =	sgt.u32 s8, $0x4;
	[smem:$0x7DD] =	sst s19  }
.Ltmp18:
0x29f: {  	s3 =	sadd.s32 $0x4, s7;
	s30 =	sor.u32 $0x470, s2;
	[tilespmem:s24+$0x10] =	vst v12;
	(pc) =	sbr.rel @!p3 .LBB2_23-.Ltmp18, $4  }
0x2a0: {  	s17 =	sor.u32 $0x400, s1;
	s18 =	sor.u32 $0x400, s2;
	v13 =	vld [tilespmem:s31+$0x4520];
	[smem:$0x7DE] =	sst s30  }
0x2a1: {  	s16 =	sor.u32 $0x410, s2;
	s4 =	sor.u32 $0x450, s1;
	v12 =	vld [tilespmem:s0+$0x4520];
	[dreg:$0x7] =	wrdreg s8  }
0x2a2: {  	s15 =	sor.u32 $0x420, s1;
	s21 =	sor.u32 $0x470, s1;
	[smem:$0x7DF] =	sst s4  }
0x2a3: {  	s5 =	sor.u32 $0x450, s2;
	s10 =	sor.u32 $0x410, s1;
	[smem:$0x7E0] =	sst s21  }
0x2a4: {  	_ = 	snop  }
0x2a5: {  	[smem:$0x7CD] =	sst s11  }
0x2a6: {  	[smem:$0x7CE] =	sst s9  }
0x2a7: {  	[smem:$0x7CF] =	sst s13;
	s1 =	simm.s32 $0x4  }
0x2a8: {  	[tilespmem:s26+$0x40] =	vst v11;
	v11 =	vld.idx.msk [tilespmem:v8+s1+$0x0 ss:$0x1], $0xffff  }
0x2a9: {  	v9 =	vld [tilespmem:s22+$0x4550]  }
0x2aa: {  	s2 =	sand.u32 $0x3FFFFF80, s3;
	[tilespmem:s25+$0x20] =	vst v10  }
0x2ab: {  	s6 =	sadd.s32 $0x4, s2;
	[tilespmem:s28+$0x20] =	vst v13;
	v13 =	vld [tilespmem:s23+$0x4530]  }
0x2ac: {  	v10 =	vld [tilespmem:s6+$0x2480]  }
0x2ad: {  	v14 =	vld [tilespmem:s31+$0x4530]  }
0x2ae: {  	v15 =	vld [tilespmem:s6+$0x2481];
	[tilespmem:s26+$0x50] =	vst v9;
	v9 =	vxor.u32 $0x80000000, v11  }
0x2af: {  	[tilespmem:s24+$0x20] =	vst v12;
	v11 =	vld [tilespmem:s22+$0x4560];
	(xrf0) =	vmin.scan.msk.u32 $0xffff, v9  }
0x2b0: {  	v12 =	vld [tilespmem:s0+$0x4530];
	[tilespmem:s25+$0x30] =	vst v13  }
0x2b1: {  	v13 =	vld [tilespmem:s23+$0x4540]  }
0x2b2: {  	[tilespmem:s28+$0x30] =	vst v14;
	v9 =	vld [tilespmem:s6+$0x2482]  }
0x2b3: {  	v14 =	vld [tilespmem:s31+$0x4540]  }
0x2b4: {  	v10 =	vxor.u32 $0x80000000, v10;
	[tilespmem:s26+$0x60] =	vst v11  }
0x2b5: {  	[tilespmem:s24+$0x30] =	vst v12;
	v11 =	vld [tilespmem:s22+$0x4570];
	v16, _, _ =	vpop (xrf0);
	(xrf0) =	vmin.scan.msk.u32 $0xffff, v10;
	v10 =	vxor.u32 $0x80000000, v15  }
0x2b6: {  	[tilespmem:s25+$0x40] =	vst v13;
	(xrf0) =	vmin.scan.msk.u32 $0xffff, v10;
	v10 =	vld [tilespmem:s0+$0x4540]  }
0x2b7: {  	v12 =	vld [tilespmem:s23+$0x4550];
	(v2sf) =	vpush v16, $0xF  }
0x2b8: {  	v9 =	vxor.u32 $0x80000000, v9;
	[tilespmem:s28+$0x40] =	vst v14  }
0x2b9: {  	(xrf0) =	vmin.scan.msk.u32 $0xffff, v9;
	v9 =	vld [tilespmem:s31+$0x4550]  }
0x2ba: {  	[tilespmem:s26+$0x70] =	vst v11  }
0x2bb: {  	s7 =	sand.u32 $0x7, s12;
	v11 =	vld [tilespmem:s22+$0x4900];
	v13, _, _ =	vpop (xrf0);
	[tilespmem:s24+$0x40] =	vst v10  }
0x2bc: {  	s1 =	sshll.u32 s7, $0x7;
	[tilespmem:s25+$0x50] =	vst v12;
	(v2sf) =	vpush v13, $0xF;
	v10, _, _ =	vpop (xrf0);
	v13 =	vld [tilespmem:s0+$0x4550]  }
0x2bd: {  	s1 =	sadd.s32 $0x0, s1;
	(v2sf) =	vpush v10, $0xF;
	v10 =	vld [tilespmem:s23+$0x4560]  }
0x2be: {  	s12 =	sadd.s32 $0x180, s1;
	[tilespmem:s28+$0x50] =	vst v9  }
0x2bf: {  	s9 =	sor.u32 $0x400, s12;
	v12 =	vld [tilespmem:s31+$0x4560]  }
0x2c0: {  	v9, _, _ =	vpop (xrf0);
	[tilespmem:s9+$0xCD00] =	vst v11  }
0x2c1: {  	(v2sf) =	vpush v9, $0xF;
	v9 =	vld [tilespmem:s22+$0x4910];
	[tilespmem:s24+$0x50] =	vst v13  }
0x2c2: {  	v11 =	vld [tilespmem:s0+$0x4560];
	[tilespmem:s25+$0x60] =	vst v10  }
0x2c3: {  	v10 =	vld [tilespmem:s23+$0x4570]  }
0x2c4: {  	[tilespmem:s28+$0x60] =	vst v12  }
0x2c5: {  	s29 =	smov.u32 s5;
	s1 =	sadd.s32 $0x80, s1;
	s11 =	sor.u32 $0x410, s12;
	v12 =	vld [tilespmem:s31+$0x4570]  }
0x2c6: {  	p4 =	sgt.u32 s8, $0x8;
	s7 =	sor.u32 $0x430, s1;
	s4 =	spop (v2sf);
	[tilespmem:s11+$0xCD00] =	vst v9  }
0x2c7: {  	s14 =	sor.u32 $0x420, s12;
	s13 =	sxor.u32 $0x80000000, s4;
	v9 =	vld [tilespmem:s22+$0x4920];
	s9 =	rddreg [dreg:$0x9];
	[tilespmem:s24+$0x60] =	vst v11  }
0x2c8: {  	s19 =	sor.u32 $0x440, s1;
	s6 =	sor.u32 $0x400, s1;
	s5 =	ssub.s32 s13, s9;
	[tilespmem:s25+$0x70] =	vst v10  }
0x2c9: {  	s4 =	sor.u32 $0x410, s1;
	v11 =	vld [tilespmem:s0+$0x4570];
	p3 =	sgt.s32 s5, $0x0;
	[smem:$0x7D0] =	sst s7  }
0x2ca: {  	s25 =	sor.u32 $0x450, s1;
	s13 =	smov.u32 s22;
	s5 =	simm.s32 @!p3 $0x0;
	[tilespmem:s28+$0x70] =	vst v12  }
0x2cb: {  	v10 =	vld [tilespmem:s23+$0x4900];
	s5 =	smin.u32 s5, $0x87;
	[dreg:$0x1a] =	wrdreg s19;
	s21 =	spop (v2sf)  }
0x2cc: {  	s20 =	sshll.u32 s5, $0x8;
	s5 =	sshll.u32 s5, $0x7;
	v12 =	vld [tilespmem:s31+$0x4900];
	[tilespmem:s14+$0xCD00] =	vst v9;
	s14 =	sor.u32 $0x460, s1  }
0x2cd: {  	s8 =	sand.u32 $0xF800, s20;
	s5 =	sand.u32 $0x380, s5;
	v9 =	vld [tilespmem:s22+$0x4930];
	[dreg:$0x11] =	wrdreg s25  }
0x2ce: {  	s26 =	spop (v2sf);
	[dreg:$0x18] =	wrdreg s14;
	s22 =	sor.u32 s5, s8  }
0x2cf: {  	s19 =	sxor.u32 $0x80000000, s21;
	s21 =	simm.s32 $0x380;
	s20 =	sxor.u32 $0x80000000, s26;
	[tilespmem:s24+$0x70] =	vst v11;
	v11 =	vld [tilespmem:s22+$0x4500]  }
0x2d0: {  	s25 =	spop (v2sf);
	s5 =	ssub.s32 s19, s9;
	s19 =	simm.s32 $0x400;
	v13 =	vld [tilespmem:s0+$0x4900];
	[tilespmem:s17+$0xCD00] =	vst v10  }
0x2d1: {  	s14 =	sor.u32 $0x430, s12;
	s8 =	sxor.u32 $0x80000000, s25;
	s26 =	sand.u32 $0x7FFFF800, s19;
	v10 =	vld [tilespmem:s23+$0x4910];
	[tilespmem:s6+$0xCD00] =	vst v12  }
0x2d2: {  	s7 =	ssub.s32 s20, s9;
	s17 =	sand.u32 $0x380, s21;
	s6 =	sadd.s32 $0xCD00, s26;
	v12 =	vld [tilespmem:s31+$0x4910]  }
0x2d3: {  	s24 =	sor.u32 $0x440, s12;
	p3 =	sgt.s32 s5, $0x0;
	[tilespmem:s14+$0xCD00] =	vst v9;
	s26 =	sadd.s32 s17, s6  }
0x2d4: {  	s8 =	ssub.s32 s8, s9;
	p5 =	sgt.s32 s7, $0x0;
	s5 =	simm.s32 @!p3 $0x0;
	v9 =	vld [tilespmem:s13+$0x4940];
	[tilespmem:s26+$0x0] =	vst v11  }
0x2d5: {  	p3 =	sgt.s32 s8, $0x0;
	s7 =	simm.s32 @!p5 $0x0;
	s5 =	smin.u32 s5, $0x87;
	[tilespmem:s18+$0xCD00] =	vst v13;
	v11 =	vld [tilespmem:s22+$0x4510]  }
0x2d6: {  	s8 =	simm.s32 @!p3 $0x0;
	s20 =	sshll.u32 s5, $0x8;
	s5 =	sshll.u32 s5, $0x7;
	v13 =	vld [tilespmem:s0+$0x4910];
	[tilespmem:s10+$0xCD00] =	vst v10  }
0x2d7: {  	s7 =	smin.u32 s7, $0x87;
	s11 =	sand.u32 $0xF800, s20;
	s5 =	sand.u32 $0x380, s5;
	v10 =	vld [tilespmem:s23+$0x4920];
	[tilespmem:s4+$0xCD00] =	vst v12  }
0x2d8: {  	s25 =	sshll.u32 s7, $0x8;
	s9 =	sshll.u32 s7, $0x7;
	s30 =	sor.u32 s5, s11;
	v12 =	vld [tilespmem:s31+$0x4920]  }
0x2d9: {  	s8 =	smin.u32 s8, $0x87;
	s14 =	sand.u32 $0xF800, s25;
	v14 =	vld [tilespmem:s30+$0x4500];
	s4 =	sand.u32 $0x380, s9;
	[tilespmem:s24+$0xCD00] =	vst v9  }
0x2da: {  	s11 =	sshll.u32 s8, $0x7;
	s10 =	sshll.u32 s8, $0x8;
	s18 =	sor.u32 s4, s14;
	v9 =	vld [tilespmem:s13+$0x4950];
	[tilespmem:s26+$0x10] =	vst v11  }
0x2db: {  	s5 =	sand.u32 $0x380, s11;
	s7 =	sand.u32 $0xF800, s10;
	[tilespmem:s16+$0xCD00] =	vst v13;
	s16 =	simm.s32 $0x200;
	v13 =	vld [tilespmem:s18+$0x4500]  }
0x2dc: {  	s2 =	sor.u32 $0x420, s1;
	s5 =	sor.u32 s5, s7;
	v11 =	vld [tilespmem:s22+$0x4520];
	[tilespmem:s15+$0xCD00] =	vst v10;
	s7 =	sand.u32 $0x200, s16  }
0x2dd: {  	s24 =	simm.s32 $0x280;
	s25 =	sor.u32 s7, s6;
	[tilespmem:s2+$0xCD00] =	vst v12  }
0x2de: {  	s17 =	sor.u32 $0x450, s12;
	s11 =	sand.u32 $0x280, s24;
	v10 =	vld [tilespmem:s5+$0x4500];
	[tilespmem:s25+$0x0] =	vst v14  }
0x2df: {  	s1 =	sor.u32 $0x470, s1;
	s28 =	sor.u32 s11, s6;
	v12 =	vld [tilespmem:s0+$0x4920];
	[tilespmem:s17+$0xCD00] =	vst v9  }
0x2e0: {  	p3 =	por !p2, !p2;
	s9 =	simm.s32 $0x2;
	s4 =	simm.s32 $0x300;
	v14 =	vld [tilespmem:s30+$0x4510];
	[tilespmem:s28+$0x0] =	vst v13  }
0x2e1: {  	s20 =	sand.u32 $0x3, s9;
	s7 =	sand.u32 $0x300, s4;
	s2 =	simm.s32 $0x1;
	v9 =	vld [tilespmem:s13+$0x4960];
	[tilespmem:s26+$0x20] =	vst v11  }
0x2e2: {  	s24 =	sadd.s32 s7, s6;
	s2 =	simm.s32 @!p3 $0x0;
	v11 =	vld [tilespmem:s22+$0x4530];
	[dreg:$0x1c] =	wrdreg s1  }
0x2e3: {  	s8 =	sshll.u32 s20, $0x8;
	s2 =	sshll.u32 s2, $0x9;
	[tilespmem:s24+$0x0] =	vst v10  }
0x2e4: {  	s7 =	sadd.s32 $0x400, s8;
	s8 =	sadd.s32 $0x400, s2;
	s10 =	sld [smem:$0x7DA]  }
0x2e5: {  	s2 =	sor.u32 $0x400, s8  }
0x2e6: {  	v13 =	vld [tilespmem:s18+$0x4510];
	[smem:$0x7D1] =	sst s2  }
0x2e7: {  	s14 =	sor.u32 $0x410, s8;
	[tilespmem:s10+$0xCD00] =	vst v12  }
0x2e8: {  	s15 =	sor.u32 $0x420, s8;
	v15 =	vld [tilespmem:s5+$0x4510];
	[smem:$0x7D2] =	sst s14  }
0x2e9: {  	s11 =	sor.u32 $0x460, s12;
	[dreg:$0x14] =	wrdreg s15  }
0x2ea: {  	[tilespmem:s11+$0xCD00] =	vst v9  }
0x2eb: {  	s16 =	sor.u32 $0x460, s8;
	v9 =	vld [tilespmem:s23+$0x4930];
	[tilespmem:s25+$0x10] =	vst v14  }
0x2ec: {  	s17 =	sor.u32 $0x470, s8;
	v63 =	vld [tilespmem:s13+$0x4970];
	[smem:$0x7D3] =	sst s16  }
0x2ed: {  	s7 =	sadd.s32 $0x100, s7;
	[smem:$0x7D4] =	sst s17  }
0x2ee: {  	s20 =	sor.u32 $0x400, s7;
	[tilespmem:s26+$0x30] =	vst v11  }
0x2ef: {  	s6 =	sor.u32 $0x410, s7;
	v10 =	vld [tilespmem:s30+$0x4520];
	[smem:$0x7D5] =	sst s20  }
0x2f0: {  	s1 =	sor.u32 $0x450, s8;
	[dreg:$0x16] =	wrdreg s6  }
0x2f1: {  	s2 =	sor.u32 $0x440, s8;
	s11 =	sor.u32 $0x430, s8;
	s8 =	sor.u32 $0x420, s7;
	[tilespmem:s28+$0x10] =	vst v13  }
0x2f2: {  	s10 =	sor.u32 $0x450, s7;
	v11 =	vld [tilespmem:s22+$0x4540];
	[smem:$0x7D6] =	sst s8  }
0x2f3: {  	s13 =	sor.u32 $0x460, s7;
	[smem:$0x7D7] =	sst s10  }
0x2f4: {  	s15 =	sor.u32 $0x470, s7;
	[smem:$0x7D8] =	sst s13  }
0x2f5: {  	[smem:$0x7D9] =	sst s15  }
0x2f6: {  	[tilespmem:s24+$0x10] =	vst v15  }
0x2f7: {  	s16 =	sld [smem:$0x7DB]  }
0x2f8: {  	s17 =	sor.u32 $0x470, s12  }
0x2f9: {  	[tilespmem:s17+$0xCD00] =	vst v63  }
.Ltmp19:
0x2fa: {  	p2 =	por $0x1, $0x1;
	[tilespmem:s16+$0xCD00] =	vst v9;
	(pc) =	sbr.rel @!p4 .LBB2_43-.Ltmp19, $4  }
0x2fb: {  	s4 =	smov.u32 s0;
	s14 =	sor.u32 $0x430, s7;
	s6 =	sld [smem:$0x7DE]  }
0x2fc: {  	s12 =	simm.s32 $0x20;
	s20 =	sor.u32 $0x440, s7;
	v13 =	vld [tilespmem:s18+$0x4520];
	s13 =	sld [smem:$0x7DC]  }
0x2fd: {  	s8 =	sadd.s32 $0x4, s3;
	s15 =	smov.u32 s31;
	v12 =	vld [tilespmem:s5+$0x4520];
	s0 =	sld [smem:$0x7E0]  }
0x2fe: {  	s17 =	simm.s32 $0x8;
	v9 =	vld [tilespmem:s31+$0x4930];
	s16 =	simm.s32 $0x0;
	s10 =	sld [smem:$0x7DD]  }
.LBB2_44:
0x2ff: {  	s3 =	sshra.s32 s12, $0x2  }
0x300: {  	v14 =	vld.idx.msk [tilespmem:v8+s3+$0x0 ss:$0x1], $0xffff;
	[tilespmem:s25+$0x20] =	vst v10  }
0x301: {  	s7 =	sand.u32 $0x3FFFFF80, s8;
	v10 =	vld [tilespmem:s4+$0x4930];
	[tilespmem:s26+$0x40] =	vst v11  }
0x302: {  	[smem:$0x7C4] =	sst s11;
	s7 =	sadd.s32 s3, s7;
	v11 =	vld [tilespmem:s22+$0x4550]  }
0x303: {  	s11 =	sld [smem:$0x7D0];
	[tilespmem:s28+$0x20] =	vst v13;
	v13 =	vld [tilespmem:s7+$0x2480];
	_ =	sdelay $0x1  }
0x304: {  	[tilespmem:s24+$0x20] =	vst v12;
	v12 =	vld [tilespmem:s7+$0x2481]  }
0x305: {  	s31 =	rddreg [dreg:$0xc];
	[tilespmem:s11+$0xCD00] =	vst v9;
	v9 =	vld [tilespmem:s7+$0x2482]  }
0x306: {  	[tilespmem:s31+$0xCD00] =	vst v10;
	v10 =	vld [tilespmem:s30+$0x4530]  }
0x307: {  	v15 =	vld [tilespmem:s18+$0x4530];
	[tilespmem:s26+$0x50] =	vst v11;
	v11 =	vxor.u32 $0x80000000, v13;
	v13 =	vxor.u32 $0x80000000, v14  }
0x308: {  	v14 =	vld [tilespmem:s22+$0x4560];
	(xrf0) =	vmin.scan.msk.u32 $0xffff, v13  }
0x309: {  	v12 =	vxor.u32 $0x80000000, v12;
	v13 =	vld [tilespmem:s5+$0x4530];
	(xrf0) =	vmin.scan.msk.u32 $0xffff, v11  }
0x30a: {  	[smem:$0x7C2] =	sst s8;
	v11 =	vld [tilespmem:s23+$0x4940];
	(xrf0) =	vmin.scan.msk.u32 $0xffff, v12  }
0x30b: {  	s8 =	rddreg [dreg:$0xf];
	v9 =	vxor.u32 $0x80000000, v9;
	[tilespmem:s25+$0x30] =	vst v10  }
0x30c: {  	s17 =	sadd.s32 $0x4, s17;
	s3 =	rddreg [dreg:$0x7];
	v10 =	vld [tilespmem:s15+$0x4940];
	(xrf0) =	vmin.scan.msk.u32 $0xffff, v9;
	[tilespmem:s28+$0x30] =	vst v15  }
0x30d: {  	p4 =	slt.u32 s17, s3;
	s16 =	sadd.s32 $0x4, s16;
	s3 =	rddreg [dreg:$0x9];
	v9 =	vld [tilespmem:s30+$0x4540];
	[tilespmem:s26+$0x60] =	vst v14  }
0x30e: {  	s9 =	sadd.s32 $0x2, s9;
	[smem:$0x7C3] =	sst s16;
	v12 =	vld [tilespmem:s18+$0x4540];
	[tilespmem:s24+$0x30] =	vst v13;
	v14, _, _ =	vpop (xrf0)  }
0x30f: {  	[smem:$0x7C6] =	sst s9;
	v13 =	vld [tilespmem:s22+$0x4570];
	[tilespmem:s8+$0xCD00] =	vst v11;
	v11, _, _ =	vpop (xrf0);
	(v2sf) =	vpush v14, $0xF  }
0x310: {  	s7 =	smov.u32 s14;
	s14 =	rddreg [dreg:$0x1a];
	(v2sf) =	vpush v11, $0xF;
	v11, _, _ =	vpop (xrf0)  }
0x311: {  	s11 =	smov.u32 s2;
	[dreg:$0xc] =	wrdreg s7;
	v15 =	vld [tilespmem:s5+$0x4540];
	[tilespmem:s14+$0xCD00] =	vst v10;
	(v2sf) =	vpush v11, $0xF  }
0x312: {  	[dreg:$0xf] =	wrdreg s11;
	v10 =	vld [tilespmem:s4+$0x4940];
	[tilespmem:s25+$0x40] =	vst v9;
	v11, _, _ =	vpop (xrf0)  }
0x313: {  	s7 =	smov.u32 s20;
	s31 =	rddreg [dreg:$0x8];
	[tilespmem:s28+$0x40] =	vst v12;
	v9 =	vld [tilespmem:s23+$0x4950];
	(v2sf) =	vpush v11, $0xF  }
0x314: {  	p3 =	por !p3, !p3;
	[dreg:$0x8] =	wrdreg s7;
	v11 =	vld [tilespmem:s18+$0x4550];
	[tilespmem:s26+$0x70] =	vst v13;
	s26 =	sand.u32 $0x7, s16  }
0x315: {  	s21 =	sadd.s32 $0x200, s21;
	s8 =	sld [smem:$0x7DF];
	v14 =	vld [tilespmem:s30+$0x4550];
	s2 =	sshll.u32 s26, $0x7  }
0x316: {  	s11 =	smov.u32 s1;
	s7 =	sld [smem:$0x7D7];
	[tilespmem:s24+$0x40] =	vst v15;
	v12 =	vld [tilespmem:s22+$0x4900];
	s2 =	sadd.s32 s19, s2  }
0x317: {  	[smem:$0x7DF] =	sst s11;
	v13 =	vld [tilespmem:s5+$0x4550];
	[tilespmem:s31+$0xCD00] =	vst v10;
	s19 =	sadd.s32 $0x400, s19;
	s14 =	sadd.s32 $0x80, s2  }
0x318: {  	s31 =	sadd.s32 $0x180, s2;
	[tilespmem:s8+$0xCD00] =	vst v9;
	v9 =	vld [tilespmem:s15+$0x4950];
	s26 =	sor.u32 $0x400, s14;
	s16 =	sor.u32 $0x430, s14  }
0x319: {  	v10 =	vld [tilespmem:s4+$0x4950];
	[tilespmem:s28+$0x50] =	vst v11;
	s20 =	sor.u32 $0x410, s14;
	s8 =	sor.u32 $0x440, s14;
	[smem:$0x7D0] =	sst s16  }
0x31a: {  	s2 =	sor.u32 $0x400, s31;
	s11 =	sor.u32 $0x470, s14;
	[tilespmem:s25+$0x50] =	vst v14;
	v11 =	vld [tilespmem:s18+$0x4560];
	[dreg:$0x1a] =	wrdreg s8  }
0x31b: {  	s1 =	sor.u32 $0x420, s14;
	s8 =	sor.u32 $0x450, s14;
	[smem:$0x7C1] =	sst s11;
	v14 =	vld [tilespmem:s30+$0x4560];
	[tilespmem:s2+$0xCD00] =	vst v12  }
0x31c: {  	s2 =	sor.u32 $0x460, s14;
	[tilespmem:s24+$0x50] =	vst v13;
	s14 =	rddreg [dreg:$0x11];
	s16 =	smov.u32 s8;
	v12 =	vld [tilespmem:s22+$0x4910]  }
0x31d: {  	s11 =	sor.u32 $0x410, s31;
	s8 =	smov.u32 s7;
	[dreg:$0x11] =	wrdreg s16;
	[tilespmem:s14+$0xCD00] =	vst v9;
	v9 =	vld [tilespmem:s23+$0x4960]  }
0x31e: {  	v13 =	vld [tilespmem:s5+$0x4560];
	[smem:$0x7C5] =	sst s8;
	[tilespmem:s29+$0xCD00] =	vst v10;
	s14 =	simm.s32 $0x1;
	s29 =	spop (v2sf)  }
0x31f: {  	v10 =	vld [tilespmem:s15+$0x4960];
	[tilespmem:s28+$0x60] =	vst v11;
	s14 =	simm.s32 @!p3 $0x0;
	s16 =	sxor.u32 $0x80000000, s29;
	s29 =	spop (v2sf)  }
0x320: {  	s8 =	sand.u32 $0x3, s9;
	[tilespmem:s25+$0x60] =	vst v14;
	s14 =	sshll.u32 s14, $0x9;
	s9 =	spop (v2sf)  }
0x321: {  	v14 =	vld [tilespmem:s30+$0x4570];
	[tilespmem:s11+$0xCD00] =	vst v12;
	s29 =	sxor.u32 $0x80000000, s29;
	s7 =	ssub.s32 s16, s3;
	s16 =	sxor.u32 $0x80000000, s9  }
0x322: {  	[tilespmem:s10+$0xCD00] =	vst v9;
	p5 =	sgt.s32 s7, $0x0;
	s11 =	spop (v2sf);
	s10 =	rddreg [dreg:$0x18]  }
0x323: {  	v11 =	vld [tilespmem:s18+$0x4570];
	s29 =	ssub.s32 s29, s3;
	s9 =	sshll.u32 s8, $0x8;
	s11 =	sxor.u32 $0x80000000, s11  }
0x324: {  	[tilespmem:s24+$0x60] =	vst v13;
	v12 =	vld [tilespmem:s22+$0x4920];
	s7 =	simm.s32 @!p5 $0x0;
	s16 =	ssub.s32 s16, s3;
	p5 =	sgt.s32 s29, $0x0  }
0x325: {  	v13 =	vld [tilespmem:s5+$0x4570];
	s9 =	sadd.s32 s19, s9;
	s7 =	smin.u32 s7, $0x87;
	s11 =	ssub.s32 s11, s3  }
0x326: {  	v9 =	vld [tilespmem:s4+$0x4960];
	p6 =	sgt.s32 s16, $0x0;
	s29 =	simm.s32 @!p5 $0x0;
	s9 =	sadd.s32 $0x100, s9;
	[tilespmem:s25+$0x70] =	vst v14  }
0x327: {  	[tilespmem:s10+$0xCD00] =	vst v10;
	s25 =	sor.u32 $0x420, s31;
	s10 =	sshll.u32 s7, $0x8;
	s7 =	sshll.u32 s7, $0x7;
	v10 =	vld [tilespmem:s23+$0x4970]  }
0x328: {  	[tilespmem:s28+$0x70] =	vst v11;
	p0 =	sgt.s32 s11, $0x0;
	s16 =	simm.s32 @!p6 $0x0;
	s8 =	smin.u32 s29, $0x87;
	v14 =	vld [tilespmem:s30+$0x4900]  }
0x329: {  	v11 =	vld [tilespmem:s18+$0x4900];
	[tilespmem:s25+$0xCD00] =	vst v12;
	s23 =	sand.u32 $0xF800, s10;
	s7 =	sand.u32 $0x380, s7;
	s11 =	simm.s32 @!p0 $0x0  }
0x32a: {  	[tilespmem:s24+$0x70] =	vst v13;
	s24 =	sld [smem:$0x7D1];
	s25 =	sand.u32 $0x7FFFF800, s19;
	s3 =	smin.u32 s16, $0x87;
	v12 =	vld [tilespmem:s22+$0x4930]  }
0x32b: {  	s7 =	sor.u32 s7, s23;
	v13 =	vld [tilespmem:s5+$0x4900];
	[tilespmem:s13+$0xCD00] =	vst v9;
	s29 =	sadd.s32 $0xCD00, s25;
	s13 =	sand.u32 $0x380, s21  }
0x32c: {  	s11 =	smin.u32 s11, $0x87;
	s23 =	sld [smem:$0x7D5];
	s25 =	sshll.u32 s3, $0x8;
	v9 =	vld [tilespmem:s7+$0x4500];
	[tilespmem:s0+$0xCD00] =	vst v10  }
0x32d: {  	s10 =	sshll.u32 s3, $0x7;
	s3 =	sshll.u32 s11, $0x8;
	s11 =	sshll.u32 s11, $0x7;
	v10 =	vld [tilespmem:s15+$0x4970];
	[tilespmem:s24+$0xCD00] =	vst v14  }
0x32e: {  	s16 =	sand.u32 $0xF800, s25;
	s28 =	sand.u32 $0x380, s10;
	[tilespmem:s26+$0xCD00] =	vst v11;
	s0 =	sor.u32 $0x430, s31;
	v14 =	vld [tilespmem:s30+$0x4910]  }
0x32f: {  	s25 =	sand.u32 $0xF800, s3;
	s15 =	sshll.u32 s8, $0x8;
	s26 =	sadd.s32 s13, s29;
	v11 =	vld [tilespmem:s18+$0x4910];
	[tilespmem:s0+$0xCD00] =	vst v12  }
0x330: {  	s8 =	sshll.u32 s8, $0x7;
	[tilespmem:s23+$0xCD00] =	vst v13;
	s24 =	sand.u32 $0xF800, s15;
	s15 =	sld [smem:$0x7D2];
	v12 =	vld [tilespmem:s22+$0x4940]  }
0x331: {  	s11 =	sand.u32 $0x380, s11;
	s13 =	rddreg [dreg:$0x1c];
	s8 =	sand.u32 $0x380, s8;
	[tilespmem:s26+$0x0] =	vst v9;
	v9 =	vld [tilespmem:s5+$0x4910]  }
0x332: {  	s10 =	sor.u32 s8, s24;
	s8 =	sor.u32 s11, s25;
	s25 =	sadd.s32 $0xFFFFFE80, s21;
	v13 =	vld [tilespmem:s7+$0x4510];
	[tilespmem:s13+$0xCD00] =	vst v10  }
0x333: {  	s23 =	sor.u32 $0x440, s31;
	s0 =	sor.u32 s28, s16;
	s11 =	sand.u32 $0x200, s25;
	v10 =	vld [tilespmem:s4+$0x4970];
	[tilespmem:s15+$0xCD00] =	vst v14  }
0x334: {  	s25 =	sor.u32 s11, s29;
	s11 =	sadd.s32 s14, s19;
	s4 =	sadd.s32 $0xFFFFFF00, s21;
	[tilespmem:s20+$0xCD00] =	vst v11;
	v14 =	vld [tilespmem:s30+$0x4920]  }
0x335: {  	s13 =	sadd.s32 $0xFFFFFF80, s21;
	s16 =	sand.u32 $0x280, s4;
	v11 =	vld [tilespmem:s18+$0x4920];
	[tilespmem:s23+$0xCD00] =	vst v12;
	s15 =	rddreg [dreg:$0x16]  }
0x336: {  	s4 =	sor.u32 $0x410, s11;
	s28 =	sor.u32 s16, s29;
	s16 =	rddreg [dreg:$0x14];
	[tilespmem:s15+$0xCD00] =	vst v9;
	v9 =	vld [tilespmem:s22+$0x4950]  }
0x337: {  	s20 =	sand.u32 $0x300, s13;
	s13 =	sor.u32 $0x410, s9;
	[smem:$0x7D2] =	sst s4;
	v12 =	vld [tilespmem:s10+$0x4500];
	[tilespmem:s26+$0x10] =	vst v13  }
0x338: {  	s14 =	sor.u32 $0x420, s11;
	[dreg:$0x16] =	wrdreg s13;
	[tilespmem:s6+$0xCD00] =	vst v10;
	v10 =	vld [tilespmem:s0+$0x4500]  }
0x339: {  	[dreg:$0x14] =	wrdreg s14;
	[tilespmem:s16+$0xCD00] =	vst v14;
	v14 =	vld [tilespmem:s8+$0x4500]  }
0x33a: {  	s3 =	sor.u32 $0x450, s31;
	s23 =	sor.u32 $0x400, s11;
	s4 =	sld [smem:$0x7C1];
	[tilespmem:s1+$0xCD00] =	vst v11;
	v11 =	vld [tilespmem:s5+$0x4920]  }
0x33b: {  	s24 =	sadd.s32 s20, s29;
	[smem:$0x7D1] =	sst s23;
	v13 =	vld [tilespmem:s7+$0x4520];
	[tilespmem:s3+$0xCD00] =	vst v9  }
0x33c: {  	s20 =	smov.u32 s2;
	s14 =	sor.u32 $0x430, s9;
	s23 =	sld [smem:$0x7D6];
	v9 =	vld [tilespmem:s22+$0x4960]  }
0x33d: {  	s13 =	sor.u32 $0x460, s31;
	[dreg:$0x18] =	wrdreg s20;
	s15 =	sor.u32 $0x450, s9  }
0x33e: {  	s20 =	sor.u32 $0x440, s9;
	[smem:$0x7D7] =	sst s15;
	s6 =	sor.u32 $0x400, s9;
	[tilespmem:s24+$0x0] =	vst v14  }
0x33f: {  	[smem:$0x7D5] =	sst s6;
	s16 =	sor.u32 $0x420, s9;
	v14 =	vld [tilespmem:s8+$0x4510];
	[tilespmem:s23+$0xCD00] =	vst v11;
	s23 =	smov.u32 s4  }
0x340: {  	[tilespmem:s26+$0x20] =	vst v13;
	s4 =	smov.u32 s5;
	s5 =	smov.u32 s8;
	s8 =	sld [smem:$0x7C2]  }
0x341: {  	s6 =	sor.u32 $0x460, s9;
	v13 =	vld [tilespmem:s7+$0x4530];
	[tilespmem:s13+$0xCD00] =	vst v9;
	s13 =	smov.u32 s16;
	s16 =	sld [smem:$0x7C3]  }
0x342: {  	s3 =	sor.u32 $0x460, s11;
	v17 =	vld [tilespmem:s22+$0x4970];
	s22 =	smov.u32 s7;
	s7 =	sld [smem:$0x7D8]  }
0x343: {  	s9 =	sor.u32 $0x470, s9;
	[tilespmem:s25+$0x0] =	vst v12;
	[dreg:$0x1c] =	wrdreg s23;
	s23 =	smov.u32 s30  }
0x344: {  	v12 =	vld [tilespmem:s10+$0x4510];
	s30 =	smov.u32 s10;
	[smem:$0x7D6] =	sst s13;
	s10 =	smov.u32 s6  }
0x345: {  	[tilespmem:s28+$0x0] =	vst v10;
	s6 =	smov.u32 s3;
	s13 =	smov.u32 s7;
	s7 =	sld [smem:$0x7D3]  }
0x346: {  	v15 =	vld [tilespmem:s0+$0x4510];
	s3 =	sor.u32 $0x470, s31;
	s31 =	smov.u32 s9;
	s9 =	sld [smem:$0x7C6]  }
0x347: {  	s29 =	sor.u32 $0x430, s11;
	s2 =	sor.u32 $0x440, s11;
	[smem:$0x7D8] =	sst s10  }
0x348: {  	s15 =	smov.u32 s18;
	v16 =	vld [tilespmem:s23+$0x4930];
	s10 =	smov.u32 s7;
	s7 =	sld [smem:$0x7D4]  }
0x349: {  	s1 =	sor.u32 $0x450, s11;
	s11 =	sor.u32 $0x470, s11;
	[tilespmem:s26+$0x30] =	vst v13;
	[smem:$0x7D3] =	sst s6  }
.Ltmp20:
0x34a: {  	[tilespmem:s25+$0x10] =	vst v12;
	v11 =	vld [tilespmem:s22+$0x4540];
	s6 =	smov.u32 s11;
	s11 =	sld [smem:$0x7C4];
	(pc) =	sbr.rel @p4 .LBB2_44-.Ltmp20, $4  }
0x34b: {  	s18 =	smov.u32 s0;
	[tilespmem:s28+$0x10] =	vst v15;
	v10 =	vld [tilespmem:s30+$0x4520];
	s0 =	smov.u32 s7;
	s7 =	sld [smem:$0x7D9]  }
0x34c: {  	v13 =	vld [tilespmem:s18+$0x4520];
	[tilespmem:s24+$0x10] =	vst v14;
	[smem:$0x7D4] =	sst s6  }
0x34d: {  	s12 =	sadd.s32 $0x10, s12;
	v9 =	vld [tilespmem:s15+$0x4930];
	[tilespmem:s11+$0xCD00] =	vst v16;
	s11 =	smov.u32 s29;
	s29 =	sld [smem:$0x7C5]  }
0x34e: {  	s8 =	sadd.s32 $0x4, s8;
	v12 =	vld [tilespmem:s5+$0x4520];
	[tilespmem:s3+$0xCD00] =	vst v17;
	[smem:$0x7D9] =	sst s31;
	s6 =	smov.u32 s7  }
0x34f: {  	s31 =	sld [smem:$0x7D0]  }
0x350: {  	s17 =	sld [smem:$0x7D1]  }
0x351: {  	s21 =	sld [smem:$0x7D5]  }
0x352: {  	s8 =	rddreg [dreg:$0xc]  }
0x353: {  	s7 =	rddreg [dreg:$0xf]  }
0x354: {  	s3 =	rddreg [dreg:$0x8]  }
0x355: {  	s12 =	sld [smem:$0x7DF]  }
0x356: {  	[smem:$0x7C9] =	sst s10  }
0x357: {  	[smem:$0x7CA] =	sst s13  }
0x358: {  	[smem:$0x7CB] =	sst s0  }
0x359: {  	[smem:$0x7CC] =	sst s6  }
0x35a: {  	[smem:$0x7DF] =	sst s1  }
0x35b: {  	s0 =	smov.u32 s5;
	s5 =	sld [smem:$0x7D7]  }
0x35c: {  	s9 =	sld [smem:$0x7D8]  }
0x35d: {  	s10 =	sld [smem:$0x7D3]  }
0x35e: {  	s13 =	sld [smem:$0x7D4]  }
0x35f: {  	s6 =	smov.u32 s20;
	s20 =	sld [smem:$0x7D9]  }
0x360: {  	[smem:$0x7DB] =	sst s11  }
0x361: {  	s11 =	sld [smem:$0x7CD]  }
0x362: {  	[smem:$0x7C7] =	sst s3  }
0x363: {  	[smem:$0x7C8] =	sst s29  }
0x364: {  	s3 =	smov.u32 s16;
	s16 =	smov.u32 s2;
	s2 =	sld [smem:$0x7D6]  }
0x365: {  	s29 =	sld [smem:$0x7FD]  }
0x366: {  	[smem:$0x7DC] =	sst s9  }
0x367: {  	[smem:$0x7DD] =	sst s10  }
0x368: {  	[smem:$0x7E0] =	sst s13  }
0x369: {  	[smem:$0x7DE] =	sst s20  }
0x36a: {  	s20 =	sld [smem:$0x7E4]  }
0x36b: {  	s13 =	sld [smem:$0x7CF]  }
0x36c: {  	s9 =	sld [smem:$0x7CE]  }
0x36d: {  	s10 =	sld [smem:$0x7D2]  }
0x36e: {  	[smem:$0x7DA] =	sst s2;
	s2 =	smov.u32 s3  }
.LBB2_46:
0x36f: {  	[tilespmem:s25+$0x20] =	vst v10  }
0x370: {  	[tilespmem:s28+$0x20] =	vst v13;
	v8 =	vld [tilespmem:s30+$0x4530]  }
0x371: {  	v42 =	vld [tilespmem:s18+$0x4530]  }
0x372: {  	[tilespmem:s24+$0x20] =	vst v12  }
0x373: {  	v12 =	vld [tilespmem:s0+$0x4530];
	_ =	sdelay $0x1  }
0x374: {  	[tilespmem:s25+$0x30] =	vst v8  }
0x375: {  	[tilespmem:s28+$0x30] =	vst v42;
	v8 =	vld [tilespmem:s30+$0x4540]  }
0x376: {  	v10 =	vld [tilespmem:s18+$0x4540]  }
0x377: {  	[tilespmem:s24+$0x30] =	vst v12  }
0x378: {  	v12 =	vld [tilespmem:s0+$0x4540]  }
0x379: {  	[tilespmem:s26+$0x40] =	vst v11  }
0x37a: {  	v11 =	vld [tilespmem:s22+$0x4550];
	[tilespmem:s25+$0x40] =	vst v8  }
0x37b: {  	[tilespmem:s28+$0x40] =	vst v10;
	v8 =	vld [tilespmem:s30+$0x4550]  }
0x37c: {  	v10 =	vld [tilespmem:s18+$0x4550]  }
0x37d: {  	[tilespmem:s24+$0x40] =	vst v12  }
0x37e: {  	v12 =	vld [tilespmem:s0+$0x4550]  }
0x37f: {  	[tilespmem:s26+$0x50] =	vst v11  }
0x380: {  	v11 =	vld [tilespmem:s22+$0x4560];
	[tilespmem:s25+$0x50] =	vst v8  }
0x381: {  	[tilespmem:s28+$0x50] =	vst v10;
	v8 =	vld [tilespmem:s30+$0x4560]  }
0x382: {  	v10 =	vld [tilespmem:s18+$0x4560]  }
0x383: {  	[tilespmem:s24+$0x50] =	vst v12  }
0x384: {  	v12 =	vld [tilespmem:s0+$0x4560]  }
0x385: {  	[tilespmem:s26+$0x60] =	vst v11  }
0x386: {  	v11 =	vld [tilespmem:s22+$0x4570];
	[tilespmem:s25+$0x60] =	vst v8  }
0x387: {  	[tilespmem:s28+$0x60] =	vst v10;
	v8 =	vld [tilespmem:s30+$0x4570]  }
0x388: {  	v10 =	vld [tilespmem:s18+$0x4570]  }
0x389: {  	[tilespmem:s24+$0x60] =	vst v12  }
0x38a: {  	s1 =	sadd.s32 @p2 $0x4, s2;
	s2 =	simm.s32 $0x0;
	v12 =	vld [tilespmem:s0+$0x4570]  }
0x38b: {  	s2 =	smov.u32 @p2 s1;
	[tilespmem:s26+$0x70] =	vst v11  }
0x38c: {  	s1 =	sand.u32 $0x7, s2;
	[tilespmem:s25+$0x70] =	vst v8;
	v8 =	vld [tilespmem:s22+$0x4900]  }
0x38d: {  	s1 =	sshll.u32 s1, $0x7;
	[tilespmem:s28+$0x70] =	vst v10;
	v43 =	vld [tilespmem:s30+$0x4900]  }
0x38e: {  	s19 =	sadd.s32 s19, s1;
	v44 =	vld [tilespmem:s18+$0x4900]  }
0x38f: {  	s1 =	sadd.s32 $0x180, s19;
	[tilespmem:s24+$0x70] =	vst v12  }
0x390: {  	s3 =	sor.u32 $0x400, s1;
	v12 =	vld [tilespmem:s0+$0x4900]  }
0x391: {  	s2 =	sadd.s32 $0x80, s19;
	[tilespmem:s3+$0xCD00] =	vst v8;
	v8 =	vld @p2 [tilespmem:s4+$0x4930]  }
0x392: {  	s24 =	sor.u32 $0x400, s2;
	[tilespmem:s17+$0xCD00] =	vst v43;
	v45 =	vld [tilespmem:s22+$0x4910]  }
0x393: {  	[tilespmem:s24+$0xCD00] =	vst v44;
	v46 =	vld [tilespmem:s30+$0x4910]  }
0x394: {  	[tilespmem:s31+$0xCD00] =	vst @p2 v9;
	v47 =	vld [tilespmem:s18+$0x4910]  }
0x395: {  	[tilespmem:s21+$0xCD00] =	vst v12  }
0x396: {  	s25 =	sor.u32 $0x410, s1;
	v48 =	vld [tilespmem:s0+$0x4910];
	[tilespmem:s8+$0xCD00] =	vst @p2 v8  }
0x397: {  	v8 =	vld @p2 [tilespmem:s23+$0x4940];
	[tilespmem:s25+$0xCD00] =	vst v45  }
0x398: {  	s26 =	sor.u32 $0x410, s2;
	[tilespmem:s10+$0xCD00] =	vst v46  }
0x399: {  	v10 =	vld @p2 [tilespmem:s15+$0x4940];
	[tilespmem:s26+$0xCD00] =	vst v47  }
0x39a: {  	v49 =	vld [tilespmem:s22+$0x4920];
	s3 =	rddreg [dreg:$0x16]  }
0x39b: {  	v51 =	vld [tilespmem:s18+$0x4920];
	[tilespmem:s3+$0xCD00] =	vst v48  }
0x39c: {  	v50 =	vld [tilespmem:s30+$0x4920];
	[tilespmem:s7+$0xCD00] =	vst @p2 v8  }
0x39d: {  	s3 =	rddreg [dreg:$0x1a]  }
0x39e: {  	s7 =	sor.u32 $0x420, s1;
	[tilespmem:s3+$0xCD00] =	vst @p2 v10  }
0x39f: {  	s8 =	sor.u32 $0x420, s2;
	[tilespmem:s7+$0xCD00] =	vst v49  }
0x3a0: {  	v8 =	vld [tilespmem:s0+$0x4920];
	s3 =	rddreg [dreg:$0x14];
	[tilespmem:s8+$0xCD00] =	vst v51  }
0x3a1: {  	[tilespmem:s3+$0xCD00] =	vst v50  }
0x3a2: {  	v11 =	vld @p2 [tilespmem:s23+$0x4950];
	s3 =	sld [smem:$0x7DA]  }
0x3a3: {  	v52 =	vld [tilespmem:s22+$0x4930]  }
0x3a4: {  	v10 =	vld @p2 [tilespmem:s4+$0x4940]  }
0x3a5: {  	[tilespmem:s3+$0xCD00] =	vst v8  }
0x3a6: {  	v8 =	vld [tilespmem:s18+$0x4930];
	s3 =	sld [smem:$0x7C7]  }
0x3a7: {  	s10 =	sor.u32 $0x430, s1;
	v54 =	vld [tilespmem:s0+$0x4930];
	[tilespmem:s12+$0xCD00] =	vst @p2 v11  }
0x3a8: {  	v53 =	vld [tilespmem:s30+$0x4930];
	[tilespmem:s10+$0xCD00] =	vst v52  }
0x3a9: {  	[tilespmem:s3+$0xCD00] =	vst @p2 v10  }
0x3aa: {  	v11 =	vld @p2 [tilespmem:s15+$0x4950];
	s12 =	sor.u32 $0x430, s2;
	s3 =	sld [smem:$0x7DB]  }
0x3ab: {  	v55 =	vld [tilespmem:s22+$0x4940];
	[tilespmem:s12+$0xCD00] =	vst v8  }
0x3ac: {  	[tilespmem:s14+$0xCD00] =	vst v54;
	v56 =	vld [tilespmem:s18+$0x4940]  }
0x3ad: {  	v57 =	vld [tilespmem:s0+$0x4940];
	[tilespmem:s3+$0xCD00] =	vst v53  }
0x3ae: {  	v12 =	vld @p2 [tilespmem:s4+$0x4950];
	s3 =	rddreg [dreg:$0x11]  }
0x3af: {  	s14 =	sor.u32 $0x440, s1;
	v8 =	vld [tilespmem:s30+$0x4940];
	[tilespmem:s3+$0xCD00] =	vst @p2 v11  }
0x3b0: {  	s17 =	sor.u32 $0x440, s2;
	s3 =	sld [smem:$0x7C8];
	[tilespmem:s14+$0xCD00] =	vst v55  }
0x3b1: {  	[tilespmem:s17+$0xCD00] =	vst v56  }
0x3b2: {  	[tilespmem:s6+$0xCD00] =	vst v57  }
0x3b3: {  	v13 =	vld @p2 [tilespmem:s23+$0x4960];
	[tilespmem:s3+$0xCD00] =	vst @p2 v12  }
0x3b4: {  	[tilespmem:s16+$0xCD00] =	vst v8;
	v8 =	vld [tilespmem:s22+$0x4950]  }
0x3b5: {  	v9 =	vld @p2 [tilespmem:s15+$0x4960];
	s3 =	sld [smem:$0x7C9];
	_ =	sdelay $0x1  }
0x3b6: {  	v59 =	vld [tilespmem:s18+$0x4950]  }
0x3b7: {  	s19 =	sor.u32 $0x450, s1;
	v60 =	vld [tilespmem:s0+$0x4950];
	[tilespmem:s3+$0xCD00] =	vst @p2 v13  }
0x3b8: {  	v58 =	vld [tilespmem:s30+$0x4950];
	s3 =	rddreg [dreg:$0x18];
	[tilespmem:s19+$0xCD00] =	vst v8  }
0x3b9: {  	[tilespmem:s3+$0xCD00] =	vst @p2 v9  }
0x3ba: {  	s21 =	sor.u32 $0x450, s2;
	s3 =	sld [smem:$0x7DF]  }
0x3bb: {  	[tilespmem:s21+$0xCD00] =	vst v59  }
0x3bc: {  	v9 =	vld @p2 [tilespmem:s4+$0x4960];
	[tilespmem:s5+$0xCD00] =	vst v60  }
0x3bd: {  	[tilespmem:s3+$0xCD00] =	vst v58  }
0x3be: {  	s3 =	sld [smem:$0x7CA]  }
0x3bf: {  	v8 =	vld [tilespmem:s22+$0x4960]  }
0x3c0: {  	v13 =	vld @p2 [tilespmem:s23+$0x4970]  }
0x3c1: {  	[tilespmem:s3+$0xCD00] =	vst @p2 v9  }
0x3c2: {  	s3 =	sld [smem:$0x7CB]  }
0x3c3: {  	s23 =	sor.u32 $0x460, s1;
	v11 =	vld [tilespmem:s18+$0x4960]  }
0x3c4: {  	v10 =	vld [tilespmem:s30+$0x4960];
	[tilespmem:s23+$0xCD00] =	vst v8  }
0x3c5: {  	[tilespmem:s3+$0xCD00] =	vst @p2 v13  }
0x3c6: {  	s3 =	sld [smem:$0x7DD]  }
0x3c7: {  	s24 =	sor.u32 $0x460, s2  }
0x3c8: {  	v61 =	vld [tilespmem:s0+$0x4960];
	[tilespmem:s24+$0xCD00] =	vst v11  }
0x3c9: {  	[tilespmem:s3+$0xCD00] =	vst v10  }
0x3ca: {  	v12 =	vld @p2 [tilespmem:s15+$0x4970];
	s3 =	sld [smem:$0x7DC];
	_ =	sdelay $0x2  }
0x3cb: {  	v8 =	vld [tilespmem:s22+$0x4970];
	[tilespmem:s3+$0xCD00] =	vst v61  }
0x3cc: {  	v13 =	vld @p2 [tilespmem:s4+$0x4970];
	s3 =	rddreg [dreg:$0x1c]  }
0x3cd: {  	[tilespmem:s3+$0xCD00] =	vst @p2 v12  }
0x3ce: {  	v63 =	vld [tilespmem:s0+$0x4970];
	s0 =	sld [smem:$0x7CC]  }
0x3cf: {  	s25 =	sor.u32 $0x470, s1;
	v62 =	vld [tilespmem:s18+$0x4970]  }
0x3d0: {  	v10 =	vld [tilespmem:s30+$0x4970];
	[tilespmem:s25+$0xCD00] =	vst v8  }
0x3d1: {  	[tilespmem:s0+$0xCD00] =	vst @p2 v13  }
0x3d2: {  	s0 =	sld [smem:$0x7E0]  }
0x3d3: {  	s26 =	sor.u32 $0x470, s2  }
0x3d4: {  	[tilespmem:s26+$0xCD00] =	vst v62  }
0x3d5: {  	[tilespmem:s0+$0xCD00] =	vst v10  }
0x3d6: {  	s0 =	sld [smem:$0x7DE];
	_ =	sdelay $0x2  }
0x3d7: {  	s22 =	smov.u32 s20;
	s20 =	rddreg [dreg:$0x0];
	[tilespmem:s0+$0xCD00] =	vst v63  }
0x3d8: {  	s15 =	sld [smem:$0x7E6]  }
0x3d9: {  	s24 =	sld [smem:$0x7E7]  }
0x3da: {  	s31 =	sld [smem:$0x7E8]  }
0x3db: {  	s25 =	sld [smem:$0x7E9]  }
0x3dc: {  	s26 =	sld [smem:$0x7EA]  }
0x3dd: {  	s28 =	sld [smem:$0x7E2]  }
0x3de: {  	s17 =	simm.s32 $0x1D180;
	s10 =	rddreg [dreg:$0x9]  }
0x3df: {  	s16 =	simm.s32 $0x0;
	s19 =	simm.s32 $0x1D280;
	s6 =	sld [smem:$0x7E1]  }
0x3e0: {  	s21 =	simm.s32 $0x1;
	s23 =	simm.s32 $0x4500;
	s8 =	rddreg [dreg:$0x7]  }
0x3e1: {  	s18 =	simm.s32 $0x1D200;
	s30 =	simm.s32 $0x1480;
	s14 =	sld [smem:$0x7E5]  }
.LBB2_24:
0x3e2: {  	p2 =	seq.s32 s8, s9  }
.Ltmp21:
0x3e3: {  	_ = 	snop;
	(pc) =	sbr.rel @p2 .LBB2_27-.Ltmp21, $1  }
0x3e4: {  	_ =	sdelay $0x3  }
0x3e5: {  	s1 =	sshrl.u32 s28, $0x2;
	s2 =	sand.u32 $0xFC, s28  }
0x3e6: {  	s0 =	sshll.u32 s1, $0x9;
	s1 =	sshll.u32 s1, $0xA;
	s2 =	sadd.s32 s2, s25  }
.LBB2_26:
0x3e7: {  	v8 =	vld [tilespmem:s2+$0x0];
	_ =	sdelay $0x4  }
0x3e8: {  	v8 =	vxor.u32 $0x80000000, v8  }
0x3e9: {  	(xrf0) =	vmin.scan.msk.u32 $0xffff, v8;
	_ =	sdelay $0x5  }
0x3ea: {  	v8, _, _ =	vpop (xrf0)  }
0x3eb: {  	(v2sf) =	vpush v8, $0xF;
	_ =	sdelay $0xe  }
0x3ec: {  	s3 =	spop (v2sf)  }
0x3ed: {  	s3 =	sxor.u32 $0x80000000, s3  }
0x3ee: {  	s3 =	ssub.s32 s3, s10  }
0x3ef: {  	p0 =	sgt.s32 s3, $0x0  }
0x3f0: {  	s3 =	simm.s32 @!p0 $0x0  }
0x3f1: {  	s3 =	smin.u32 s3, $0x87  }
0x3f2: {  	s4 =	sshll.u32 s3, $0x8;
	s3 =	sshll.u32 s3, $0x7  }
0x3f3: {  	s4 =	sand.u32 $0xF800, s4;
	s3 =	sand.u32 $0x380, s3  }
0x3f4: {  	s3 =	sor.u32 s3, s4  }
0x3f5: {  	v8 =	vld [tilespmem:s3+$0x4500];
	_ =	sdelay $0x2  }
0x3f6: {  	s12 =	sand.u32 $0x7FFFF800, s1;
	s5 =	sand.u32 $0x380, s0  }
0x3f7: {  	s4 =	sor.u32 s5, s12  }
0x3f8: {  	[tilespmem:s4+$0xCD00] =	vst v8  }
0x3f9: {  	v8 =	vld [tilespmem:s3+$0x4510];
	_ =	sdelay $0x4  }
0x3fa: {  	[tilespmem:s4+$0xCD10] =	vst v8  }
0x3fb: {  	v8 =	vld [tilespmem:s3+$0x4520];
	_ =	sdelay $0x4  }
0x3fc: {  	[tilespmem:s4+$0xCD20] =	vst v8  }
0x3fd: {  	v8 =	vld [tilespmem:s3+$0x4530];
	_ =	sdelay $0x4  }
0x3fe: {  	[tilespmem:s4+$0xCD30] =	vst v8  }
0x3ff: {  	v8 =	vld [tilespmem:s3+$0x4540];
	_ =	sdelay $0x4  }
0x400: {  	[tilespmem:s4+$0xCD40] =	vst v8  }
0x401: {  	v8 =	vld [tilespmem:s3+$0x4550];
	_ =	sdelay $0x4  }
0x402: {  	[tilespmem:s4+$0xCD50] =	vst v8  }
0x403: {  	v8 =	vld [tilespmem:s3+$0x4560];
	_ =	sdelay $0x4  }
0x404: {  	[tilespmem:s4+$0xCD60] =	vst v8  }
0x405: {  	v8 =	vld [tilespmem:s3+$0x4570];
	_ =	sdelay $0x4  }
0x406: {  	[tilespmem:s4+$0xCD70] =	vst v8  }
0x407: {  	v8 =	vld [tilespmem:s3+$0x4900];
	_ =	sdelay $0x4  }
0x408: {  	[tilespmem:s4+$0xD100] =	vst v8  }
0x409: {  	v8 =	vld [tilespmem:s3+$0x4910];
	_ =	sdelay $0x4  }
0x40a: {  	[tilespmem:s4+$0xD110] =	vst v8  }
0x40b: {  	v8 =	vld [tilespmem:s3+$0x4920];
	_ =	sdelay $0x4  }
0x40c: {  	[tilespmem:s4+$0xD120] =	vst v8  }
0x40d: {  	v8 =	vld [tilespmem:s3+$0x4930];
	_ =	sdelay $0x4  }
0x40e: {  	[tilespmem:s4+$0xD130] =	vst v8  }
0x40f: {  	v8 =	vld [tilespmem:s3+$0x4940];
	_ =	sdelay $0x4  }
0x410: {  	[tilespmem:s4+$0xD140] =	vst v8  }
0x411: {  	v8 =	vld [tilespmem:s3+$0x4950];
	_ =	sdelay $0x4  }
0x412: {  	[tilespmem:s4+$0xD150] =	vst v8  }
0x413: {  	v8 =	vld [tilespmem:s3+$0x4960];
	_ =	sdelay $0x4  }
0x414: {  	s8 =	sadd.s32 $0x1, s8;
	[tilespmem:s4+$0xD160] =	vst v8  }
0x415: {  	p0 =	slt.u32 s8, s9;
	v8 =	vld [tilespmem:s3+$0x4970]  }
.Ltmp22:
0x416: {  	_ = 	snop;
	(pc) =	sbr.rel @p0 .LBB2_26-.Ltmp22, $2  }
0x417: {  	_ =	sdelay $0x2  }
0x418: {  	s0 =	sadd.s32 $0x80, s0;
	s1 =	sadd.s32 $0x100, s1;
	s2 =	sadd.s32 $0x1, s2;
	[tilespmem:s4+$0xD170] =	vst v8  }
.LBB2_27:
0x419: {  	p0 =	slt.s32 @!p1 s6, $0x88  }
0x41a: {  	p0 =	por p1, p0  }
.Ltmp23:
0x41b: {  	_ = 	snop;
	(pc) =	sbr.rel @p0 .LBB2_33-.Ltmp23, $1  }
0x41c: {  	_ =	sdelay $0x3  }
.Ltmp24:
0x41d: {  	(pc) =	sbr.rel .LBB2_29-.Ltmp24, $4  }
0x41e: {  	p0 =	sgt.s32 s22, $0x1;
	s0 =	smov.u32 s22  }
0x41f: {  	s0 =	simm.s32 @!p0 $0x1  }
0x420: {  	s0 =	smin.u32 s0, $0x80  }
0x421: {  	s1 =	simm.s32 $0x1;
	s0 =	sshll.u32 s0, $0x8  }
.LBB2_32:
0x422: {  	s1 =	sadd.s32 $0x1, s1  }
0x423: {  	p0 =	sne.s32 s1, $0x8  }
.Ltmp25:
0x424: {  	_ = 	snop;
	(pc) =	sbr.rel @!p0 .LBB2_33-.Ltmp25, $1  }
0x425: {  	_ =	sdelay $0x3  }
.LBB2_29:
0x426: {  	s2 =	sshll.u32 s1, $0x7  }
0x427: {  	s2 =	sadd.s32 s10, s2  }
0x428: {  	p0 =	slt.s32 s2, $0x3F78  }
0x429: {  	s2 =	simm.s32 @!p0 $0x3F78  }
0x42a: {  	p0 =	sgt.s32 s2, s11  }
.Ltmp26:
0x42b: {  	_ = 	snop;
	(pc) =	sbr.rel @p0 .LBB2_32-.Ltmp26, $1  }
0x42c: {  	_ =	sdelay $0x3  }
0x42d: {  	s3 =	sshll.u32 s2, $0x5  }
0x42e: {  	s4 =	sadd.s32 s20, s3;
	s3 =	simm.s32 $0x0  }
0x42f: {  	[tilespmem:s23], [sflag:$0x1] =	stream.linear.gather [hbm4b:s4+s3], $0x8800, $0x38;
	[tilespmem:$0x1D400] =	vst v63  }
0x430: {  	_ =	swait.ge [sflag:s21], $0x8800  }
0x431: {  	[sflag:s21] =	ssyncset.done $0x0  }
0x432: {  	[sflag:s21] =	ssyncadd.s32 $0xFFFF7800  }
0x433: {  	v8 =	vld [tilespmem:s25+$0x0];
	_ =	sdelay $0x4  }
0x434: {  	v8 =	vxor.u32 $0x80000000, v8  }
0x435: {  	(xrf0) =	vmin.scan.msk.u32 $0xffff, v8;
	_ =	sdelay $0x5  }
0x436: {  	v8, _, _ =	vpop (xrf0)  }
0x437: {  	(v2sf) =	vpush v8, $0xF;
	_ =	sdelay $0xe  }
0x438: {  	s4 =	spop (v2sf)  }
0x439: {  	s5 =	sxor.u32 $0x80000000, s4  }
0x43a: {  	s5 =	ssub.s32 s5, s2  }
0x43b: {  	p1 =	sgt.u32 s5, $0x87  }
0x43c: {  	s5 =	sshll.u32 @!p1 s5, $0x8;
	s4 =	sshll.u32 @!p1 s4, $0x7  }
0x43d: {  	s5 =	sand.u32 @!p1 $0xF800, s5;
	s4 =	sand.u32 @!p1 $0x380, s4  }
0x43e: {  	s4 =	sor.u32 @!p1 s4, s5  }
0x43f: {  	v8 =	vld @!p1 [tilespmem:s4+$0x4500];
	_ =	sdelay $0x2  }
0x440: {  	s6 =	sand.u32 @!p1 $0x380, s3;
	s5 =	sand.u32 @!p1 $0xFFFFF800, s3  }
0x441: {  	s5 =	sor.u32 @!p1 s6, s5  }
0x442: {  	[tilespmem:s5+$0xCD00] =	vst @!p1 v8  }
0x443: {  	v8 =	vld @!p1 [tilespmem:s4+$0x4510];
	_ =	sdelay $0x4  }
0x444: {  	[tilespmem:s5+$0xCD10] =	vst @!p1 v8  }
0x445: {  	v8 =	vld @!p1 [tilespmem:s4+$0x4520];
	_ =	sdelay $0x4  }
0x446: {  	[tilespmem:s5+$0xCD20] =	vst @!p1 v8  }
0x447: {  	v8 =	vld @!p1 [tilespmem:s4+$0x4530];
	_ =	sdelay $0x4  }
0x448: {  	[tilespmem:s5+$0xCD30] =	vst @!p1 v8  }
0x449: {  	v8 =	vld @!p1 [tilespmem:s4+$0x4540];
	_ =	sdelay $0x4  }
0x44a: {  	[tilespmem:s5+$0xCD40] =	vst @!p1 v8  }
0x44b: {  	v8 =	vld @!p1 [tilespmem:s4+$0x4550];
	_ =	sdelay $0x4  }
0x44c: {  	[tilespmem:s5+$0xCD50] =	vst @!p1 v8  }
0x44d: {  	v8 =	vld @!p1 [tilespmem:s4+$0x4560];
	_ =	sdelay $0x4  }
0x44e: {  	[tilespmem:s5+$0xCD60] =	vst @!p1 v8  }
0x44f: {  	v8 =	vld @!p1 [tilespmem:s4+$0x4570];
	_ =	sdelay $0x4  }
0x450: {  	[tilespmem:s5+$0xCD70] =	vst @!p1 v8  }
0x451: {  	v8 =	vld @!p1 [tilespmem:s4+$0x4900];
	_ =	sdelay $0x4  }
0x452: {  	[tilespmem:s5+$0xD100] =	vst @!p1 v8  }
0x453: {  	v8 =	vld @!p1 [tilespmem:s4+$0x4910];
	_ =	sdelay $0x4  }
0x454: {  	[tilespmem:s5+$0xD110] =	vst @!p1 v8  }
0x455: {  	v8 =	vld @!p1 [tilespmem:s4+$0x4920];
	_ =	sdelay $0x4  }
0x456: {  	[tilespmem:s5+$0xD120] =	vst @!p1 v8  }
0x457: {  	v8 =	vld @!p1 [tilespmem:s4+$0x4930];
	_ =	sdelay $0x4  }
0x458: {  	[tilespmem:s5+$0xD130] =	vst @!p1 v8  }
0x459: {  	v8 =	vld @!p1 [tilespmem:s4+$0x4940];
	_ =	sdelay $0x4  }
0x45a: {  	[tilespmem:s5+$0xD140] =	vst @!p1 v8  }
0x45b: {  	v8 =	vld @!p1 [tilespmem:s4+$0x4950];
	_ =	sdelay $0x4  }
0x45c: {  	[tilespmem:s5+$0xD150] =	vst @!p1 v8  }
0x45d: {  	v8 =	vld @!p1 [tilespmem:s4+$0x4960];
	_ =	sdelay $0x4  }
0x45e: {  	[tilespmem:s5+$0xD160] =	vst @!p1 v8  }
0x45f: {  	p0 =	sne.s32 s0, $0x100;
	v8 =	vld @!p1 [tilespmem:s4+$0x4970]  }
.Ltmp27:
0x460: {  	_ = 	snop;
	(pc) =	sbr.rel @!p0 .LBB2_32-.Ltmp27, $2  }
0x461: {  	_ =	sdelay $0x2  }
0x462: {  	s4 =	simm.s32 $0x100;
	[tilespmem:s5+$0xD170] =	vst @!p1 v8;
	s5 =	sadd.s32 $0x1, s25  }
.LBB2_31:
0x463: {  	v8 =	vld [tilespmem:s5+$0x0];
	s7 =	smov.u32 s4;
	s4 =	sadd.s32 $0x100, s4  }
0x464: {  	p1 =	sne.s32 s0, s4;
	_ =	sdelay $0x3  }
0x465: {  	v8 =	vxor.u32 $0x80000000, v8  }
0x466: {  	(xrf0) =	vmin.scan.msk.u32 $0xffff, v8;
	_ =	sdelay $0x5  }
0x467: {  	v8, _, _ =	vpop (xrf0)  }
0x468: {  	(v2sf) =	vpush v8, $0xF;
	_ =	sdelay $0xe  }
0x469: {  	s6 =	spop (v2sf)  }
0x46a: {  	s8 =	sxor.u32 $0x80000000, s6  }
0x46b: {  	s8 =	ssub.s32 s8, s2  }
0x46c: {  	p2 =	sgt.u32 s8, $0x87  }
0x46d: {  	s8 =	sshll.u32 @!p2 s8, $0x8;
	s6 =	sshll.u32 @!p2 s6, $0x7  }
0x46e: {  	s8 =	sand.u32 @!p2 $0xF800, s8;
	s6 =	sand.u32 @!p2 $0x380, s6  }
0x46f: {  	s6 =	sor.u32 @!p2 s6, s8  }
0x470: {  	v8 =	vld @!p2 [tilespmem:s6+$0x4500];
	_ =	sdelay $0x1  }
0x471: {  	s3 =	sadd.s32 $0x80, s3  }
0x472: {  	s7 =	sand.u32 @!p2 $0xFFFFF800, s7;
	s8 =	sand.u32 @!p2 $0x380, s3  }
0x473: {  	s7 =	sor.u32 @!p2 s8, s7  }
0x474: {  	[tilespmem:s7+$0xCD00] =	vst @!p2 v8  }
0x475: {  	v8 =	vld @!p2 [tilespmem:s6+$0x4510];
	_ =	sdelay $0x4  }
0x476: {  	[tilespmem:s7+$0xCD10] =	vst @!p2 v8  }
0x477: {  	v8 =	vld @!p2 [tilespmem:s6+$0x4520];
	_ =	sdelay $0x4  }
0x478: {  	[tilespmem:s7+$0xCD20] =	vst @!p2 v8  }
0x479: {  	v8 =	vld @!p2 [tilespmem:s6+$0x4530];
	_ =	sdelay $0x4  }
0x47a: {  	[tilespmem:s7+$0xCD30] =	vst @!p2 v8  }
0x47b: {  	v8 =	vld @!p2 [tilespmem:s6+$0x4540];
	_ =	sdelay $0x4  }
0x47c: {  	[tilespmem:s7+$0xCD40] =	vst @!p2 v8  }
0x47d: {  	v8 =	vld @!p2 [tilespmem:s6+$0x4550];
	_ =	sdelay $0x4  }
0x47e: {  	[tilespmem:s7+$0xCD50] =	vst @!p2 v8  }
0x47f: {  	v8 =	vld @!p2 [tilespmem:s6+$0x4560];
	_ =	sdelay $0x4  }
0x480: {  	[tilespmem:s7+$0xCD60] =	vst @!p2 v8  }
0x481: {  	v8 =	vld @!p2 [tilespmem:s6+$0x4570];
	_ =	sdelay $0x4  }
0x482: {  	[tilespmem:s7+$0xCD70] =	vst @!p2 v8  }
0x483: {  	v8 =	vld @!p2 [tilespmem:s6+$0x4900];
	_ =	sdelay $0x4  }
0x484: {  	[tilespmem:s7+$0xD100] =	vst @!p2 v8  }
0x485: {  	v8 =	vld @!p2 [tilespmem:s6+$0x4910];
	_ =	sdelay $0x4  }
0x486: {  	[tilespmem:s7+$0xD110] =	vst @!p2 v8  }
0x487: {  	v8 =	vld @!p2 [tilespmem:s6+$0x4920];
	_ =	sdelay $0x4  }
0x488: {  	[tilespmem:s7+$0xD120] =	vst @!p2 v8  }
0x489: {  	v8 =	vld @!p2 [tilespmem:s6+$0x4930];
	_ =	sdelay $0x4  }
0x48a: {  	[tilespmem:s7+$0xD130] =	vst @!p2 v8  }
0x48b: {  	v8 =	vld @!p2 [tilespmem:s6+$0x4940];
	_ =	sdelay $0x4  }
0x48c: {  	[tilespmem:s7+$0xD140] =	vst @!p2 v8  }
0x48d: {  	v8 =	vld @!p2 [tilespmem:s6+$0x4950];
	_ =	sdelay $0x4  }
0x48e: {  	[tilespmem:s7+$0xD150] =	vst @!p2 v8  }
0x48f: {  	v8 =	vld @!p2 [tilespmem:s6+$0x4960];
	_ =	sdelay $0x4  }
0x490: {  	[tilespmem:s7+$0xD160] =	vst @!p2 v8  }
0x491: {  	v8 =	vld @!p2 [tilespmem:s6+$0x4970]  }
.Ltmp28:
0x492: {  	(pc) =	sbr.rel @p1 .LBB2_31-.Ltmp28, $2  }
0x493: {  	_ =	sdelay $0x2  }
0x494: {  	s5 =	sadd.s32 $0x1, s5;
	[tilespmem:s7+$0xD170] =	vst @!p2 v8  }
.Ltmp29:
0x495: {  	_ = 	snop;
	(pc) =	sbr.rel .LBB2_32-.Ltmp29, $1  }
0x496: {  	_ =	sdelay $0x3  }
.LBB2_33:
0x497: {  	s0 =	ssub.s32 $0x80, s9  }
0x498: {  	s2 =	sand.u32 $0xFC, s0  }
0x499: {  	p0 =	seq.s32 s2, $0x0  }
.Ltmp30:
0x49a: {  	_ = 	snop;
	(pc) =	sbr.rel @p0 .LBB2_37-.Ltmp30, $2  }
0x49b: {  	_ =	sdelay $0x2  }
0x49c: {  	s1 =	sshll.u32 s28, $0x8;
	s0 =	sshll.u32 s28, $0x7;
	s2 =	sadd.s32 s9, s2  }
0x49d: {  	s5 =	sadd.s32 $0x180, s0;
	s6 =	sadd.s32 $0x300, s1  }
0x49e: {  	s3 =	sadd.s32 $0xFFFFFF00, s6;
	s4 =	sadd.s32 $0xFFFFFF80, s5  }
0x49f: {  	s3 =	sand.u32 $0xFFFFF800, s3;
	s4 =	sand.u32 $0x380, s4  }
0x4a0: {  	s3 =	sor.u32 s4, s3  }
0x4a1: {  	[tilespmem:s3+$0xD170] =	vst v7  }
0x4a2: {  	[tilespmem:s3+$0xCD00] =	vst v7  }
0x4a3: {  	[tilespmem:s3+$0xCD10] =	vst v7  }
0x4a4: {  	[tilespmem:s3+$0xCD20] =	vst v7  }
0x4a5: {  	[tilespmem:s3+$0xCD30] =	vst v7  }
0x4a6: {  	[tilespmem:s3+$0xCD40] =	vst v7  }
0x4a7: {  	[tilespmem:s3+$0xCD50] =	vst v7  }
0x4a8: {  	[tilespmem:s3+$0xCD60] =	vst v7  }
0x4a9: {  	[tilespmem:s3+$0xCD70] =	vst v7  }
0x4aa: {  	[tilespmem:s3+$0xD100] =	vst v7  }
0x4ab: {  	[tilespmem:s3+$0xD110] =	vst v7  }
0x4ac: {  	[tilespmem:s3+$0xD120] =	vst v7  }
0x4ad: {  	[tilespmem:s3+$0xD130] =	vst v7  }
0x4ae: {  	s8 =	sadd.s32 $0xFFFFFE80, s5;
	s7 =	sadd.s32 $0xFFFFFD00, s6;
	[tilespmem:s3+$0xD140] =	vst v7  }
0x4af: {  	s7 =	sand.u32 $0xFFFFF800, s7;
	s4 =	sand.u32 $0x380, s8;
	[tilespmem:s3+$0xD150] =	vst v7  }
0x4b0: {  	s4 =	sor.u32 s4, s7;
	[tilespmem:s3+$0xD160] =	vst v7  }
0x4b1: {  	[tilespmem:s4+$0xCD00] =	vst v7  }
0x4b2: {  	[tilespmem:s4+$0xCD10] =	vst v7  }
0x4b3: {  	[tilespmem:s4+$0xCD20] =	vst v7  }
0x4b4: {  	[tilespmem:s4+$0xCD30] =	vst v7  }
0x4b5: {  	[tilespmem:s4+$0xCD40] =	vst v7  }
0x4b6: {  	[tilespmem:s4+$0xCD50] =	vst v7  }
0x4b7: {  	[tilespmem:s4+$0xCD60] =	vst v7  }
0x4b8: {  	[tilespmem:s4+$0xCD70] =	vst v7  }
0x4b9: {  	[tilespmem:s4+$0xD100] =	vst v7  }
0x4ba: {  	[tilespmem:s4+$0xD110] =	vst v7  }
0x4bb: {  	[tilespmem:s4+$0xD120] =	vst v7  }
0x4bc: {  	[tilespmem:s4+$0xD130] =	vst v7  }
0x4bd: {  	[tilespmem:s4+$0xD140] =	vst v7  }
0x4be: {  	s10 =	sadd.s32 $0xFFFFFE00, s6;
	s8 =	sadd.s32 $0xFFFFFF00, s5;
	[tilespmem:s4+$0xD150] =	vst v7  }
0x4bf: {  	s7 =	sand.u32 $0xFFFFF800, s10;
	s8 =	sand.u32 $0x380, s8;
	[tilespmem:s4+$0xD160] =	vst v7  }
0x4c0: {  	s7 =	sor.u32 s8, s7;
	[tilespmem:s4+$0xD170] =	vst v7  }
0x4c1: {  	[tilespmem:s7+$0xCD00] =	vst v7  }
0x4c2: {  	[tilespmem:s7+$0xCD10] =	vst v7  }
0x4c3: {  	[tilespmem:s7+$0xCD20] =	vst v7  }
0x4c4: {  	[tilespmem:s7+$0xCD30] =	vst v7  }
0x4c5: {  	[tilespmem:s7+$0xCD40] =	vst v7  }
0x4c6: {  	[tilespmem:s7+$0xCD50] =	vst v7  }
0x4c7: {  	[tilespmem:s7+$0xCD60] =	vst v7  }
0x4c8: {  	[tilespmem:s7+$0xCD70] =	vst v7  }
0x4c9: {  	[tilespmem:s7+$0xD100] =	vst v7  }
0x4ca: {  	[tilespmem:s7+$0xD110] =	vst v7  }
0x4cb: {  	[tilespmem:s7+$0xD120] =	vst v7  }
0x4cc: {  	[tilespmem:s7+$0xD130] =	vst v7  }
0x4cd: {  	[tilespmem:s7+$0xD140] =	vst v7  }
0x4ce: {  	[tilespmem:s7+$0xD150] =	vst v7  }
0x4cf: {  	s11 =	sand.u32 $0xFFFFF800, s6;
	s12 =	sand.u32 $0x380, s5;
	[tilespmem:s7+$0xD160] =	vst v7  }
0x4d0: {  	s4 =	sor.u32 s12, s11;
	[tilespmem:s7+$0xD170] =	vst v7  }
0x4d1: {  	[tilespmem:s4+$0xCD00] =	vst v7  }
0x4d2: {  	[tilespmem:s4+$0xCD10] =	vst v7  }
0x4d3: {  	[tilespmem:s4+$0xCD20] =	vst v7  }
0x4d4: {  	[tilespmem:s4+$0xCD30] =	vst v7  }
0x4d5: {  	[tilespmem:s4+$0xCD40] =	vst v7  }
0x4d6: {  	[tilespmem:s4+$0xCD50] =	vst v7  }
0x4d7: {  	s3 =	sadd.s32 $0x4, s9;
	[tilespmem:s4+$0xCD60] =	vst v7  }
0x4d8: {  	p0 =	slt.u32 s3, s2;
	[tilespmem:s4+$0xCD70] =	vst v7  }
.Ltmp31:
0x4d9: {  	[tilespmem:s4+$0xD100] =	vst v7;
	(pc) =	sbr.rel @!p0 .LBB2_36-.Ltmp31, $4  }
0x4da: {  	[tilespmem:s4+$0xD110] =	vst v7  }
0x4db: {  	[tilespmem:s4+$0xD120] =	vst v7  }
0x4dc: {  	[tilespmem:s4+$0xD130] =	vst v7  }
0x4dd: {  	s6 =	sadd.s32 $0x400, s6;
	s5 =	sadd.s32 $0x200, s5;
	[tilespmem:s4+$0xD140] =	vst v7  }
.LBB2_35:
0x4de: {  	s7 =	sadd.s32 $0xFFFFFF00, s6;
	s8 =	sadd.s32 $0xFFFFFF80, s5;
	s3 =	sadd.s32 $0x4, s3;
	[tilespmem:s4+$0xD150] =	vst v7  }
0x4df: {  	s7 =	sand.u32 $0xFFFFF800, s7;
	s8 =	sand.u32 $0x380, s8;
	p1 =	slt.u32 s3, s2;
	[tilespmem:s4+$0xD160] =	vst v7  }
0x4e0: {  	s9 =	sadd.s32 $0xFFFFFE80, s5;
	s10 =	sadd.s32 $0xFFFFFE00, s6;
	s7 =	sor.u32 s8, s7;
	[tilespmem:s4+$0xD170] =	vst v7  }
0x4e1: {  	s4 =	sadd.s32 $0xFFFFFD00, s6;
	s8 =	sand.u32 $0x380, s9;
	s9 =	sadd.s32 $0xFFFFFF00, s5;
	[tilespmem:s7+$0xD170] =	vst v7  }
0x4e2: {  	s10 =	sand.u32 $0xFFFFF800, s10;
	s4 =	sand.u32 $0xFFFFF800, s4;
	s9 =	sand.u32 $0x380, s9;
	[tilespmem:s7+$0xCD00] =	vst v7  }
0x4e3: {  	s12 =	sand.u32 $0x380, s5;
	s11 =	sor.u32 s8, s4;
	s4 =	sand.u32 $0xFFFFF800, s6;
	[tilespmem:s7+$0xCD10] =	vst v7  }
0x4e4: {  	s8 =	sor.u32 s9, s10;
	s4 =	sor.u32 s12, s4;
	[tilespmem:s11+$0xCD00] =	vst v7  }
0x4e5: {  	[tilespmem:s11+$0xCD10] =	vst v7  }
0x4e6: {  	[tilespmem:s11+$0xCD20] =	vst v7  }
0x4e7: {  	[tilespmem:s11+$0xCD30] =	vst v7  }
0x4e8: {  	[tilespmem:s11+$0xCD40] =	vst v7  }
0x4e9: {  	[tilespmem:s11+$0xCD50] =	vst v7  }
0x4ea: {  	[tilespmem:s11+$0xCD60] =	vst v7  }
0x4eb: {  	[tilespmem:s11+$0xCD70] =	vst v7  }
0x4ec: {  	[tilespmem:s11+$0xD100] =	vst v7  }
0x4ed: {  	[tilespmem:s11+$0xD110] =	vst v7  }
0x4ee: {  	[tilespmem:s11+$0xD120] =	vst v7  }
0x4ef: {  	[tilespmem:s11+$0xD130] =	vst v7  }
0x4f0: {  	[tilespmem:s11+$0xD140] =	vst v7  }
0x4f1: {  	[tilespmem:s11+$0xD150] =	vst v7  }
0x4f2: {  	[tilespmem:s11+$0xD160] =	vst v7  }
0x4f3: {  	[tilespmem:s11+$0xD170] =	vst v7  }
0x4f4: {  	[tilespmem:s8+$0xCD00] =	vst v7  }
0x4f5: {  	[tilespmem:s8+$0xCD10] =	vst v7  }
0x4f6: {  	[tilespmem:s8+$0xCD20] =	vst v7  }
0x4f7: {  	[tilespmem:s8+$0xCD30] =	vst v7  }
0x4f8: {  	[tilespmem:s8+$0xCD40] =	vst v7  }
0x4f9: {  	[tilespmem:s8+$0xCD50] =	vst v7  }
0x4fa: {  	[tilespmem:s8+$0xCD60] =	vst v7  }
0x4fb: {  	[tilespmem:s8+$0xCD70] =	vst v7  }
0x4fc: {  	[tilespmem:s8+$0xD100] =	vst v7  }
0x4fd: {  	[tilespmem:s8+$0xD110] =	vst v7  }
0x4fe: {  	[tilespmem:s8+$0xD120] =	vst v7  }
0x4ff: {  	[tilespmem:s8+$0xD130] =	vst v7  }
0x500: {  	[tilespmem:s8+$0xD140] =	vst v7  }
0x501: {  	[tilespmem:s8+$0xD150] =	vst v7  }
0x502: {  	[tilespmem:s8+$0xD160] =	vst v7  }
0x503: {  	[tilespmem:s8+$0xD170] =	vst v7  }
0x504: {  	[tilespmem:s7+$0xCD20] =	vst v7  }
0x505: {  	[tilespmem:s7+$0xCD30] =	vst v7  }
0x506: {  	[tilespmem:s7+$0xCD40] =	vst v7  }
0x507: {  	[tilespmem:s7+$0xCD50] =	vst v7  }
0x508: {  	[tilespmem:s7+$0xCD60] =	vst v7  }
0x509: {  	[tilespmem:s7+$0xCD70] =	vst v7  }
0x50a: {  	[tilespmem:s7+$0xD100] =	vst v7  }
0x50b: {  	[tilespmem:s7+$0xD110] =	vst v7  }
0x50c: {  	[tilespmem:s7+$0xD120] =	vst v7  }
0x50d: {  	[tilespmem:s7+$0xD130] =	vst v7  }
0x50e: {  	[tilespmem:s7+$0xD140] =	vst v7  }
0x50f: {  	[tilespmem:s7+$0xD150] =	vst v7  }
0x510: {  	[tilespmem:s7+$0xD160] =	vst v7  }
0x511: {  	[tilespmem:s4+$0xCD00] =	vst v7  }
0x512: {  	[tilespmem:s4+$0xCD10] =	vst v7  }
0x513: {  	[tilespmem:s4+$0xCD20] =	vst v7  }
0x514: {  	[tilespmem:s4+$0xCD30] =	vst v7  }
0x515: {  	[tilespmem:s4+$0xCD40] =	vst v7  }
0x516: {  	[tilespmem:s4+$0xCD50] =	vst v7  }
0x517: {  	[tilespmem:s4+$0xCD60] =	vst v7  }
0x518: {  	[tilespmem:s4+$0xCD70] =	vst v7  }
.Ltmp32:
0x519: {  	[tilespmem:s4+$0xD100] =	vst v7;
	(pc) =	sbr.rel @p1 .LBB2_35-.Ltmp32, $4  }
0x51a: {  	[tilespmem:s4+$0xD110] =	vst v7  }
0x51b: {  	[tilespmem:s4+$0xD120] =	vst v7  }
0x51c: {  	[tilespmem:s4+$0xD130] =	vst v7  }
0x51d: {  	s5 =	sadd.s32 $0x200, s5;
	s6 =	sadd.s32 $0x400, s6;
	[tilespmem:s4+$0xD140] =	vst v7  }
.LBB2_36:
0x51e: {  	[tilespmem:s4+$0xD150] =	vst v7  }
0x51f: {  	[tilespmem:s4+$0xD160] =	vst v7  }
0x520: {  	[tilespmem:s4+$0xD170] =	vst v7  }
.LBB2_37:
0x521: {  	p0 =	sgt.u32 s2, $0x7F  }
.Ltmp33:
0x522: {  	_ = 	snop;
	(pc) =	sbr.rel @p0 .LBB2_40-.Ltmp33, $1  }
0x523: {  	_ =	sdelay $0x3  }
0x524: {  	s2 =	ssub.s32 $0x80, s28  }
0x525: {  	s3 =	sand.u32 $0xFFFFFFFC, s2;
	s2 =	sshrl.u32 s2, $0x2  }
0x526: {  	s3 =	sadd.s32 s3, s28;
	s4 =	sshll.u32 s2, $0x9;
	s5 =	sshll.u32 s2, $0xA  }
0x527: {  	s2 =	sadd.s32 $0xFFFFFFFF, s3;
	s0 =	sadd.s32 s0, s4;
	s1 =	sadd.s32 s1, s5  }
.LBB2_39:
0x528: {  	s3 =	sand.u32 $0x7800, s1;
	s4 =	sand.u32 $0x380, s0  }
0x529: {  	s3 =	sor.u32 s4, s3  }
0x52a: {  	[tilespmem:s3+$0xCD00] =	vst v7  }
0x52b: {  	[tilespmem:s3+$0xCD10] =	vst v7  }
0x52c: {  	[tilespmem:s3+$0xCD20] =	vst v7  }
0x52d: {  	[tilespmem:s3+$0xCD30] =	vst v7  }
0x52e: {  	[tilespmem:s3+$0xCD40] =	vst v7  }
0x52f: {  	[tilespmem:s3+$0xCD50] =	vst v7  }
0x530: {  	[tilespmem:s3+$0xCD60] =	vst v7  }
0x531: {  	[tilespmem:s3+$0xCD70] =	vst v7  }
0x532: {  	[tilespmem:s3+$0xD100] =	vst v7  }
0x533: {  	s2 =	sadd.s32 $0x1, s2;
	[tilespmem:s3+$0xD110] =	vst v7  }
0x534: {  	p0 =	slt.u32 s2, $0x7F;
	[tilespmem:s3+$0xD120] =	vst v7  }
.Ltmp34:
0x535: {  	[tilespmem:s3+$0xD130] =	vst v7;
	(pc) =	sbr.rel @p0 .LBB2_39-.Ltmp34, $4  }
0x536: {  	[tilespmem:s3+$0xD140] =	vst v7  }
0x537: {  	[tilespmem:s3+$0xD150] =	vst v7  }
0x538: {  	[tilespmem:s3+$0xD160] =	vst v7  }
0x539: {  	s0 =	sadd.s32 $0x80, s0;
	s1 =	sadd.s32 $0x100, s1;
	[tilespmem:s3+$0xD170] =	vst v7  }
.LBB2_40:
0x53a: {  	s0 =	sld [smem:$0x7F4];
	_ =	sdelay $0x2  }
0x53b: {  	s0 =	sadd.s32 s0, s13  }
0x53c: {  	s1 =	rddreg [dreg:$0x3];
	s0 =	sshll.u32 s0, $0x5  }
0x53d: {  	s7 =	simm.s32 $0xCD00;
	s0 =	sadd.s32 s1, s0  }
0x53e: {  	[hbm4b:s0+s16] =	stream.linear.scatter [tilespmem:s7], [sflag:$0x2], $0x8000, $0x38;
	[tilespmem:$0x1D400] =	vst v63  }
0x53f: {  	s8 =	sld [smem:$0x7EC];
	v8 =	vld [tilespmem:s13+$0x2580];
	_ =	sdelay $0x1  }
0x540: {  	s28 =	sor.u32 $0x100, s13  }
0x541: {  	s0 =	ssub.s32 s8, s28  }
0x542: {  	p0 =	sgt.s32 s0, $0x0;
	s1 =	smov.u32 s0  }
0x543: {  	s1 =	simm.s32 @!p0 $0x0;
	v8 =	vxor.u32 $0x80000000, v8  }
0x544: {  	s12 =	smin.u32 s1, $0x80;
	(xrf0) =	vmin.scan.msk.u32 $0xffff, v8  }
0x545: {  	s9 =	sadd.s32 $0x2580, s13;
	s2 =	smax.u32 s12, $0x1  }
0x546: {  	s1 =	sadd.s32 s2, s9  }
0x547: {  	v8 =	vld [tilespmem:s1+$0xFFFFFFFF];
	_ =	sdelay $0x2  }
0x548: {  	v9, _, _ =	vpop (xrf0)  }
0x549: {  	(v2sf) =	vpush v9, $0xF  }
0x54a: {  	v8 =	vxor.u32 $0x80000000, v8  }
0x54b: {  	(xrf0) =	vmin.scan.msk.u32 $0xffff, v8;
	_ =	sdelay $0x5  }
0x54c: {  	v8, _, _ =	vpop (xrf0)  }
0x54d: {  	(v2sf) =	vpush v8, $0xF;
	_ =	sdelay $0x5  }
0x54e: {  	s10 =	spop (v2sf)  }
0x54f: {  	s11 =	sxor.u32 $0x80000000, s10  }
0x550: {  	p1 =	sgt.s32 s10, $0xFFFFFFFF;
	s1 =	sand.u32 $0x7, s10;
	p5 =	slt.s32 s11, $0x1  }
0x551: {  	s3 =	sshra.s32 s11, $0x1F;
	p6 =	sne.s32 s1, $0x0;
	p0 =	por p1, p5  }
0x552: {  	s13 =	sshrl.u32 s3, $0x1D;
	p0 =	por !p6, !p0  }
0x553: {  	s2 =	simm.s32 $0x1;
	s1 =	sadd.s32 s13, s11;
	p0 =	por !p0, !p0  }
0x554: {  	s1 =	sshrl.u32 s1, $0x3;
	s2 =	simm.s32 @!p0 $0x0  }
0x555: {  	s1 =	ssub.s32 s1, s2  }
0x556: {  	s2 =	sshll.u32 s1, $0x3  }
0x557: {  	s16 =	spop (v2sf);
	p0 =	slt.s32 s2, $0x3F78  }
0x558: {  	s10 =	sxor.u32 $0x80000000, s16;
	s2 =	simm.s32 @!p0 $0x3F78  }
0x559: {  	p1 =	slt.s32 s0, $0x1;
	s6 =	ssub.s32 s10, s2  }
0x55a: {  	s0 =	smov.u32 s14;
	p0 =	sgt.s32 s14, $0x0;
	p2 =	sgt.s32 @!p1 s6, $0x2F  }
0x55b: {  	s0 =	simm.s32 @!p0 $0x0;
	p0 =	por p1, p2  }
.Ltmp35:
0x55c: {  	_ = 	snop;
	(pc) =	sbr.rel @p0 .LBB2_47-.Ltmp35, $2  }
0x55d: {  	_ =	sdelay $0x2  }
0x55e: {  	s1 =	simm.s32 $0x0;
	s16 =	smov.u32 s2;
	s11 =	smin.u32 s0, $0x80  }
0x55f: {  	s0 =	sshll.u32 s16, $0x5  }
.Ltmp36:
0x560: {  	s0 =	sadd.s32 s20, s0;
	(pc) =	sbr.rel .LBB2_50-.Ltmp36, $4  }
0x561: {  	[tilespmem:s23], [sflag:$0x1] =	stream.linear.gather [hbm4b:s0+s1], $0x3000, $0x38;
	[tilespmem:$0x1D400] =	vst v63  }
0x562: {  	_ =	swait.ge [sflag:s21], $0x3000  }
0x563: {  	[sflag:s21] =	ssyncset.done $0x0  }
0x564: {  	[sflag:s21] =	ssyncadd.s32 $0xFFFFD000  }
.LBB2_47:
0x565: {  	p0 =	slt.s32 @!p1 s6, $0x30  }
0x566: {  	p0 =	por p1, p0  }
.Ltmp37:
0x567: {  	_ = 	snop;
	(pc) =	sbr.rel @p0 .LBB2_49-.Ltmp37, $2  }
0x568: {  	_ =	sdelay $0x2  }
0x569: {  	s1 =	simm.s32 $0x0  }
0x56a: {  	s0 =	sshll.u32 s16, $0x5  }
.Ltmp38:
0x56b: {  	s0 =	sadd.s32 s20, s0;
	(pc) =	sbr.rel .LBB2_50-.Ltmp38, $4  }
0x56c: {  	[tilespmem:s23], [sflag:$0x1] =	stream.linear.gather [hbm4b:s0+s1], $0x8800, $0x38;
	[tilespmem:$0x1D400] =	vst v63  }
0x56d: {  	_ =	swait.ge [sflag:s21], $0x8800  }
0x56e: {  	[sflag:s21] =	ssyncset.done $0x0  }
0x56f: {  	[sflag:s21] =	ssyncadd.s32 $0xFFFF7800  }
.LBB2_49:
.Ltmp39:
0x570: {  	(pc) =	sbr.rel @p1 .LBB2_63-.Ltmp39, $1  }
0x571: {  	_ =	sdelay $0x3  }
.LBB2_50:
0x572: {  	s7 =	sand.u32 $0xFC, s12  }
0x573: {  	p0 =	seq.s32 s7, $0x0  }
.Ltmp40:
0x574: {  	_ = 	snop;
	(pc) =	sbr.rel @p0 .LBB2_53-.Ltmp40, $1  }
0x575: {  	_ =	sdelay $0x3  }
0x576: {  	v8 =	vmov s24  }
0x577: {  	[smem:$0x7BF] =	sst s6  }
0x578: {  	[smem:$0x7C0] =	sst s28  }
0x579: {  	[smem:$0x7B8] =	sst s10  }
0x57a: {  	[smem:$0x7B9] =	sst s12;
	s1 =	simm.s32 $0x0  }
0x57b: {  	v9 =	vld.idx.msk [tilespmem:v8+s1+$0x0 ss:$0x1], $0xffff;
	_ =	sdelay $0x4  }
0x57c: {  	v9 =	vxor.u32 $0x80000000, v9  }
0x57d: {  	s18 =	sand.u32 $0x3FFFFF80, s31;
	(xrf0) =	vmin.scan.msk.u32 $0xffff, v9  }
0x57e: {  	s1 =	sadd.s32 $0x0, s18  }
0x57f: {  	v9 =	vld [tilespmem:s1+$0x2480];
	_ =	sdelay $0x1  }
0x580: {  	v10 =	vld [tilespmem:s1+$0x2481]  }
0x581: {  	v11 =	vld [tilespmem:s1+$0x2482]  }
0x582: {  	v12, _, _ =	vpop (xrf0)  }
0x583: {  	v9 =	vxor.u32 $0x80000000, v9;
	(v2sf) =	vpush v12, $0xF  }
0x584: {  	(xrf0) =	vmin.scan.msk.u32 $0xffff, v9  }
0x585: {  	v10 =	vxor.u32 $0x80000000, v10  }
0x586: {  	v9 =	vxor.u32 $0x80000000, v11;
	(xrf0) =	vmin.scan.msk.u32 $0xffff, v10  }
0x587: {  	(xrf0) =	vmin.scan.msk.u32 $0xffff, v9;
	_ =	sdelay $0x2  }
0x588: {  	v9, _, _ =	vpop (xrf0)  }
0x589: {  	(v2sf) =	vpush v9, $0xF  }
0x58a: {  	v9, _, _ =	vpop (xrf0)  }
0x58b: {  	(v2sf) =	vpush v9, $0xF;
	v9, _, _ =	vpop (xrf0)  }
0x58c: {  	(v2sf) =	vpush v9, $0xF;
	_ =	sdelay $0x3  }
0x58d: {  	s19 =	spop (v2sf)  }
0x58e: {  	s1 =	sxor.u32 $0x80000000, s19  }
0x58f: {  	s1 =	ssub.s32 s1, s16  }
0x590: {  	p0 =	sgt.s32 s1, $0x0  }
0x591: {  	s1 =	simm.s32 @!p0 $0x0  }
0x592: {  	s0 =	simm.s32 $0x180;
	s1 =	smin.u32 s1, $0x87  }
0x593: {  	s8 =	simm.s32 $0x0;
	s2 =	sshll.u32 s1, $0x8;
	s1 =	sshll.u32 s1, $0x7  }
0x594: {  	s20 =	smov.u32 s22;
	s2 =	sand.u32 $0xF800, s2;
	s1 =	sand.u32 $0x380, s1  }
0x595: {  	s9 =	simm.s32 $0x0;
	s21 =	spop (v2sf);
	s22 =	sor.u32 s1, s2  }
0x596: {  	s4 =	sand.u32 $0x7FFFF800, s8;
	s0 =	sand.u32 $0x380, s0;
	s1 =	sxor.u32 $0x80000000, s21;
	v9 =	vld [tilespmem:s22+$0x4500]  }
0x597: {  	s4 =	sadd.s32 $0x14D00, s4;
	s23 =	spop (v2sf);
	s1 =	ssub.s32 s1, s16  }
0x598: {  	s26 =	sadd.s32 s0, s4;
	s3 =	spop (v2sf);
	p0 =	sgt.s32 s1, $0x0  }
0x599: {  	s2 =	sxor.u32 $0x80000000, s23;
	s3 =	sxor.u32 $0x80000000, s3;
	s1 =	simm.s32 @!p0 $0x0  }
0x59a: {  	s2 =	ssub.s32 s2, s16;
	s0 =	ssub.s32 s3, s16;
	s1 =	smin.u32 s1, $0x87  }
0x59b: {  	p3 =	sgt.s32 s2, $0x0;
	s24 =	sshll.u32 s1, $0x8;
	s1 =	sshll.u32 s1, $0x7;
	[tilespmem:s26+$0x0] =	vst v9  }
0x59c: {  	s2 =	simm.s32 @!p3 $0x0;
	s3 =	sand.u32 $0xF800, s24;
	s1 =	sand.u32 $0x380, s1;
	v9 =	vld [tilespmem:s22+$0x4510]  }
0x59d: {  	p4 =	sgt.s32 s0, $0x0;
	s2 =	smin.u32 s2, $0x87;
	s14 =	sor.u32 s1, s3  }
0x59e: {  	s0 =	simm.s32 @!p4 $0x0;
	s5 =	sshll.u32 s2, $0x8;
	s2 =	sshll.u32 s2, $0x7;
	v10 =	vld [tilespmem:s14+$0x4500]  }
0x59f: {  	s0 =	smin.u32 s0, $0x87;
	s5 =	sand.u32 $0xF800, s5;
	s2 =	sand.u32 $0x380, s2  }
0x5a0: {  	s25 =	sshll.u32 s0, $0x8;
	s0 =	sshll.u32 s0, $0x7;
	s18 =	sor.u32 s2, s5  }
0x5a1: {  	s6 =	sand.u32 $0xF800, s25;
	s0 =	sand.u32 $0x380, s0;
	s1 =	sand.u32 $0x200, s9;
	v11 =	vld [tilespmem:s18+$0x4500];
	[tilespmem:s26+$0x10] =	vst v9  }
0x5a2: {  	s19 =	sor.u32 s0, s6;
	s25 =	sor.u32 s1, s4;
	v9 =	vld [tilespmem:s22+$0x4520]  }
0x5a3: {  	s10 =	simm.s32 $0x80;
	v12 =	vld [tilespmem:s19+$0x4500];
	[tilespmem:s25+$0x0] =	vst v10  }
0x5a4: {  	s2 =	sand.u32 $0x280, s10;
	v10 =	vld [tilespmem:s14+$0x4510]  }
0x5a5: {  	s12 =	simm.s32 $0x100;
	s13 =	sand.u32 $0x3, s8;
	s28 =	sor.u32 s2, s4  }
0x5a6: {  	p2 =	por $0x0, $0x0;
	s1 =	sand.u32 $0x300, s12;
	s2 =	sshll.u32 s13, $0x8;
	[tilespmem:s28+$0x0] =	vst v11  }
0x5a7: {  	s3 =	simm.s32 $0x1;
	s4 =	sadd.s32 s1, s4;
	s2 =	sadd.s32 $0x0, s2;
	[tilespmem:s26+$0x20] =	vst v9  }
0x5a8: {  	s3 =	simm.s32 @!p2 $0x0;
	s2 =	sadd.s32 $0x100, s2;
	[tilespmem:s4+$0x0] =	vst v12;
	v9 =	vld [tilespmem:s22+$0x4530]  }
0x5a9: {  	s17 =	sshll.u32 s3, $0x9;
	s21 =	sor.u32 $0x420, s2;
	v11 =	vld [tilespmem:s18+$0x4510];
	[tilespmem:s25+$0x10] =	vst v10  }
0x5aa: {  	s1 =	sadd.s32 $0x0, s17;
	s0 =	sor.u32 $0x430, s2;
	v12 =	vld [tilespmem:s19+$0x4510];
	[smem:$0x7BA] =	sst s21  }
0x5ab: {  	s5 =	sor.u32 $0x430, s1;
	[dreg:$0xd] =	wrdreg s0  }
0x5ac: {  	[smem:$0x7BB] =	sst s5  }
0x5ad: {  	s6 =	sor.u32 $0x440, s1;
	[tilespmem:s26+$0x30] =	vst v9  }
0x5ae: {  	s9 =	sor.u32 $0x440, s2;
	v10 =	vld [tilespmem:s14+$0x4520];
	[dreg:$0xb] =	wrdreg s6  }
0x5af: {  	[dreg:$0xa] =	wrdreg s9  }
0x5b0: {  	p3 =	sgt.u32 s7, $0x4;
	s13 =	sor.u32 $0x460, s2;
	[tilespmem:s28+$0x10] =	vst v11  }
0x5b1: {  	s10 =	sor.u32 $0x400, s1;
	s3 =	sor.u32 $0x460, s1;
	v11 =	vld [tilespmem:s22+$0x4540];
	[smem:$0x7BC] =	sst s13  }
.Ltmp41:
0x5b2: {  	s23 =	sor.u32 $0x410, s1;
	[smem:$0x7BD] =	sst s3;
	(pc) =	sbr.rel @!p3 .LBB2_52-.Ltmp41, $4  }
0x5b3: {  	s17 =	sor.u32 $0x400, s2;
	s12 =	sor.u32 $0x410, s2;
	s5 =	sor.u32 $0x470, s1;
	[tilespmem:s4+$0x10] =	vst v12  }
0x5b4: {  	s24 =	sor.u32 $0x420, s1;
	s13 =	sor.u32 $0x470, s2;
	v13 =	vld [tilespmem:s18+$0x4520];
	[smem:$0x7BE] =	sst s5  }
0x5b5: {  	s21 =	sor.u32 $0x450, s2;
	s6 =	sor.u32 $0x450, s1;
	[dreg:$0xe] =	wrdreg s13  }
0x5b6: {  	s9 =	smov.u32 s4;
	s3 =	sadd.s32 $0x4, s31;
	v12 =	vld [tilespmem:s19+$0x4520];
	[dreg:$0x6] =	wrdreg s7  }
0x5b7: {  	_ = 	snop  }
0x5b8: {  	[smem:$0x7AD] =	sst s11  }
0x5b9: {  	[tilespmem:s26+$0x40] =	vst v11  }
0x5ba: {  	s1 =	simm.s32 $0x4;
	v9 =	vld [tilespmem:s22+$0x4550]  }
0x5bb: {  	v11 =	vld.idx.msk [tilespmem:v8+s1+$0x0 ss:$0x1], $0xffff  }
0x5bc: {  	s2 =	sand.u32 $0x3FFFFF80, s3;
	[tilespmem:s25+$0x20] =	vst v10  }
0x5bd: {  	s4 =	sadd.s32 $0x4, s2;
	[tilespmem:s28+$0x20] =	vst v13;
	v13 =	vld [tilespmem:s14+$0x4530]  }
0x5be: {  	v10 =	vld [tilespmem:s4+$0x2480]  }
0x5bf: {  	v14 =	vld [tilespmem:s18+$0x4530];
	[tilespmem:s26+$0x50] =	vst v9  }
0x5c0: {  	v9 =	vxor.u32 $0x80000000, v11;
	v11 =	vld [tilespmem:s22+$0x4560]  }
0x5c1: {  	v15 =	vld [tilespmem:s4+$0x2481];
	[tilespmem:s9+$0x20] =	vst v12;
	(xrf0) =	vmin.scan.msk.u32 $0xffff, v9  }
0x5c2: {  	v12 =	vld [tilespmem:s19+$0x4530];
	[tilespmem:s25+$0x30] =	vst v13  }
0x5c3: {  	v13 =	vld [tilespmem:s14+$0x4540]  }
0x5c4: {  	v9 =	vld [tilespmem:s4+$0x2482];
	[tilespmem:s28+$0x30] =	vst v14  }
0x5c5: {  	v14 =	vld [tilespmem:s18+$0x4540];
	[tilespmem:s26+$0x60] =	vst v11  }
0x5c6: {  	v10 =	vxor.u32 $0x80000000, v10;
	v11 =	vld [tilespmem:s22+$0x4570]  }
0x5c7: {  	[tilespmem:s9+$0x30] =	vst v12;
	v16, _, _ =	vpop (xrf0);
	(xrf0) =	vmin.scan.msk.u32 $0xffff, v10;
	v10 =	vxor.u32 $0x80000000, v15  }
0x5c8: {  	[tilespmem:s25+$0x40] =	vst v13;
	(xrf0) =	vmin.scan.msk.u32 $0xffff, v10;
	v10 =	vld [tilespmem:s19+$0x4540]  }
0x5c9: {  	v12 =	vld [tilespmem:s14+$0x4550];
	(v2sf) =	vpush v16, $0xF  }
0x5ca: {  	v9 =	vxor.u32 $0x80000000, v9;
	[tilespmem:s28+$0x40] =	vst v14  }
0x5cb: {  	(xrf0) =	vmin.scan.msk.u32 $0xffff, v9;
	v9 =	vld [tilespmem:s18+$0x4550];
	[tilespmem:s26+$0x70] =	vst v11  }
0x5cc: {  	s5 =	sand.u32 $0x7, s8;
	v11 =	vld [tilespmem:s22+$0x4900]  }
0x5cd: {  	s1 =	sshll.u32 s5, $0x7;
	v13, _, _ =	vpop (xrf0);
	[tilespmem:s9+$0x40] =	vst v10  }
0x5ce: {  	s1 =	sadd.s32 $0x0, s1;
	[tilespmem:s25+$0x50] =	vst v12;
	(v2sf) =	vpush v13, $0xF;
	v10, _, _ =	vpop (xrf0);
	v13 =	vld [tilespmem:s19+$0x4550]  }
0x5cf: {  	s13 =	sadd.s32 $0x180, s1;
	(v2sf) =	vpush v10, $0xF;
	v10 =	vld [tilespmem:s14+$0x4560]  }
0x5d0: {  	s8 =	sor.u32 $0x400, s13;
	[tilespmem:s28+$0x50] =	vst v9  }
0x5d1: {  	v9, _, _ =	vpop (xrf0);
	v12 =	vld [tilespmem:s18+$0x4560];
	[tilespmem:s8+$0x14D00] =	vst v11  }
0x5d2: {  	(v2sf) =	vpush v9, $0xF;
	v9 =	vld [tilespmem:s22+$0x4910]  }
0x5d3: {  	[tilespmem:s9+$0x50] =	vst v13  }
0x5d4: {  	v11 =	vld [tilespmem:s19+$0x4560];
	[tilespmem:s25+$0x60] =	vst v10  }
0x5d5: {  	v10 =	vld [tilespmem:s14+$0x4570]  }
0x5d6: {  	s15 =	sor.u32 $0x410, s13;
	[tilespmem:s28+$0x60] =	vst v12  }
0x5d7: {  	v12 =	vld [tilespmem:s18+$0x4570];
	[tilespmem:s15+$0x14D00] =	vst v9  }
0x5d8: {  	s11 =	smov.u32 s9;
	s4 =	spop (v2sf);
	v9 =	vld [tilespmem:s22+$0x4920];
	[dreg:$0x1b] =	wrdreg s6  }
0x5d9: {  	s31 =	smov.u32 s18;
	s1 =	sadd.s32 $0x80, s1;
	s20 =	sxor.u32 $0x80000000, s4;
	[tilespmem:s9+$0x60] =	vst v11  }
0x5da: {  	p4 =	sgt.u32 s7, $0x8;
	s26 =	sor.u32 $0x430, s1;
	s5 =	ssub.s32 s20, s16;
	[tilespmem:s25+$0x70] =	vst v10  }
0x5db: {  	s2 =	sor.u32 $0x420, s1;
	p0 =	sgt.s32 s5, $0x0;
	v11 =	vld [tilespmem:s19+$0x4570];
	[smem:$0x7AE] =	sst s26  }
0x5dc: {  	s0 =	sor.u32 $0x420, s13;
	s9 =	sor.u32 $0x440, s1;
	s5 =	simm.s32 @!p0 $0x0;
	[tilespmem:s28+$0x70] =	vst v12  }
0x5dd: {  	s15 =	smov.u32 s21;
	s5 =	smin.u32 s5, $0x87;
	v10 =	vld [tilespmem:s14+$0x4900];
	[dreg:$0x17] =	wrdreg s9  }
0x5de: {  	s4 =	sor.u32 $0x410, s1;
	s25 =	sor.u32 $0x450, s1;
	s20 =	sshll.u32 s5, $0x8;
	v12 =	vld [tilespmem:s18+$0x4900];
	[tilespmem:s0+$0x14D00] =	vst v9  }
0x5df: {  	s5 =	sshll.u32 s5, $0x7;
	s0 =	sor.u32 $0x460, s1;
	v9 =	vld [tilespmem:s22+$0x4930];
	[dreg:$0x12] =	wrdreg s25  }
0x5e0: {  	s8 =	sand.u32 $0xF800, s20;
	s5 =	sand.u32 $0x380, s5;
	[dreg:$0x19] =	wrdreg s0  }
0x5e1: {  	s21 =	spop (v2sf);
	s20 =	smov.u32 s22;
	s22 =	sor.u32 s5, s8;
	[tilespmem:s11+$0x70] =	vst v11  }
0x5e2: {  	s6 =	sor.u32 $0x400, s1;
	s26 =	spop (v2sf);
	s25 =	simm.s32 $0x400;
	v11 =	vld [tilespmem:s22+$0x4500];
	[tilespmem:s10+$0x14D00] =	vst v10  }
0x5e3: {  	s8 =	sxor.u32 $0x80000000, s21;
	s21 =	simm.s32 $0x400;
	v13 =	vld [tilespmem:s19+$0x4900];
	[smem:$0x7AF] =	sst s25  }
0x5e4: {  	s7 =	sxor.u32 $0x80000000, s26;
	s26 =	sand.u32 $0x7FFFF800, s21;
	s21 =	simm.s32 $0x380;
	v10 =	vld [tilespmem:s14+$0x4910];
	[tilespmem:s6+$0x14D00] =	vst v12  }
0x5e5: {  	s0 =	sor.u32 $0x430, s13;
	s10 =	sand.u32 $0x380, s21;
	s6 =	sadd.s32 $0x14D00, s26;
	v12 =	vld [tilespmem:s18+$0x4910]  }
0x5e6: {  	s11 =	spop (v2sf);
	s5 =	ssub.s32 s8, s16;
	[tilespmem:s0+$0x14D00] =	vst v9;
	s26 =	sadd.s32 s10, s6  }
0x5e7: {  	s7 =	ssub.s32 s7, s16;
	s8 =	sxor.u32 $0x80000000, s11;
	p0 =	sgt.s32 s5, $0x0;
	v9 =	vld [tilespmem:s20+$0x4940];
	[tilespmem:s26+$0x0] =	vst v11  }
0x5e8: {  	p3 =	sgt.s32 s7, $0x0;
	s8 =	ssub.s32 s8, s16;
	s5 =	simm.s32 @!p0 $0x0;
	[tilespmem:s17+$0x14D00] =	vst v13;
	v11 =	vld [tilespmem:s22+$0x4510]  }
0x5e9: {  	s7 =	simm.s32 @!p3 $0x0;
	p0 =	sgt.s32 s8, $0x0;
	s5 =	smin.u32 s5, $0x87;
	v13 =	vld [tilespmem:s19+$0x4910];
	[tilespmem:s23+$0x14D00] =	vst v10  }
0x5ea: {  	s7 =	smin.u32 s7, $0x87;
	s8 =	simm.s32 @!p0 $0x0;
	s11 =	sshll.u32 s5, $0x8;
	v10 =	vld [tilespmem:s14+$0x4920];
	[tilespmem:s4+$0x14D00] =	vst v12  }
0x5eb: {  	s5 =	sshll.u32 s5, $0x7;
	s25 =	sshll.u32 s7, $0x7;
	s17 =	sor.u32 $0x440, s13;
	v12 =	vld [tilespmem:s18+$0x4920]  }
0x5ec: {  	s8 =	smin.u32 s8, $0x87;
	s9 =	sand.u32 $0xF800, s11;
	s5 =	sand.u32 $0x380, s5;
	[tilespmem:s17+$0x14D00] =	vst v9  }
0x5ed: {  	s0 =	sshll.u32 s8, $0x8;
	s10 =	sor.u32 s5, s9;
	s23 =	sshll.u32 s7, $0x8;
	v9 =	vld [tilespmem:s20+$0x4950];
	[tilespmem:s26+$0x10] =	vst v11  }
0x5ee: {  	s9 =	sshll.u32 s8, $0x7;
	v14 =	vld [tilespmem:s10+$0x4500];
	s11 =	sand.u32 $0xF800, s23;
	s4 =	sand.u32 $0x380, s25;
	[tilespmem:s12+$0x14D00] =	vst v13  }
0x5ef: {  	s5 =	sand.u32 $0x380, s9;
	s7 =	sand.u32 $0xF800, s0;
	s18 =	sor.u32 s4, s11;
	v11 =	vld [tilespmem:s22+$0x4520];
	[tilespmem:s24+$0x14D00] =	vst v10  }
0x5f0: {  	s0 =	simm.s32 $0x2;
	s5 =	sor.u32 s5, s7;
	s23 =	simm.s32 $0x200;
	v13 =	vld [tilespmem:s18+$0x4500];
	[tilespmem:s2+$0x14D00] =	vst v12  }
0x5f1: {  	s7 =	sand.u32 $0x200, s23;
	v10 =	vld [tilespmem:s5+$0x4500];
	s24 =	sor.u32 $0x450, s13;
	[dreg:$0x1f] =	wrdreg s0  }
0x5f2: {  	s25 =	sor.u32 s7, s6;
	s0 =	simm.s32 $0x280;
	[tilespmem:s24+$0x14D00] =	vst v9  }
0x5f3: {  	v12 =	vld [tilespmem:s19+$0x4920];
	s11 =	sand.u32 $0x280, s0;
	[tilespmem:s25+$0x0] =	vst v14  }
0x5f4: {  	p3 =	por !p2, !p2;
	s9 =	simm.s32 $0x300;
	[tilespmem:s26+$0x20] =	vst v11;
	v9 =	vld [tilespmem:s20+$0x4960];
	s28 =	sor.u32 s11, s6  }
0x5f5: {  	s7 =	sand.u32 $0x300, s9;
	s12 =	sor.u32 $0x470, s1;
	s2 =	simm.s32 $0x1;
	v14 =	vld [tilespmem:s10+$0x4510];
	[tilespmem:s28+$0x0] =	vst v13  }
0x5f6: {  	s2 =	simm.s32 @!p3 $0x0;
	s11 =	sadd.s32 s7, s6;
	v11 =	vld [tilespmem:s22+$0x4530];
	[dreg:$0x1d] =	wrdreg s12  }
0x5f7: {  	s2 =	sshll.u32 s2, $0x9;
	[tilespmem:s11+$0x0] =	vst v10  }
0x5f8: {  	s17 =	simm.s32 $0x2;
	s23 =	sadd.s32 $0x400, s2;
	s1 =	sld [smem:$0x7BA]  }
0x5f9: {  	s8 =	sand.u32 $0x3, s17;
	s24 =	sor.u32 $0x400, s23  }
0x5fa: {  	s8 =	sshll.u32 s8, $0x8;
	v13 =	vld [tilespmem:s18+$0x4510];
	[smem:$0x7B0] =	sst s24  }
0x5fb: {  	s17 =	sadd.s32 $0x400, s8;
	s8 =	sor.u32 $0x410, s23;
	[tilespmem:s1+$0x14D00] =	vst v12  }
0x5fc: {  	s9 =	sor.u32 $0x420, s23;
	v15 =	vld [tilespmem:s5+$0x4510];
	[dreg:$0x15] =	wrdreg s8  }
0x5fd: {  	s2 =	sor.u32 $0x460, s13;
	[dreg:$0x10] =	wrdreg s9  }
0x5fe: {  	s12 =	sor.u32 $0x430, s23;
	[tilespmem:s2+$0x14D00] =	vst v9  }
0x5ff: {  	[dreg:$0x1e] =	wrdreg s12  }
0x600: {  	s7 =	sadd.s32 $0x100, s17;
	s17 =	sor.u32 $0x460, s23;
	v9 =	vld [tilespmem:s14+$0x4930];
	[tilespmem:s25+$0x10] =	vst v14  }
0x601: {  	v63 =	vld [tilespmem:s20+$0x4970];
	s20 =	sor.u32 $0x470, s23;
	[smem:$0x7B1] =	sst s17  }
0x602: {  	[smem:$0x7B2] =	sst s20  }
0x603: {  	s24 =	sor.u32 $0x450, s23;
	s2 =	sor.u32 $0x440, s23;
	s23 =	sor.u32 $0x400, s7;
	[tilespmem:s26+$0x30] =	vst v11  }
0x604: {  	s1 =	sor.u32 $0x410, s7;
	v10 =	vld [tilespmem:s10+$0x4520];
	[smem:$0x7B3] =	sst s23  }
0x605: {  	[dreg:$0x13] =	wrdreg s1  }
0x606: {  	s6 =	sor.u32 $0x420, s7;
	[tilespmem:s28+$0x10] =	vst v13  }
0x607: {  	s8 =	sor.u32 $0x450, s7;
	v11 =	vld [tilespmem:s22+$0x4540];
	[smem:$0x7B4] =	sst s6  }
0x608: {  	s9 =	sor.u32 $0x460, s7;
	[smem:$0x7B5] =	sst s8  }
0x609: {  	s12 =	sor.u32 $0x470, s7;
	[smem:$0x7B6] =	sst s9  }
0x60a: {  	[smem:$0x7B7] =	sst s12  }
0x60b: {  	[tilespmem:s11+$0x10] =	vst v15  }
0x60c: {  	s17 =	sld [smem:$0x7BB]  }
0x60d: {  	s23 =	sor.u32 $0x470, s13  }
0x60e: {  	[tilespmem:s23+$0x14D00] =	vst v63  }
0x60f: {  	p2 =	por $0x1, $0x1;
	s4 =	smov.u32 s31;
	[tilespmem:s17+$0x14D00] =	vst v9  }
.Ltmp42:
0x610: {  	s9 =	smov.u32 s11;
	s11 =	rddreg [dreg:$0xa];
	(pc) =	sbr.rel @!p4 .LBB2_74-.Ltmp42, $4  }
0x611: {  	s0 =	smov.u32 s19;
	s19 =	smov.u32 s14;
	s29 =	rddreg [dreg:$0xb]  }
0x612: {  	s14 =	sor.u32 $0x430, s7;
	s20 =	sor.u32 $0x440, s7;
	v13 =	vld [tilespmem:s18+$0x4520];
	s23 =	sld [smem:$0x7BC]  }
0x613: {  	s8 =	sadd.s32 $0x4, s3;
	s12 =	simm.s32 $0x20;
	v12 =	vld [tilespmem:s5+$0x4520];
	s13 =	sld [smem:$0x7BE]  }
0x614: {  	s6 =	simm.s32 $0x0;
	v9 =	vld [tilespmem:s31+$0x4930];
	s17 =	simm.s32 $0x8;
	s30 =	sld [smem:$0x7BD]  }
.LBB2_75:
0x615: {  	s31 =	sshra.s32 s12, $0x2  }
0x616: {  	v14 =	vld.idx.msk [tilespmem:v8+s31+$0x0 ss:$0x1], $0xffff;
	[tilespmem:s25+$0x20] =	vst v10  }
0x617: {  	s7 =	sand.u32 $0x3FFFFF80, s8;
	v10 =	vld [tilespmem:s0+$0x4930];
	[tilespmem:s26+$0x40] =	vst v11  }
0x618: {  	s1 =	sld [smem:$0x7AE];
	s7 =	sadd.s32 s31, s7;
	v11 =	vld [tilespmem:s22+$0x4550]  }
0x619: {  	[tilespmem:s28+$0x20] =	vst v13;
	v13 =	vld [tilespmem:s7+$0x2480]  }
0x61a: {  	[smem:$0x7A5] =	sst s8;
	[tilespmem:s9+$0x20] =	vst v12;
	v12 =	vld [tilespmem:s7+$0x2481]  }
0x61b: {  	s8 =	rddreg [dreg:$0xd];
	[tilespmem:s1+$0x14D00] =	vst v9;
	v9 =	vld [tilespmem:s7+$0x2482]  }
0x61c: {  	[tilespmem:s8+$0x14D00] =	vst v10;
	v10 =	vld [tilespmem:s10+$0x4530]  }
0x61d: {  	v15 =	vld [tilespmem:s18+$0x4530];
	[tilespmem:s26+$0x50] =	vst v11  }
0x61e: {  	v11 =	vxor.u32 $0x80000000, v13;
	v13 =	vxor.u32 $0x80000000, v14;
	v14 =	vld [tilespmem:s22+$0x4560]  }
0x61f: {  	(xrf0) =	vmin.scan.msk.u32 $0xffff, v13;
	v13 =	vld [tilespmem:s5+$0x4530]  }
0x620: {  	v12 =	vxor.u32 $0x80000000, v12;
	(xrf0) =	vmin.scan.msk.u32 $0xffff, v11;
	v11 =	vld [tilespmem:s19+$0x4940]  }
0x621: {  	s1 =	smov.u32 s2;
	v9 =	vxor.u32 $0x80000000, v9;
	(xrf0) =	vmin.scan.msk.u32 $0xffff, v12;
	[tilespmem:s25+$0x30] =	vst v10;
	v10 =	vld [tilespmem:s4+$0x4940]  }
0x622: {  	[dreg:$0xb] =	wrdreg s1;
	(xrf0) =	vmin.scan.msk.u32 $0xffff, v9;
	[tilespmem:s28+$0x30] =	vst v15;
	v9 =	vld [tilespmem:s10+$0x4540]  }
0x623: {  	s6 =	sadd.s32 $0x4, s6;
	s1 =	sld [smem:$0x7AF];
	[tilespmem:s26+$0x60] =	vst v14  }
0x624: {  	s8 =	sand.u32 $0x7, s6;
	v12 =	vld [tilespmem:s18+$0x4540];
	[tilespmem:s9+$0x30] =	vst v13  }
0x625: {  	s7 =	rddreg [dreg:$0x17];
	s2 =	sshll.u32 s8, $0x7;
	v13 =	vld [tilespmem:s22+$0x4570];
	v14, _, _ =	vpop (xrf0);
	[tilespmem:s29+$0x14D00] =	vst v11  }
0x626: {  	s3 =	rddreg [dreg:$0x6];
	s2 =	sadd.s32 s1, s2;
	v15 =	vld [tilespmem:s5+$0x4540];
	v11, _, _ =	vpop (xrf0);
	(v2sf) =	vpush v14, $0xF;
	[tilespmem:s7+$0x14D00] =	vst v10  }
0x627: {  	s31 =	smov.u32 s14;
	s14 =	rddreg [dreg:$0x1b];
	v10 =	vld [tilespmem:s0+$0x4940];
	(v2sf) =	vpush v11, $0xF;
	v11, _, _ =	vpop (xrf0);
	s7 =	sadd.s32 $0x80, s2;
	[tilespmem:s25+$0x40] =	vst v9  }
0x628: {  	[dreg:$0xd] =	wrdreg s31;
	(v2sf) =	vpush v11, $0xF;
	s8 =	sor.u32 $0x430, s7;
	v9 =	vld [tilespmem:s19+$0x4950]  }
0x629: {  	s17 =	sadd.s32 $0x4, s17;
	v11, _, _ =	vpop (xrf0);
	[tilespmem:s28+$0x40] =	vst v12;
	v14 =	vld [tilespmem:s10+$0x4550];
	[smem:$0x7AE] =	sst s8  }
0x62a: {  	p3 =	por !p3, !p3;
	s1 =	sadd.s32 $0x400, s1;
	(v2sf) =	vpush v11, $0xF;
	v11 =	vld [tilespmem:s18+$0x4550];
	s8 =	rddreg [dreg:$0x1f];
	[tilespmem:s26+$0x70] =	vst v13  }
0x62b: {  	p4 =	slt.u32 s17, s3;
	[smem:$0x7AF] =	sst s1;
	[tilespmem:s9+$0x40] =	vst v15;
	s3 =	sadd.s32 $0x2, s8;
	v12 =	vld [tilespmem:s22+$0x4900]  }
0x62c: {  	s21 =	sadd.s32 $0x200, s21;
	v13 =	vld [tilespmem:s5+$0x4550];
	[dreg:$0x1f] =	wrdreg s3;
	[tilespmem:s11+$0x14D00] =	vst v10;
	s11 =	smov.u32 s20  }
0x62d: {  	s31 =	sadd.s32 $0x180, s2;
	s20 =	smov.u32 s24;
	[dreg:$0xa] =	wrdreg s11  }
0x62e: {  	s2 =	sor.u32 $0x400, s31;
	s24 =	sor.u32 $0x420, s7;
	[dreg:$0x1b] =	wrdreg s20;
	v10 =	vld [tilespmem:s0+$0x4950];
	[tilespmem:s14+$0x14D00] =	vst v9  }
0x62f: {  	s26 =	sor.u32 $0x400, s7;
	[smem:$0x7A3] =	sst s24;
	s11 =	sor.u32 $0x440, s7;
	v9 =	vld [tilespmem:s4+$0x4950];
	[tilespmem:s25+$0x50] =	vst v14  }
0x630: {  	s8 =	sand.u32 $0x3, s3;
	[tilespmem:s28+$0x50] =	vst v11;
	[dreg:$0x17] =	wrdreg s11;
	s14 =	sor.u32 $0x450, s7;
	v14 =	vld [tilespmem:s10+$0x4560]  }
0x631: {  	s24 =	sor.u32 $0x470, s7;
	v11 =	vld [tilespmem:s18+$0x4560];
	s11 =	smov.u32 s14;
	s14 =	sld [smem:$0x7B5];
	[tilespmem:s2+$0x14D00] =	vst v12  }
0x632: {  	s3 =	smov.u32 s16;
	s20 =	sor.u32 $0x410, s7;
	[smem:$0x7A4] =	sst s24;
	[tilespmem:s9+$0x50] =	vst v13;
	v12 =	vld [tilespmem:s22+$0x4910]  }
0x633: {  	s24 =	sor.u32 $0x410, s31;
	s2 =	sor.u32 $0x460, s7;
	s7 =	rddreg [dreg:$0x12];
	v13 =	vld [tilespmem:s5+$0x4560];
	[tilespmem:s15+$0x14D00] =	vst v10  }
0x634: {  	[dreg:$0x12] =	wrdreg s11;
	s15 =	smov.u32 s14;
	s14 =	simm.s32 $0x1;
	[tilespmem:s7+$0x14D00] =	vst v9;
	v9 =	vld [tilespmem:s19+$0x4960]  }
0x635: {  	[smem:$0x7A6] =	sst s15;
	s14 =	simm.s32 @!p3 $0x0;
	v10 =	vld [tilespmem:s4+$0x4960];
	[tilespmem:s25+$0x60] =	vst v14;
	s29 =	spop (v2sf)  }
0x636: {  	[tilespmem:s28+$0x60] =	vst v11;
	s14 =	sshll.u32 s14, $0x9;
	v14 =	vld [tilespmem:s10+$0x4570];
	s11 =	sxor.u32 $0x80000000, s29;
	s29 =	spop (v2sf)  }
0x637: {  	v11 =	vld [tilespmem:s18+$0x4570];
	[tilespmem:s24+$0x14D00] =	vst v12;
	s24 =	rddreg [dreg:$0x19];
	s7 =	ssub.s32 s11, s16;
	s15 =	spop (v2sf)  }
0x638: {  	[tilespmem:s9+$0x60] =	vst v13;
	s29 =	sxor.u32 $0x80000000, s29;
	s16 =	sxor.u32 $0x80000000, s15;
	p0 =	sgt.s32 s7, $0x0  }
0x639: {  	v13 =	vld [tilespmem:s5+$0x4570];
	[tilespmem:s30+$0x14D00] =	vst v9;
	s11 =	spop (v2sf);
	s15 =	ssub.s32 s29, s3;
	s29 =	sshll.u32 s8, $0x8  }
0x63a: {  	v12 =	vld [tilespmem:s22+$0x4920];
	[tilespmem:s24+$0x14D00] =	vst v10;
	s11 =	sxor.u32 $0x80000000, s11;
	s7 =	simm.s32 @!p0 $0x0;
	s16 =	ssub.s32 s16, s3  }
0x63b: {  	v9 =	vld [tilespmem:s0+$0x4960];
	p0 =	sgt.s32 s15, $0x0;
	s7 =	smin.u32 s7, $0x87;
	s11 =	ssub.s32 s11, s3;
	[tilespmem:s25+$0x70] =	vst v14  }
0x63c: {  	[tilespmem:s28+$0x70] =	vst v11;
	p5 =	sgt.s32 s16, $0x0;
	s15 =	simm.s32 @!p0 $0x0;
	s28 =	sshll.u32 s7, $0x8;
	v10 =	vld [tilespmem:s19+$0x4970]  }
0x63d: {  	s7 =	sshll.u32 s7, $0x7;
	v11 =	vld [tilespmem:s18+$0x4900];
	p6 =	sgt.s32 s11, $0x0;
	s16 =	simm.s32 @!p5 $0x0  }
0x63e: {  	s8 =	smin.u32 s15, $0x87;
	s25 =	sld [smem:$0x7B0];
	v14 =	vld [tilespmem:s10+$0x4900];
	s19 =	sor.u32 $0x420, s31;
	[tilespmem:s9+$0x70] =	vst v13  }
0x63f: {  	s24 =	sand.u32 $0xF800, s28;
	s7 =	sand.u32 $0x380, s7;
	s11 =	simm.s32 @!p6 $0x0;
	[tilespmem:s19+$0x14D00] =	vst v12;
	v13 =	vld [tilespmem:s5+$0x4900]  }
0x640: {  	s9 =	sand.u32 $0x7FFFF800, s1;
	s16 =	smin.u32 s16, $0x87;
	s7 =	sor.u32 s7, s24;
	[tilespmem:s23+$0x14D00] =	vst v9;
	v12 =	vld [tilespmem:s22+$0x4930]  }
0x641: {  	s15 =	sadd.s32 $0x14D00, s9;
	s19 =	sand.u32 $0x380, s21;
	s9 =	sld [smem:$0x7B3];
	[tilespmem:s13+$0x14D00] =	vst v10  }
0x642: {  	s11 =	smin.u32 s11, $0x87;
	v10 =	vld [tilespmem:s4+$0x4970];
	[tilespmem:s26+$0x14D00] =	vst v11;
	s13 =	sor.u32 $0x430, s31;
	s26 =	sadd.s32 s19, s15  }
0x643: {  	v9 =	vld [tilespmem:s7+$0x4500];
	s19 =	sshll.u32 s11, $0x8;
	s11 =	sshll.u32 s11, $0x7;
	[tilespmem:s25+$0x14D00] =	vst v14;
	s25 =	sshll.u32 s8, $0x8  }
0x644: {  	[tilespmem:s9+$0x14D00] =	vst v13;
	s8 =	sshll.u32 s8, $0x7;
	s9 =	rddreg [dreg:$0x1d];
	s11 =	sand.u32 $0x380, s11  }
0x645: {  	v11 =	vld [tilespmem:s18+$0x4910];
	[tilespmem:s13+$0x14D00] =	vst v12;
	s13 =	sshll.u32 s16, $0x8;
	s16 =	sshll.u32 s16, $0x7;
	s23 =	sand.u32 $0xF800, s25  }
0x646: {  	s8 =	sand.u32 $0x380, s8;
	s25 =	sand.u32 $0xF800, s19;
	s19 =	sor.u32 $0x440, s31  }
0x647: {  	v14 =	vld [tilespmem:s10+$0x4910];
	s24 =	sand.u32 $0xF800, s13;
	s16 =	sand.u32 $0x380, s16;
	s13 =	rddreg [dreg:$0x15]  }
0x648: {  	v12 =	vld [tilespmem:s22+$0x4940];
	[tilespmem:s26+$0x0] =	vst v9;
	s23 =	sor.u32 s8, s23;
	s8 =	sor.u32 s11, s25;
	s25 =	sadd.s32 $0xFFFFFF00, s21  }
0x649: {  	[tilespmem:s9+$0x14D00] =	vst v10;
	v10 =	vld [tilespmem:s0+$0x4970];
	s0 =	sor.u32 s16, s24;
	s24 =	sadd.s32 $0xFFFFFE80, s21;
	s9 =	sadd.s32 $0xFFFFFF80, s21  }
0x64a: {  	v9 =	vld [tilespmem:s5+$0x4910];
	s16 =	sand.u32 $0x280, s25;
	[tilespmem:s20+$0x14D00] =	vst v11;
	s11 =	sand.u32 $0x200, s24;
	s20 =	sand.u32 $0x300, s9  }
0x64b: {  	v13 =	vld [tilespmem:s7+$0x4510];
	s28 =	sor.u32 s16, s15;
	s9 =	smov.u32 s12;
	s24 =	rddreg [dreg:$0x10]  }
0x64c: {  	s12 =	smov.u32 s17;
	[tilespmem:s13+$0x14D00] =	vst v14;
	s13 =	rddreg [dreg:$0x13];
	s25 =	sor.u32 s11, s15  }
0x64d: {  	s17 =	sadd.s32 s20, s15;
	s15 =	sadd.s32 s14, s1;
	s14 =	sld [smem:$0x7A3];
	v14 =	vld [tilespmem:s10+$0x4920]  }
0x64e: {  	v11 =	vld [tilespmem:s18+$0x4920];
	s20 =	sadd.s32 s1, s29;
	s1 =	smov.u32 s2;
	[tilespmem:s19+$0x14D00] =	vst v12;
	s19 =	rddreg [dreg:$0xe]  }
0x64f: {  	[tilespmem:s13+$0x14D00] =	vst v9;
	v12 =	vld [tilespmem:s23+$0x4500];
	[dreg:$0x19] =	wrdreg s1  }
0x650: {  	s13 =	sor.u32 $0x400, s15;
	s1 =	sld [smem:$0x7A4];
	v9 =	vld [tilespmem:s22+$0x4950];
	[tilespmem:s26+$0x10] =	vst v13  }
0x651: {  	s11 =	sadd.s32 $0x100, s20;
	s4 =	sor.u32 $0x420, s15;
	[smem:$0x7B0] =	sst s13;
	[tilespmem:s19+$0x14D00] =	vst v10;
	v10 =	vld [tilespmem:s0+$0x4500]  }
0x652: {  	s20 =	sor.u32 $0x400, s11;
	[dreg:$0x10] =	wrdreg s4;
	[tilespmem:s24+$0x14D00] =	vst v14;
	v14 =	vld [tilespmem:s8+$0x4500]  }
0x653: {  	s16 =	sor.u32 $0x450, s31;
	s19 =	sor.u32 $0x410, s15;
	[smem:$0x7B3] =	sst s20;
	[tilespmem:s14+$0x14D00] =	vst v11;
	v11 =	vld [tilespmem:s5+$0x4920]  }
0x654: {  	s29 =	smov.u32 s6;
	s6 =	sor.u32 $0x430, s15;
	v13 =	vld [tilespmem:s7+$0x4520];
	[dreg:$0x15] =	wrdreg s19  }
0x655: {  	s2 =	sor.u32 $0x440, s15;
	s13 =	sor.u32 $0x450, s11;
	s19 =	sld [smem:$0x7B4];
	[tilespmem:s16+$0x14D00] =	vst v9  }
0x656: {  	s30 =	sor.u32 $0x460, s11;
	[smem:$0x7B5] =	sst s13;
	s24 =	sor.u32 $0x410, s11;
	[tilespmem:s25+$0x0] =	vst v12;
	v9 =	vld [tilespmem:s22+$0x4960]  }
0x657: {  	s4 =	smov.u32 s3;
	s3 =	sor.u32 $0x460, s31;
	[dreg:$0x13] =	wrdreg s24;
	[tilespmem:s17+$0x0] =	vst v14  }
0x658: {  	s16 =	sor.u32 $0x420, s11;
	v14 =	vld [tilespmem:s8+$0x4510];
	[tilespmem:s19+$0x14D00] =	vst v11;
	s19 =	smov.u32 s1;
	s1 =	smov.u32 s17  }
0x659: {  	[tilespmem:s26+$0x20] =	vst v13;
	s17 =	smov.u32 s12;
	s12 =	smov.u32 s9;
	s9 =	sld [smem:$0x7B6]  }
0x65a: {  	[tilespmem:s28+$0x0] =	vst v10;
	v13 =	vld [tilespmem:s7+$0x4530];
	[dreg:$0x1d] =	wrdreg s19;
	s19 =	smov.u32 s10;
	s10 =	smov.u32 s23  }
0x65b: {  	v15 =	vld [tilespmem:s0+$0x4510];
	[tilespmem:s3+$0x14D00] =	vst v9;
	s3 =	smov.u32 s18;
	s18 =	smov.u32 s0;
	s0 =	smov.u32 s5  }
0x65c: {  	v12 =	vld [tilespmem:s23+$0x4510];
	s5 =	smov.u32 s8;
	s8 =	sld [smem:$0x7A5];
	s23 =	smov.u32 s16  }
0x65d: {  	s20 =	sor.u32 $0x440, s11;
	s16 =	smov.u32 s30;
	[smem:$0x7B4] =	sst s23  }
0x65e: {  	s13 =	sor.u32 $0x460, s15;
	s14 =	sor.u32 $0x430, s11;
	[smem:$0x7B6] =	sst s16  }
0x65f: {  	s11 =	sor.u32 $0x470, s11;
	v17 =	vld [tilespmem:s22+$0x4970];
	s22 =	smov.u32 s7;
	s7 =	sld [smem:$0x7B2]  }
0x660: {  	s16 =	smov.u32 s13;
	s23 =	smov.u32 s9;
	s9 =	sld [smem:$0x7B1]  }
0x661: {  	[smem:$0x7B1] =	sst s16;
	s16 =	smov.u32 s4;
	s4 =	smov.u32 s3  }
0x662: {  	s3 =	sor.u32 $0x470, s31;
	s31 =	smov.u32 s11;
	s11 =	rddreg [dreg:$0xa]  }
0x663: {  	s24 =	sor.u32 $0x450, s15;
	s13 =	smov.u32 s7;
	s7 =	sld [smem:$0x7B7]  }
0x664: {  	s15 =	sor.u32 $0x470, s15;
	v16 =	vld [tilespmem:s19+$0x4930];
	[tilespmem:s25+$0x10] =	vst v12;
	[smem:$0x7B7] =	sst s31;
	s30 =	smov.u32 s9  }
0x665: {  	[tilespmem:s1+$0x10] =	vst v14;
	s9 =	smov.u32 s1;
	s1 =	smov.u32 s15;
	s15 =	sld [smem:$0x7A6]  }
.Ltmp43:
0x666: {  	[tilespmem:s26+$0x30] =	vst v13;
	v10 =	vld [tilespmem:s10+$0x4520];
	[smem:$0x7B2] =	sst s1;
	(pc) =	sbr.rel @p4 .LBB2_75-.Ltmp43, $4  }
0x667: {  	[tilespmem:s28+$0x10] =	vst v15;
	v11 =	vld [tilespmem:s22+$0x4540];
	s1 =	smov.u32 s7;
	s7 =	rddreg [dreg:$0x1e]  }
0x668: {  	v13 =	vld [tilespmem:s18+$0x4520];
	[dreg:$0xe] =	wrdreg s1  }
0x669: {  	v9 =	vld [tilespmem:s4+$0x4930];
	[tilespmem:s3+$0x14D00] =	vst v17;
	s1 =	smov.u32 s6;
	s6 =	smov.u32 s29;
	s29 =	rddreg [dreg:$0xb]  }
0x66a: {  	s12 =	sadd.s32 $0x10, s12;
	s8 =	sadd.s32 $0x4, s8;
	v12 =	vld [tilespmem:s5+$0x4520];
	[tilespmem:s7+$0x14D00] =	vst v16;
	[dreg:$0x1e] =	wrdreg s1  }
0x66b: {  	s7 =	sld [smem:$0x7AE]  }
0x66c: {  	s8 =	sld [smem:$0x7B0]  }
0x66d: {  	s17 =	sld [smem:$0x7B3]  }
0x66e: {  	s12 =	rddreg [dreg:$0xd]  }
0x66f: {  	[smem:$0x7A7] =	sst s29  }
0x670: {  	[smem:$0x7A8] =	sst s11  }
0x671: {  	s31 =	smov.u32 s4;
	s4 =	smov.u32 s0;
	s0 =	rddreg [dreg:$0x1b]  }
0x672: {  	[smem:$0x7A9] =	sst s15  }
0x673: {  	[smem:$0x7AA] =	sst s30  }
0x674: {  	[smem:$0x7AB] =	sst s23  }
0x675: {  	[smem:$0x7AC] =	sst s13  }
0x676: {  	s1 =	rddreg [dreg:$0xe]  }
0x677: {  	s21 =	sld [smem:$0x7B5]  }
0x678: {  	s15 =	sld [smem:$0x7B4]  }
0x679: {  	s13 =	smov.u32 s20;
	s20 =	sld [smem:$0x7B6]  }
0x67a: {  	s3 =	sld [smem:$0x7B1]  }
0x67b: {  	s11 =	sld [smem:$0x7B2]  }
0x67c: {  	s29 =	sld [smem:$0x7FD]  }
0x67d: {  	[smem:$0x7BA] =	sst s15  }
0x67e: {  	[smem:$0x7BC] =	sst s20  }
0x67f: {  	[smem:$0x7BD] =	sst s3  }
0x680: {  	[smem:$0x7BE] =	sst s11  }
0x681: {  	s15 =	sld [smem:$0x7B7]  }
0x682: {  	s20 =	rddreg [dreg:$0x1e]  }
0x683: {  	s11 =	sld [smem:$0x7AD]  }
0x684: {  	s3 =	sld [smem:$0x7AF]  }
0x685: {  	[smem:$0x7BB] =	sst s20  }
0x686: {  	s23 =	smov.u32 s2;
	s20 =	sld [smem:$0x7E4]  }
0x687: {  	s2 =	smov.u32 s6;
	s6 =	smov.u32 s24;
	[dreg:$0xe] =	wrdreg s15  }
0x688: {  	s30 =	simm.s32 $0x1480;
	s24 =	smov.u32 s1;
	s15 =	sld [smem:$0x7E6]  }
.LBB2_77:
0x689: {  	[tilespmem:s25+$0x20] =	vst v10  }
0x68a: {  	[tilespmem:s28+$0x20] =	vst v13;
	v8 =	vld [tilespmem:s10+$0x4530]  }
0x68b: {  	v42 =	vld [tilespmem:s18+$0x4530];
	_ =	sdelay $0x1  }
0x68c: {  	[tilespmem:s9+$0x20] =	vst v12  }
0x68d: {  	v12 =	vld [tilespmem:s5+$0x4530]  }
0x68e: {  	[tilespmem:s25+$0x30] =	vst v8  }
0x68f: {  	[tilespmem:s28+$0x30] =	vst v42;
	v8 =	vld [tilespmem:s10+$0x4540]  }
0x690: {  	v10 =	vld [tilespmem:s18+$0x4540];
	_ =	sdelay $0x1  }
0x691: {  	[tilespmem:s9+$0x30] =	vst v12  }
0x692: {  	[tilespmem:s26+$0x40] =	vst v11;
	v12 =	vld [tilespmem:s5+$0x4540]  }
0x693: {  	v11 =	vld [tilespmem:s22+$0x4550];
	[tilespmem:s25+$0x40] =	vst v8  }
0x694: {  	[tilespmem:s28+$0x40] =	vst v10;
	v8 =	vld [tilespmem:s10+$0x4550]  }
0x695: {  	v10 =	vld [tilespmem:s18+$0x4550];
	_ =	sdelay $0x1  }
0x696: {  	[tilespmem:s9+$0x40] =	vst v12  }
0x697: {  	[tilespmem:s26+$0x50] =	vst v11;
	v12 =	vld [tilespmem:s5+$0x4550]  }
0x698: {  	v11 =	vld [tilespmem:s22+$0x4560];
	[tilespmem:s25+$0x50] =	vst v8  }
0x699: {  	[tilespmem:s28+$0x50] =	vst v10;
	v8 =	vld [tilespmem:s10+$0x4560]  }
0x69a: {  	v10 =	vld [tilespmem:s18+$0x4560];
	_ =	sdelay $0x1  }
0x69b: {  	[tilespmem:s9+$0x50] =	vst v12  }
0x69c: {  	[tilespmem:s26+$0x60] =	vst v11;
	v12 =	vld [tilespmem:s5+$0x4560]  }
0x69d: {  	v11 =	vld [tilespmem:s22+$0x4570];
	[tilespmem:s25+$0x60] =	vst v8  }
0x69e: {  	[tilespmem:s28+$0x60] =	vst v10;
	v8 =	vld [tilespmem:s10+$0x4570]  }
0x69f: {  	v10 =	vld [tilespmem:s18+$0x4570];
	_ =	sdelay $0x1  }
0x6a0: {  	[tilespmem:s9+$0x60] =	vst v12  }
0x6a1: {  	s1 =	sadd.s32 @p2 $0x4, s2;
	s2 =	simm.s32 $0x0;
	[tilespmem:s26+$0x70] =	vst v11;
	v12 =	vld [tilespmem:s5+$0x4570]  }
0x6a2: {  	s2 =	smov.u32 @p2 s1;
	[tilespmem:s25+$0x70] =	vst v8  }
0x6a3: {  	s1 =	sand.u32 $0x7, s2;
	v8 =	vld [tilespmem:s22+$0x4900];
	[tilespmem:s28+$0x70] =	vst v10  }
0x6a4: {  	s1 =	sshll.u32 s1, $0x7;
	v44 =	vld [tilespmem:s18+$0x4900]  }
0x6a5: {  	s25 =	sadd.s32 s3, s1;
	v43 =	vld [tilespmem:s10+$0x4900]  }
0x6a6: {  	[tilespmem:s9+$0x70] =	vst v12;
	s1 =	sadd.s32 $0x180, s25  }
0x6a7: {  	v12 =	vld [tilespmem:s5+$0x4900];
	s2 =	sadd.s32 $0x80, s25;
	s26 =	sor.u32 $0x400, s1  }
0x6a8: {  	s9 =	sor.u32 $0x400, s2;
	[tilespmem:s26+$0x14D00] =	vst v8;
	v8 =	vld @p2 [tilespmem:s4+$0x4930]  }
0x6a9: {  	v45 =	vld [tilespmem:s22+$0x4910];
	[tilespmem:s9+$0x14D00] =	vst v44  }
0x6aa: {  	[tilespmem:s8+$0x14D00] =	vst v43;
	v47 =	vld [tilespmem:s18+$0x4910]  }
0x6ab: {  	[tilespmem:s7+$0x14D00] =	vst @p2 v9;
	v46 =	vld [tilespmem:s10+$0x4910]  }
0x6ac: {  	[tilespmem:s17+$0x14D00] =	vst v12  }
0x6ad: {  	s17 =	sor.u32 $0x410, s1;
	v48 =	vld [tilespmem:s5+$0x4910];
	[tilespmem:s12+$0x14D00] =	vst @p2 v8  }
0x6ae: {  	s25 =	sor.u32 $0x410, s2;
	[tilespmem:s17+$0x14D00] =	vst v45  }
0x6af: {  	s3 =	rddreg [dreg:$0x15];
	[tilespmem:s25+$0x14D00] =	vst v47  }
0x6b0: {  	[tilespmem:s3+$0x14D00] =	vst v46  }
0x6b1: {  	v8 =	vld @p2 [tilespmem:s19+$0x4940];
	s3 =	rddreg [dreg:$0x13]  }
0x6b2: {  	v49 =	vld [tilespmem:s22+$0x4920];
	[tilespmem:s3+$0x14D00] =	vst v48  }
0x6b3: {  	v10 =	vld @p2 [tilespmem:s31+$0x4940];
	s3 =	sld [smem:$0x7A7]  }
0x6b4: {  	v51 =	vld [tilespmem:s18+$0x4920]  }
0x6b5: {  	v50 =	vld [tilespmem:s10+$0x4920]  }
0x6b6: {  	s26 =	sor.u32 $0x420, s1;
	[tilespmem:s3+$0x14D00] =	vst @p2 v8  }
0x6b7: {  	s3 =	rddreg [dreg:$0x17];
	[tilespmem:s26+$0x14D00] =	vst v49  }
0x6b8: {  	s7 =	sor.u32 $0x420, s2;
	[tilespmem:s3+$0x14D00] =	vst @p2 v10  }
0x6b9: {  	v8 =	vld [tilespmem:s5+$0x4920];
	s3 =	rddreg [dreg:$0x10];
	[tilespmem:s7+$0x14D00] =	vst v51  }
0x6ba: {  	[tilespmem:s3+$0x14D00] =	vst v50  }
0x6bb: {  	v11 =	vld @p2 [tilespmem:s19+$0x4950];
	s3 =	sld [smem:$0x7BA]  }
0x6bc: {  	v52 =	vld [tilespmem:s22+$0x4930]  }
0x6bd: {  	v10 =	vld @p2 [tilespmem:s4+$0x4940]  }
0x6be: {  	[tilespmem:s3+$0x14D00] =	vst v8  }
0x6bf: {  	v8 =	vld [tilespmem:s18+$0x4930];
	s3 =	sld [smem:$0x7A8]  }
0x6c0: {  	s8 =	sor.u32 $0x430, s1;
	v54 =	vld [tilespmem:s5+$0x4930];
	[tilespmem:s0+$0x14D00] =	vst @p2 v11  }
0x6c1: {  	v53 =	vld [tilespmem:s10+$0x4930];
	[tilespmem:s8+$0x14D00] =	vst v52  }
0x6c2: {  	[tilespmem:s3+$0x14D00] =	vst @p2 v10  }
0x6c3: {  	s9 =	sor.u32 $0x430, s2;
	v11 =	vld @p2 [tilespmem:s31+$0x4950];
	s0 =	sld [smem:$0x7BB]  }
0x6c4: {  	v55 =	vld [tilespmem:s22+$0x4940];
	[tilespmem:s9+$0x14D00] =	vst v8  }
0x6c5: {  	[tilespmem:s14+$0x14D00] =	vst v54;
	v56 =	vld [tilespmem:s18+$0x4940]  }
0x6c6: {  	v57 =	vld [tilespmem:s5+$0x4940];
	[tilespmem:s0+$0x14D00] =	vst v53  }
0x6c7: {  	v12 =	vld @p2 [tilespmem:s4+$0x4950];
	s3 =	rddreg [dreg:$0x12]  }
0x6c8: {  	s12 =	sor.u32 $0x440, s1;
	v8 =	vld [tilespmem:s10+$0x4940];
	[tilespmem:s3+$0x14D00] =	vst @p2 v11  }
0x6c9: {  	s14 =	sor.u32 $0x440, s2;
	s0 =	sld [smem:$0x7A9];
	[tilespmem:s12+$0x14D00] =	vst v55  }
0x6ca: {  	[tilespmem:s14+$0x14D00] =	vst v56  }
0x6cb: {  	[tilespmem:s13+$0x14D00] =	vst v57  }
0x6cc: {  	v13 =	vld @p2 [tilespmem:s19+$0x4960];
	[tilespmem:s0+$0x14D00] =	vst @p2 v12  }
0x6cd: {  	[tilespmem:s23+$0x14D00] =	vst v8;
	v8 =	vld [tilespmem:s22+$0x4950]  }
0x6ce: {  	v60 =	vld [tilespmem:s5+$0x4950];
	s0 =	sld [smem:$0x7AA]  }
0x6cf: {  	v9 =	vld @p2 [tilespmem:s31+$0x4960]  }
0x6d0: {  	v58 =	vld [tilespmem:s10+$0x4950]  }
0x6d1: {  	s17 =	sor.u32 $0x450, s1;
	v59 =	vld [tilespmem:s18+$0x4950];
	[tilespmem:s0+$0x14D00] =	vst @p2 v13  }
0x6d2: {  	s0 =	rddreg [dreg:$0x19];
	[tilespmem:s17+$0x14D00] =	vst v8  }
0x6d3: {  	[tilespmem:s21+$0x14D00] =	vst v60  }
0x6d4: {  	v13 =	vld @p2 [tilespmem:s19+$0x4970];
	[tilespmem:s0+$0x14D00] =	vst @p2 v9  }
0x6d5: {  	s19 =	sor.u32 $0x450, s2;
	v9 =	vld @p2 [tilespmem:s4+$0x4960];
	[tilespmem:s6+$0x14D00] =	vst v58  }
0x6d6: {  	[tilespmem:s19+$0x14D00] =	vst v59  }
0x6d7: {  	s0 =	sld [smem:$0x7AB]  }
0x6d8: {  	v8 =	vld [tilespmem:s22+$0x4960];
	_ =	sdelay $0x1  }
0x6d9: {  	[tilespmem:s0+$0x14D00] =	vst @p2 v9  }
0x6da: {  	s0 =	sld [smem:$0x7AC]  }
0x6db: {  	s21 =	sor.u32 $0x460, s1;
	v11 =	vld [tilespmem:s18+$0x4960]  }
0x6dc: {  	v10 =	vld [tilespmem:s10+$0x4960];
	[tilespmem:s21+$0x14D00] =	vst v8  }
0x6dd: {  	[tilespmem:s0+$0x14D00] =	vst @p2 v13  }
0x6de: {  	s0 =	sld [smem:$0x7BD]  }
0x6df: {  	s23 =	sor.u32 $0x460, s2  }
0x6e0: {  	v61 =	vld [tilespmem:s5+$0x4960];
	[tilespmem:s23+$0x14D00] =	vst v11  }
0x6e1: {  	v13 =	vld @p2 [tilespmem:s4+$0x4970];
	[tilespmem:s0+$0x14D00] =	vst v10  }
0x6e2: {  	v8 =	vld [tilespmem:s22+$0x4970];
	s0 =	sld [smem:$0x7BC]  }
0x6e3: {  	v12 =	vld @p2 [tilespmem:s31+$0x4970];
	_ =	sdelay $0x1  }
0x6e4: {  	[tilespmem:s0+$0x14D00] =	vst v61  }
0x6e5: {  	s25 =	sor.u32 $0x470, s1;
	v62 =	vld [tilespmem:s18+$0x4970];
	s0 =	rddreg [dreg:$0x1d];
	[tilespmem:s24+$0x14D00] =	vst @p2 v13  }
0x6e6: {  	v10 =	vld [tilespmem:s10+$0x4970];
	[tilespmem:s25+$0x14D00] =	vst v8  }
0x6e7: {  	[tilespmem:s0+$0x14D00] =	vst @p2 v12  }
0x6e8: {  	v63 =	vld [tilespmem:s5+$0x4970];
	s0 =	sld [smem:$0x7BE]  }
0x6e9: {  	s26 =	sor.u32 $0x470, s2  }
0x6ea: {  	[tilespmem:s26+$0x14D00] =	vst v62  }
0x6eb: {  	[tilespmem:s0+$0x14D00] =	vst v10  }
0x6ec: {  	s0 =	rddreg [dreg:$0xe]  }
0x6ed: {  	s22 =	smov.u32 s20;
	s20 =	rddreg [dreg:$0x0];
	[tilespmem:s0+$0x14D00] =	vst v63  }
0x6ee: {  	s14 =	sld [smem:$0x7E5]  }
0x6ef: {  	s24 =	sld [smem:$0x7E7]  }
0x6f0: {  	s31 =	sld [smem:$0x7E8]  }
0x6f1: {  	s25 =	sld [smem:$0x7E9]  }
0x6f2: {  	s26 =	sld [smem:$0x7EA]  }
0x6f3: {  	s28 =	sld [smem:$0x7C0]  }
0x6f4: {  	s12 =	sld [smem:$0x7B9]  }
0x6f5: {  	s17 =	simm.s32 $0x1D180;
	s10 =	sld [smem:$0x7B8]  }
0x6f6: {  	s19 =	simm.s32 $0x1D280;
	s21 =	simm.s32 $0x1;
	s6 =	sld [smem:$0x7BF]  }
0x6f7: {  	s23 =	simm.s32 $0x4500;
	s18 =	simm.s32 $0x1D200;
	s7 =	rddreg [dreg:$0x6]  }
.LBB2_53:
0x6f8: {  	p0 =	seq.s32 s7, s12  }
.Ltmp44:
0x6f9: {  	_ = 	snop;
	(pc) =	sbr.rel @p0 .LBB2_56-.Ltmp44, $1  }
0x6fa: {  	_ =	sdelay $0x3  }
0x6fb: {  	s1 =	sshrl.u32 s11, $0x2;
	s2 =	sand.u32 $0xFC, s11  }
0x6fc: {  	s0 =	sshll.u32 s1, $0x9;
	s1 =	sshll.u32 s1, $0xA;
	s2 =	sadd.s32 s2, s15  }
.LBB2_55:
0x6fd: {  	v8 =	vld [tilespmem:s2+$0x0];
	_ =	sdelay $0x4  }
0x6fe: {  	v8 =	vxor.u32 $0x80000000, v8  }
0x6ff: {  	(xrf0) =	vmin.scan.msk.u32 $0xffff, v8;
	_ =	sdelay $0x5  }
0x700: {  	v8, _, _ =	vpop (xrf0)  }
0x701: {  	(v2sf) =	vpush v8, $0xF;
	_ =	sdelay $0xe  }
0x702: {  	s3 =	spop (v2sf)  }
0x703: {  	s3 =	sxor.u32 $0x80000000, s3  }
0x704: {  	s3 =	ssub.s32 s3, s16  }
0x705: {  	p0 =	sgt.s32 s3, $0x0  }
0x706: {  	s3 =	simm.s32 @!p0 $0x0  }
0x707: {  	s3 =	smin.u32 s3, $0x87  }
0x708: {  	s4 =	sshll.u32 s3, $0x8;
	s3 =	sshll.u32 s3, $0x7  }
0x709: {  	s4 =	sand.u32 $0xF800, s4;
	s3 =	sand.u32 $0x380, s3  }
0x70a: {  	s3 =	sor.u32 s3, s4  }
0x70b: {  	v8 =	vld [tilespmem:s3+$0x4500];
	_ =	sdelay $0x2  }
0x70c: {  	s13 =	sand.u32 $0x7FFFF800, s1;
	s5 =	sand.u32 $0x380, s0  }
0x70d: {  	s4 =	sor.u32 s5, s13  }
0x70e: {  	[tilespmem:s4+$0x14D00] =	vst v8  }
0x70f: {  	v8 =	vld [tilespmem:s3+$0x4510];
	_ =	sdelay $0x3  }
0x710: {  	s4 =	sadd.s32 $0x14D00, s4  }
0x711: {  	[tilespmem:s4+$0x10] =	vst v8  }
0x712: {  	v8 =	vld [tilespmem:s3+$0x4520];
	_ =	sdelay $0x4  }
0x713: {  	[tilespmem:s4+$0x20] =	vst v8  }
0x714: {  	v8 =	vld [tilespmem:s3+$0x4530];
	_ =	sdelay $0x4  }
0x715: {  	[tilespmem:s4+$0x30] =	vst v8  }
0x716: {  	v8 =	vld [tilespmem:s3+$0x4540];
	_ =	sdelay $0x4  }
0x717: {  	[tilespmem:s4+$0x40] =	vst v8  }
0x718: {  	v8 =	vld [tilespmem:s3+$0x4550];
	_ =	sdelay $0x4  }
0x719: {  	[tilespmem:s4+$0x50] =	vst v8  }
0x71a: {  	v8 =	vld [tilespmem:s3+$0x4560];
	_ =	sdelay $0x4  }
0x71b: {  	[tilespmem:s4+$0x60] =	vst v8  }
0x71c: {  	v8 =	vld [tilespmem:s3+$0x4570];
	_ =	sdelay $0x4  }
0x71d: {  	[tilespmem:s4+$0x70] =	vst v8  }
0x71e: {  	v8 =	vld [tilespmem:s3+$0x4900];
	_ =	sdelay $0x4  }
0x71f: {  	[tilespmem:s4+$0x400] =	vst v8  }
0x720: {  	v8 =	vld [tilespmem:s3+$0x4910];
	_ =	sdelay $0x4  }
0x721: {  	[tilespmem:s4+$0x410] =	vst v8  }
0x722: {  	v8 =	vld [tilespmem:s3+$0x4920];
	_ =	sdelay $0x4  }
0x723: {  	[tilespmem:s4+$0x420] =	vst v8  }
0x724: {  	v8 =	vld [tilespmem:s3+$0x4930];
	_ =	sdelay $0x4  }
0x725: {  	[tilespmem:s4+$0x430] =	vst v8  }
0x726: {  	v8 =	vld [tilespmem:s3+$0x4940];
	_ =	sdelay $0x4  }
0x727: {  	[tilespmem:s4+$0x440] =	vst v8  }
0x728: {  	v8 =	vld [tilespmem:s3+$0x4950];
	_ =	sdelay $0x4  }
0x729: {  	[tilespmem:s4+$0x450] =	vst v8  }
0x72a: {  	v8 =	vld [tilespmem:s3+$0x4960];
	_ =	sdelay $0x4  }
0x72b: {  	s7 =	sadd.s32 $0x1, s7;
	[tilespmem:s4+$0x460] =	vst v8  }
0x72c: {  	p0 =	slt.u32 s7, s12;
	v8 =	vld [tilespmem:s3+$0x4970]  }
.Ltmp45:
0x72d: {  	_ = 	snop;
	(pc) =	sbr.rel @p0 .LBB2_55-.Ltmp45, $2  }
0x72e: {  	_ =	sdelay $0x2  }
0x72f: {  	s0 =	sadd.s32 $0x80, s0;
	s1 =	sadd.s32 $0x100, s1;
	s2 =	sadd.s32 $0x1, s2;
	[tilespmem:s4+$0x470] =	vst v8  }
.LBB2_56:
0x730: {  	p0 =	slt.s32 @!p1 s6, $0x88  }
0x731: {  	p0 =	por p1, p0  }
.Ltmp46:
0x732: {  	_ = 	snop;
	(pc) =	sbr.rel @p0 .LBB2_63-.Ltmp46, $1  }
0x733: {  	_ =	sdelay $0x3  }
.Ltmp47:
0x734: {  	(pc) =	sbr.rel .LBB2_58-.Ltmp47, $4  }
0x735: {  	p0 =	sgt.s32 s14, $0x1;
	s0 =	smov.u32 s14  }
0x736: {  	s0 =	simm.s32 @!p0 $0x1  }
0x737: {  	s0 =	smin.u32 s0, $0x80  }
0x738: {  	s1 =	simm.s32 $0x1;
	s0 =	sshll.u32 s0, $0x8  }
.LBB2_61:
0x739: {  	[tilespmem:s6+$0x470] =	vst @!p1 v8  }
.LBB2_62:
0x73a: {  	s1 =	sadd.s32 $0x1, s1  }
0x73b: {  	p0 =	sne.s32 s1, $0x8  }
.Ltmp48:
0x73c: {  	_ = 	snop;
	(pc) =	sbr.rel @!p0 .LBB2_63-.Ltmp48, $1  }
0x73d: {  	_ =	sdelay $0x3  }
.LBB2_58:
0x73e: {  	s2 =	sshll.u32 s1, $0x7  }
0x73f: {  	s2 =	sadd.s32 s16, s2  }
0x740: {  	p0 =	slt.s32 s2, $0x3F78  }
0x741: {  	s2 =	simm.s32 @!p0 $0x3F78  }
0x742: {  	p0 =	sgt.s32 s2, s10  }
.Ltmp49:
0x743: {  	_ = 	snop;
	(pc) =	sbr.rel @p0 .LBB2_62-.Ltmp49, $1  }
0x744: {  	_ =	sdelay $0x3  }
0x745: {  	s3 =	sshll.u32 s2, $0x5  }
0x746: {  	s4 =	sadd.s32 s20, s3;
	s3 =	simm.s32 $0x0  }
0x747: {  	[tilespmem:s23], [sflag:$0x1] =	stream.linear.gather [hbm4b:s4+s3], $0x8800, $0x38;
	[tilespmem:$0x1D400] =	vst v63  }
0x748: {  	_ =	swait.ge [sflag:s21], $0x8800  }
0x749: {  	[sflag:s21] =	ssyncset.done $0x0  }
0x74a: {  	[sflag:s21] =	ssyncadd.s32 $0xFFFF7800  }
0x74b: {  	v8 =	vld [tilespmem:s15+$0x0];
	_ =	sdelay $0x4  }
0x74c: {  	v8 =	vxor.u32 $0x80000000, v8  }
0x74d: {  	(xrf0) =	vmin.scan.msk.u32 $0xffff, v8;
	_ =	sdelay $0x5  }
0x74e: {  	v8, _, _ =	vpop (xrf0)  }
0x74f: {  	(v2sf) =	vpush v8, $0xF;
	_ =	sdelay $0xe  }
0x750: {  	s4 =	spop (v2sf)  }
0x751: {  	s5 =	sxor.u32 $0x80000000, s4  }
0x752: {  	s5 =	ssub.s32 s5, s2  }
0x753: {  	p1 =	sgt.u32 s5, $0x87  }
0x754: {  	s5 =	sshll.u32 @!p1 s5, $0x8;
	s4 =	sshll.u32 @!p1 s4, $0x7  }
0x755: {  	s5 =	sand.u32 @!p1 $0xF800, s5;
	s4 =	sand.u32 @!p1 $0x380, s4  }
0x756: {  	s5 =	sor.u32 @!p1 s4, s5  }
0x757: {  	v8 =	vld @!p1 [tilespmem:s5+$0x4500];
	_ =	sdelay $0x2  }
0x758: {  	s6 =	sand.u32 @!p1 $0x380, s3;
	s4 =	sand.u32 @!p1 $0xFFFFF800, s3  }
0x759: {  	s4 =	sor.u32 @!p1 s6, s4  }
0x75a: {  	[tilespmem:s4+$0x14D00] =	vst @!p1 v8  }
0x75b: {  	v8 =	vld @!p1 [tilespmem:s5+$0x4510];
	_ =	sdelay $0x3  }
0x75c: {  	s6 =	sadd.s32 @!p1 $0x14D00, s4  }
0x75d: {  	[tilespmem:s6+$0x10] =	vst @!p1 v8  }
0x75e: {  	v8 =	vld @!p1 [tilespmem:s5+$0x4520];
	_ =	sdelay $0x4  }
0x75f: {  	[tilespmem:s6+$0x20] =	vst @!p1 v8  }
0x760: {  	v8 =	vld @!p1 [tilespmem:s5+$0x4530];
	_ =	sdelay $0x4  }
0x761: {  	[tilespmem:s6+$0x30] =	vst @!p1 v8  }
0x762: {  	v8 =	vld @!p1 [tilespmem:s5+$0x4540];
	_ =	sdelay $0x4  }
0x763: {  	[tilespmem:s6+$0x40] =	vst @!p1 v8  }
0x764: {  	v8 =	vld @!p1 [tilespmem:s5+$0x4550];
	_ =	sdelay $0x4  }
0x765: {  	[tilespmem:s6+$0x50] =	vst @!p1 v8  }
0x766: {  	v8 =	vld @!p1 [tilespmem:s5+$0x4560];
	_ =	sdelay $0x4  }
0x767: {  	[tilespmem:s6+$0x60] =	vst @!p1 v8  }
0x768: {  	v8 =	vld @!p1 [tilespmem:s5+$0x4570];
	_ =	sdelay $0x4  }
0x769: {  	[tilespmem:s6+$0x70] =	vst @!p1 v8  }
0x76a: {  	v8 =	vld @!p1 [tilespmem:s5+$0x4900];
	_ =	sdelay $0x4  }
0x76b: {  	[tilespmem:s6+$0x400] =	vst @!p1 v8  }
0x76c: {  	v8 =	vld @!p1 [tilespmem:s5+$0x4910];
	_ =	sdelay $0x4  }
0x76d: {  	[tilespmem:s6+$0x410] =	vst @!p1 v8  }
0x76e: {  	v8 =	vld @!p1 [tilespmem:s5+$0x4920];
	_ =	sdelay $0x4  }
0x76f: {  	[tilespmem:s6+$0x420] =	vst @!p1 v8  }
0x770: {  	v8 =	vld @!p1 [tilespmem:s5+$0x4930];
	_ =	sdelay $0x4  }
0x771: {  	[tilespmem:s6+$0x430] =	vst @!p1 v8  }
0x772: {  	v8 =	vld @!p1 [tilespmem:s5+$0x4940];
	_ =	sdelay $0x4  }
0x773: {  	[tilespmem:s6+$0x440] =	vst @!p1 v8  }
0x774: {  	v8 =	vld @!p1 [tilespmem:s5+$0x4950];
	_ =	sdelay $0x4  }
0x775: {  	[tilespmem:s6+$0x450] =	vst @!p1 v8  }
0x776: {  	v8 =	vld @!p1 [tilespmem:s5+$0x4960];
	_ =	sdelay $0x4  }
0x777: {  	p0 =	sne.s32 s0, $0x100;
	[tilespmem:s6+$0x460] =	vst @!p1 v8  }
.Ltmp50:
0x778: {  	v8 =	vld @!p1 [tilespmem:s5+$0x4970];
	(pc) =	sbr.rel @!p0 .LBB2_61-.Ltmp50, $2  }
0x779: {  	_ =	sdelay $0x2  }
0x77a: {  	s4 =	simm.s32 $0x100;
	s5 =	smov.u32 s15  }
.LBB2_60:
0x77b: {  	s3 =	sadd.s32 $0x80, s3  }
0x77c: {  	[tilespmem:s6+$0x470] =	vst @!p1 v8;
	s5 =	sadd.s32 $0x1, s5;
	s6 =	smov.u32 s4;
	s4 =	sadd.s32 $0x100, s4  }
0x77d: {  	v8 =	vld [tilespmem:s5+$0x0];
	p2 =	sne.s32 s0, s4;
	_ =	sdelay $0x4  }
0x77e: {  	v8 =	vxor.u32 $0x80000000, v8  }
0x77f: {  	(xrf0) =	vmin.scan.msk.u32 $0xffff, v8;
	_ =	sdelay $0x5  }
0x780: {  	v8, _, _ =	vpop (xrf0)  }
0x781: {  	(v2sf) =	vpush v8, $0xF;
	_ =	sdelay $0xe  }
0x782: {  	s7 =	spop (v2sf)  }
0x783: {  	s8 =	sxor.u32 $0x80000000, s7  }
0x784: {  	s8 =	ssub.s32 s8, s2  }
0x785: {  	p1 =	sgt.u32 s8, $0x87  }
0x786: {  	s8 =	sshll.u32 @!p1 s8, $0x8;
	s7 =	sshll.u32 @!p1 s7, $0x7;
	s6 =	sand.u32 @!p1 $0xFFFFF800, s6  }
0x787: {  	s9 =	sand.u32 @!p1 $0x380, s3;
	s8 =	sand.u32 @!p1 $0xF800, s8;
	s7 =	sand.u32 @!p1 $0x380, s7  }
0x788: {  	s6 =	sor.u32 @!p1 s9, s6;
	s7 =	sor.u32 @!p1 s7, s8  }
0x789: {  	v8 =	vld @!p1 [tilespmem:s7+$0x4500];
	_ =	sdelay $0x4  }
0x78a: {  	[tilespmem:s6+$0x14D00] =	vst @!p1 v8  }
0x78b: {  	v8 =	vld @!p1 [tilespmem:s7+$0x4510];
	_ =	sdelay $0x3  }
0x78c: {  	s6 =	sadd.s32 @!p1 $0x14D00, s6  }
0x78d: {  	[tilespmem:s6+$0x10] =	vst @!p1 v8  }
0x78e: {  	v8 =	vld @!p1 [tilespmem:s7+$0x4520];
	_ =	sdelay $0x4  }
0x78f: {  	[tilespmem:s6+$0x20] =	vst @!p1 v8  }
0x790: {  	v8 =	vld @!p1 [tilespmem:s7+$0x4530];
	_ =	sdelay $0x4  }
0x791: {  	[tilespmem:s6+$0x30] =	vst @!p1 v8  }
0x792: {  	v8 =	vld @!p1 [tilespmem:s7+$0x4540];
	_ =	sdelay $0x4  }
0x793: {  	[tilespmem:s6+$0x40] =	vst @!p1 v8  }
0x794: {  	v8 =	vld @!p1 [tilespmem:s7+$0x4550];
	_ =	sdelay $0x4  }
0x795: {  	[tilespmem:s6+$0x50] =	vst @!p1 v8  }
0x796: {  	v8 =	vld @!p1 [tilespmem:s7+$0x4560];
	_ =	sdelay $0x4  }
0x797: {  	[tilespmem:s6+$0x60] =	vst @!p1 v8  }
0x798: {  	v8 =	vld @!p1 [tilespmem:s7+$0x4570];
	_ =	sdelay $0x4  }
0x799: {  	[tilespmem:s6+$0x70] =	vst @!p1 v8  }
0x79a: {  	v8 =	vld @!p1 [tilespmem:s7+$0x4900];
	_ =	sdelay $0x4  }
0x79b: {  	[tilespmem:s6+$0x400] =	vst @!p1 v8  }
0x79c: {  	v8 =	vld @!p1 [tilespmem:s7+$0x4910];
	_ =	sdelay $0x4  }
0x79d: {  	[tilespmem:s6+$0x410] =	vst @!p1 v8  }
0x79e: {  	v8 =	vld @!p1 [tilespmem:s7+$0x4920];
	_ =	sdelay $0x4  }
0x79f: {  	[tilespmem:s6+$0x420] =	vst @!p1 v8  }
0x7a0: {  	v8 =	vld @!p1 [tilespmem:s7+$0x4930];
	_ =	sdelay $0x4  }
0x7a1: {  	[tilespmem:s6+$0x430] =	vst @!p1 v8  }
0x7a2: {  	v8 =	vld @!p1 [tilespmem:s7+$0x4940];
	_ =	sdelay $0x4  }
0x7a3: {  	[tilespmem:s6+$0x440] =	vst @!p1 v8  }
0x7a4: {  	v8 =	vld @!p1 [tilespmem:s7+$0x4950];
	_ =	sdelay $0x4  }
0x7a5: {  	[tilespmem:s6+$0x450] =	vst @!p1 v8  }
0x7a6: {  	v8 =	vld @!p1 [tilespmem:s7+$0x4960];
	_ =	sdelay $0x1  }
.Ltmp51:
0x7a7: {  	(pc) =	sbr.rel @p2 .LBB2_60-.Ltmp51, $3  }
0x7a8: {  	_ =	sdelay $0x1  }
0x7a9: {  	[tilespmem:s6+$0x460] =	vst @!p1 v8  }
0x7aa: {  	v8 =	vld @!p1 [tilespmem:s7+$0x4970]  }
.Ltmp52:
0x7ab: {  	_ = 	snop;
	(pc) =	sbr.rel .LBB2_61-.Ltmp52, $1  }
0x7ac: {  	_ =	sdelay $0x3  }
.LBB2_63:
0x7ad: {  	s0 =	ssub.s32 $0x80, s12  }
0x7ae: {  	s2 =	sand.u32 $0xFC, s0  }
0x7af: {  	p0 =	seq.s32 s2, $0x0  }
.Ltmp53:
0x7b0: {  	_ = 	snop;
	(pc) =	sbr.rel @p0 .LBB2_67-.Ltmp53, $3  }
0x7b1: {  	_ =	sdelay $0x1  }
0x7b2: {  	s1 =	sshll.u32 s11, $0x8  }
0x7b3: {  	s16 =	simm.s32 $0x0;
	s0 =	sshll.u32 s11, $0x7;
	s2 =	sadd.s32 s12, s2  }
0x7b4: {  	s4 =	sadd.s32 $0x180, s0;
	s5 =	sadd.s32 $0x300, s1  }
0x7b5: {  	s3 =	sadd.s32 $0xFFFFFF00, s5;
	s6 =	sadd.s32 $0xFFFFFE00, s5;
	s7 =	sand.u32 $0xFFFFF800, s5  }
0x7b6: {  	s8 =	sadd.s32 $0xFFFFFF80, s4;
	s9 =	sand.u32 $0x380, s4;
	s10 =	sadd.s32 $0xFFFFFF00, s4  }
0x7b7: {  	s3 =	sand.u32 $0xFFFFF800, s3;
	s8 =	sand.u32 $0x380, s8;
	s7 =	sor.u32 s9, s7  }
0x7b8: {  	s6 =	sand.u32 $0xFFFFF800, s6;
	s13 =	sand.u32 $0x380, s10;
	s3 =	sor.u32 s8, s3;
	[tilespmem:s7+$0x14D00] =	vst v7  }
0x7b9: {  	s6 =	sor.u32 s13, s6;
	[tilespmem:s3+$0x14D00] =	vst v7  }
0x7ba: {  	s9 =	sadd.s32 $0x14D00, s6;
	[tilespmem:s6+$0x14D00] =	vst v7  }
0x7bb: {  	[tilespmem:s9+$0x10] =	vst v7  }
0x7bc: {  	[tilespmem:s9+$0x20] =	vst v7  }
0x7bd: {  	[tilespmem:s9+$0x30] =	vst v7  }
0x7be: {  	[tilespmem:s9+$0x40] =	vst v7  }
0x7bf: {  	[tilespmem:s9+$0x50] =	vst v7  }
0x7c0: {  	[tilespmem:s9+$0x60] =	vst v7  }
0x7c1: {  	[tilespmem:s9+$0x70] =	vst v7  }
0x7c2: {  	[tilespmem:s9+$0x400] =	vst v7  }
0x7c3: {  	[tilespmem:s9+$0x410] =	vst v7  }
0x7c4: {  	[tilespmem:s9+$0x420] =	vst v7  }
0x7c5: {  	[tilespmem:s9+$0x430] =	vst v7  }
0x7c6: {  	[tilespmem:s9+$0x440] =	vst v7  }
0x7c7: {  	[tilespmem:s9+$0x450] =	vst v7  }
0x7c8: {  	[tilespmem:s9+$0x460] =	vst v7  }
0x7c9: {  	s3 =	sadd.s32 $0x14D00, s3;
	[tilespmem:s9+$0x470] =	vst v7  }
0x7ca: {  	[tilespmem:s3+$0x10] =	vst v7  }
0x7cb: {  	[tilespmem:s3+$0x20] =	vst v7  }
0x7cc: {  	[tilespmem:s3+$0x30] =	vst v7  }
0x7cd: {  	[tilespmem:s3+$0x40] =	vst v7  }
0x7ce: {  	[tilespmem:s3+$0x50] =	vst v7  }
0x7cf: {  	[tilespmem:s3+$0x60] =	vst v7  }
0x7d0: {  	[tilespmem:s3+$0x70] =	vst v7  }
0x7d1: {  	[tilespmem:s3+$0x400] =	vst v7  }
0x7d2: {  	[tilespmem:s3+$0x410] =	vst v7  }
0x7d3: {  	[tilespmem:s3+$0x420] =	vst v7  }
0x7d4: {  	[tilespmem:s3+$0x430] =	vst v7  }
0x7d5: {  	[tilespmem:s3+$0x440] =	vst v7  }
0x7d6: {  	s16 =	smov.u32 s11;
	s11 =	sadd.s32 $0xFFFFFE80, s4;
	s10 =	sadd.s32 $0xFFFFFD00, s5;
	[tilespmem:s3+$0x450] =	vst v7  }
0x7d7: {  	s8 =	sand.u32 $0x380, s11;
	s6 =	sand.u32 $0xFFFFF800, s10;
	[tilespmem:s3+$0x460] =	vst v7  }
0x7d8: {  	s6 =	sor.u32 s8, s6;
	[tilespmem:s3+$0x470] =	vst v7  }
0x7d9: {  	s13 =	sadd.s32 $0x14D00, s6;
	[tilespmem:s6+$0x14D00] =	vst v7  }
0x7da: {  	[tilespmem:s13+$0x10] =	vst v7  }
0x7db: {  	[tilespmem:s13+$0x20] =	vst v7  }
0x7dc: {  	[tilespmem:s13+$0x30] =	vst v7  }
0x7dd: {  	[tilespmem:s13+$0x40] =	vst v7  }
0x7de: {  	[tilespmem:s13+$0x50] =	vst v7  }
0x7df: {  	[tilespmem:s13+$0x60] =	vst v7  }
0x7e0: {  	[tilespmem:s13+$0x70] =	vst v7  }
0x7e1: {  	[tilespmem:s13+$0x400] =	vst v7  }
0x7e2: {  	[tilespmem:s13+$0x410] =	vst v7  }
0x7e3: {  	[tilespmem:s13+$0x420] =	vst v7  }
0x7e4: {  	[tilespmem:s13+$0x430] =	vst v7  }
0x7e5: {  	[tilespmem:s13+$0x440] =	vst v7  }
0x7e6: {  	[tilespmem:s13+$0x450] =	vst v7  }
0x7e7: {  	[tilespmem:s13+$0x460] =	vst v7  }
0x7e8: {  	s6 =	sadd.s32 $0x14D00, s7;
	[tilespmem:s13+$0x470] =	vst v7  }
0x7e9: {  	[tilespmem:s6+$0x10] =	vst v7  }
0x7ea: {  	[tilespmem:s6+$0x20] =	vst v7  }
0x7eb: {  	[tilespmem:s6+$0x30] =	vst v7  }
0x7ec: {  	[tilespmem:s6+$0x40] =	vst v7  }
0x7ed: {  	[tilespmem:s6+$0x50] =	vst v7  }
0x7ee: {  	[tilespmem:s6+$0x60] =	vst v7  }
0x7ef: {  	[tilespmem:s6+$0x70] =	vst v7  }
0x7f0: {  	s3 =	sadd.s32 $0x4, s12;
	[tilespmem:s6+$0x400] =	vst v7  }
0x7f1: {  	p0 =	slt.u32 s3, s2;
	[tilespmem:s6+$0x410] =	vst v7  }
.Ltmp54:
0x7f2: {  	[tilespmem:s6+$0x420] =	vst v7;
	(pc) =	sbr.rel @!p0 .LBB2_66-.Ltmp54, $4  }
0x7f3: {  	[tilespmem:s6+$0x430] =	vst v7  }
0x7f4: {  	[tilespmem:s6+$0x440] =	vst v7  }
0x7f5: {  	[tilespmem:s6+$0x450] =	vst v7  }
0x7f6: {  	s4 =	sadd.s32 $0x200, s4;
	s5 =	sadd.s32 $0x400, s5;
	[tilespmem:s6+$0x460] =	vst v7  }
.LBB2_65:
0x7f7: {  	s8 =	sadd.s32 $0xFFFFFD00, s5;
	s7 =	sadd.s32 $0xFFFFFE80, s4;
	s9 =	sadd.s32 $0xFFFFFF00, s5;
	[tilespmem:s6+$0x470] =	vst v7  }
0x7f8: {  	s10 =	sadd.s32 $0xFFFFFE00, s5;
	s6 =	sand.u32 $0xFFFFF800, s5;
	s9 =	sand.u32 $0xFFFFF800, s9  }
0x7f9: {  	s11 =	sadd.s32 $0xFFFFFF80, s4;
	s12 =	sand.u32 $0x380, s4;
	s8 =	sand.u32 $0xFFFFF800, s8  }
0x7fa: {  	s13 =	sadd.s32 $0xFFFFFF00, s4;
	s11 =	sand.u32 $0x380, s11;
	s6 =	sor.u32 s12, s6  }
0x7fb: {  	s10 =	sand.u32 $0xFFFFF800, s10;
	s12 =	sand.u32 $0x380, s13;
	s9 =	sor.u32 s11, s9;
	[tilespmem:s6+$0x14D00] =	vst v7  }
0x7fc: {  	s3 =	sadd.s32 $0x4, s3;
	s10 =	sor.u32 s12, s10;
	[tilespmem:s9+$0x14D00] =	vst v7  }
0x7fd: {  	p1 =	slt.u32 s3, s2;
	s11 =	sadd.s32 $0x14D00, s10;
	[tilespmem:s10+$0x14D00] =	vst v7  }
0x7fe: {  	[tilespmem:s11+$0x10] =	vst v7  }
0x7ff: {  	[tilespmem:s11+$0x20] =	vst v7  }
0x800: {  	[tilespmem:s11+$0x30] =	vst v7  }
0x801: {  	[tilespmem:s11+$0x40] =	vst v7  }
0x802: {  	[tilespmem:s11+$0x50] =	vst v7  }
0x803: {  	[tilespmem:s11+$0x60] =	vst v7  }
0x804: {  	[tilespmem:s11+$0x70] =	vst v7  }
0x805: {  	[tilespmem:s11+$0x400] =	vst v7  }
0x806: {  	[tilespmem:s11+$0x410] =	vst v7  }
0x807: {  	[tilespmem:s11+$0x420] =	vst v7  }
0x808: {  	[tilespmem:s11+$0x430] =	vst v7  }
0x809: {  	[tilespmem:s11+$0x440] =	vst v7  }
0x80a: {  	[tilespmem:s11+$0x450] =	vst v7  }
0x80b: {  	[tilespmem:s11+$0x460] =	vst v7  }
0x80c: {  	s9 =	sadd.s32 $0x14D00, s9;
	[tilespmem:s11+$0x470] =	vst v7  }
0x80d: {  	[tilespmem:s9+$0x10] =	vst v7  }
0x80e: {  	[tilespmem:s9+$0x20] =	vst v7  }
0x80f: {  	[tilespmem:s9+$0x30] =	vst v7  }
0x810: {  	[tilespmem:s9+$0x40] =	vst v7  }
0x811: {  	[tilespmem:s9+$0x50] =	vst v7  }
0x812: {  	[tilespmem:s9+$0x60] =	vst v7  }
0x813: {  	[tilespmem:s9+$0x70] =	vst v7  }
0x814: {  	[tilespmem:s9+$0x400] =	vst v7  }
0x815: {  	[tilespmem:s9+$0x410] =	vst v7  }
0x816: {  	[tilespmem:s9+$0x420] =	vst v7  }
0x817: {  	[tilespmem:s9+$0x430] =	vst v7  }
0x818: {  	[tilespmem:s9+$0x440] =	vst v7  }
0x819: {  	[tilespmem:s9+$0x450] =	vst v7  }
0x81a: {  	s7 =	sand.u32 $0x380, s7;
	[tilespmem:s9+$0x460] =	vst v7  }
0x81b: {  	s7 =	sor.u32 s7, s8;
	[tilespmem:s9+$0x470] =	vst v7  }
0x81c: {  	s8 =	sadd.s32 $0x14D00, s7;
	[tilespmem:s7+$0x14D00] =	vst v7  }
0x81d: {  	[tilespmem:s8+$0x10] =	vst v7  }
0x81e: {  	[tilespmem:s8+$0x20] =	vst v7  }
0x81f: {  	[tilespmem:s8+$0x30] =	vst v7  }
0x820: {  	[tilespmem:s8+$0x40] =	vst v7  }
0x821: {  	[tilespmem:s8+$0x50] =	vst v7  }
0x822: {  	[tilespmem:s8+$0x60] =	vst v7  }
0x823: {  	[tilespmem:s8+$0x70] =	vst v7  }
0x824: {  	[tilespmem:s8+$0x400] =	vst v7  }
0x825: {  	[tilespmem:s8+$0x410] =	vst v7  }
0x826: {  	[tilespmem:s8+$0x420] =	vst v7  }
0x827: {  	[tilespmem:s8+$0x430] =	vst v7  }
0x828: {  	[tilespmem:s8+$0x440] =	vst v7  }
0x829: {  	[tilespmem:s8+$0x450] =	vst v7  }
0x82a: {  	[tilespmem:s8+$0x460] =	vst v7  }
0x82b: {  	s6 =	sadd.s32 $0x14D00, s6;
	[tilespmem:s8+$0x470] =	vst v7  }
0x82c: {  	[tilespmem:s6+$0x10] =	vst v7  }
0x82d: {  	[tilespmem:s6+$0x20] =	vst v7  }
0x82e: {  	[tilespmem:s6+$0x30] =	vst v7  }
0x82f: {  	[tilespmem:s6+$0x40] =	vst v7  }
0x830: {  	[tilespmem:s6+$0x50] =	vst v7  }
0x831: {  	[tilespmem:s6+$0x60] =	vst v7  }
0x832: {  	[tilespmem:s6+$0x70] =	vst v7  }
0x833: {  	[tilespmem:s6+$0x400] =	vst v7  }
0x834: {  	[tilespmem:s6+$0x410] =	vst v7  }
.Ltmp55:
0x835: {  	[tilespmem:s6+$0x420] =	vst v7;
	(pc) =	sbr.rel @p1 .LBB2_65-.Ltmp55, $4  }
0x836: {  	[tilespmem:s6+$0x430] =	vst v7  }
0x837: {  	[tilespmem:s6+$0x440] =	vst v7  }
0x838: {  	[tilespmem:s6+$0x450] =	vst v7  }
0x839: {  	s4 =	sadd.s32 $0x200, s4;
	s5 =	sadd.s32 $0x400, s5;
	[tilespmem:s6+$0x460] =	vst v7  }
.LBB2_66:
0x83a: {  	[tilespmem:s6+$0x470] =	vst v7;
	s11 =	smov.u32 s16;
	s16 =	simm.s32 $0x0  }
.LBB2_67:
0x83b: {  	p0 =	sgt.u32 s2, $0x7F  }
.Ltmp56:
0x83c: {  	_ = 	snop;
	(pc) =	sbr.rel @p0 .LBB2_70-.Ltmp56, $1  }
0x83d: {  	_ =	sdelay $0x3  }
0x83e: {  	s2 =	ssub.s32 $0x80, s11  }
0x83f: {  	s3 =	sand.u32 $0xFFFFFFFC, s2;
	s2 =	sshrl.u32 s2, $0x2  }
0x840: {  	s3 =	sadd.s32 s3, s11;
	s4 =	sshll.u32 s2, $0x9;
	s5 =	sshll.u32 s2, $0xA  }
0x841: {  	s2 =	sadd.s32 $0xFFFFFFFF, s3;
	s0 =	sadd.s32 s0, s4;
	s1 =	sadd.s32 s1, s5  }
.LBB2_69:
0x842: {  	s3 =	sand.u32 $0x7800, s1;
	s4 =	sand.u32 $0x380, s0  }
0x843: {  	s3 =	sor.u32 s4, s3  }
0x844: {  	s4 =	sadd.s32 $0x14D00, s3;
	[tilespmem:s3+$0x14D00] =	vst v7  }
0x845: {  	[tilespmem:s4+$0x10] =	vst v7  }
0x846: {  	[tilespmem:s4+$0x20] =	vst v7  }
0x847: {  	[tilespmem:s4+$0x30] =	vst v7  }
0x848: {  	[tilespmem:s4+$0x40] =	vst v7  }
0x849: {  	[tilespmem:s4+$0x50] =	vst v7  }
0x84a: {  	[tilespmem:s4+$0x60] =	vst v7  }
0x84b: {  	[tilespmem:s4+$0x70] =	vst v7  }
0x84c: {  	[tilespmem:s4+$0x400] =	vst v7  }
0x84d: {  	s2 =	sadd.s32 $0x1, s2;
	[tilespmem:s4+$0x410] =	vst v7  }
0x84e: {  	p0 =	slt.u32 s2, $0x7F;
	[tilespmem:s4+$0x420] =	vst v7  }
.Ltmp57:
0x84f: {  	[tilespmem:s4+$0x430] =	vst v7;
	(pc) =	sbr.rel @p0 .LBB2_69-.Ltmp57, $4  }
0x850: {  	[tilespmem:s4+$0x440] =	vst v7  }
0x851: {  	[tilespmem:s4+$0x450] =	vst v7  }
0x852: {  	[tilespmem:s4+$0x460] =	vst v7  }
0x853: {  	s0 =	sadd.s32 $0x80, s0;
	s1 =	sadd.s32 $0x100, s1;
	[tilespmem:s4+$0x470] =	vst v7  }
.Ltmp58:
0x854: {  	_ = 	snop;
	(pc) =	sbr.rel .LBB2_70-.Ltmp58, $1  }
0x855: {  	_ =	sdelay $0x3  }
.LBB2_23:
0x856: {  	_ = 	snop  }
0x857: {  	_ = 	snop  }
0x858: {  	_ = 	snop  }
0x859: {  	_ = 	snop  }
0x85a: {  	_ = 	snop  }
.Ltmp59:
0x85b: {  	[dreg:$0x16] =	wrdreg s16;
	(pc) =	sbr.rel .LBB2_46-.Ltmp59, $4  }
0x85c: {  	[dreg:$0x14] =	wrdreg s15  }
0x85d: {  	s21 =	smov.u32 s18;
	s6 =	rddreg [dreg:$0x8]  }
0x85e: {  	s30 =	smov.u32 s23;
	s18 =	smov.u32 s31;
	s16 =	rddreg [dreg:$0xf]  }
0x85f: {  	s2 =	simm.s32 $0x0;
	s19 =	simm.s32 $0x0;
	s14 =	rddreg [dreg:$0xc]  }
.LBB2_52:
0x860: {  	_ = 	snop  }
0x861: {  	[dreg:$0x15] =	wrdreg s23  }
.Ltmp60:
0x862: {  	[dreg:$0x13] =	wrdreg s12;
	(pc) =	sbr.rel .LBB2_77-.Ltmp60, $4  }
0x863: {  	[dreg:$0x10] =	wrdreg s24  }
0x864: {  	s8 =	smov.u32 s10;
	s13 =	rddreg [dreg:$0xa]  }
0x865: {  	s10 =	smov.u32 s14;
	s5 =	smov.u32 s19;
	s23 =	rddreg [dreg:$0xb]  }
0x866: {  	s2 =	simm.s32 $0x0;
	s3 =	simm.s32 $0x0;
	s14 =	rddreg [dreg:$0xd]  }
.LBB2_43:
0x867: {  	s31 =	sld [smem:$0x7D0]  }
0x868: {  	s17 =	sld [smem:$0x7D1]  }
0x869: {  	s21 =	sld [smem:$0x7D5]  }
0x86a: {  	s8 =	rddreg [dreg:$0xc]  }
0x86b: {  	s7 =	rddreg [dreg:$0xf]  }
0x86c: {  	s3 =	rddreg [dreg:$0x8]  }
0x86d: {  	s12 =	sld [smem:$0x7DF]  }
0x86e: {  	[smem:$0x7C8] =	sst s29  }
0x86f: {  	[smem:$0x7CA] =	sst s13  }
0x870: {  	[smem:$0x7CC] =	sst s6  }
0x871: {  	[smem:$0x7DF] =	sst s1  }
0x872: {  	s9 =	sld [smem:$0x7D6]  }
0x873: {  	s13 =	sld [smem:$0x7D3]  }
0x874: {  	s19 =	sld [smem:$0x7D4]  }
0x875: {  	s6 =	smov.u32 s20;
	s20 =	sld [smem:$0x7D9]  }
0x876: {  	[smem:$0x7DB] =	sst s11  }
0x877: {  	s29 =	sld [smem:$0x7FD]  }
0x878: {  	s11 =	sld [smem:$0x7CD]  }
0x879: {  	[smem:$0x7C7] =	sst s3  }
0x87a: {  	[smem:$0x7CB] =	sst s0  }
0x87b: {  	s0 =	smov.u32 s5;
	s5 =	sld [smem:$0x7D7]  }
0x87c: {  	[smem:$0x7C9] =	sst s10  }
0x87d: {  	s10 =	sld [smem:$0x7D8]  }
0x87e: {  	[smem:$0x7DA] =	sst s9  }
0x87f: {  	[smem:$0x7DD] =	sst s13  }
0x880: {  	[smem:$0x7E0] =	sst s19  }
0x881: {  	[smem:$0x7DE] =	sst s20  }
.Ltmp61:
0x882: {  	s20 =	sld [smem:$0x7E4];
	(pc) =	sbr.rel .LBB2_46-.Ltmp61, $4  }
0x883: {  	s13 =	sld [smem:$0x7CF]  }
0x884: {  	s9 =	sld [smem:$0x7CE]  }
0x885: {  	s16 =	smov.u32 s2;
	[smem:$0x7DC] =	sst s10  }
0x886: {  	s2 =	simm.s32 $0x0;
	s19 =	simm.s32 $0x400;
	s10 =	sld [smem:$0x7D2]  }
.LBB2_74:
0x887: {  	s7 =	sld [smem:$0x7AE]  }
0x888: {  	s8 =	sld [smem:$0x7B0]  }
0x889: {  	s17 =	sld [smem:$0x7B3]  }
0x88a: {  	s12 =	rddreg [dreg:$0xd]  }
0x88b: {  	[smem:$0x7A7] =	sst s29  }
0x88c: {  	[smem:$0x7A8] =	sst s11  }
0x88d: {  	s4 =	smov.u32 s0;
	s0 =	rddreg [dreg:$0x1b]  }
0x88e: {  	[smem:$0x7A9] =	sst s15  }
0x88f: {  	[smem:$0x7AB] =	sst s23  }
0x890: {  	s1 =	rddreg [dreg:$0xe]  }
0x891: {  	s21 =	sld [smem:$0x7B5]  }
0x892: {  	s15 =	sld [smem:$0x7B4]  }
0x893: {  	s3 =	sld [smem:$0x7B1]  }
0x894: {  	s11 =	sld [smem:$0x7B2]  }
0x895: {  	s29 =	sld [smem:$0x7FD]  }
0x896: {  	[smem:$0x7AC] =	sst s13  }
0x897: {  	s13 =	smov.u32 s20;
	s20 =	sld [smem:$0x7B6]  }
0x898: {  	[smem:$0x7AA] =	sst s30  }
0x899: {  	[smem:$0x7BA] =	sst s15  }
0x89a: {  	[smem:$0x7BD] =	sst s3  }
0x89b: {  	[smem:$0x7BE] =	sst s11  }
0x89c: {  	s15 =	sld [smem:$0x7B7]  }
0x89d: {  	s11 =	sld [smem:$0x7AD]  }
0x89e: {  	[smem:$0x7BC] =	sst s20  }
.Ltmp62:
0x89f: {  	s20 =	rddreg [dreg:$0x1e];
	(pc) =	sbr.rel .LBB2_77-.Ltmp62, $4  }
0x8a0: {  	[smem:$0x7BB] =	sst s20  }
0x8a1: {  	s23 =	smov.u32 s2;
	s2 =	simm.s32 $0x0;
	s20 =	sld [smem:$0x7E4]  }
0x8a2: {  	s6 =	smov.u32 s24;
	s24 =	smov.u32 s1;
	[dreg:$0xe] =	wrdreg s15  }
0x8a3: {  	s30 =	simm.s32 $0x1480;
	s3 =	simm.s32 $0x400;
	s15 =	sld [smem:$0x7E6]  }
.LBB2_4:
.Ltmp63:
0x8a4: {  	(pc) =	sbr.rel .LBB2_7-.Ltmp63, $2  }
0x8a5: {  	_ =	sdelay $0x2  }
0x8a6: {  	_ = 	snop  }
.LBB2_72:
0x8a7: {  	_ =	sfence.sel $0x180000  }
0x8a8: {  	[bflag:$0x0] =	sbarrier.arrive $0xFFFF  }
0x8a9: {  	_ =	strace $0x90000047  }
0x8aa: {  	s0 =	stileid.u32;
	[bflag:$0x2] =	sbarrier.arrive $0xFFFF  }
0x8ab: {  	p0 =	sne.s32 s0, $0x0;
	s0 =	rddreg [dreg:$0x5]  }
0x8ac: {  	s0 =	sadd.s32 @!p0 $0x100000, s0  }
0x8ad: {  	[sflag:s0] =	ssyncadd.tile.s32 @!p0 $0x1;
	_ =	shalt  }
.Lfunc_end2:
_tile_overlayer_lowered:
.L_overlay_start_2:
0x8ae: {  	(tag) =	ssettag $0x2  }
0x8af: {  	s0 =	rddreg [dreg:$0x0];
	s2 =	stileid.u32  }
0x8b0: {  	s1 =	rddreg [dreg:$0x1];
	p0 =	sne.s32 s2, $0x0  }
0x8b1: {  	s3 =	rddreg [dreg:$0x2];
	[bflag:$0x3] =	sbarrier.arrive $0xFFFF;
	s2 =	simm.s32 @!p0 $0x1C03  }
0x8b2: {  	[timem:s3], [sflag:s2] =	dma.local @!p0 [hbm:s0], s1  }
0x8b3: {  	s0 =	simm.s32 @!p0 $0x3  }
0x8b4: {  	_ =	swait.ge @!p0 [sflag:s0], s1  }
0x8b5: {  	s1 =	ssub.s32 @!p0 $0x0, s1;
	[sflag:s0] =	ssyncset.done @!p0 $0x0  }
0x8b6: {  	[sflag:s0] =	ssyncadd.s32 @!p0 s1  }
0x8b7: {  	[bflag:$0x3] =	sbarrier.arrive $0xFFFF  }
0x8b8: {  	_ =	shalt  }

</sc_bundles>
